<compile_context>
chip_gen: v7x
topology: tpu7x:2x2x1
jax: 0.10.2.dev20260603
libtpu: 0.0.44.dev20260713+nightly
codegen_flags: <defaults>
</compile_context>

<pallas_src>
import functools

import jax
import jax.numpy as jnp
from jax import lax
from jax.experimental import pallas as pl
from jax.experimental.pallas import tpu as pltpu
from jax.experimental.pallas import tpu_sc as plsc

N = 10000
E = 320000
D = 128
H = 64
C = 10
G = 64

NC = 2
NS = 16
NW = NC * NS
EPW = E // NW
CH = 80
NCHUNK = EPW // CH
NBUF = 8
NSTEADY = (NCHUNK - NBUF) // NBUF
NREM = NCHUNK - NBUF - NSTEADY * NBUF
NP = 10240
RPT = NP // NS


def _mm_body(x_ref, w_ref, o_ref):
    o_ref[pl.ds(0, N), :] = jnp.dot(x_ref[...], w_ref[...],
                                    preferred_element_type=jnp.float32)
    o_ref[pl.ds(N, NP - N), :] = jnp.zeros((NP - N, H), jnp.float32)


def _xw1(x, W1):
    return pl.pallas_call(
        _mm_body,
        out_shape=jax.ShapeDtypeStruct((NP, H), jnp.float32),
    )(x, W1)


def _sc_body(y_hbm, pk_hbm, out_hbm,
             pk_v, src_r, dst_r, *rest):
    c = lax.axis_index("c")
    s = lax.axis_index("s")
    w = c * NS + s
    rows = rest[:NBUF]
    agg_sh = rest[NBUF]
    sems = rest[NBUF + 1:]

    @pl.when(c == 0)
    def _():
        pltpu.sync_copy(y_hbm.at[pl.ds(s * RPT, RPT)],
                        agg_sh.at[pl.ds(s * RPT, RPT)])

    @pl.when(c != 0)
    def _():
        z16 = jnp.zeros((16,), jnp.float32)

        def zrow(r, carry):
            for k in range(H // 16):
                rows[0][r, pl.ds(k * 16, 16)] = z16
            return carry

        lax.fori_loop(0, CH, zrow, 0)

        def zcopy(i, carry):
            pltpu.sync_copy(rows[0],
                            agg_sh.at[pl.ds(s * RPT + i * CH, CH)])
            return carry

        lax.fori_loop(0, RPT // CH, zcopy, 0)

    pltpu.sync_copy(pk_hbm.at[w], pk_v)
    plsc.subcore_barrier()

    def decode(j, b):
        for k in range(CH // 16):
            v = pk_v[j, pl.ds(k * 16, 16)]
            src_r[b, pl.ds(k * 16, 16)] = jnp.bitwise_and(v, 0xFFFF)
            dst_r[b, pl.ds(k * 16, 16)] = lax.shift_right_logical(v, 16)

    for b in range(NBUF):
        decode(b, b)
        pltpu.async_copy(y_hbm.at[src_r.at[b]], rows[b], sems[b])

    def steady(i, carry):
        j = i * NBUF
        for b in range(NBUF):
            jj = j + b
            pltpu.make_async_copy(y_hbm.at[src_r.at[b]],
                                  rows[b], sems[b]).wait()
            pltpu.sync_copy(rows[b], agg_sh.at[dst_r.at[b]], add=True)
            decode(jj + NBUF, b)
            pltpu.async_copy(y_hbm.at[src_r.at[b]], rows[b], sems[b])
        return carry

    lax.fori_loop(0, NSTEADY, steady, 0)
    for t in range(NBUF + NREM):
        jj = NSTEADY * NBUF + t
        b = t % NBUF
        pltpu.make_async_copy(y_hbm.at[src_r.at[b]],
                              rows[b], sems[b]).wait()
        pltpu.sync_copy(rows[b], agg_sh.at[dst_r.at[b]], add=True)
        if jj + NBUF < NCHUNK:
            decode(jj + NBUF, b)
            pltpu.async_copy(y_hbm.at[src_r.at[b]], rows[b], sems[b])
    plsc.subcore_barrier()

    pltpu.sync_copy(agg_sh.at[pl.ds(s * RPT, RPT)],
                    out_hbm.at[c, pl.ds(s * RPT, RPT)])


@functools.cache
def _sc_edge_agg():
    return pl.kernel(
        _sc_body,
        out_type=jax.ShapeDtypeStruct((NC, NP, H), jnp.float32),
        mesh=plsc.VectorSubcoreMesh(core_axis_name="c", subcore_axis_name="s",
                                    num_cores=NC, num_subcores=NS),
        compiler_params=pltpu.CompilerParams(
            use_tc_tiling_on_sc=False,
            disable_bounds_checks=True,
            disable_semaphore_checks=True,
        ),
        scratch_types=[
            pltpu.VMEM((NCHUNK, CH), jnp.int32),
            pltpu.VMEM((NBUF, CH), jnp.int32),
            pltpu.VMEM((NBUF, CH), jnp.int32),
            *[pltpu.VMEM((CH, H), jnp.float32) for _ in range(NBUF)],
            pltpu.VMEM_SHARED((NP, H), jnp.float32),
            *[pltpu.SemaphoreType.DMA for _ in range(NBUF)],
        ],
    )


def _fin_body(p_ref, b1_ref, w2_ref, b2_ref, batchT_ref,
              w3_ref, b3_ref, o_ref):
    z = (p_ref[0, pl.ds(0, N), :] + p_ref[1, pl.ds(0, N), :]
         + b1_ref[0][None, :])
    h1 = jnp.maximum(z, 0.0)
    h2 = jnp.dot(h1, w2_ref[...], preferred_element_type=jnp.float32)
    h2 = jnp.maximum(h2 + b2_ref[0][None, :], 0.0)
    seg = lax.broadcasted_iota(jnp.int32, (G, N), 0)
    onehotT = (seg == batchT_ref[...]).astype(jnp.float32)
    sums = jnp.dot(onehotT, h2, preferred_element_type=jnp.float32)
    counts = jnp.sum(onehotT, axis=1, keepdims=True)
    pooled = sums / jnp.maximum(counts, 1.0)
    logits = jnp.dot(pooled, w3_ref[...],
                     preferred_element_type=jnp.float32) + b3_ref[0][None, :]
    m = jnp.max(logits, axis=1, keepdims=True)
    lse = jnp.log(jnp.sum(jnp.exp(logits - m), axis=1, keepdims=True)) + m
    o_ref[...] = logits - lse


def _finalize(p, b1, W2, b2, batch, W3, b3):
    return pl.pallas_call(
        _fin_body,
        out_shape=jax.ShapeDtypeStruct((G, C), jnp.float32),
    )(p, b1.reshape(1, H), W2, b2.reshape(1, H),
      batch.reshape(1, N), W3, b3.reshape(1, C))


def kernel(x, edge_index, batch, W1, b1, W2, b2, W3, b3):
    y = _xw1(x, W1)
    src = edge_index[0].astype(jnp.int32)
    dst = edge_index[1].astype(jnp.int32)
    packed = (src | (dst << 16)).reshape(NW, NCHUNK, CH)
    p = _sc_edge_agg()(y, packed)
    return _finalize(p, b1, W2, b2, batch.astype(jnp.int32), W3, b3)

# --- scband reference (transcript-rebuilt; emitter-appended) ---
"""Pipeline reference for scband-ginmodel-20779051778760 (READ-ONLY COPY).

The authoritative reference and input builder live on the scoring server;
editing this copy changes nothing except your own understanding.
"""

import jax, jax.numpy as jnp
import numpy as np

N = 10000
E = 320000
D = 128
H = 64
C = 10
G = 64


def setup_inputs(seed: int = 0) -> dict:
    key = jax.random.key(seed)
    ks = jax.random.split(key, 10)
    x = jax.random.normal(ks[0], (N, D), dtype=jnp.float32)
    edge_index = jax.random.randint(ks[1], (2, E), 0, N)
    batch = jnp.sort(jax.random.randint(ks[2], (N,), 0, G))
    W1 = jax.random.normal(ks[3], (D, H), dtype=jnp.float32) * 0.1
    b1 = jnp.zeros((H,), dtype=jnp.float32)
    W2 = jax.random.normal(ks[4], (H, H), dtype=jnp.float32) * 0.1
    b2 = jnp.zeros((H,), dtype=jnp.float32)
    W3 = jax.random.normal(ks[5], (H, C), dtype=jnp.float32) * 0.1
    b3 = jnp.zeros((C,), dtype=jnp.float32)
    return {"x": x, "edge_index": edge_index, "batch": batch,
            "W1": W1, "b1": b1, "W2": W2, "b2": b2, "W3": W3, "b3": b3}


def reference(x, edge_index, batch, W1, b1, W2, b2, W3, b3):
    src = edge_index[0]
    dst = edge_index[1]
    # GINConv with eps=0: h = nn((1 + eps) * x + sum_{j in N(i)} x_j)
    agg = jnp.zeros_like(x).at[dst].add(x[src])
    h = x + agg
    h = jnp.maximum(h @ W1 + b1, 0.0)
    h = h @ W2 + b2
    # F.relu after conv
    h = jnp.maximum(h, 0.0)
    # global_mean_pool over batch assignment
    sums = jax.ops.segment_sum(h, batch, num_segments=G)
    counts = jax.ops.segment_sum(jnp.ones((N, 1), dtype=jnp.float32), batch, num_segments=G)
    pooled = sums / jnp.clip(counts, 1.0)
    logits = pooled @ W3 + b3
    return jax.nn.log_softmax(logits, axis=1)

if __name__ == "__main__":
    import jax
    _d = setup_inputs()
    print(jax.jit(kernel)(*tuple(_d.values())))

</pallas_src>

<mosaic_0001>
#map = affine_map<(d0, d1) -> (0, 0)>
#map1 = affine_map<(d0, d1) -> (0, 0, 0)>
module attributes {stable_mosaic.version = 14 : i64} {
  func.func @_sc_body(%arg0: i32, %arg1: i32, %arg2: memref<10240x64xf32, #tpu.memory_space<hbm>>, %arg3: memref<32x125x80xi32, #tpu.memory_space<hbm>>, %arg4: memref<2x10240x64xf32, #tpu.memory_space<hbm>>, %arg5: memref<125x80xi32, #tpu.memory_space<vmem>>, %arg6: memref<8x80xi32, #tpu.memory_space<vmem>>, %arg7: memref<8x80xi32, #tpu.memory_space<vmem>>, %arg8: memref<80x64xf32, #tpu.memory_space<vmem>>, %arg9: memref<80x64xf32, #tpu.memory_space<vmem>>, %arg10: memref<80x64xf32, #tpu.memory_space<vmem>>, %arg11: memref<80x64xf32, #tpu.memory_space<vmem>>, %arg12: memref<80x64xf32, #tpu.memory_space<vmem>>, %arg13: memref<80x64xf32, #tpu.memory_space<vmem>>, %arg14: memref<80x64xf32, #tpu.memory_space<vmem>>, %arg15: memref<80x64xf32, #tpu.memory_space<vmem>>, %arg16: memref<10240x64xf32, #tpu.memory_space<vmem_shared>>, %arg17: memref<!tpu.dma_semaphore, #tpu.memory_space<semaphore_mem>>, %arg18: memref<!tpu.dma_semaphore, #tpu.memory_space<semaphore_mem>>, %arg19: memref<!tpu.dma_semaphore, #tpu.memory_space<semaphore_mem>>, %arg20: memref<!tpu.dma_semaphore, #tpu.memory_space<semaphore_mem>>, %arg21: memref<!tpu.dma_semaphore, #tpu.memory_space<semaphore_mem>>, %arg22: memref<!tpu.dma_semaphore, #tpu.memory_space<semaphore_mem>>, %arg23: memref<!tpu.dma_semaphore, #tpu.memory_space<semaphore_mem>>, %arg24: memref<!tpu.dma_semaphore, #tpu.memory_space<semaphore_mem>>) attributes {dimension_semantics = [#tpu.dimension_semantics<core_parallel>, #tpu.dimension_semantics<subcore_parallel>], iteration_bounds = array<i64: 2, 16>, scalar_prefetch = 0 : i64, scratch_operands = 20 : i64, tpu.core_type = #tpu.core_type<sc_vector_subcore>, window_params = [{transform_indices = #map}, {transform_indices = #map1}, {transform_indices = #map1}]} {
    %mul3A = arith.constant 16 : i32
    %mul3A_0 = arith.muli %arg0, %mul3A : i32
    %add3A = arith.addi %mul3A_0, %arg1 : i32
    %eq3A = arith.constant 0 : i32
    %eq3A_1 = arith.cmpi eq, %arg0, %eq3A : i32
    %convert_element_type3A = arith.extui %eq3A_1 : i1 to i32
    %cond3A = arith.constant 0 : i32
    %cond3A_2 = arith.cmpi ne, %convert_element_type3A, %cond3A : i32
    scf.if %cond3A_2 {
      %mul3A_1700 = arith.constant 640 : i32
      %mul3A_1701 = arith.muli %arg1, %mul3A_1700 : i32
      %mul3A_1702 = arith.constant 640 : i32
      %mul3A_1703 = arith.muli %arg1, %mul3A_1702 : i32
      "tpu.region"() ({
        %run_scoped3A_1704 = tpu.sem_alloc : memref<!tpu.dma_semaphore, #tpu.memory_space<semaphore_mem>>
        %dma_start3A_1705 = arith.constant 0 : i32
        %dma_start3A_1706 = tpu.memref_slice %arg16[%mul3A_1703, %dma_start3A_1705] : memref<10240x64xf32, #tpu.memory_space<vmem_shared>> -> memref<640x64xf32, #tpu.memory_space<vmem_shared>>
        %dma_start3A_1707 = arith.constant 0 : i32
        %dma_start3A_1708 = tpu.memref_slice %arg2[%mul3A_1701, %dma_start3A_1707] : memref<10240x64xf32, #tpu.memory_space<hbm>> -> memref<640x64xf32, #tpu.memory_space<hbm>>
        tpu.enqueue_dma source(%dma_start3A_1708 : memref<640x64xf32, #tpu.memory_space<hbm>>) target(%dma_start3A_1706 : memref<640x64xf32, #tpu.memory_space<vmem_shared>>) target_semaphore(%run_scoped3A_1704 : memref<!tpu.dma_semaphore, #tpu.memory_space<semaphore_mem>>)
        %dma_wait3A_1709 = arith.constant 0 : i32
        %dma_wait3A_1710 = tpu.memref_slice %arg16[%mul3A_1703, %dma_wait3A_1709] : memref<10240x64xf32, #tpu.memory_space<vmem_shared>> -> memref<640x64xf32, #tpu.memory_space<vmem_shared>>
        %dma_wait3A_1711 = arith.constant 0 : i32
        %dma_wait3A_1712 = tpu.memref_slice %arg2[%mul3A_1701, %dma_wait3A_1711] : memref<10240x64xf32, #tpu.memory_space<hbm>> -> memref<640x64xf32, #tpu.memory_space<hbm>>
        tpu.wait_dma2 semaphore(%run_scoped3A_1704 : memref<!tpu.dma_semaphore, #tpu.memory_space<semaphore_mem>>) src(%dma_wait3A_1712 : memref<640x64xf32, #tpu.memory_space<hbm>>) dst(%dma_wait3A_1710 : memref<640x64xf32, #tpu.memory_space<vmem_shared>>)
        tpu.yield
      }) : () -> ()
    } else {
    }
    %ne3A = arith.constant 0 : i32
    %ne3A_3 = arith.cmpi ne, %arg0, %ne3A : i32
    %convert_element_type3A_4 = arith.extui %ne3A_3 : i1 to i32
    %cond3A_5 = arith.constant 0 : i32
    %cond3A_6 = arith.cmpi ne, %convert_element_type3A_4, %cond3A_5 : i32
    scf.if %cond3A_6 {
      %broadcast_in_dim3A = arith.constant 0.000000e+00 : f32
      %broadcast_in_dim3A_1700 = vector.broadcast %broadcast_in_dim3A : f32 to vector<16xf32>
      %scan3A_1701 = arith.constant 0 : i32
      %scan3A_1702 = arith.constant 0 : i32
      %scan3A_1703 = arith.constant 80 : i32
      %scan3A_1704 = arith.addi %scan3A_1702, %scan3A_1703 : i32
      %scan3A_1705 = arith.constant 1 : i32
      scf.for %scan3A_1713 = %scan3A_1702 to %scan3A_1704 step %scan3A_1705  : i32 {
        %swap3A_1714 = arith.index_cast %scan3A_1713 : i32 to index
        %swap3A_1715 = arith.constant 0 : index
        %swap3A_1716 = tpu.vector_load %arg8[%swap3A_1714, %swap3A_1715] {strides = array<i32>} : memref<80x64xf32, #tpu.memory_space<vmem>>, vector<1x16xf32>,
        %swap3A_1717 = vector.shape_cast %swap3A_1716 : vector<1x16xf32> to vector<16xf32>
        %swap3A_1718 = vector.shape_cast %broadcast_in_dim3A_1700 : vector<16xf32> to vector<1x16xf32>
        tpu.vector_store %arg8[%swap3A_1714, %swap3A_1715], %swap3A_1718 {strides = array<i32>} : memref<80x64xf32, #tpu.memory_space<vmem>>, vector<1x16xf32>,
        %swap3A_1719 = arith.index_cast %scan3A_1713 : i32 to index
        %swap3A_1720 = arith.constant 16 : index
        %swap3A_1721 = tpu.vector_load %arg8[%swap3A_1719, %swap3A_1720] {strides = array<i32>} : memref<80x64xf32, #tpu.memory_space<vmem>>, vector<1x16xf32>,
        %swap3A_1722 = vector.shape_cast %swap3A_1721 : vector<1x16xf32> to vector<16xf32>
        %swap3A_1723 = vector.shape_cast %broadcast_in_dim3A_1700 : vector<16xf32> to vector<1x16xf32>
        tpu.vector_store %arg8[%swap3A_1719, %swap3A_1720], %swap3A_1723 {strides = array<i32>} : memref<80x64xf32, #tpu.memory_space<vmem>>, vector<1x16xf32>,
        %swap3A_1724 = arith.index_cast %scan3A_1713 : i32 to index
        %swap3A_1725 = arith.constant 32 : index
        %swap3A_1726 = tpu.vector_load %arg8[%swap3A_1724, %swap3A_1725] {strides = array<i32>} : memref<80x64xf32, #tpu.memory_space<vmem>>, vector<1x16xf32>,
        %swap3A_1727 = vector.shape_cast %swap3A_1726 : vector<1x16xf32> to vector<16xf32>
        %swap3A_1728 = vector.shape_cast %broadcast_in_dim3A_1700 : vector<16xf32> to vector<1x16xf32>
        tpu.vector_store %arg8[%swap3A_1724, %swap3A_1725], %swap3A_1728 {strides = array<i32>} : memref<80x64xf32, #tpu.memory_space<vmem>>, vector<1x16xf32>,
        %swap3A_1729 = arith.index_cast %scan3A_1713 : i32 to index
        %swap3A_1730 = arith.constant 48 : index
        %swap3A_1731 = tpu.vector_load %arg8[%swap3A_1729, %swap3A_1730] {strides = array<i32>} : memref<80x64xf32, #tpu.memory_space<vmem>>, vector<1x16xf32>,
        %swap3A_1732 = vector.shape_cast %swap3A_1731 : vector<1x16xf32> to vector<16xf32>
        %swap3A_1733 = vector.shape_cast %broadcast_in_dim3A_1700 : vector<16xf32> to vector<1x16xf32>
        tpu.vector_store %arg8[%swap3A_1729, %swap3A_1730], %swap3A_1733 {strides = array<i32>} : memref<80x64xf32, #tpu.memory_space<vmem>>, vector<1x16xf32>,
      }
      %scan3A_1706 = arith.constant 80 : i32
      %scan3A_1707 = arith.constant 0 : i32
      %scan3A_1708 = arith.constant 0 : i32
      %scan3A_1709 = arith.constant 8 : i32
      %scan3A_1710 = arith.addi %scan3A_1708, %scan3A_1709 : i32
      %scan3A_1711 = arith.constant 1 : i32
      scf.for %scan3A_1713 = %scan3A_1708 to %scan3A_1710 step %scan3A_1711  : i32 {
        %mul3A_1714 = arith.constant 640 : i32
        %mul3A_1715 = arith.muli %arg1, %mul3A_1714 : i32
        %mul3A_1716 = arith.constant 80 : i32
        %mul3A_1717 = arith.muli %scan3A_1713, %mul3A_1716 : i32
        %add3A_1718 = arith.addi %mul3A_1715, %mul3A_1717 : i32
        "tpu.region"() ({
          %run_scoped3A_1719 = tpu.sem_alloc : memref<!tpu.dma_semaphore, #tpu.memory_space<semaphore_mem>>
          %dma_start3A_1720 = arith.constant 0 : i32
          %dma_start3A_1721 = tpu.memref_slice %arg16[%add3A_1718, %dma_start3A_1720] : memref<10240x64xf32, #tpu.memory_space<vmem_shared>> -> memref<80x64xf32, #tpu.memory_space<vmem_shared>>
          %dma_start3A_1722 = arith.constant 0 : i32
          %dma_start3A_1723 = tpu.memref_slice %arg16[%add3A_1718, %dma_start3A_1722] : memref<10240x64xf32, #tpu.memory_space<vmem_shared>> -> memref<80x64xf32, #tpu.memory_space<vmem_shared>>
          tpu.enqueue_dma source(%arg8 : memref<80x64xf32, #tpu.memory_space<vmem>>) target(%dma_start3A_1723 : memref<80x64xf32, #tpu.memory_space<vmem_shared>>) target_semaphore(%run_scoped3A_1719 : memref<!tpu.dma_semaphore, #tpu.memory_space<semaphore_mem>>)
          %dma_wait3A_1724 = arith.constant 0 : i32
          %dma_wait3A_1725 = tpu.memref_slice %arg16[%add3A_1718, %dma_wait3A_1724] : memref<10240x64xf32, #tpu.memory_space<vmem_shared>> -> memref<80x64xf32, #tpu.memory_space<vmem_shared>>
          %dma_wait3A_1726 = arith.constant 0 : i32
          %dma_wait3A_1727 = tpu.memref_slice %arg16[%add3A_1718, %dma_wait3A_1726] : memref<10240x64xf32, #tpu.memory_space<vmem_shared>> -> memref<80x64xf32, #tpu.memory_space<vmem_shared>>
          tpu.wait_dma2 semaphore(%run_scoped3A_1719 : memref<!tpu.dma_semaphore, #tpu.memory_space<semaphore_mem>>) src(%arg8 : memref<80x64xf32, #tpu.memory_space<vmem>>) dst(%dma_wait3A_1727 : memref<80x64xf32, #tpu.memory_space<vmem_shared>>)
          tpu.yield
        }) : () -> ()
      }
      %scan3A_1712 = arith.constant 8 : i32
    } else {
    }
    "tpu.region"() ({
      %run_scoped3A_1700 = tpu.sem_alloc : memref<!tpu.dma_semaphore, #tpu.memory_space<semaphore_mem>>
      %dma_start3A_1701 = arith.constant 0 : i32
      %dma_start3A_1702 = arith.constant 0 : i32
      %dma_start3A_1703 = tpu.memref_slice %arg3[%add3A, %dma_start3A_1701, %dma_start3A_1702] : memref<32x125x80xi32, #tpu.memory_space<hbm>> -> memref<1x125x80xi32, #tpu.memory_space<hbm>>
      %dma_start3A_1704 = tpu.memref_squeeze %dma_start3A_1703 : memref<1x125x80xi32, #tpu.memory_space<hbm>> -> memref<125x80xi32, #tpu.memory_space<hbm>>
      %dma_start3A_1705 = arith.constant 0 : i32
      %dma_start3A_1706 = arith.constant 0 : i32
      %dma_start3A_1707 = tpu.memref_slice %arg3[%add3A, %dma_start3A_1705, %dma_start3A_1706] : memref<32x125x80xi32, #tpu.memory_space<hbm>> -> memref<1x125x80xi32, #tpu.memory_space<hbm>>
      %dma_start3A_1708 = tpu.memref_squeeze %dma_start3A_1707 : memref<1x125x80xi32, #tpu.memory_space<hbm>> -> memref<125x80xi32, #tpu.memory_space<hbm>>
      tpu.enqueue_dma source(%dma_start3A_1708 : memref<125x80xi32, #tpu.memory_space<hbm>>) target(%arg5 : memref<125x80xi32, #tpu.memory_space<vmem>>) target_semaphore(%run_scoped3A_1700 : memref<!tpu.dma_semaphore, #tpu.memory_space<semaphore_mem>>)
      %dma_wait3A_1709 = arith.constant 0 : i32
      %dma_wait3A_1710 = arith.constant 0 : i32
      %dma_wait3A_1711 = tpu.memref_slice %arg3[%add3A, %dma_wait3A_1709, %dma_wait3A_1710] : memref<32x125x80xi32, #tpu.memory_space<hbm>> -> memref<1x125x80xi32, #tpu.memory_space<hbm>>
      %dma_wait3A_1712 = tpu.memref_squeeze %dma_wait3A_1711 : memref<1x125x80xi32, #tpu.memory_space<hbm>> -> memref<125x80xi32, #tpu.memory_space<hbm>>
      %dma_wait3A_1713 = arith.constant 0 : i32
      %dma_wait3A_1714 = arith.constant 0 : i32
      %dma_wait3A_1715 = tpu.memref_slice %arg3[%add3A, %dma_wait3A_1713, %dma_wait3A_1714] : memref<32x125x80xi32, #tpu.memory_space<hbm>> -> memref<1x125x80xi32, #tpu.memory_space<hbm>>
      %dma_wait3A_1716 = tpu.memref_squeeze %dma_wait3A_1715 : memref<1x125x80xi32, #tpu.memory_space<hbm>> -> memref<125x80xi32, #tpu.memory_space<hbm>>
      tpu.wait_dma2 semaphore(%run_scoped3A_1700 : memref<!tpu.dma_semaphore, #tpu.memory_space<semaphore_mem>>) src(%dma_wait3A_1716 : memref<125x80xi32, #tpu.memory_space<hbm>>) dst(%arg5 : memref<125x80xi32, #tpu.memory_space<vmem>>)
      tpu.yield
    }) : () -> ()
    %barrier3A = arith.constant 0 : index
    tpu.barrier barrier_id(%barrier3A)
    %get3A = arith.constant 0 : i32
    %get3A_7 = arith.index_cast %get3A : i32 to index
    %get3A_8 = arith.constant 0 : index
    %get3A_9 = tpu.vector_load %arg5[%get3A_7, %get3A_8] {strides = array<i32>} : memref<125x80xi32, #tpu.memory_space<vmem>>, vector<1x16xi32>,
    %get3A_10 = vector.shape_cast %get3A_9 : vector<1x16xi32> to vector<16xi32>
    %and3A = arith.constant 65535 : i32
    %and3A_11 = vector.broadcast %and3A : i32 to vector<16xi32>
    %and3A_12 = arith.andi %get3A_10, %and3A_11 : vector<16xi32>
    %swap3A = arith.constant 0 : i32
    %swap3A_13 = arith.index_cast %swap3A : i32 to index
    %swap3A_14 = arith.constant 0 : index
    %swap3A_15 = tpu.vector_load %arg6[%swap3A_13, %swap3A_14] {strides = array<i32>} : memref<8x80xi32, #tpu.memory_space<vmem>>, vector<1x16xi32>,
    %swap3A_16 = vector.shape_cast %swap3A_15 : vector<1x16xi32> to vector<16xi32>
    %swap3A_17 = vector.shape_cast %and3A_12 : vector<16xi32> to vector<1x16xi32>
    tpu.vector_store %arg6[%swap3A_13, %swap3A_14], %swap3A_17 {strides = array<i32>} : memref<8x80xi32, #tpu.memory_space<vmem>>, vector<1x16xi32>,
    %shift_right_logical3A = arith.constant 16 : i32
    %shift_right_logical3A_18 = vector.broadcast %shift_right_logical3A : i32 to vector<16xi32>
    %shift_right_logical3A_19 = arith.shrui %get3A_10, %shift_right_logical3A_18 : vector<16xi32>
    %swap3A_20 = arith.constant 0 : i32
    %swap3A_21 = arith.index_cast %swap3A_20 : i32 to index
    %swap3A_22 = arith.constant 0 : index
    %swap3A_23 = tpu.vector_load %arg7[%swap3A_21, %swap3A_22] {strides = array<i32>} : memref<8x80xi32, #tpu.memory_space<vmem>>, vector<1x16xi32>,
    %swap3A_24 = vector.shape_cast %swap3A_23 : vector<1x16xi32> to vector<16xi32>
    %swap3A_25 = vector.shape_cast %shift_right_logical3A_19 : vector<16xi32> to vector<1x16xi32>
    tpu.vector_store %arg7[%swap3A_21, %swap3A_22], %swap3A_25 {strides = array<i32>} : memref<8x80xi32, #tpu.memory_space<vmem>>, vector<1x16xi32>,
    %get3A_26 = arith.constant 0 : i32
    %get3A_27 = arith.index_cast %get3A_26 : i32 to index
    %get3A_28 = arith.constant 16 : index
    %get3A_29 = tpu.vector_load %arg5[%get3A_27, %get3A_28] {strides = array<i32>} : memref<125x80xi32, #tpu.memory_space<vmem>>, vector<1x16xi32>,
    %get3A_30 = vector.shape_cast %get3A_29 : vector<1x16xi32> to vector<16xi32>
    %and3A_31 = arith.constant 65535 : i32
    %and3A_32 = vector.broadcast %and3A_31 : i32 to vector<16xi32>
    %and3A_33 = arith.andi %get3A_30, %and3A_32 : vector<16xi32>
    %swap3A_34 = arith.constant 0 : i32
    %swap3A_35 = arith.index_cast %swap3A_34 : i32 to index
    %swap3A_36 = arith.constant 16 : index
    %swap3A_37 = tpu.vector_load %arg6[%swap3A_35, %swap3A_36] {strides = array<i32>} : memref<8x80xi32, #tpu.memory_space<vmem>>, vector<1x16xi32>,
    %swap3A_38 = vector.shape_cast %swap3A_37 : vector<1x16xi32> to vector<16xi32>
    %swap3A_39 = vector.shape_cast %and3A_33 : vector<16xi32> to vector<1x16xi32>
    tpu.vector_store %arg6[%swap3A_35, %swap3A_36], %swap3A_39 {strides = array<i32>} : memref<8x80xi32, #tpu.memory_space<vmem>>, vector<1x16xi32>,
    %shift_right_logical3A_40 = arith.constant 16 : i32
    %shift_right_logical3A_41 = vector.broadcast %shift_right_logical3A_40 : i32 to vector<16xi32>
    %shift_right_logical3A_42 = arith.shrui %get3A_30, %shift_right_logical3A_41 : vector<16xi32>
    %swap3A_43 = arith.constant 0 : i32
    %swap3A_44 = arith.index_cast %swap3A_43 : i32 to index
    %swap3A_45 = arith.constant 16 : index
    %swap3A_46 = tpu.vector_load %arg7[%swap3A_44, %swap3A_45] {strides = array<i32>} : memref<8x80xi32, #tpu.memory_space<vmem>>, vector<1x16xi32>,
    %swap3A_47 = vector.shape_cast %swap3A_46 : vector<1x16xi32> to vector<16xi32>
    %swap3A_48 = vector.shape_cast %shift_right_logical3A_42 : vector<16xi32> to vector<1x16xi32>
    tpu.vector_store %arg7[%swap3A_44, %swap3A_45], %swap3A_48 {strides = array<i32>} : memref<8x80xi32, #tpu.memory_space<vmem>>, vector<1x16xi32>,
    %get3A_49 = arith.constant 0 : i32
    %get3A_50 = arith.index_cast %get3A_49 : i32 to index
    %get3A_51 = arith.constant 32 : index
    %get3A_52 = tpu.vector_load %arg5[%get3A_50, %get3A_51] {strides = array<i32>} : memref<125x80xi32, #tpu.memory_space<vmem>>, vector<1x16xi32>,
    %get3A_53 = vector.shape_cast %get3A_52 : vector<1x16xi32> to vector<16xi32>
    %and3A_54 = arith.constant 65535 : i32
    %and3A_55 = vector.broadcast %and3A_54 : i32 to vector<16xi32>
    %and3A_56 = arith.andi %get3A_53, %and3A_55 : vector<16xi32>
    %swap3A_57 = arith.constant 0 : i32
    %swap3A_58 = arith.index_cast %swap3A_57 : i32 to index
    %swap3A_59 = arith.constant 32 : index
    %swap3A_60 = tpu.vector_load %arg6[%swap3A_58, %swap3A_59] {strides = array<i32>} : memref<8x80xi32, #tpu.memory_space<vmem>>, vector<1x16xi32>,
    %swap3A_61 = vector.shape_cast %swap3A_60 : vector<1x16xi32> to vector<16xi32>
    %swap3A_62 = vector.shape_cast %and3A_56 : vector<16xi32> to vector<1x16xi32>
    tpu.vector_store %arg6[%swap3A_58, %swap3A_59], %swap3A_62 {strides = array<i32>} : memref<8x80xi32, #tpu.memory_space<vmem>>, vector<1x16xi32>,
    %shift_right_logical3A_63 = arith.constant 16 : i32
    %shift_right_logical3A_64 = vector.broadcast %shift_right_logical3A_63 : i32 to vector<16xi32>
    %shift_right_logical3A_65 = arith.shrui %get3A_53, %shift_right_logical3A_64 : vector<16xi32>
    %swap3A_66 = arith.constant 0 : i32
    %swap3A_67 = arith.index_cast %swap3A_66 : i32 to index
    %swap3A_68 = arith.constant 32 : index
    %swap3A_69 = tpu.vector_load %arg7[%swap3A_67, %swap3A_68] {strides = array<i32>} : memref<8x80xi32, #tpu.memory_space<vmem>>, vector<1x16xi32>,
    %swap3A_70 = vector.shape_cast %swap3A_69 : vector<1x16xi32> to vector<16xi32>
    %swap3A_71 = vector.shape_cast %shift_right_logical3A_65 : vector<16xi32> to vector<1x16xi32>
    tpu.vector_store %arg7[%swap3A_67, %swap3A_68], %swap3A_71 {strides = array<i32>} : memref<8x80xi32, #tpu.memory_space<vmem>>, vector<1x16xi32>,
    %get3A_72 = arith.constant 0 : i32
    %get3A_73 = arith.index_cast %get3A_72 : i32 to index
    %get3A_74 = arith.constant 48 : index
    %get3A_75 = tpu.vector_load %arg5[%get3A_73, %get3A_74] {strides = array<i32>} : memref<125x80xi32, #tpu.memory_space<vmem>>, vector<1x16xi32>,
    %get3A_76 = vector.shape_cast %get3A_75 : vector<1x16xi32> to vector<16xi32>
    %and3A_77 = arith.constant 65535 : i32
    %and3A_78 = vector.broadcast %and3A_77 : i32 to vector<16xi32>
    %and3A_79 = arith.andi %get3A_76, %and3A_78 : vector<16xi32>
    %swap3A_80 = arith.constant 0 : i32
    %swap3A_81 = arith.index_cast %swap3A_80 : i32 to index
    %swap3A_82 = arith.constant 48 : index
    %swap3A_83 = tpu.vector_load %arg6[%swap3A_81, %swap3A_82] {strides = array<i32>} : memref<8x80xi32, #tpu.memory_space<vmem>>, vector<1x16xi32>,
    %swap3A_84 = vector.shape_cast %swap3A_83 : vector<1x16xi32> to vector<16xi32>
    %swap3A_85 = vector.shape_cast %and3A_79 : vector<16xi32> to vector<1x16xi32>
    tpu.vector_store %arg6[%swap3A_81, %swap3A_82], %swap3A_85 {strides = array<i32>} : memref<8x80xi32, #tpu.memory_space<vmem>>, vector<1x16xi32>,
    %shift_right_logical3A_86 = arith.constant 16 : i32
    %shift_right_logical3A_87 = vector.broadcast %shift_right_logical3A_86 : i32 to vector<16xi32>
    %shift_right_logical3A_88 = arith.shrui %get3A_76, %shift_right_logical3A_87 : vector<16xi32>
    %swap3A_89 = arith.constant 0 : i32
    %swap3A_90 = arith.index_cast %swap3A_89 : i32 to index
    %swap3A_91 = arith.constant 48 : index
    %swap3A_92 = tpu.vector_load %arg7[%swap3A_90, %swap3A_91] {strides = array<i32>} : memref<8x80xi32, #tpu.memory_space<vmem>>, vector<1x16xi32>,
    %swap3A_93 = vector.shape_cast %swap3A_92 : vector<1x16xi32> to vector<16xi32>
    %swap3A_94 = vector.shape_cast %shift_right_logical3A_88 : vector<16xi32> to vector<1x16xi32>
    tpu.vector_store %arg7[%swap3A_90, %swap3A_91], %swap3A_94 {strides = array<i32>} : memref<8x80xi32, #tpu.memory_space<vmem>>, vector<1x16xi32>,
    %get3A_95 = arith.constant 0 : i32
    %get3A_96 = arith.index_cast %get3A_95 : i32 to index
    %get3A_97 = arith.constant 64 : index
    %get3A_98 = tpu.vector_load %arg5[%get3A_96, %get3A_97] {strides = array<i32>} : memref<125x80xi32, #tpu.memory_space<vmem>>, vector<1x16xi32>,
    %get3A_99 = vector.shape_cast %get3A_98 : vector<1x16xi32> to vector<16xi32>
    %and3A_100 = arith.constant 65535 : i32
    %and3A_101 = vector.broadcast %and3A_100 : i32 to vector<16xi32>
    %and3A_102 = arith.andi %get3A_99, %and3A_101 : vector<16xi32>
    %swap3A_103 = arith.constant 0 : i32
    %swap3A_104 = arith.index_cast %swap3A_103 : i32 to index
    %swap3A_105 = arith.constant 64 : index
    %swap3A_106 = tpu.vector_load %arg6[%swap3A_104, %swap3A_105] {strides = array<i32>} : memref<8x80xi32, #tpu.memory_space<vmem>>, vector<1x16xi32>,
    %swap3A_107 = vector.shape_cast %swap3A_106 : vector<1x16xi32> to vector<16xi32>
    %swap3A_108 = vector.shape_cast %and3A_102 : vector<16xi32> to vector<1x16xi32>
    tpu.vector_store %arg6[%swap3A_104, %swap3A_105], %swap3A_108 {strides = array<i32>} : memref<8x80xi32, #tpu.memory_space<vmem>>, vector<1x16xi32>,
    %shift_right_logical3A_109 = arith.constant 16 : i32
    %shift_right_logical3A_110 = vector.broadcast %shift_right_logical3A_109 : i32 to vector<16xi32>
    %shift_right_logical3A_111 = arith.shrui %get3A_99, %shift_right_logical3A_110 : vector<16xi32>
    %swap3A_112 = arith.constant 0 : i32
    %swap3A_113 = arith.index_cast %swap3A_112 : i32 to index
    %swap3A_114 = arith.constant 64 : index
    %swap3A_115 = tpu.vector_load %arg7[%swap3A_113, %swap3A_114] {strides = array<i32>} : memref<8x80xi32, #tpu.memory_space<vmem>>, vector<1x16xi32>,
    %swap3A_116 = vector.shape_cast %swap3A_115 : vector<1x16xi32> to vector<16xi32>
    %swap3A_117 = vector.shape_cast %shift_right_logical3A_111 : vector<16xi32> to vector<1x16xi32>
    tpu.vector_store %arg7[%swap3A_113, %swap3A_114], %swap3A_117 {strides = array<i32>} : memref<8x80xi32, #tpu.memory_space<vmem>>, vector<1x16xi32>,
    %dma_start3A = arith.constant 0 : i32
    %dma_start3A_118 = arith.constant 0 : i32
    %dma_start3A_119 = tpu.memref_slice %arg6[%dma_start3A, %dma_start3A_118] : memref<8x80xi32, #tpu.memory_space<vmem>> -> memref<1x80xi32, #tpu.memory_space<vmem>>
    %dma_start3A_120 = tpu.memref_squeeze %dma_start3A_119 : memref<1x80xi32, #tpu.memory_space<vmem>> -> memref<80xi32, #tpu.memory_space<vmem>>
    %dma_start3A_121 = arith.constant 0 : i32
    %dma_start3A_122 = arith.constant 0 : i32
    %dma_start3A_123 = tpu.memref_slice %arg2[%dma_start3A_121, %dma_start3A_122] : memref<10240x64xf32, #tpu.memory_space<hbm>> -> memref<10240x64xf32, #tpu.memory_space<hbm>>
    tpu.enqueue_indirect_dma source(%dma_start3A_123 : memref<10240x64xf32, #tpu.memory_space<hbm>>) target(%arg8 : memref<80x64xf32, #tpu.memory_space<vmem>>) offsets(%dma_start3A_120 : memref<80xi32, #tpu.memory_space<vmem>>) semaphore(%arg17 : memref<!tpu.dma_semaphore, #tpu.memory_space<semaphore_mem>>)
    %get3A_124 = arith.constant 1 : i32
    %get3A_125 = arith.index_cast %get3A_124 : i32 to index
    %get3A_126 = arith.constant 0 : index
    %get3A_127 = tpu.vector_load %arg5[%get3A_125, %get3A_126] {strides = array<i32>} : memref<125x80xi32, #tpu.memory_space<vmem>>, vector<1x16xi32>,
    %get3A_128 = vector.shape_cast %get3A_127 : vector<1x16xi32> to vector<16xi32>
    %and3A_129 = arith.constant 65535 : i32
    %and3A_130 = vector.broadcast %and3A_129 : i32 to vector<16xi32>
    %and3A_131 = arith.andi %get3A_128, %and3A_130 : vector<16xi32>
    %swap3A_132 = arith.constant 1 : i32
    %swap3A_133 = arith.index_cast %swap3A_132 : i32 to index
    %swap3A_134 = arith.constant 0 : index
    %swap3A_135 = tpu.vector_load %arg6[%swap3A_133, %swap3A_134] {strides = array<i32>} : memref<8x80xi32, #tpu.memory_space<vmem>>, vector<1x16xi32>,
    %swap3A_136 = vector.shape_cast %swap3A_135 : vector<1x16xi32> to vector<16xi32>
    %swap3A_137 = vector.shape_cast %and3A_131 : vector<16xi32> to vector<1x16xi32>
    tpu.vector_store %arg6[%swap3A_133, %swap3A_134], %swap3A_137 {strides = array<i32>} : memref<8x80xi32, #tpu.memory_space<vmem>>, vector<1x16xi32>,
    %shift_right_logical3A_138 = arith.constant 16 : i32
    %shift_right_logical3A_139 = vector.broadcast %shift_right_logical3A_138 : i32 to vector<16xi32>
    %shift_right_logical3A_140 = arith.shrui %get3A_128, %shift_right_logical3A_139 : vector<16xi32>
    %swap3A_141 = arith.constant 1 : i32
    %swap3A_142 = arith.index_cast %swap3A_141 : i32 to index
    %swap3A_143 = arith.constant 0 : index
    %swap3A_144 = tpu.vector_load %arg7[%swap3A_142, %swap3A_143] {strides = array<i32>} : memref<8x80xi32, #tpu.memory_space<vmem>>, vector<1x16xi32>,
    %swap3A_145 = vector.shape_cast %swap3A_144 : vector<1x16xi32> to vector<16xi32>
    %swap3A_146 = vector.shape_cast %shift_right_logical3A_140 : vector<16xi32> to vector<1x16xi32>
    tpu.vector_store %arg7[%swap3A_142, %swap3A_143], %swap3A_146 {strides = array<i32>} : memref<8x80xi32, #tpu.memory_space<vmem>>, vector<1x16xi32>,
    %get3A_147 = arith.constant 1 : i32
    %get3A_148 = arith.index_cast %get3A_147 : i32 to index
    %get3A_149 = arith.constant 16 : index
    %get3A_150 = tpu.vector_load %arg5[%get3A_148, %get3A_149] {strides = array<i32>} : memref<125x80xi32, #tpu.memory_space<vmem>>, vector<1x16xi32>,
    %get3A_151 = vector.shape_cast %get3A_150 : vector<1x16xi32> to vector<16xi32>
    %and3A_152 = arith.constant 65535 : i32
    %and3A_153 = vector.broadcast %and3A_152 : i32 to vector<16xi32>
    %and3A_154 = arith.andi %get3A_151, %and3A_153 : vector<16xi32>
    %swap3A_155 = arith.constant 1 : i32
    %swap3A_156 = arith.index_cast %swap3A_155 : i32 to index
    %swap3A_157 = arith.constant 16 : index
    %swap3A_158 = tpu.vector_load %arg6[%swap3A_156, %swap3A_157] {strides = array<i32>} : memref<8x80xi32, #tpu.memory_space<vmem>>, vector<1x16xi32>,
    %swap3A_159 = vector.shape_cast %swap3A_158 : vector<1x16xi32> to vector<16xi32>
    %swap3A_160 = vector.shape_cast %and3A_154 : vector<16xi32> to vector<1x16xi32>
    tpu.vector_store %arg6[%swap3A_156, %swap3A_157], %swap3A_160 {strides = array<i32>} : memref<8x80xi32, #tpu.memory_space<vmem>>, vector<1x16xi32>,
    %shift_right_logical3A_161 = arith.constant 16 : i32
    %shift_right_logical3A_162 = vector.broadcast %shift_right_logical3A_161 : i32 to vector<16xi32>
    %shift_right_logical3A_163 = arith.shrui %get3A_151, %shift_right_logical3A_162 : vector<16xi32>
    %swap3A_164 = arith.constant 1 : i32
    %swap3A_165 = arith.index_cast %swap3A_164 : i32 to index
    %swap3A_166 = arith.constant 16 : index
    %swap3A_167 = tpu.vector_load %arg7[%swap3A_165, %swap3A_166] {strides = array<i32>} : memref<8x80xi32, #tpu.memory_space<vmem>>, vector<1x16xi32>,
    %swap3A_168 = vector.shape_cast %swap3A_167 : vector<1x16xi32> to vector<16xi32>
    %swap3A_169 = vector.shape_cast %shift_right_logical3A_163 : vector<16xi32> to vector<1x16xi32>
    tpu.vector_store %arg7[%swap3A_165, %swap3A_166], %swap3A_169 {strides = array<i32>} : memref<8x80xi32, #tpu.memory_space<vmem>>, vector<1x16xi32>,
    %get3A_170 = arith.constant 1 : i32
    %get3A_171 = arith.index_cast %get3A_170 : i32 to index
    %get3A_172 = arith.constant 32 : index
    %get3A_173 = tpu.vector_load %arg5[%get3A_171, %get3A_172] {strides = array<i32>} : memref<125x80xi32, #tpu.memory_space<vmem>>, vector<1x16xi32>,
    %get3A_174 = vector.shape_cast %get3A_173 : vector<1x16xi32> to vector<16xi32>
    %and3A_175 = arith.constant 65535 : i32
    %and3A_176 = vector.broadcast %and3A_175 : i32 to vector<16xi32>
    %and3A_177 = arith.andi %get3A_174, %and3A_176 : vector<16xi32>
    %swap3A_178 = arith.constant 1 : i32
    %swap3A_179 = arith.index_cast %swap3A_178 : i32 to index
    %swap3A_180 = arith.constant 32 : index
    %swap3A_181 = tpu.vector_load %arg6[%swap3A_179, %swap3A_180] {strides = array<i32>} : memref<8x80xi32, #tpu.memory_space<vmem>>, vector<1x16xi32>,
    %swap3A_182 = vector.shape_cast %swap3A_181 : vector<1x16xi32> to vector<16xi32>
    %swap3A_183 = vector.shape_cast %and3A_177 : vector<16xi32> to vector<1x16xi32>
    tpu.vector_store %arg6[%swap3A_179, %swap3A_180], %swap3A_183 {strides = array<i32>} : memref<8x80xi32, #tpu.memory_space<vmem>>, vector<1x16xi32>,
    %shift_right_logical3A_184 = arith.constant 16 : i32
    %shift_right_logical3A_185 = vector.broadcast %shift_right_logical3A_184 : i32 to vector<16xi32>
    %shift_right_logical3A_186 = arith.shrui %get3A_174, %shift_right_logical3A_185 : vector<16xi32>
    %swap3A_187 = arith.constant 1 : i32
    %swap3A_188 = arith.index_cast %swap3A_187 : i32 to index
    %swap3A_189 = arith.constant 32 : index
    %swap3A_190 = tpu.vector_load %arg7[%swap3A_188, %swap3A_189] {strides = array<i32>} : memref<8x80xi32, #tpu.memory_space<vmem>>, vector<1x16xi32>,
    %swap3A_191 = vector.shape_cast %swap3A_190 : vector<1x16xi32> to vector<16xi32>
    %swap3A_192 = vector.shape_cast %shift_right_logical3A_186 : vector<16xi32> to vector<1x16xi32>
    tpu.vector_store %arg7[%swap3A_188, %swap3A_189], %swap3A_192 {strides = array<i32>} : memref<8x80xi32, #tpu.memory_space<vmem>>, vector<1x16xi32>,
    %get3A_193 = arith.constant 1 : i32
    %get3A_194 = arith.index_cast %get3A_193 : i32 to index
    %get3A_195 = arith.constant 48 : index
    %get3A_196 = tpu.vector_load %arg5[%get3A_194, %get3A_195] {strides = array<i32>} : memref<125x80xi32, #tpu.memory_space<vmem>>, vector<1x16xi32>,
    %get3A_197 = vector.shape_cast %get3A_196 : vector<1x16xi32> to vector<16xi32>
    %and3A_198 = arith.constant 65535 : i32
    %and3A_199 = vector.broadcast %and3A_198 : i32 to vector<16xi32>
    %and3A_200 = arith.andi %get3A_197, %and3A_199 : vector<16xi32>
    %swap3A_201 = arith.constant 1 : i32
    %swap3A_202 = arith.index_cast %swap3A_201 : i32 to index
    %swap3A_203 = arith.constant 48 : index
    %swap3A_204 = tpu.vector_load %arg6[%swap3A_202, %swap3A_203] {strides = array<i32>} : memref<8x80xi32, #tpu.memory_space<vmem>>, vector<1x16xi32>,
    %swap3A_205 = vector.shape_cast %swap3A_204 : vector<1x16xi32> to vector<16xi32>
    %swap3A_206 = vector.shape_cast %and3A_200 : vector<16xi32> to vector<1x16xi32>
    tpu.vector_store %arg6[%swap3A_202, %swap3A_203], %swap3A_206 {strides = array<i32>} : memref<8x80xi32, #tpu.memory_space<vmem>>, vector<1x16xi32>,
    %shift_right_logical3A_207 = arith.constant 16 : i32
    %shift_right_logical3A_208 = vector.broadcast %shift_right_logical3A_207 : i32 to vector<16xi32>
    %shift_right_logical3A_209 = arith.shrui %get3A_197, %shift_right_logical3A_208 : vector<16xi32>
    %swap3A_210 = arith.constant 1 : i32
    %swap3A_211 = arith.index_cast %swap3A_210 : i32 to index
    %swap3A_212 = arith.constant 48 : index
    %swap3A_213 = tpu.vector_load %arg7[%swap3A_211, %swap3A_212] {strides = array<i32>} : memref<8x80xi32, #tpu.memory_space<vmem>>, vector<1x16xi32>,
    %swap3A_214 = vector.shape_cast %swap3A_213 : vector<1x16xi32> to vector<16xi32>
    %swap3A_215 = vector.shape_cast %shift_right_logical3A_209 : vector<16xi32> to vector<1x16xi32>
    tpu.vector_store %arg7[%swap3A_211, %swap3A_212], %swap3A_215 {strides = array<i32>} : memref<8x80xi32, #tpu.memory_space<vmem>>, vector<1x16xi32>,
    %get3A_216 = arith.constant 1 : i32
    %get3A_217 = arith.index_cast %get3A_216 : i32 to index
    %get3A_218 = arith.constant 64 : index
    %get3A_219 = tpu.vector_load %arg5[%get3A_217, %get3A_218] {strides = array<i32>} : memref<125x80xi32, #tpu.memory_space<vmem>>, vector<1x16xi32>,
    %get3A_220 = vector.shape_cast %get3A_219 : vector<1x16xi32> to vector<16xi32>
    %and3A_221 = arith.constant 65535 : i32
    %and3A_222 = vector.broadcast %and3A_221 : i32 to vector<16xi32>
    %and3A_223 = arith.andi %get3A_220, %and3A_222 : vector<16xi32>
    %swap3A_224 = arith.constant 1 : i32
    %swap3A_225 = arith.index_cast %swap3A_224 : i32 to index
    %swap3A_226 = arith.constant 64 : index
    %swap3A_227 = tpu.vector_load %arg6[%swap3A_225, %swap3A_226] {strides = array<i32>} : memref<8x80xi32, #tpu.memory_space<vmem>>, vector<1x16xi32>,
    %swap3A_228 = vector.shape_cast %swap3A_227 : vector<1x16xi32> to vector<16xi32>
    %swap3A_229 = vector.shape_cast %and3A_223 : vector<16xi32> to vector<1x16xi32>
    tpu.vector_store %arg6[%swap3A_225, %swap3A_226], %swap3A_229 {strides = array<i32>} : memref<8x80xi32, #tpu.memory_space<vmem>>, vector<1x16xi32>,
    %shift_right_logical3A_230 = arith.constant 16 : i32
    %shift_right_logical3A_231 = vector.broadcast %shift_right_logical3A_230 : i32 to vector<16xi32>
    %shift_right_logical3A_232 = arith.shrui %get3A_220, %shift_right_logical3A_231 : vector<16xi32>
    %swap3A_233 = arith.constant 1 : i32
    %swap3A_234 = arith.index_cast %swap3A_233 : i32 to index
    %swap3A_235 = arith.constant 64 : index
    %swap3A_236 = tpu.vector_load %arg7[%swap3A_234, %swap3A_235] {strides = array<i32>} : memref<8x80xi32, #tpu.memory_space<vmem>>, vector<1x16xi32>,
    %swap3A_237 = vector.shape_cast %swap3A_236 : vector<1x16xi32> to vector<16xi32>
    %swap3A_238 = vector.shape_cast %shift_right_logical3A_232 : vector<16xi32> to vector<1x16xi32>
    tpu.vector_store %arg7[%swap3A_234, %swap3A_235], %swap3A_238 {strides = array<i32>} : memref<8x80xi32, #tpu.memory_space<vmem>>, vector<1x16xi32>,
    %dma_start3A_239 = arith.constant 1 : i32
    %dma_start3A_240 = arith.constant 0 : i32
    %dma_start3A_241 = tpu.memref_slice %arg6[%dma_start3A_239, %dma_start3A_240] : memref<8x80xi32, #tpu.memory_space<vmem>> -> memref<1x80xi32, #tpu.memory_space<vmem>>
    %dma_start3A_242 = tpu.memref_squeeze %dma_start3A_241 : memref<1x80xi32, #tpu.memory_space<vmem>> -> memref<80xi32, #tpu.memory_space<vmem>>
    %dma_start3A_243 = arith.constant 0 : i32
    %dma_start3A_244 = arith.constant 0 : i32
    %dma_start3A_245 = tpu.memref_slice %arg2[%dma_start3A_243, %dma_start3A_244] : memref<10240x64xf32, #tpu.memory_space<hbm>> -> memref<10240x64xf32, #tpu.memory_space<hbm>>
    tpu.enqueue_indirect_dma source(%dma_start3A_245 : memref<10240x64xf32, #tpu.memory_space<hbm>>) target(%arg9 : memref<80x64xf32, #tpu.memory_space<vmem>>) offsets(%dma_start3A_242 : memref<80xi32, #tpu.memory_space<vmem>>) semaphore(%arg18 : memref<!tpu.dma_semaphore, #tpu.memory_space<semaphore_mem>>)
    %get3A_246 = arith.constant 2 : i32
    %get3A_247 = arith.index_cast %get3A_246 : i32 to index
    %get3A_248 = arith.constant 0 : index
    %get3A_249 = tpu.vector_load %arg5[%get3A_247, %get3A_248] {strides = array<i32>} : memref<125x80xi32, #tpu.memory_space<vmem>>, vector<1x16xi32>,
    %get3A_250 = vector.shape_cast %get3A_249 : vector<1x16xi32> to vector<16xi32>
    %and3A_251 = arith.constant 65535 : i32
    %and3A_252 = vector.broadcast %and3A_251 : i32 to vector<16xi32>
    %and3A_253 = arith.andi %get3A_250, %and3A_252 : vector<16xi32>
    %swap3A_254 = arith.constant 2 : i32
    %swap3A_255 = arith.index_cast %swap3A_254 : i32 to index
    %swap3A_256 = arith.constant 0 : index
    %swap3A_257 = tpu.vector_load %arg6[%swap3A_255, %swap3A_256] {strides = array<i32>} : memref<8x80xi32, #tpu.memory_space<vmem>>, vector<1x16xi32>,
    %swap3A_258 = vector.shape_cast %swap3A_257 : vector<1x16xi32> to vector<16xi32>
    %swap3A_259 = vector.shape_cast %and3A_253 : vector<16xi32> to vector<1x16xi32>
    tpu.vector_store %arg6[%swap3A_255, %swap3A_256], %swap3A_259 {strides = array<i32>} : memref<8x80xi32, #tpu.memory_space<vmem>>, vector<1x16xi32>,
    %shift_right_logical3A_260 = arith.constant 16 : i32
    %shift_right_logical3A_261 = vector.broadcast %shift_right_logical3A_260 : i32 to vector<16xi32>
    %shift_right_logical3A_262 = arith.shrui %get3A_250, %shift_right_logical3A_261 : vector<16xi32>
    %swap3A_263 = arith.constant 2 : i32
    %swap3A_264 = arith.index_cast %swap3A_263 : i32 to index
    %swap3A_265 = arith.constant 0 : index
    %swap3A_266 = tpu.vector_load %arg7[%swap3A_264, %swap3A_265] {strides = array<i32>} : memref<8x80xi32, #tpu.memory_space<vmem>>, vector<1x16xi32>,
    %swap3A_267 = vector.shape_cast %swap3A_266 : vector<1x16xi32> to vector<16xi32>
    %swap3A_268 = vector.shape_cast %shift_right_logical3A_262 : vector<16xi32> to vector<1x16xi32>
    tpu.vector_store %arg7[%swap3A_264, %swap3A_265], %swap3A_268 {strides = array<i32>} : memref<8x80xi32, #tpu.memory_space<vmem>>, vector<1x16xi32>,
    %get3A_269 = arith.constant 2 : i32
    %get3A_270 = arith.index_cast %get3A_269 : i32 to index
    %get3A_271 = arith.constant 16 : index
    %get3A_272 = tpu.vector_load %arg5[%get3A_270, %get3A_271] {strides = array<i32>} : memref<125x80xi32, #tpu.memory_space<vmem>>, vector<1x16xi32>,
    %get3A_273 = vector.shape_cast %get3A_272 : vector<1x16xi32> to vector<16xi32>
    %and3A_274 = arith.constant 65535 : i32
    %and3A_275 = vector.broadcast %and3A_274 : i32 to vector<16xi32>
    %and3A_276 = arith.andi %get3A_273, %and3A_275 : vector<16xi32>
    %swap3A_277 = arith.constant 2 : i32
    %swap3A_278 = arith.index_cast %swap3A_277 : i32 to index
    %swap3A_279 = arith.constant 16 : index
    %swap3A_280 = tpu.vector_load %arg6[%swap3A_278, %swap3A_279] {strides = array<i32>} : memref<8x80xi32, #tpu.memory_space<vmem>>, vector<1x16xi32>,
    %swap3A_281 = vector.shape_cast %swap3A_280 : vector<1x16xi32> to vector<16xi32>
    %swap3A_282 = vector.shape_cast %and3A_276 : vector<16xi32> to vector<1x16xi32>
    tpu.vector_store %arg6[%swap3A_278, %swap3A_279], %swap3A_282 {strides = array<i32>} : memref<8x80xi32, #tpu.memory_space<vmem>>, vector<1x16xi32>,
    %shift_right_logical3A_283 = arith.constant 16 : i32
    %shift_right_logical3A_284 = vector.broadcast %shift_right_logical3A_283 : i32 to vector<16xi32>
    %shift_right_logical3A_285 = arith.shrui %get3A_273, %shift_right_logical3A_284 : vector<16xi32>
    %swap3A_286 = arith.constant 2 : i32
    %swap3A_287 = arith.index_cast %swap3A_286 : i32 to index
    %swap3A_288 = arith.constant 16 : index
    %swap3A_289 = tpu.vector_load %arg7[%swap3A_287, %swap3A_288] {strides = array<i32>} : memref<8x80xi32, #tpu.memory_space<vmem>>, vector<1x16xi32>,
    %swap3A_290 = vector.shape_cast %swap3A_289 : vector<1x16xi32> to vector<16xi32>
    %swap3A_291 = vector.shape_cast %shift_right_logical3A_285 : vector<16xi32> to vector<1x16xi32>
    tpu.vector_store %arg7[%swap3A_287, %swap3A_288], %swap3A_291 {strides = array<i32>} : memref<8x80xi32, #tpu.memory_space<vmem>>, vector<1x16xi32>,
    %get3A_292 = arith.constant 2 : i32
    %get3A_293 = arith.index_cast %get3A_292 : i32 to index
    %get3A_294 = arith.constant 32 : index
    %get3A_295 = tpu.vector_load %arg5[%get3A_293, %get3A_294] {strides = array<i32>} : memref<125x80xi32, #tpu.memory_space<vmem>>, vector<1x16xi32>,
    %get3A_296 = vector.shape_cast %get3A_295 : vector<1x16xi32> to vector<16xi32>
    %and3A_297 = arith.constant 65535 : i32
    %and3A_298 = vector.broadcast %and3A_297 : i32 to vector<16xi32>
    %and3A_299 = arith.andi %get3A_296, %and3A_298 : vector<16xi32>
    %swap3A_300 = arith.constant 2 : i32
    %swap3A_301 = arith.index_cast %swap3A_300 : i32 to index
    %swap3A_302 = arith.constant 32 : index
    %swap3A_303 = tpu.vector_load %arg6[%swap3A_301, %swap3A_302] {strides = array<i32>} : memref<8x80xi32, #tpu.memory_space<vmem>>, vector<1x16xi32>,
    %swap3A_304 = vector.shape_cast %swap3A_303 : vector<1x16xi32> to vector<16xi32>
    %swap3A_305 = vector.shape_cast %and3A_299 : vector<16xi32> to vector<1x16xi32>
    tpu.vector_store %arg6[%swap3A_301, %swap3A_302], %swap3A_305 {strides = array<i32>} : memref<8x80xi32, #tpu.memory_space<vmem>>, vector<1x16xi32>,
    %shift_right_logical3A_306 = arith.constant 16 : i32
    %shift_right_logical3A_307 = vector.broadcast %shift_right_logical3A_306 : i32 to vector<16xi32>
    %shift_right_logical3A_308 = arith.shrui %get3A_296, %shift_right_logical3A_307 : vector<16xi32>
    %swap3A_309 = arith.constant 2 : i32
    %swap3A_310 = arith.index_cast %swap3A_309 : i32 to index
    %swap3A_311 = arith.constant 32 : index
    %swap3A_312 = tpu.vector_load %arg7[%swap3A_310, %swap3A_311] {strides = array<i32>} : memref<8x80xi32, #tpu.memory_space<vmem>>, vector<1x16xi32>,
    %swap3A_313 = vector.shape_cast %swap3A_312 : vector<1x16xi32> to vector<16xi32>
    %swap3A_314 = vector.shape_cast %shift_right_logical3A_308 : vector<16xi32> to vector<1x16xi32>
    tpu.vector_store %arg7[%swap3A_310, %swap3A_311], %swap3A_314 {strides = array<i32>} : memref<8x80xi32, #tpu.memory_space<vmem>>, vector<1x16xi32>,
    %get3A_315 = arith.constant 2 : i32
    %get3A_316 = arith.index_cast %get3A_315 : i32 to index
    %get3A_317 = arith.constant 48 : index
    %get3A_318 = tpu.vector_load %arg5[%get3A_316, %get3A_317] {strides = array<i32>} : memref<125x80xi32, #tpu.memory_space<vmem>>, vector<1x16xi32>,
    %get3A_319 = vector.shape_cast %get3A_318 : vector<1x16xi32> to vector<16xi32>
    %and3A_320 = arith.constant 65535 : i32
    %and3A_321 = vector.broadcast %and3A_320 : i32 to vector<16xi32>
    %and3A_322 = arith.andi %get3A_319, %and3A_321 : vector<16xi32>
    %swap3A_323 = arith.constant 2 : i32
    %swap3A_324 = arith.index_cast %swap3A_323 : i32 to index
    %swap3A_325 = arith.constant 48 : index
    %swap3A_326 = tpu.vector_load %arg6[%swap3A_324, %swap3A_325] {strides = array<i32>} : memref<8x80xi32, #tpu.memory_space<vmem>>, vector<1x16xi32>,
    %swap3A_327 = vector.shape_cast %swap3A_326 : vector<1x16xi32> to vector<16xi32>
    %swap3A_328 = vector.shape_cast %and3A_322 : vector<16xi32> to vector<1x16xi32>
    tpu.vector_store %arg6[%swap3A_324, %swap3A_325], %swap3A_328 {strides = array<i32>} : memref<8x80xi32, #tpu.memory_space<vmem>>, vector<1x16xi32>,
    %shift_right_logical3A_329 = arith.constant 16 : i32
    %shift_right_logical3A_330 = vector.broadcast %shift_right_logical3A_329 : i32 to vector<16xi32>
    %shift_right_logical3A_331 = arith.shrui %get3A_319, %shift_right_logical3A_330 : vector<16xi32>
    %swap3A_332 = arith.constant 2 : i32
    %swap3A_333 = arith.index_cast %swap3A_332 : i32 to index
    %swap3A_334 = arith.constant 48 : index
    %swap3A_335 = tpu.vector_load %arg7[%swap3A_333, %swap3A_334] {strides = array<i32>} : memref<8x80xi32, #tpu.memory_space<vmem>>, vector<1x16xi32>,
    %swap3A_336 = vector.shape_cast %swap3A_335 : vector<1x16xi32> to vector<16xi32>
    %swap3A_337 = vector.shape_cast %shift_right_logical3A_331 : vector<16xi32> to vector<1x16xi32>
    tpu.vector_store %arg7[%swap3A_333, %swap3A_334], %swap3A_337 {strides = array<i32>} : memref<8x80xi32, #tpu.memory_space<vmem>>, vector<1x16xi32>,
    %get3A_338 = arith.constant 2 : i32
    %get3A_339 = arith.index_cast %get3A_338 : i32 to index
    %get3A_340 = arith.constant 64 : index
    %get3A_341 = tpu.vector_load %arg5[%get3A_339, %get3A_340] {strides = array<i32>} : memref<125x80xi32, #tpu.memory_space<vmem>>, vector<1x16xi32>,
    %get3A_342 = vector.shape_cast %get3A_341 : vector<1x16xi32> to vector<16xi32>
    %and3A_343 = arith.constant 65535 : i32
    %and3A_344 = vector.broadcast %and3A_343 : i32 to vector<16xi32>
    %and3A_345 = arith.andi %get3A_342, %and3A_344 : vector<16xi32>
    %swap3A_346 = arith.constant 2 : i32
    %swap3A_347 = arith.index_cast %swap3A_346 : i32 to index
    %swap3A_348 = arith.constant 64 : index
    %swap3A_349 = tpu.vector_load %arg6[%swap3A_347, %swap3A_348] {strides = array<i32>} : memref<8x80xi32, #tpu.memory_space<vmem>>, vector<1x16xi32>,
    %swap3A_350 = vector.shape_cast %swap3A_349 : vector<1x16xi32> to vector<16xi32>
    %swap3A_351 = vector.shape_cast %and3A_345 : vector<16xi32> to vector<1x16xi32>
    tpu.vector_store %arg6[%swap3A_347, %swap3A_348], %swap3A_351 {strides = array<i32>} : memref<8x80xi32, #tpu.memory_space<vmem>>, vector<1x16xi32>,
    %shift_right_logical3A_352 = arith.constant 16 : i32
    %shift_right_logical3A_353 = vector.broadcast %shift_right_logical3A_352 : i32 to vector<16xi32>
    %shift_right_logical3A_354 = arith.shrui %get3A_342, %shift_right_logical3A_353 : vector<16xi32>
    %swap3A_355 = arith.constant 2 : i32
    %swap3A_356 = arith.index_cast %swap3A_355 : i32 to index
    %swap3A_357 = arith.constant 64 : index
    %swap3A_358 = tpu.vector_load %arg7[%swap3A_356, %swap3A_357] {strides = array<i32>} : memref<8x80xi32, #tpu.memory_space<vmem>>, vector<1x16xi32>,
    %swap3A_359 = vector.shape_cast %swap3A_358 : vector<1x16xi32> to vector<16xi32>
    %swap3A_360 = vector.shape_cast %shift_right_logical3A_354 : vector<16xi32> to vector<1x16xi32>
    tpu.vector_store %arg7[%swap3A_356, %swap3A_357], %swap3A_360 {strides = array<i32>} : memref<8x80xi32, #tpu.memory_space<vmem>>, vector<1x16xi32>,
    %dma_start3A_361 = arith.constant 2 : i32
    %dma_start3A_362 = arith.constant 0 : i32
    %dma_start3A_363 = tpu.memref_slice %arg6[%dma_start3A_361, %dma_start3A_362] : memref<8x80xi32, #tpu.memory_space<vmem>> -> memref<1x80xi32, #tpu.memory_space<vmem>>
    %dma_start3A_364 = tpu.memref_squeeze %dma_start3A_363 : memref<1x80xi32, #tpu.memory_space<vmem>> -> memref<80xi32, #tpu.memory_space<vmem>>
    %dma_start3A_365 = arith.constant 0 : i32
    %dma_start3A_366 = arith.constant 0 : i32
    %dma_start3A_367 = tpu.memref_slice %arg2[%dma_start3A_365, %dma_start3A_366] : memref<10240x64xf32, #tpu.memory_space<hbm>> -> memref<10240x64xf32, #tpu.memory_space<hbm>>
    tpu.enqueue_indirect_dma source(%dma_start3A_367 : memref<10240x64xf32, #tpu.memory_space<hbm>>) target(%arg10 : memref<80x64xf32, #tpu.memory_space<vmem>>) offsets(%dma_start3A_364 : memref<80xi32, #tpu.memory_space<vmem>>) semaphore(%arg19 : memref<!tpu.dma_semaphore, #tpu.memory_space<semaphore_mem>>)
    %get3A_368 = arith.constant 3 : i32
    %get3A_369 = arith.index_cast %get3A_368 : i32 to index
    %get3A_370 = arith.constant 0 : index
    %get3A_371 = tpu.vector_load %arg5[%get3A_369, %get3A_370] {strides = array<i32>} : memref<125x80xi32, #tpu.memory_space<vmem>>, vector<1x16xi32>,
    %get3A_372 = vector.shape_cast %get3A_371 : vector<1x16xi32> to vector<16xi32>
    %and3A_373 = arith.constant 65535 : i32
    %and3A_374 = vector.broadcast %and3A_373 : i32 to vector<16xi32>
    %and3A_375 = arith.andi %get3A_372, %and3A_374 : vector<16xi32>
    %swap3A_376 = arith.constant 3 : i32
    %swap3A_377 = arith.index_cast %swap3A_376 : i32 to index
    %swap3A_378 = arith.constant 0 : index
    %swap3A_379 = tpu.vector_load %arg6[%swap3A_377, %swap3A_378] {strides = array<i32>} : memref<8x80xi32, #tpu.memory_space<vmem>>, vector<1x16xi32>,
    %swap3A_380 = vector.shape_cast %swap3A_379 : vector<1x16xi32> to vector<16xi32>
    %swap3A_381 = vector.shape_cast %and3A_375 : vector<16xi32> to vector<1x16xi32>
    tpu.vector_store %arg6[%swap3A_377, %swap3A_378], %swap3A_381 {strides = array<i32>} : memref<8x80xi32, #tpu.memory_space<vmem>>, vector<1x16xi32>,
    %shift_right_logical3A_382 = arith.constant 16 : i32
    %shift_right_logical3A_383 = vector.broadcast %shift_right_logical3A_382 : i32 to vector<16xi32>
    %shift_right_logical3A_384 = arith.shrui %get3A_372, %shift_right_logical3A_383 : vector<16xi32>
    %swap3A_385 = arith.constant 3 : i32
    %swap3A_386 = arith.index_cast %swap3A_385 : i32 to index
    %swap3A_387 = arith.constant 0 : index
    %swap3A_388 = tpu.vector_load %arg7[%swap3A_386, %swap3A_387] {strides = array<i32>} : memref<8x80xi32, #tpu.memory_space<vmem>>, vector<1x16xi32>,
    %swap3A_389 = vector.shape_cast %swap3A_388 : vector<1x16xi32> to vector<16xi32>
    %swap3A_390 = vector.shape_cast %shift_right_logical3A_384 : vector<16xi32> to vector<1x16xi32>
    tpu.vector_store %arg7[%swap3A_386, %swap3A_387], %swap3A_390 {strides = array<i32>} : memref<8x80xi32, #tpu.memory_space<vmem>>, vector<1x16xi32>,
    %get3A_391 = arith.constant 3 : i32
    %get3A_392 = arith.index_cast %get3A_391 : i32 to index
    %get3A_393 = arith.constant 16 : index
    %get3A_394 = tpu.vector_load %arg5[%get3A_392, %get3A_393] {strides = array<i32>} : memref<125x80xi32, #tpu.memory_space<vmem>>, vector<1x16xi32>,
    %get3A_395 = vector.shape_cast %get3A_394 : vector<1x16xi32> to vector<16xi32>
    %and3A_396 = arith.constant 65535 : i32
    %and3A_397 = vector.broadcast %and3A_396 : i32 to vector<16xi32>
    %and3A_398 = arith.andi %get3A_395, %and3A_397 : vector<16xi32>
    %swap3A_399 = arith.constant 3 : i32
    %swap3A_400 = arith.index_cast %swap3A_399 : i32 to index
    %swap3A_401 = arith.constant 16 : index
    %swap3A_402 = tpu.vector_load %arg6[%swap3A_400, %swap3A_401] {strides = array<i32>} : memref<8x80xi32, #tpu.memory_space<vmem>>, vector<1x16xi32>,
    %swap3A_403 = vector.shape_cast %swap3A_402 : vector<1x16xi32> to vector<16xi32>
    %swap3A_404 = vector.shape_cast %and3A_398 : vector<16xi32> to vector<1x16xi32>
    tpu.vector_store %arg6[%swap3A_400, %swap3A_401], %swap3A_404 {strides = array<i32>} : memref<8x80xi32, #tpu.memory_space<vmem>>, vector<1x16xi32>,
    %shift_right_logical3A_405 = arith.constant 16 : i32
    %shift_right_logical3A_406 = vector.broadcast %shift_right_logical3A_405 : i32 to vector<16xi32>
    %shift_right_logical3A_407 = arith.shrui %get3A_395, %shift_right_logical3A_406 : vector<16xi32>
    %swap3A_408 = arith.constant 3 : i32
    %swap3A_409 = arith.index_cast %swap3A_408 : i32 to index
    %swap3A_410 = arith.constant 16 : index
    %swap3A_411 = tpu.vector_load %arg7[%swap3A_409, %swap3A_410] {strides = array<i32>} : memref<8x80xi32, #tpu.memory_space<vmem>>, vector<1x16xi32>,
    %swap3A_412 = vector.shape_cast %swap3A_411 : vector<1x16xi32> to vector<16xi32>
    %swap3A_413 = vector.shape_cast %shift_right_logical3A_407 : vector<16xi32> to vector<1x16xi32>
    tpu.vector_store %arg7[%swap3A_409, %swap3A_410], %swap3A_413 {strides = array<i32>} : memref<8x80xi32, #tpu.memory_space<vmem>>, vector<1x16xi32>,
    %get3A_414 = arith.constant 3 : i32
    %get3A_415 = arith.index_cast %get3A_414 : i32 to index
    %get3A_416 = arith.constant 32 : index
    %get3A_417 = tpu.vector_load %arg5[%get3A_415, %get3A_416] {strides = array<i32>} : memref<125x80xi32, #tpu.memory_space<vmem>>, vector<1x16xi32>,
    %get3A_418 = vector.shape_cast %get3A_417 : vector<1x16xi32> to vector<16xi32>
    %and3A_419 = arith.constant 65535 : i32
    %and3A_420 = vector.broadcast %and3A_419 : i32 to vector<16xi32>
    %and3A_421 = arith.andi %get3A_418, %and3A_420 : vector<16xi32>
    %swap3A_422 = arith.constant 3 : i32
    %swap3A_423 = arith.index_cast %swap3A_422 : i32 to index
    %swap3A_424 = arith.constant 32 : index
    %swap3A_425 = tpu.vector_load %arg6[%swap3A_423, %swap3A_424] {strides = array<i32>} : memref<8x80xi32, #tpu.memory_space<vmem>>, vector<1x16xi32>,
    %swap3A_426 = vector.shape_cast %swap3A_425 : vector<1x16xi32> to vector<16xi32>
    %swap3A_427 = vector.shape_cast %and3A_421 : vector<16xi32> to vector<1x16xi32>
    tpu.vector_store %arg6[%swap3A_423, %swap3A_424], %swap3A_427 {strides = array<i32>} : memref<8x80xi32, #tpu.memory_space<vmem>>, vector<1x16xi32>,
    %shift_right_logical3A_428 = arith.constant 16 : i32
    %shift_right_logical3A_429 = vector.broadcast %shift_right_logical3A_428 : i32 to vector<16xi32>
    %shift_right_logical3A_430 = arith.shrui %get3A_418, %shift_right_logical3A_429 : vector<16xi32>
    %swap3A_431 = arith.constant 3 : i32
    %swap3A_432 = arith.index_cast %swap3A_431 : i32 to index
    %swap3A_433 = arith.constant 32 : index
    %swap3A_434 = tpu.vector_load %arg7[%swap3A_432, %swap3A_433] {strides = array<i32>} : memref<8x80xi32, #tpu.memory_space<vmem>>, vector<1x16xi32>,
    %swap3A_435 = vector.shape_cast %swap3A_434 : vector<1x16xi32> to vector<16xi32>
    %swap3A_436 = vector.shape_cast %shift_right_logical3A_430 : vector<16xi32> to vector<1x16xi32>
    tpu.vector_store %arg7[%swap3A_432, %swap3A_433], %swap3A_436 {strides = array<i32>} : memref<8x80xi32, #tpu.memory_space<vmem>>, vector<1x16xi32>,
    %get3A_437 = arith.constant 3 : i32
    %get3A_438 = arith.index_cast %get3A_437 : i32 to index
    %get3A_439 = arith.constant 48 : index
    %get3A_440 = tpu.vector_load %arg5[%get3A_438, %get3A_439] {strides = array<i32>} : memref<125x80xi32, #tpu.memory_space<vmem>>, vector<1x16xi32>,
    %get3A_441 = vector.shape_cast %get3A_440 : vector<1x16xi32> to vector<16xi32>
    %and3A_442 = arith.constant 65535 : i32
    %and3A_443 = vector.broadcast %and3A_442 : i32 to vector<16xi32>
    %and3A_444 = arith.andi %get3A_441, %and3A_443 : vector<16xi32>
    %swap3A_445 = arith.constant 3 : i32
    %swap3A_446 = arith.index_cast %swap3A_445 : i32 to index
    %swap3A_447 = arith.constant 48 : index
    %swap3A_448 = tpu.vector_load %arg6[%swap3A_446, %swap3A_447] {strides = array<i32>} : memref<8x80xi32, #tpu.memory_space<vmem>>, vector<1x16xi32>,
    %swap3A_449 = vector.shape_cast %swap3A_448 : vector<1x16xi32> to vector<16xi32>
    %swap3A_450 = vector.shape_cast %and3A_444 : vector<16xi32> to vector<1x16xi32>
    tpu.vector_store %arg6[%swap3A_446, %swap3A_447], %swap3A_450 {strides = array<i32>} : memref<8x80xi32, #tpu.memory_space<vmem>>, vector<1x16xi32>,
    %shift_right_logical3A_451 = arith.constant 16 : i32
    %shift_right_logical3A_452 = vector.broadcast %shift_right_logical3A_451 : i32 to vector<16xi32>
    %shift_right_logical3A_453 = arith.shrui %get3A_441, %shift_right_logical3A_452 : vector<16xi32>
    %swap3A_454 = arith.constant 3 : i32
    %swap3A_455 = arith.index_cast %swap3A_454 : i32 to index
    %swap3A_456 = arith.constant 48 : index
    %swap3A_457 = tpu.vector_load %arg7[%swap3A_455, %swap3A_456] {strides = array<i32>} : memref<8x80xi32, #tpu.memory_space<vmem>>, vector<1x16xi32>,
    %swap3A_458 = vector.shape_cast %swap3A_457 : vector<1x16xi32> to vector<16xi32>
    %swap3A_459 = vector.shape_cast %shift_right_logical3A_453 : vector<16xi32> to vector<1x16xi32>
    tpu.vector_store %arg7[%swap3A_455, %swap3A_456], %swap3A_459 {strides = array<i32>} : memref<8x80xi32, #tpu.memory_space<vmem>>, vector<1x16xi32>,
    %get3A_460 = arith.constant 3 : i32
    %get3A_461 = arith.index_cast %get3A_460 : i32 to index
    %get3A_462 = arith.constant 64 : index
    %get3A_463 = tpu.vector_load %arg5[%get3A_461, %get3A_462] {strides = array<i32>} : memref<125x80xi32, #tpu.memory_space<vmem>>, vector<1x16xi32>,
    %get3A_464 = vector.shape_cast %get3A_463 : vector<1x16xi32> to vector<16xi32>
    %and3A_465 = arith.constant 65535 : i32
    %and3A_466 = vector.broadcast %and3A_465 : i32 to vector<16xi32>
    %and3A_467 = arith.andi %get3A_464, %and3A_466 : vector<16xi32>
    %swap3A_468 = arith.constant 3 : i32
    %swap3A_469 = arith.index_cast %swap3A_468 : i32 to index
    %swap3A_470 = arith.constant 64 : index
    %swap3A_471 = tpu.vector_load %arg6[%swap3A_469, %swap3A_470] {strides = array<i32>} : memref<8x80xi32, #tpu.memory_space<vmem>>, vector<1x16xi32>,
    %swap3A_472 = vector.shape_cast %swap3A_471 : vector<1x16xi32> to vector<16xi32>
    %swap3A_473 = vector.shape_cast %and3A_467 : vector<16xi32> to vector<1x16xi32>
    tpu.vector_store %arg6[%swap3A_469, %swap3A_470], %swap3A_473 {strides = array<i32>} : memref<8x80xi32, #tpu.memory_space<vmem>>, vector<1x16xi32>,
    %shift_right_logical3A_474 = arith.constant 16 : i32
    %shift_right_logical3A_475 = vector.broadcast %shift_right_logical3A_474 : i32 to vector<16xi32>
    %shift_right_logical3A_476 = arith.shrui %get3A_464, %shift_right_logical3A_475 : vector<16xi32>
    %swap3A_477 = arith.constant 3 : i32
    %swap3A_478 = arith.index_cast %swap3A_477 : i32 to index
    %swap3A_479 = arith.constant 64 : index
    %swap3A_480 = tpu.vector_load %arg7[%swap3A_478, %swap3A_479] {strides = array<i32>} : memref<8x80xi32, #tpu.memory_space<vmem>>, vector<1x16xi32>,
    %swap3A_481 = vector.shape_cast %swap3A_480 : vector<1x16xi32> to vector<16xi32>
    %swap3A_482 = vector.shape_cast %shift_right_logical3A_476 : vector<16xi32> to vector<1x16xi32>
    tpu.vector_store %arg7[%swap3A_478, %swap3A_479], %swap3A_482 {strides = array<i32>} : memref<8x80xi32, #tpu.memory_space<vmem>>, vector<1x16xi32>,
    %dma_start3A_483 = arith.constant 3 : i32
    %dma_start3A_484 = arith.constant 0 : i32
    %dma_start3A_485 = tpu.memref_slice %arg6[%dma_start3A_483, %dma_start3A_484] : memref<8x80xi32, #tpu.memory_space<vmem>> -> memref<1x80xi32, #tpu.memory_space<vmem>>
    %dma_start3A_486 = tpu.memref_squeeze %dma_start3A_485 : memref<1x80xi32, #tpu.memory_space<vmem>> -> memref<80xi32, #tpu.memory_space<vmem>>
    %dma_start3A_487 = arith.constant 0 : i32
    %dma_start3A_488 = arith.constant 0 : i32
    %dma_start3A_489 = tpu.memref_slice %arg2[%dma_start3A_487, %dma_start3A_488] : memref<10240x64xf32, #tpu.memory_space<hbm>> -> memref<10240x64xf32, #tpu.memory_space<hbm>>
    tpu.enqueue_indirect_dma source(%dma_start3A_489 : memref<10240x64xf32, #tpu.memory_space<hbm>>) target(%arg11 : memref<80x64xf32, #tpu.memory_space<vmem>>) offsets(%dma_start3A_486 : memref<80xi32, #tpu.memory_space<vmem>>) semaphore(%arg20 : memref<!tpu.dma_semaphore, #tpu.memory_space<semaphore_mem>>)
    %get3A_490 = arith.constant 4 : i32
    %get3A_491 = arith.index_cast %get3A_490 : i32 to index
    %get3A_492 = arith.constant 0 : index
    %get3A_493 = tpu.vector_load %arg5[%get3A_491, %get3A_492] {strides = array<i32>} : memref<125x80xi32, #tpu.memory_space<vmem>>, vector<1x16xi32>,
    %get3A_494 = vector.shape_cast %get3A_493 : vector<1x16xi32> to vector<16xi32>
    %and3A_495 = arith.constant 65535 : i32
    %and3A_496 = vector.broadcast %and3A_495 : i32 to vector<16xi32>
    %and3A_497 = arith.andi %get3A_494, %and3A_496 : vector<16xi32>
    %swap3A_498 = arith.constant 4 : i32
    %swap3A_499 = arith.index_cast %swap3A_498 : i32 to index
    %swap3A_500 = arith.constant 0 : index
    %swap3A_501 = tpu.vector_load %arg6[%swap3A_499, %swap3A_500] {strides = array<i32>} : memref<8x80xi32, #tpu.memory_space<vmem>>, vector<1x16xi32>,
    %swap3A_502 = vector.shape_cast %swap3A_501 : vector<1x16xi32> to vector<16xi32>
    %swap3A_503 = vector.shape_cast %and3A_497 : vector<16xi32> to vector<1x16xi32>
    tpu.vector_store %arg6[%swap3A_499, %swap3A_500], %swap3A_503 {strides = array<i32>} : memref<8x80xi32, #tpu.memory_space<vmem>>, vector<1x16xi32>,
    %shift_right_logical3A_504 = arith.constant 16 : i32
    %shift_right_logical3A_505 = vector.broadcast %shift_right_logical3A_504 : i32 to vector<16xi32>
    %shift_right_logical3A_506 = arith.shrui %get3A_494, %shift_right_logical3A_505 : vector<16xi32>
    %swap3A_507 = arith.constant 4 : i32
    %swap3A_508 = arith.index_cast %swap3A_507 : i32 to index
    %swap3A_509 = arith.constant 0 : index
    %swap3A_510 = tpu.vector_load %arg7[%swap3A_508, %swap3A_509] {strides = array<i32>} : memref<8x80xi32, #tpu.memory_space<vmem>>, vector<1x16xi32>,
    %swap3A_511 = vector.shape_cast %swap3A_510 : vector<1x16xi32> to vector<16xi32>
    %swap3A_512 = vector.shape_cast %shift_right_logical3A_506 : vector<16xi32> to vector<1x16xi32>
    tpu.vector_store %arg7[%swap3A_508, %swap3A_509], %swap3A_512 {strides = array<i32>} : memref<8x80xi32, #tpu.memory_space<vmem>>, vector<1x16xi32>,
    %get3A_513 = arith.constant 4 : i32
    %get3A_514 = arith.index_cast %get3A_513 : i32 to index
    %get3A_515 = arith.constant 16 : index
    %get3A_516 = tpu.vector_load %arg5[%get3A_514, %get3A_515] {strides = array<i32>} : memref<125x80xi32, #tpu.memory_space<vmem>>, vector<1x16xi32>,
    %get3A_517 = vector.shape_cast %get3A_516 : vector<1x16xi32> to vector<16xi32>
    %and3A_518 = arith.constant 65535 : i32
    %and3A_519 = vector.broadcast %and3A_518 : i32 to vector<16xi32>
    %and3A_520 = arith.andi %get3A_517, %and3A_519 : vector<16xi32>
    %swap3A_521 = arith.constant 4 : i32
    %swap3A_522 = arith.index_cast %swap3A_521 : i32 to index
    %swap3A_523 = arith.constant 16 : index
    %swap3A_524 = tpu.vector_load %arg6[%swap3A_522, %swap3A_523] {strides = array<i32>} : memref<8x80xi32, #tpu.memory_space<vmem>>, vector<1x16xi32>,
    %swap3A_525 = vector.shape_cast %swap3A_524 : vector<1x16xi32> to vector<16xi32>
    %swap3A_526 = vector.shape_cast %and3A_520 : vector<16xi32> to vector<1x16xi32>
    tpu.vector_store %arg6[%swap3A_522, %swap3A_523], %swap3A_526 {strides = array<i32>} : memref<8x80xi32, #tpu.memory_space<vmem>>, vector<1x16xi32>,
    %shift_right_logical3A_527 = arith.constant 16 : i32
    %shift_right_logical3A_528 = vector.broadcast %shift_right_logical3A_527 : i32 to vector<16xi32>
    %shift_right_logical3A_529 = arith.shrui %get3A_517, %shift_right_logical3A_528 : vector<16xi32>
    %swap3A_530 = arith.constant 4 : i32
    %swap3A_531 = arith.index_cast %swap3A_530 : i32 to index
    %swap3A_532 = arith.constant 16 : index
    %swap3A_533 = tpu.vector_load %arg7[%swap3A_531, %swap3A_532] {strides = array<i32>} : memref<8x80xi32, #tpu.memory_space<vmem>>, vector<1x16xi32>,
    %swap3A_534 = vector.shape_cast %swap3A_533 : vector<1x16xi32> to vector<16xi32>
    %swap3A_535 = vector.shape_cast %shift_right_logical3A_529 : vector<16xi32> to vector<1x16xi32>
    tpu.vector_store %arg7[%swap3A_531, %swap3A_532], %swap3A_535 {strides = array<i32>} : memref<8x80xi32, #tpu.memory_space<vmem>>, vector<1x16xi32>,
    %get3A_536 = arith.constant 4 : i32
    %get3A_537 = arith.index_cast %get3A_536 : i32 to index
    %get3A_538 = arith.constant 32 : index
    %get3A_539 = tpu.vector_load %arg5[%get3A_537, %get3A_538] {strides = array<i32>} : memref<125x80xi32, #tpu.memory_space<vmem>>, vector<1x16xi32>,
    %get3A_540 = vector.shape_cast %get3A_539 : vector<1x16xi32> to vector<16xi32>
    %and3A_541 = arith.constant 65535 : i32
    %and3A_542 = vector.broadcast %and3A_541 : i32 to vector<16xi32>
    %and3A_543 = arith.andi %get3A_540, %and3A_542 : vector<16xi32>
    %swap3A_544 = arith.constant 4 : i32
    %swap3A_545 = arith.index_cast %swap3A_544 : i32 to index
    %swap3A_546 = arith.constant 32 : index
    %swap3A_547 = tpu.vector_load %arg6[%swap3A_545, %swap3A_546] {strides = array<i32>} : memref<8x80xi32, #tpu.memory_space<vmem>>, vector<1x16xi32>,
    %swap3A_548 = vector.shape_cast %swap3A_547 : vector<1x16xi32> to vector<16xi32>
    %swap3A_549 = vector.shape_cast %and3A_543 : vector<16xi32> to vector<1x16xi32>
    tpu.vector_store %arg6[%swap3A_545, %swap3A_546], %swap3A_549 {strides = array<i32>} : memref<8x80xi32, #tpu.memory_space<vmem>>, vector<1x16xi32>,
    %shift_right_logical3A_550 = arith.constant 16 : i32
    %shift_right_logical3A_551 = vector.broadcast %shift_right_logical3A_550 : i32 to vector<16xi32>
    %shift_right_logical3A_552 = arith.shrui %get3A_540, %shift_right_logical3A_551 : vector<16xi32>
    %swap3A_553 = arith.constant 4 : i32
    %swap3A_554 = arith.index_cast %swap3A_553 : i32 to index
    %swap3A_555 = arith.constant 32 : index
    %swap3A_556 = tpu.vector_load %arg7[%swap3A_554, %swap3A_555] {strides = array<i32>} : memref<8x80xi32, #tpu.memory_space<vmem>>, vector<1x16xi32>,
    %swap3A_557 = vector.shape_cast %swap3A_556 : vector<1x16xi32> to vector<16xi32>
    %swap3A_558 = vector.shape_cast %shift_right_logical3A_552 : vector<16xi32> to vector<1x16xi32>
    tpu.vector_store %arg7[%swap3A_554, %swap3A_555], %swap3A_558 {strides = array<i32>} : memref<8x80xi32, #tpu.memory_space<vmem>>, vector<1x16xi32>,
    %get3A_559 = arith.constant 4 : i32
    %get3A_560 = arith.index_cast %get3A_559 : i32 to index
    %get3A_561 = arith.constant 48 : index
    %get3A_562 = tpu.vector_load %arg5[%get3A_560, %get3A_561] {strides = array<i32>} : memref<125x80xi32, #tpu.memory_space<vmem>>, vector<1x16xi32>,
    %get3A_563 = vector.shape_cast %get3A_562 : vector<1x16xi32> to vector<16xi32>
    %and3A_564 = arith.constant 65535 : i32
    %and3A_565 = vector.broadcast %and3A_564 : i32 to vector<16xi32>
    %and3A_566 = arith.andi %get3A_563, %and3A_565 : vector<16xi32>
    %swap3A_567 = arith.constant 4 : i32
    %swap3A_568 = arith.index_cast %swap3A_567 : i32 to index
    %swap3A_569 = arith.constant 48 : index
    %swap3A_570 = tpu.vector_load %arg6[%swap3A_568, %swap3A_569] {strides = array<i32>} : memref<8x80xi32, #tpu.memory_space<vmem>>, vector<1x16xi32>,
    %swap3A_571 = vector.shape_cast %swap3A_570 : vector<1x16xi32> to vector<16xi32>
    %swap3A_572 = vector.shape_cast %and3A_566 : vector<16xi32> to vector<1x16xi32>
    tpu.vector_store %arg6[%swap3A_568, %swap3A_569], %swap3A_572 {strides = array<i32>} : memref<8x80xi32, #tpu.memory_space<vmem>>, vector<1x16xi32>,
    %shift_right_logical3A_573 = arith.constant 16 : i32
    %shift_right_logical3A_574 = vector.broadcast %shift_right_logical3A_573 : i32 to vector<16xi32>
    %shift_right_logical3A_575 = arith.shrui %get3A_563, %shift_right_logical3A_574 : vector<16xi32>
    %swap3A_576 = arith.constant 4 : i32
    %swap3A_577 = arith.index_cast %swap3A_576 : i32 to index
    %swap3A_578 = arith.constant 48 : index
    %swap3A_579 = tpu.vector_load %arg7[%swap3A_577, %swap3A_578] {strides = array<i32>} : memref<8x80xi32, #tpu.memory_space<vmem>>, vector<1x16xi32>,
    %swap3A_580 = vector.shape_cast %swap3A_579 : vector<1x16xi32> to vector<16xi32>
    %swap3A_581 = vector.shape_cast %shift_right_logical3A_575 : vector<16xi32> to vector<1x16xi32>
    tpu.vector_store %arg7[%swap3A_577, %swap3A_578], %swap3A_581 {strides = array<i32>} : memref<8x80xi32, #tpu.memory_space<vmem>>, vector<1x16xi32>,
    %get3A_582 = arith.constant 4 : i32
    %get3A_583 = arith.index_cast %get3A_582 : i32 to index
    %get3A_584 = arith.constant 64 : index
    %get3A_585 = tpu.vector_load %arg5[%get3A_583, %get3A_584] {strides = array<i32>} : memref<125x80xi32, #tpu.memory_space<vmem>>, vector<1x16xi32>,
    %get3A_586 = vector.shape_cast %get3A_585 : vector<1x16xi32> to vector<16xi32>
    %and3A_587 = arith.constant 65535 : i32
    %and3A_588 = vector.broadcast %and3A_587 : i32 to vector<16xi32>
    %and3A_589 = arith.andi %get3A_586, %and3A_588 : vector<16xi32>
    %swap3A_590 = arith.constant 4 : i32
    %swap3A_591 = arith.index_cast %swap3A_590 : i32 to index
    %swap3A_592 = arith.constant 64 : index
    %swap3A_593 = tpu.vector_load %arg6[%swap3A_591, %swap3A_592] {strides = array<i32>} : memref<8x80xi32, #tpu.memory_space<vmem>>, vector<1x16xi32>,
    %swap3A_594 = vector.shape_cast %swap3A_593 : vector<1x16xi32> to vector<16xi32>
    %swap3A_595 = vector.shape_cast %and3A_589 : vector<16xi32> to vector<1x16xi32>
    tpu.vector_store %arg6[%swap3A_591, %swap3A_592], %swap3A_595 {strides = array<i32>} : memref<8x80xi32, #tpu.memory_space<vmem>>, vector<1x16xi32>,
    %shift_right_logical3A_596 = arith.constant 16 : i32
    %shift_right_logical3A_597 = vector.broadcast %shift_right_logical3A_596 : i32 to vector<16xi32>
    %shift_right_logical3A_598 = arith.shrui %get3A_586, %shift_right_logical3A_597 : vector<16xi32>
    %swap3A_599 = arith.constant 4 : i32
    %swap3A_600 = arith.index_cast %swap3A_599 : i32 to index
    %swap3A_601 = arith.constant 64 : index
    %swap3A_602 = tpu.vector_load %arg7[%swap3A_600, %swap3A_601] {strides = array<i32>} : memref<8x80xi32, #tpu.memory_space<vmem>>, vector<1x16xi32>,
    %swap3A_603 = vector.shape_cast %swap3A_602 : vector<1x16xi32> to vector<16xi32>
    %swap3A_604 = vector.shape_cast %shift_right_logical3A_598 : vector<16xi32> to vector<1x16xi32>
    tpu.vector_store %arg7[%swap3A_600, %swap3A_601], %swap3A_604 {strides = array<i32>} : memref<8x80xi32, #tpu.memory_space<vmem>>, vector<1x16xi32>,
    %dma_start3A_605 = arith.constant 4 : i32
    %dma_start3A_606 = arith.constant 0 : i32
    %dma_start3A_607 = tpu.memref_slice %arg6[%dma_start3A_605, %dma_start3A_606] : memref<8x80xi32, #tpu.memory_space<vmem>> -> memref<1x80xi32, #tpu.memory_space<vmem>>
    %dma_start3A_608 = tpu.memref_squeeze %dma_start3A_607 : memref<1x80xi32, #tpu.memory_space<vmem>> -> memref<80xi32, #tpu.memory_space<vmem>>
    %dma_start3A_609 = arith.constant 0 : i32
    %dma_start3A_610 = arith.constant 0 : i32
    %dma_start3A_611 = tpu.memref_slice %arg2[%dma_start3A_609, %dma_start3A_610] : memref<10240x64xf32, #tpu.memory_space<hbm>> -> memref<10240x64xf32, #tpu.memory_space<hbm>>
    tpu.enqueue_indirect_dma source(%dma_start3A_611 : memref<10240x64xf32, #tpu.memory_space<hbm>>) target(%arg12 : memref<80x64xf32, #tpu.memory_space<vmem>>) offsets(%dma_start3A_608 : memref<80xi32, #tpu.memory_space<vmem>>) semaphore(%arg21 : memref<!tpu.dma_semaphore, #tpu.memory_space<semaphore_mem>>)
    %get3A_612 = arith.constant 5 : i32
    %get3A_613 = arith.index_cast %get3A_612 : i32 to index
    %get3A_614 = arith.constant 0 : index
    %get3A_615 = tpu.vector_load %arg5[%get3A_613, %get3A_614] {strides = array<i32>} : memref<125x80xi32, #tpu.memory_space<vmem>>, vector<1x16xi32>,
    %get3A_616 = vector.shape_cast %get3A_615 : vector<1x16xi32> to vector<16xi32>
    %and3A_617 = arith.constant 65535 : i32
    %and3A_618 = vector.broadcast %and3A_617 : i32 to vector<16xi32>
    %and3A_619 = arith.andi %get3A_616, %and3A_618 : vector<16xi32>
    %swap3A_620 = arith.constant 5 : i32
    %swap3A_621 = arith.index_cast %swap3A_620 : i32 to index
    %swap3A_622 = arith.constant 0 : index
    %swap3A_623 = tpu.vector_load %arg6[%swap3A_621, %swap3A_622] {strides = array<i32>} : memref<8x80xi32, #tpu.memory_space<vmem>>, vector<1x16xi32>,
    %swap3A_624 = vector.shape_cast %swap3A_623 : vector<1x16xi32> to vector<16xi32>
    %swap3A_625 = vector.shape_cast %and3A_619 : vector<16xi32> to vector<1x16xi32>
    tpu.vector_store %arg6[%swap3A_621, %swap3A_622], %swap3A_625 {strides = array<i32>} : memref<8x80xi32, #tpu.memory_space<vmem>>, vector<1x16xi32>,
    %shift_right_logical3A_626 = arith.constant 16 : i32
    %shift_right_logical3A_627 = vector.broadcast %shift_right_logical3A_626 : i32 to vector<16xi32>
    %shift_right_logical3A_628 = arith.shrui %get3A_616, %shift_right_logical3A_627 : vector<16xi32>
    %swap3A_629 = arith.constant 5 : i32
    %swap3A_630 = arith.index_cast %swap3A_629 : i32 to index
    %swap3A_631 = arith.constant 0 : index
    %swap3A_632 = tpu.vector_load %arg7[%swap3A_630, %swap3A_631] {strides = array<i32>} : memref<8x80xi32, #tpu.memory_space<vmem>>, vector<1x16xi32>,
    %swap3A_633 = vector.shape_cast %swap3A_632 : vector<1x16xi32> to vector<16xi32>
    %swap3A_634 = vector.shape_cast %shift_right_logical3A_628 : vector<16xi32> to vector<1x16xi32>
    tpu.vector_store %arg7[%swap3A_630, %swap3A_631], %swap3A_634 {strides = array<i32>} : memref<8x80xi32, #tpu.memory_space<vmem>>, vector<1x16xi32>,
    %get3A_635 = arith.constant 5 : i32
    %get3A_636 = arith.index_cast %get3A_635 : i32 to index
    %get3A_637 = arith.constant 16 : index
    %get3A_638 = tpu.vector_load %arg5[%get3A_636, %get3A_637] {strides = array<i32>} : memref<125x80xi32, #tpu.memory_space<vmem>>, vector<1x16xi32>,
    %get3A_639 = vector.shape_cast %get3A_638 : vector<1x16xi32> to vector<16xi32>
    %and3A_640 = arith.constant 65535 : i32
    %and3A_641 = vector.broadcast %and3A_640 : i32 to vector<16xi32>
    %and3A_642 = arith.andi %get3A_639, %and3A_641 : vector<16xi32>
    %swap3A_643 = arith.constant 5 : i32
    %swap3A_644 = arith.index_cast %swap3A_643 : i32 to index
    %swap3A_645 = arith.constant 16 : index
    %swap3A_646 = tpu.vector_load %arg6[%swap3A_644, %swap3A_645] {strides = array<i32>} : memref<8x80xi32, #tpu.memory_space<vmem>>, vector<1x16xi32>,
    %swap3A_647 = vector.shape_cast %swap3A_646 : vector<1x16xi32> to vector<16xi32>
    %swap3A_648 = vector.shape_cast %and3A_642 : vector<16xi32> to vector<1x16xi32>
    tpu.vector_store %arg6[%swap3A_644, %swap3A_645], %swap3A_648 {strides = array<i32>} : memref<8x80xi32, #tpu.memory_space<vmem>>, vector<1x16xi32>,
    %shift_right_logical3A_649 = arith.constant 16 : i32
    %shift_right_logical3A_650 = vector.broadcast %shift_right_logical3A_649 : i32 to vector<16xi32>
    %shift_right_logical3A_651 = arith.shrui %get3A_639, %shift_right_logical3A_650 : vector<16xi32>
    %swap3A_652 = arith.constant 5 : i32
    %swap3A_653 = arith.index_cast %swap3A_652 : i32 to index
    %swap3A_654 = arith.constant 16 : index
    %swap3A_655 = tpu.vector_load %arg7[%swap3A_653, %swap3A_654] {strides = array<i32>} : memref<8x80xi32, #tpu.memory_space<vmem>>, vector<1x16xi32>,
    %swap3A_656 = vector.shape_cast %swap3A_655 : vector<1x16xi32> to vector<16xi32>
    %swap3A_657 = vector.shape_cast %shift_right_logical3A_651 : vector<16xi32> to vector<1x16xi32>
    tpu.vector_store %arg7[%swap3A_653, %swap3A_654], %swap3A_657 {strides = array<i32>} : memref<8x80xi32, #tpu.memory_space<vmem>>, vector<1x16xi32>,
    %get3A_658 = arith.constant 5 : i32
    %get3A_659 = arith.index_cast %get3A_658 : i32 to index
    %get3A_660 = arith.constant 32 : index
    %get3A_661 = tpu.vector_load %arg5[%get3A_659, %get3A_660] {strides = array<i32>} : memref<125x80xi32, #tpu.memory_space<vmem>>, vector<1x16xi32>,
    %get3A_662 = vector.shape_cast %get3A_661 : vector<1x16xi32> to vector<16xi32>
    %and3A_663 = arith.constant 65535 : i32
    %and3A_664 = vector.broadcast %and3A_663 : i32 to vector<16xi32>
    %and3A_665 = arith.andi %get3A_662, %and3A_664 : vector<16xi32>
    %swap3A_666 = arith.constant 5 : i32
    %swap3A_667 = arith.index_cast %swap3A_666 : i32 to index
    %swap3A_668 = arith.constant 32 : index
    %swap3A_669 = tpu.vector_load %arg6[%swap3A_667, %swap3A_668] {strides = array<i32>} : memref<8x80xi32, #tpu.memory_space<vmem>>, vector<1x16xi32>,
    %swap3A_670 = vector.shape_cast %swap3A_669 : vector<1x16xi32> to vector<16xi32>
    %swap3A_671 = vector.shape_cast %and3A_665 : vector<16xi32> to vector<1x16xi32>
    tpu.vector_store %arg6[%swap3A_667, %swap3A_668], %swap3A_671 {strides = array<i32>} : memref<8x80xi32, #tpu.memory_space<vmem>>, vector<1x16xi32>,
    %shift_right_logical3A_672 = arith.constant 16 : i32
    %shift_right_logical3A_673 = vector.broadcast %shift_right_logical3A_672 : i32 to vector<16xi32>
    %shift_right_logical3A_674 = arith.shrui %get3A_662, %shift_right_logical3A_673 : vector<16xi32>
    %swap3A_675 = arith.constant 5 : i32
    %swap3A_676 = arith.index_cast %swap3A_675 : i32 to index
    %swap3A_677 = arith.constant 32 : index
    %swap3A_678 = tpu.vector_load %arg7[%swap3A_676, %swap3A_677] {strides = array<i32>} : memref<8x80xi32, #tpu.memory_space<vmem>>, vector<1x16xi32>,
    %swap3A_679 = vector.shape_cast %swap3A_678 : vector<1x16xi32> to vector<16xi32>
    %swap3A_680 = vector.shape_cast %shift_right_logical3A_674 : vector<16xi32> to vector<1x16xi32>
    tpu.vector_store %arg7[%swap3A_676, %swap3A_677], %swap3A_680 {strides = array<i32>} : memref<8x80xi32, #tpu.memory_space<vmem>>, vector<1x16xi32>,
    %get3A_681 = arith.constant 5 : i32
    %get3A_682 = arith.index_cast %get3A_681 : i32 to index
    %get3A_683 = arith.constant 48 : index
    %get3A_684 = tpu.vector_load %arg5[%get3A_682, %get3A_683] {strides = array<i32>} : memref<125x80xi32, #tpu.memory_space<vmem>>, vector<1x16xi32>,
    %get3A_685 = vector.shape_cast %get3A_684 : vector<1x16xi32> to vector<16xi32>
    %and3A_686 = arith.constant 65535 : i32
    %and3A_687 = vector.broadcast %and3A_686 : i32 to vector<16xi32>
    %and3A_688 = arith.andi %get3A_685, %and3A_687 : vector<16xi32>
    %swap3A_689 = arith.constant 5 : i32
    %swap3A_690 = arith.index_cast %swap3A_689 : i32 to index
    %swap3A_691 = arith.constant 48 : index
    %swap3A_692 = tpu.vector_load %arg6[%swap3A_690, %swap3A_691] {strides = array<i32>} : memref<8x80xi32, #tpu.memory_space<vmem>>, vector<1x16xi32>,
    %swap3A_693 = vector.shape_cast %swap3A_692 : vector<1x16xi32> to vector<16xi32>
    %swap3A_694 = vector.shape_cast %and3A_688 : vector<16xi32> to vector<1x16xi32>
    tpu.vector_store %arg6[%swap3A_690, %swap3A_691], %swap3A_694 {strides = array<i32>} : memref<8x80xi32, #tpu.memory_space<vmem>>, vector<1x16xi32>,
    %shift_right_logical3A_695 = arith.constant 16 : i32
    %shift_right_logical3A_696 = vector.broadcast %shift_right_logical3A_695 : i32 to vector<16xi32>
    %shift_right_logical3A_697 = arith.shrui %get3A_685, %shift_right_logical3A_696 : vector<16xi32>
    %swap3A_698 = arith.constant 5 : i32
    %swap3A_699 = arith.index_cast %swap3A_698 : i32 to index
    %swap3A_700 = arith.constant 48 : index
    %swap3A_701 = tpu.vector_load %arg7[%swap3A_699, %swap3A_700] {strides = array<i32>} : memref<8x80xi32, #tpu.memory_space<vmem>>, vector<1x16xi32>,
    %swap3A_702 = vector.shape_cast %swap3A_701 : vector<1x16xi32> to vector<16xi32>
    %swap3A_703 = vector.shape_cast %shift_right_logical3A_697 : vector<16xi32> to vector<1x16xi32>
    tpu.vector_store %arg7[%swap3A_699, %swap3A_700], %swap3A_703 {strides = array<i32>} : memref<8x80xi32, #tpu.memory_space<vmem>>, vector<1x16xi32>,
    %get3A_704 = arith.constant 5 : i32
    %get3A_705 = arith.index_cast %get3A_704 : i32 to index
    %get3A_706 = arith.constant 64 : index
    %get3A_707 = tpu.vector_load %arg5[%get3A_705, %get3A_706] {strides = array<i32>} : memref<125x80xi32, #tpu.memory_space<vmem>>, vector<1x16xi32>,
    %get3A_708 = vector.shape_cast %get3A_707 : vector<1x16xi32> to vector<16xi32>
    %and3A_709 = arith.constant 65535 : i32
    %and3A_710 = vector.broadcast %and3A_709 : i32 to vector<16xi32>
    %and3A_711 = arith.andi %get3A_708, %and3A_710 : vector<16xi32>
    %swap3A_712 = arith.constant 5 : i32
    %swap3A_713 = arith.index_cast %swap3A_712 : i32 to index
    %swap3A_714 = arith.constant 64 : index
    %swap3A_715 = tpu.vector_load %arg6[%swap3A_713, %swap3A_714] {strides = array<i32>} : memref<8x80xi32, #tpu.memory_space<vmem>>, vector<1x16xi32>,
    %swap3A_716 = vector.shape_cast %swap3A_715 : vector<1x16xi32> to vector<16xi32>
    %swap3A_717 = vector.shape_cast %and3A_711 : vector<16xi32> to vector<1x16xi32>
    tpu.vector_store %arg6[%swap3A_713, %swap3A_714], %swap3A_717 {strides = array<i32>} : memref<8x80xi32, #tpu.memory_space<vmem>>, vector<1x16xi32>,
    %shift_right_logical3A_718 = arith.constant 16 : i32
    %shift_right_logical3A_719 = vector.broadcast %shift_right_logical3A_718 : i32 to vector<16xi32>
    %shift_right_logical3A_720 = arith.shrui %get3A_708, %shift_right_logical3A_719 : vector<16xi32>
    %swap3A_721 = arith.constant 5 : i32
    %swap3A_722 = arith.index_cast %swap3A_721 : i32 to index
    %swap3A_723 = arith.constant 64 : index
    %swap3A_724 = tpu.vector_load %arg7[%swap3A_722, %swap3A_723] {strides = array<i32>} : memref<8x80xi32, #tpu.memory_space<vmem>>, vector<1x16xi32>,
    %swap3A_725 = vector.shape_cast %swap3A_724 : vector<1x16xi32> to vector<16xi32>
    %swap3A_726 = vector.shape_cast %shift_right_logical3A_720 : vector<16xi32> to vector<1x16xi32>
    tpu.vector_store %arg7[%swap3A_722, %swap3A_723], %swap3A_726 {strides = array<i32>} : memref<8x80xi32, #tpu.memory_space<vmem>>, vector<1x16xi32>,
    %dma_start3A_727 = arith.constant 5 : i32
    %dma_start3A_728 = arith.constant 0 : i32
    %dma_start3A_729 = tpu.memref_slice %arg6[%dma_start3A_727, %dma_start3A_728] : memref<8x80xi32, #tpu.memory_space<vmem>> -> memref<1x80xi32, #tpu.memory_space<vmem>>
    %dma_start3A_730 = tpu.memref_squeeze %dma_start3A_729 : memref<1x80xi32, #tpu.memory_space<vmem>> -> memref<80xi32, #tpu.memory_space<vmem>>
    %dma_start3A_731 = arith.constant 0 : i32
    %dma_start3A_732 = arith.constant 0 : i32
    %dma_start3A_733 = tpu.memref_slice %arg2[%dma_start3A_731, %dma_start3A_732] : memref<10240x64xf32, #tpu.memory_space<hbm>> -> memref<10240x64xf32, #tpu.memory_space<hbm>>
    tpu.enqueue_indirect_dma source(%dma_start3A_733 : memref<10240x64xf32, #tpu.memory_space<hbm>>) target(%arg13 : memref<80x64xf32, #tpu.memory_space<vmem>>) offsets(%dma_start3A_730 : memref<80xi32, #tpu.memory_space<vmem>>) semaphore(%arg22 : memref<!tpu.dma_semaphore, #tpu.memory_space<semaphore_mem>>)
    %get3A_734 = arith.constant 6 : i32
    %get3A_735 = arith.index_cast %get3A_734 : i32 to index
    %get3A_736 = arith.constant 0 : index
    %get3A_737 = tpu.vector_load %arg5[%get3A_735, %get3A_736] {strides = array<i32>} : memref<125x80xi32, #tpu.memory_space<vmem>>, vector<1x16xi32>,
    %get3A_738 = vector.shape_cast %get3A_737 : vector<1x16xi32> to vector<16xi32>
    %and3A_739 = arith.constant 65535 : i32
    %and3A_740 = vector.broadcast %and3A_739 : i32 to vector<16xi32>
    %and3A_741 = arith.andi %get3A_738, %and3A_740 : vector<16xi32>
    %swap3A_742 = arith.constant 6 : i32
    %swap3A_743 = arith.index_cast %swap3A_742 : i32 to index
    %swap3A_744 = arith.constant 0 : index
    %swap3A_745 = tpu.vector_load %arg6[%swap3A_743, %swap3A_744] {strides = array<i32>} : memref<8x80xi32, #tpu.memory_space<vmem>>, vector<1x16xi32>,
    %swap3A_746 = vector.shape_cast %swap3A_745 : vector<1x16xi32> to vector<16xi32>
    %swap3A_747 = vector.shape_cast %and3A_741 : vector<16xi32> to vector<1x16xi32>
    tpu.vector_store %arg6[%swap3A_743, %swap3A_744], %swap3A_747 {strides = array<i32>} : memref<8x80xi32, #tpu.memory_space<vmem>>, vector<1x16xi32>,
    %shift_right_logical3A_748 = arith.constant 16 : i32
    %shift_right_logical3A_749 = vector.broadcast %shift_right_logical3A_748 : i32 to vector<16xi32>
    %shift_right_logical3A_750 = arith.shrui %get3A_738, %shift_right_logical3A_749 : vector<16xi32>
    %swap3A_751 = arith.constant 6 : i32
    %swap3A_752 = arith.index_cast %swap3A_751 : i32 to index
    %swap3A_753 = arith.constant 0 : index
    %swap3A_754 = tpu.vector_load %arg7[%swap3A_752, %swap3A_753] {strides = array<i32>} : memref<8x80xi32, #tpu.memory_space<vmem>>, vector<1x16xi32>,
    %swap3A_755 = vector.shape_cast %swap3A_754 : vector<1x16xi32> to vector<16xi32>
    %swap3A_756 = vector.shape_cast %shift_right_logical3A_750 : vector<16xi32> to vector<1x16xi32>
    tpu.vector_store %arg7[%swap3A_752, %swap3A_753], %swap3A_756 {strides = array<i32>} : memref<8x80xi32, #tpu.memory_space<vmem>>, vector<1x16xi32>,
    %get3A_757 = arith.constant 6 : i32
    %get3A_758 = arith.index_cast %get3A_757 : i32 to index
    %get3A_759 = arith.constant 16 : index
    %get3A_760 = tpu.vector_load %arg5[%get3A_758, %get3A_759] {strides = array<i32>} : memref<125x80xi32, #tpu.memory_space<vmem>>, vector<1x16xi32>,
    %get3A_761 = vector.shape_cast %get3A_760 : vector<1x16xi32> to vector<16xi32>
    %and3A_762 = arith.constant 65535 : i32
    %and3A_763 = vector.broadcast %and3A_762 : i32 to vector<16xi32>
    %and3A_764 = arith.andi %get3A_761, %and3A_763 : vector<16xi32>
    %swap3A_765 = arith.constant 6 : i32
    %swap3A_766 = arith.index_cast %swap3A_765 : i32 to index
    %swap3A_767 = arith.constant 16 : index
    %swap3A_768 = tpu.vector_load %arg6[%swap3A_766, %swap3A_767] {strides = array<i32>} : memref<8x80xi32, #tpu.memory_space<vmem>>, vector<1x16xi32>,
    %swap3A_769 = vector.shape_cast %swap3A_768 : vector<1x16xi32> to vector<16xi32>
    %swap3A_770 = vector.shape_cast %and3A_764 : vector<16xi32> to vector<1x16xi32>
    tpu.vector_store %arg6[%swap3A_766, %swap3A_767], %swap3A_770 {strides = array<i32>} : memref<8x80xi32, #tpu.memory_space<vmem>>, vector<1x16xi32>,
    %shift_right_logical3A_771 = arith.constant 16 : i32
    %shift_right_logical3A_772 = vector.broadcast %shift_right_logical3A_771 : i32 to vector<16xi32>
    %shift_right_logical3A_773 = arith.shrui %get3A_761, %shift_right_logical3A_772 : vector<16xi32>
    %swap3A_774 = arith.constant 6 : i32
    %swap3A_775 = arith.index_cast %swap3A_774 : i32 to index
    %swap3A_776 = arith.constant 16 : index
    %swap3A_777 = tpu.vector_load %arg7[%swap3A_775, %swap3A_776] {strides = array<i32>} : memref<8x80xi32, #tpu.memory_space<vmem>>, vector<1x16xi32>,
    %swap3A_778 = vector.shape_cast %swap3A_777 : vector<1x16xi32> to vector<16xi32>
    %swap3A_779 = vector.shape_cast %shift_right_logical3A_773 : vector<16xi32> to vector<1x16xi32>
    tpu.vector_store %arg7[%swap3A_775, %swap3A_776], %swap3A_779 {strides = array<i32>} : memref<8x80xi32, #tpu.memory_space<vmem>>, vector<1x16xi32>,
    %get3A_780 = arith.constant 6 : i32
    %get3A_781 = arith.index_cast %get3A_780 : i32 to index
    %get3A_782 = arith.constant 32 : index
    %get3A_783 = tpu.vector_load %arg5[%get3A_781, %get3A_782] {strides = array<i32>} : memref<125x80xi32, #tpu.memory_space<vmem>>, vector<1x16xi32>,
    %get3A_784 = vector.shape_cast %get3A_783 : vector<1x16xi32> to vector<16xi32>
    %and3A_785 = arith.constant 65535 : i32
    %and3A_786 = vector.broadcast %and3A_785 : i32 to vector<16xi32>
    %and3A_787 = arith.andi %get3A_784, %and3A_786 : vector<16xi32>
    %swap3A_788 = arith.constant 6 : i32
    %swap3A_789 = arith.index_cast %swap3A_788 : i32 to index
    %swap3A_790 = arith.constant 32 : index
    %swap3A_791 = tpu.vector_load %arg6[%swap3A_789, %swap3A_790] {strides = array<i32>} : memref<8x80xi32, #tpu.memory_space<vmem>>, vector<1x16xi32>,
    %swap3A_792 = vector.shape_cast %swap3A_791 : vector<1x16xi32> to vector<16xi32>
    %swap3A_793 = vector.shape_cast %and3A_787 : vector<16xi32> to vector<1x16xi32>
    tpu.vector_store %arg6[%swap3A_789, %swap3A_790], %swap3A_793 {strides = array<i32>} : memref<8x80xi32, #tpu.memory_space<vmem>>, vector<1x16xi32>,
    %shift_right_logical3A_794 = arith.constant 16 : i32
    %shift_right_logical3A_795 = vector.broadcast %shift_right_logical3A_794 : i32 to vector<16xi32>
    %shift_right_logical3A_796 = arith.shrui %get3A_784, %shift_right_logical3A_795 : vector<16xi32>
    %swap3A_797 = arith.constant 6 : i32
    %swap3A_798 = arith.index_cast %swap3A_797 : i32 to index
    %swap3A_799 = arith.constant 32 : index
    %swap3A_800 = tpu.vector_load %arg7[%swap3A_798, %swap3A_799] {strides = array<i32>} : memref<8x80xi32, #tpu.memory_space<vmem>>, vector<1x16xi32>,
    %swap3A_801 = vector.shape_cast %swap3A_800 : vector<1x16xi32> to vector<16xi32>
    %swap3A_802 = vector.shape_cast %shift_right_logical3A_796 : vector<16xi32> to vector<1x16xi32>
    tpu.vector_store %arg7[%swap3A_798, %swap3A_799], %swap3A_802 {strides = array<i32>} : memref<8x80xi32, #tpu.memory_space<vmem>>, vector<1x16xi32>,
    %get3A_803 = arith.constant 6 : i32
    %get3A_804 = arith.index_cast %get3A_803 : i32 to index
    %get3A_805 = arith.constant 48 : index
    %get3A_806 = tpu.vector_load %arg5[%get3A_804, %get3A_805] {strides = array<i32>} : memref<125x80xi32, #tpu.memory_space<vmem>>, vector<1x16xi32>,
    %get3A_807 = vector.shape_cast %get3A_806 : vector<1x16xi32> to vector<16xi32>
    %and3A_808 = arith.constant 65535 : i32
    %and3A_809 = vector.broadcast %and3A_808 : i32 to vector<16xi32>
    %and3A_810 = arith.andi %get3A_807, %and3A_809 : vector<16xi32>
    %swap3A_811 = arith.constant 6 : i32
    %swap3A_812 = arith.index_cast %swap3A_811 : i32 to index
    %swap3A_813 = arith.constant 48 : index
    %swap3A_814 = tpu.vector_load %arg6[%swap3A_812, %swap3A_813] {strides = array<i32>} : memref<8x80xi32, #tpu.memory_space<vmem>>, vector<1x16xi32>,
    %swap3A_815 = vector.shape_cast %swap3A_814 : vector<1x16xi32> to vector<16xi32>
    %swap3A_816 = vector.shape_cast %and3A_810 : vector<16xi32> to vector<1x16xi32>
    tpu.vector_store %arg6[%swap3A_812, %swap3A_813], %swap3A_816 {strides = array<i32>} : memref<8x80xi32, #tpu.memory_space<vmem>>, vector<1x16xi32>,
    %shift_right_logical3A_817 = arith.constant 16 : i32
    %shift_right_logical3A_818 = vector.broadcast %shift_right_logical3A_817 : i32 to vector<16xi32>
    %shift_right_logical3A_819 = arith.shrui %get3A_807, %shift_right_logical3A_818 : vector<16xi32>
    %swap3A_820 = arith.constant 6 : i32
    %swap3A_821 = arith.index_cast %swap3A_820 : i32 to index
    %swap3A_822 = arith.constant 48 : index
    %swap3A_823 = tpu.vector_load %arg7[%swap3A_821, %swap3A_822] {strides = array<i32>} : memref<8x80xi32, #tpu.memory_space<vmem>>, vector<1x16xi32>,
    %swap3A_824 = vector.shape_cast %swap3A_823 : vector<1x16xi32> to vector<16xi32>
    %swap3A_825 = vector.shape_cast %shift_right_logical3A_819 : vector<16xi32> to vector<1x16xi32>
    tpu.vector_store %arg7[%swap3A_821, %swap3A_822], %swap3A_825 {strides = array<i32>} : memref<8x80xi32, #tpu.memory_space<vmem>>, vector<1x16xi32>,
    %get3A_826 = arith.constant 6 : i32
    %get3A_827 = arith.index_cast %get3A_826 : i32 to index
    %get3A_828 = arith.constant 64 : index
    %get3A_829 = tpu.vector_load %arg5[%get3A_827, %get3A_828] {strides = array<i32>} : memref<125x80xi32, #tpu.memory_space<vmem>>, vector<1x16xi32>,
    %get3A_830 = vector.shape_cast %get3A_829 : vector<1x16xi32> to vector<16xi32>
    %and3A_831 = arith.constant 65535 : i32
    %and3A_832 = vector.broadcast %and3A_831 : i32 to vector<16xi32>
    %and3A_833 = arith.andi %get3A_830, %and3A_832 : vector<16xi32>
    %swap3A_834 = arith.constant 6 : i32
    %swap3A_835 = arith.index_cast %swap3A_834 : i32 to index
    %swap3A_836 = arith.constant 64 : index
    %swap3A_837 = tpu.vector_load %arg6[%swap3A_835, %swap3A_836] {strides = array<i32>} : memref<8x80xi32, #tpu.memory_space<vmem>>, vector<1x16xi32>,
    %swap3A_838 = vector.shape_cast %swap3A_837 : vector<1x16xi32> to vector<16xi32>
    %swap3A_839 = vector.shape_cast %and3A_833 : vector<16xi32> to vector<1x16xi32>
    tpu.vector_store %arg6[%swap3A_835, %swap3A_836], %swap3A_839 {strides = array<i32>} : memref<8x80xi32, #tpu.memory_space<vmem>>, vector<1x16xi32>,
    %shift_right_logical3A_840 = arith.constant 16 : i32
    %shift_right_logical3A_841 = vector.broadcast %shift_right_logical3A_840 : i32 to vector<16xi32>
    %shift_right_logical3A_842 = arith.shrui %get3A_830, %shift_right_logical3A_841 : vector<16xi32>
    %swap3A_843 = arith.constant 6 : i32
    %swap3A_844 = arith.index_cast %swap3A_843 : i32 to index
    %swap3A_845 = arith.constant 64 : index
    %swap3A_846 = tpu.vector_load %arg7[%swap3A_844, %swap3A_845] {strides = array<i32>} : memref<8x80xi32, #tpu.memory_space<vmem>>, vector<1x16xi32>,
    %swap3A_847 = vector.shape_cast %swap3A_846 : vector<1x16xi32> to vector<16xi32>
    %swap3A_848 = vector.shape_cast %shift_right_logical3A_842 : vector<16xi32> to vector<1x16xi32>
    tpu.vector_store %arg7[%swap3A_844, %swap3A_845], %swap3A_848 {strides = array<i32>} : memref<8x80xi32, #tpu.memory_space<vmem>>, vector<1x16xi32>,
    %dma_start3A_849 = arith.constant 6 : i32
    %dma_start3A_850 = arith.constant 0 : i32
    %dma_start3A_851 = tpu.memref_slice %arg6[%dma_start3A_849, %dma_start3A_850] : memref<8x80xi32, #tpu.memory_space<vmem>> -> memref<1x80xi32, #tpu.memory_space<vmem>>
    %dma_start3A_852 = tpu.memref_squeeze %dma_start3A_851 : memref<1x80xi32, #tpu.memory_space<vmem>> -> memref<80xi32, #tpu.memory_space<vmem>>
    %dma_start3A_853 = arith.constant 0 : i32
    %dma_start3A_854 = arith.constant 0 : i32
    %dma_start3A_855 = tpu.memref_slice %arg2[%dma_start3A_853, %dma_start3A_854] : memref<10240x64xf32, #tpu.memory_space<hbm>> -> memref<10240x64xf32, #tpu.memory_space<hbm>>
    tpu.enqueue_indirect_dma source(%dma_start3A_855 : memref<10240x64xf32, #tpu.memory_space<hbm>>) target(%arg14 : memref<80x64xf32, #tpu.memory_space<vmem>>) offsets(%dma_start3A_852 : memref<80xi32, #tpu.memory_space<vmem>>) semaphore(%arg23 : memref<!tpu.dma_semaphore, #tpu.memory_space<semaphore_mem>>)
    %get3A_856 = arith.constant 7 : i32
    %get3A_857 = arith.index_cast %get3A_856 : i32 to index
    %get3A_858 = arith.constant 0 : index
    %get3A_859 = tpu.vector_load %arg5[%get3A_857, %get3A_858] {strides = array<i32>} : memref<125x80xi32, #tpu.memory_space<vmem>>, vector<1x16xi32>,
    %get3A_860 = vector.shape_cast %get3A_859 : vector<1x16xi32> to vector<16xi32>
    %and3A_861 = arith.constant 65535 : i32
    %and3A_862 = vector.broadcast %and3A_861 : i32 to vector<16xi32>
    %and3A_863 = arith.andi %get3A_860, %and3A_862 : vector<16xi32>
    %swap3A_864 = arith.constant 7 : i32
    %swap3A_865 = arith.index_cast %swap3A_864 : i32 to index
    %swap3A_866 = arith.constant 0 : index
    %swap3A_867 = tpu.vector_load %arg6[%swap3A_865, %swap3A_866] {strides = array<i32>} : memref<8x80xi32, #tpu.memory_space<vmem>>, vector<1x16xi32>,
    %swap3A_868 = vector.shape_cast %swap3A_867 : vector<1x16xi32> to vector<16xi32>
    %swap3A_869 = vector.shape_cast %and3A_863 : vector<16xi32> to vector<1x16xi32>
    tpu.vector_store %arg6[%swap3A_865, %swap3A_866], %swap3A_869 {strides = array<i32>} : memref<8x80xi32, #tpu.memory_space<vmem>>, vector<1x16xi32>,
    %shift_right_logical3A_870 = arith.constant 16 : i32
    %shift_right_logical3A_871 = vector.broadcast %shift_right_logical3A_870 : i32 to vector<16xi32>
    %shift_right_logical3A_872 = arith.shrui %get3A_860, %shift_right_logical3A_871 : vector<16xi32>
    %swap3A_873 = arith.constant 7 : i32
    %swap3A_874 = arith.index_cast %swap3A_873 : i32 to index
    %swap3A_875 = arith.constant 0 : index
    %swap3A_876 = tpu.vector_load %arg7[%swap3A_874, %swap3A_875] {strides = array<i32>} : memref<8x80xi32, #tpu.memory_space<vmem>>, vector<1x16xi32>,
    %swap3A_877 = vector.shape_cast %swap3A_876 : vector<1x16xi32> to vector<16xi32>
    %swap3A_878 = vector.shape_cast %shift_right_logical3A_872 : vector<16xi32> to vector<1x16xi32>
    tpu.vector_store %arg7[%swap3A_874, %swap3A_875], %swap3A_878 {strides = array<i32>} : memref<8x80xi32, #tpu.memory_space<vmem>>, vector<1x16xi32>,
    %get3A_879 = arith.constant 7 : i32
    %get3A_880 = arith.index_cast %get3A_879 : i32 to index
    %get3A_881 = arith.constant 16 : index
    %get3A_882 = tpu.vector_load %arg5[%get3A_880, %get3A_881] {strides = array<i32>} : memref<125x80xi32, #tpu.memory_space<vmem>>, vector<1x16xi32>,
    %get3A_883 = vector.shape_cast %get3A_882 : vector<1x16xi32> to vector<16xi32>
    %and3A_884 = arith.constant 65535 : i32
    %and3A_885 = vector.broadcast %and3A_884 : i32 to vector<16xi32>
    %and3A_886 = arith.andi %get3A_883, %and3A_885 : vector<16xi32>
    %swap3A_887 = arith.constant 7 : i32
    %swap3A_888 = arith.index_cast %swap3A_887 : i32 to index
    %swap3A_889 = arith.constant 16 : index
    %swap3A_890 = tpu.vector_load %arg6[%swap3A_888, %swap3A_889] {strides = array<i32>} : memref<8x80xi32, #tpu.memory_space<vmem>>, vector<1x16xi32>,
    %swap3A_891 = vector.shape_cast %swap3A_890 : vector<1x16xi32> to vector<16xi32>
    %swap3A_892 = vector.shape_cast %and3A_886 : vector<16xi32> to vector<1x16xi32>
    tpu.vector_store %arg6[%swap3A_888, %swap3A_889], %swap3A_892 {strides = array<i32>} : memref<8x80xi32, #tpu.memory_space<vmem>>, vector<1x16xi32>,
    %shift_right_logical3A_893 = arith.constant 16 : i32
    %shift_right_logical3A_894 = vector.broadcast %shift_right_logical3A_893 : i32 to vector<16xi32>
    %shift_right_logical3A_895 = arith.shrui %get3A_883, %shift_right_logical3A_894 : vector<16xi32>
    %swap3A_896 = arith.constant 7 : i32
    %swap3A_897 = arith.index_cast %swap3A_896 : i32 to index
    %swap3A_898 = arith.constant 16 : index
    %swap3A_899 = tpu.vector_load %arg7[%swap3A_897, %swap3A_898] {strides = array<i32>} : memref<8x80xi32, #tpu.memory_space<vmem>>, vector<1x16xi32>,
    %swap3A_900 = vector.shape_cast %swap3A_899 : vector<1x16xi32> to vector<16xi32>
    %swap3A_901 = vector.shape_cast %shift_right_logical3A_895 : vector<16xi32> to vector<1x16xi32>
    tpu.vector_store %arg7[%swap3A_897, %swap3A_898], %swap3A_901 {strides = array<i32>} : memref<8x80xi32, #tpu.memory_space<vmem>>, vector<1x16xi32>,
    %get3A_902 = arith.constant 7 : i32
    %get3A_903 = arith.index_cast %get3A_902 : i32 to index
    %get3A_904 = arith.constant 32 : index
    %get3A_905 = tpu.vector_load %arg5[%get3A_903, %get3A_904] {strides = array<i32>} : memref<125x80xi32, #tpu.memory_space<vmem>>, vector<1x16xi32>,
    %get3A_906 = vector.shape_cast %get3A_905 : vector<1x16xi32> to vector<16xi32>
    %and3A_907 = arith.constant 65535 : i32
    %and3A_908 = vector.broadcast %and3A_907 : i32 to vector<16xi32>
    %and3A_909 = arith.andi %get3A_906, %and3A_908 : vector<16xi32>
    %swap3A_910 = arith.constant 7 : i32
    %swap3A_911 = arith.index_cast %swap3A_910 : i32 to index
    %swap3A_912 = arith.constant 32 : index
    %swap3A_913 = tpu.vector_load %arg6[%swap3A_911, %swap3A_912] {strides = array<i32>} : memref<8x80xi32, #tpu.memory_space<vmem>>, vector<1x16xi32>,
    %swap3A_914 = vector.shape_cast %swap3A_913 : vector<1x16xi32> to vector<16xi32>
    %swap3A_915 = vector.shape_cast %and3A_909 : vector<16xi32> to vector<1x16xi32>
    tpu.vector_store %arg6[%swap3A_911, %swap3A_912], %swap3A_915 {strides = array<i32>} : memref<8x80xi32, #tpu.memory_space<vmem>>, vector<1x16xi32>,
    %shift_right_logical3A_916 = arith.constant 16 : i32
    %shift_right_logical3A_917 = vector.broadcast %shift_right_logical3A_916 : i32 to vector<16xi32>
    %shift_right_logical3A_918 = arith.shrui %get3A_906, %shift_right_logical3A_917 : vector<16xi32>
    %swap3A_919 = arith.constant 7 : i32
    %swap3A_920 = arith.index_cast %swap3A_919 : i32 to index
    %swap3A_921 = arith.constant 32 : index
    %swap3A_922 = tpu.vector_load %arg7[%swap3A_920, %swap3A_921] {strides = array<i32>} : memref<8x80xi32, #tpu.memory_space<vmem>>, vector<1x16xi32>,
    %swap3A_923 = vector.shape_cast %swap3A_922 : vector<1x16xi32> to vector<16xi32>
    %swap3A_924 = vector.shape_cast %shift_right_logical3A_918 : vector<16xi32> to vector<1x16xi32>
    tpu.vector_store %arg7[%swap3A_920, %swap3A_921], %swap3A_924 {strides = array<i32>} : memref<8x80xi32, #tpu.memory_space<vmem>>, vector<1x16xi32>,
    %get3A_925 = arith.constant 7 : i32
    %get3A_926 = arith.index_cast %get3A_925 : i32 to index
    %get3A_927 = arith.constant 48 : index
    %get3A_928 = tpu.vector_load %arg5[%get3A_926, %get3A_927] {strides = array<i32>} : memref<125x80xi32, #tpu.memory_space<vmem>>, vector<1x16xi32>,
    %get3A_929 = vector.shape_cast %get3A_928 : vector<1x16xi32> to vector<16xi32>
    %and3A_930 = arith.constant 65535 : i32
    %and3A_931 = vector.broadcast %and3A_930 : i32 to vector<16xi32>
    %and3A_932 = arith.andi %get3A_929, %and3A_931 : vector<16xi32>
    %swap3A_933 = arith.constant 7 : i32
    %swap3A_934 = arith.index_cast %swap3A_933 : i32 to index
    %swap3A_935 = arith.constant 48 : index
    %swap3A_936 = tpu.vector_load %arg6[%swap3A_934, %swap3A_935] {strides = array<i32>} : memref<8x80xi32, #tpu.memory_space<vmem>>, vector<1x16xi32>,
    %swap3A_937 = vector.shape_cast %swap3A_936 : vector<1x16xi32> to vector<16xi32>
    %swap3A_938 = vector.shape_cast %and3A_932 : vector<16xi32> to vector<1x16xi32>
    tpu.vector_store %arg6[%swap3A_934, %swap3A_935], %swap3A_938 {strides = array<i32>} : memref<8x80xi32, #tpu.memory_space<vmem>>, vector<1x16xi32>,
    %shift_right_logical3A_939 = arith.constant 16 : i32
    %shift_right_logical3A_940 = vector.broadcast %shift_right_logical3A_939 : i32 to vector<16xi32>
    %shift_right_logical3A_941 = arith.shrui %get3A_929, %shift_right_logical3A_940 : vector<16xi32>
    %swap3A_942 = arith.constant 7 : i32
    %swap3A_943 = arith.index_cast %swap3A_942 : i32 to index
    %swap3A_944 = arith.constant 48 : index
    %swap3A_945 = tpu.vector_load %arg7[%swap3A_943, %swap3A_944] {strides = array<i32>} : memref<8x80xi32, #tpu.memory_space<vmem>>, vector<1x16xi32>,
    %swap3A_946 = vector.shape_cast %swap3A_945 : vector<1x16xi32> to vector<16xi32>
    %swap3A_947 = vector.shape_cast %shift_right_logical3A_941 : vector<16xi32> to vector<1x16xi32>
    tpu.vector_store %arg7[%swap3A_943, %swap3A_944], %swap3A_947 {strides = array<i32>} : memref<8x80xi32, #tpu.memory_space<vmem>>, vector<1x16xi32>,
    %get3A_948 = arith.constant 7 : i32
    %get3A_949 = arith.index_cast %get3A_948 : i32 to index
    %get3A_950 = arith.constant 64 : index
    %get3A_951 = tpu.vector_load %arg5[%get3A_949, %get3A_950] {strides = array<i32>} : memref<125x80xi32, #tpu.memory_space<vmem>>, vector<1x16xi32>,
    %get3A_952 = vector.shape_cast %get3A_951 : vector<1x16xi32> to vector<16xi32>
    %and3A_953 = arith.constant 65535 : i32
    %and3A_954 = vector.broadcast %and3A_953 : i32 to vector<16xi32>
    %and3A_955 = arith.andi %get3A_952, %and3A_954 : vector<16xi32>
    %swap3A_956 = arith.constant 7 : i32
    %swap3A_957 = arith.index_cast %swap3A_956 : i32 to index
    %swap3A_958 = arith.constant 64 : index
    %swap3A_959 = tpu.vector_load %arg6[%swap3A_957, %swap3A_958] {strides = array<i32>} : memref<8x80xi32, #tpu.memory_space<vmem>>, vector<1x16xi32>,
    %swap3A_960 = vector.shape_cast %swap3A_959 : vector<1x16xi32> to vector<16xi32>
    %swap3A_961 = vector.shape_cast %and3A_955 : vector<16xi32> to vector<1x16xi32>
    tpu.vector_store %arg6[%swap3A_957, %swap3A_958], %swap3A_961 {strides = array<i32>} : memref<8x80xi32, #tpu.memory_space<vmem>>, vector<1x16xi32>,
    %shift_right_logical3A_962 = arith.constant 16 : i32
    %shift_right_logical3A_963 = vector.broadcast %shift_right_logical3A_962 : i32 to vector<16xi32>
    %shift_right_logical3A_964 = arith.shrui %get3A_952, %shift_right_logical3A_963 : vector<16xi32>
    %swap3A_965 = arith.constant 7 : i32
    %swap3A_966 = arith.index_cast %swap3A_965 : i32 to index
    %swap3A_967 = arith.constant 64 : index
    %swap3A_968 = tpu.vector_load %arg7[%swap3A_966, %swap3A_967] {strides = array<i32>} : memref<8x80xi32, #tpu.memory_space<vmem>>, vector<1x16xi32>,
    %swap3A_969 = vector.shape_cast %swap3A_968 : vector<1x16xi32> to vector<16xi32>
    %swap3A_970 = vector.shape_cast %shift_right_logical3A_964 : vector<16xi32> to vector<1x16xi32>
    tpu.vector_store %arg7[%swap3A_966, %swap3A_967], %swap3A_970 {strides = array<i32>} : memref<8x80xi32, #tpu.memory_space<vmem>>, vector<1x16xi32>,
    %dma_start3A_971 = arith.constant 7 : i32
    %dma_start3A_972 = arith.constant 0 : i32
    %dma_start3A_973 = tpu.memref_slice %arg6[%dma_start3A_971, %dma_start3A_972] : memref<8x80xi32, #tpu.memory_space<vmem>> -> memref<1x80xi32, #tpu.memory_space<vmem>>
    %dma_start3A_974 = tpu.memref_squeeze %dma_start3A_973 : memref<1x80xi32, #tpu.memory_space<vmem>> -> memref<80xi32, #tpu.memory_space<vmem>>
    %dma_start3A_975 = arith.constant 0 : i32
    %dma_start3A_976 = arith.constant 0 : i32
    %dma_start3A_977 = tpu.memref_slice %arg2[%dma_start3A_975, %dma_start3A_976] : memref<10240x64xf32, #tpu.memory_space<hbm>> -> memref<10240x64xf32, #tpu.memory_space<hbm>>
    tpu.enqueue_indirect_dma source(%dma_start3A_977 : memref<10240x64xf32, #tpu.memory_space<hbm>>) target(%arg15 : memref<80x64xf32, #tpu.memory_space<vmem>>) offsets(%dma_start3A_974 : memref<80xi32, #tpu.memory_space<vmem>>) semaphore(%arg24 : memref<!tpu.dma_semaphore, #tpu.memory_space<semaphore_mem>>)
    %scan3A = arith.constant 0 : i32
    %scan3A_978 = arith.constant 0 : i32
    %scan3A_979 = arith.constant 14 : i32
    %scan3A_980 = arith.addi %scan3A_978, %scan3A_979 : i32
    %scan3A_981 = arith.constant 1 : i32
    scf.for %scan3A_1700 = %scan3A_978 to %scan3A_980 step %scan3A_981  : i32 {
      %mul3A_1701 = arith.constant 8 : i32
      %mul3A_1702 = arith.muli %scan3A_1700, %mul3A_1701 : i32
      %add3A_1703 = arith.constant 0 : i32
      %add3A_1704 = arith.addi %mul3A_1702, %add3A_1703 : i32
      %dma_wait3A_1705 = arith.constant 0 : i32
      %dma_wait3A_1706 = arith.constant 0 : i32
      %dma_wait3A_1707 = tpu.memref_slice %arg6[%dma_wait3A_1705, %dma_wait3A_1706] : memref<8x80xi32, #tpu.memory_space<vmem>> -> memref<1x80xi32, #tpu.memory_space<vmem>>
      %dma_wait3A_1708 = tpu.memref_squeeze %dma_wait3A_1707 : memref<1x80xi32, #tpu.memory_space<vmem>> -> memref<80xi32, #tpu.memory_space<vmem>>
      %dma_wait3A_1709 = arith.constant 0 : i32
      %dma_wait3A_1710 = arith.constant 0 : i32
      %dma_wait3A_1711 = tpu.memref_slice %arg2[%dma_wait3A_1709, %dma_wait3A_1710] : memref<10240x64xf32, #tpu.memory_space<hbm>> -> memref<10240x64xf32, #tpu.memory_space<hbm>>
      tpu.wait_indirect_dma semaphore(%arg17 : memref<!tpu.dma_semaphore, #tpu.memory_space<semaphore_mem>>) src(%dma_wait3A_1711 : memref<10240x64xf32, #tpu.memory_space<hbm>>) dst(%arg8 : memref<80x64xf32, #tpu.memory_space<vmem>>)
      %run_scoped3A_1712 = arith.constant 0 : i32
      "tpu.region"() ({
        %run_scoped3A_2735 = tpu.sem_alloc : memref<!tpu.dma_semaphore, #tpu.memory_space<semaphore_mem>>
        %dma_start3A_2736 = arith.constant 0 : i32
        %dma_start3A_2737 = tpu.memref_slice %arg7[%run_scoped3A_1712, %dma_start3A_2736] : memref<8x80xi32, #tpu.memory_space<vmem>> -> memref<1x80xi32, #tpu.memory_space<vmem>>
        %dma_start3A_2738 = tpu.memref_squeeze %dma_start3A_2737 : memref<1x80xi32, #tpu.memory_space<vmem>> -> memref<80xi32, #tpu.memory_space<vmem>>
        %dma_start3A_2739 = arith.constant 0 : i32
        %dma_start3A_2740 = arith.constant 0 : i32
        %dma_start3A_2741 = tpu.memref_slice %arg16[%dma_start3A_2739, %dma_start3A_2740] : memref<10240x64xf32, #tpu.memory_space<vmem_shared>> -> memref<10240x64xf32, #tpu.memory_space<vmem_shared>>
        tpu.enqueue_indirect_dma source(%arg8 : memref<80x64xf32, #tpu.memory_space<vmem>>) target(%dma_start3A_2741 : memref<10240x64xf32, #tpu.memory_space<vmem_shared>>) offsets(%dma_start3A_2738 : memref<80xi32, #tpu.memory_space<vmem>>) semaphore(%run_scoped3A_2735 : memref<!tpu.dma_semaphore, #tpu.memory_space<semaphore_mem>>) {add = true}
        %dma_wait3A_2742 = arith.constant 0 : i32
        %dma_wait3A_2743 = tpu.memref_slice %arg7[%run_scoped3A_1712, %dma_wait3A_2742] : memref<8x80xi32, #tpu.memory_space<vmem>> -> memref<1x80xi32, #tpu.memory_space<vmem>>
        %dma_wait3A_2744 = tpu.memref_squeeze %dma_wait3A_2743 : memref<1x80xi32, #tpu.memory_space<vmem>> -> memref<80xi32, #tpu.memory_space<vmem>>
        %dma_wait3A_2745 = arith.constant 0 : i32
        %dma_wait3A_2746 = arith.constant 0 : i32
        %dma_wait3A_2747 = tpu.memref_slice %arg16[%dma_wait3A_2745, %dma_wait3A_2746] : memref<10240x64xf32, #tpu.memory_space<vmem_shared>> -> memref<10240x64xf32, #tpu.memory_space<vmem_shared>>
        tpu.wait_indirect_dma semaphore(%run_scoped3A_2735 : memref<!tpu.dma_semaphore, #tpu.memory_space<semaphore_mem>>) src(%arg8 : memref<80x64xf32, #tpu.memory_space<vmem>>) dst(%dma_wait3A_2747 : memref<10240x64xf32, #tpu.memory_space<vmem_shared>>)
        tpu.yield
      }) : () -> ()
      %add3A_1713 = arith.constant 8 : i32
      %add3A_1714 = arith.addi %add3A_1704, %add3A_1713 : i32
      %get3A_1715 = arith.index_cast %add3A_1714 : i32 to index
      %get3A_1716 = arith.constant 0 : index
      %get3A_1717 = tpu.vector_load %arg5[%get3A_1715, %get3A_1716] {strides = array<i32>} : memref<125x80xi32, #tpu.memory_space<vmem>>, vector<1x16xi32>,
      %get3A_1718 = vector.shape_cast %get3A_1717 : vector<1x16xi32> to vector<16xi32>
      %and3A_1719 = arith.constant 65535 : i32
      %and3A_1720 = vector.broadcast %and3A_1719 : i32 to vector<16xi32>
      %and3A_1721 = arith.andi %get3A_1718, %and3A_1720 : vector<16xi32>
      %swap3A_1722 = arith.constant 0 : i32
      %swap3A_1723 = arith.index_cast %swap3A_1722 : i32 to index
      %swap3A_1724 = arith.constant 0 : index
      %swap3A_1725 = tpu.vector_load %arg6[%swap3A_1723, %swap3A_1724] {strides = array<i32>} : memref<8x80xi32, #tpu.memory_space<vmem>>, vector<1x16xi32>,
      %swap3A_1726 = vector.shape_cast %swap3A_1725 : vector<1x16xi32> to vector<16xi32>
      %swap3A_1727 = vector.shape_cast %and3A_1721 : vector<16xi32> to vector<1x16xi32>
      tpu.vector_store %arg6[%swap3A_1723, %swap3A_1724], %swap3A_1727 {strides = array<i32>} : memref<8x80xi32, #tpu.memory_space<vmem>>, vector<1x16xi32>,
      %shift_right_logical3A_1728 = arith.constant 16 : i32
      %shift_right_logical3A_1729 = vector.broadcast %shift_right_logical3A_1728 : i32 to vector<16xi32>
      %shift_right_logical3A_1730 = arith.shrui %get3A_1718, %shift_right_logical3A_1729 : vector<16xi32>
      %swap3A_1731 = arith.constant 0 : i32
      %swap3A_1732 = arith.index_cast %swap3A_1731 : i32 to index
      %swap3A_1733 = arith.constant 0 : index
      %swap3A_1734 = tpu.vector_load %arg7[%swap3A_1732, %swap3A_1733] {strides = array<i32>} : memref<8x80xi32, #tpu.memory_space<vmem>>, vector<1x16xi32>,
      %swap3A_1735 = vector.shape_cast %swap3A_1734 : vector<1x16xi32> to vector<16xi32>
      %swap3A_1736 = vector.shape_cast %shift_right_logical3A_1730 : vector<16xi32> to vector<1x16xi32>
      tpu.vector_store %arg7[%swap3A_1732, %swap3A_1733], %swap3A_1736 {strides = array<i32>} : memref<8x80xi32, #tpu.memory_space<vmem>>, vector<1x16xi32>,
      %get3A_1737 = arith.index_cast %add3A_1714 : i32 to index
      %get3A_1738 = arith.constant 16 : index
      %get3A_1739 = tpu.vector_load %arg5[%get3A_1737, %get3A_1738] {strides = array<i32>} : memref<125x80xi32, #tpu.memory_space<vmem>>, vector<1x16xi32>,
      %get3A_1740 = vector.shape_cast %get3A_1739 : vector<1x16xi32> to vector<16xi32>
      %and3A_1741 = arith.constant 65535 : i32
      %and3A_1742 = vector.broadcast %and3A_1741 : i32 to vector<16xi32>
      %and3A_1743 = arith.andi %get3A_1740, %and3A_1742 : vector<16xi32>
      %swap3A_1744 = arith.constant 0 : i32
      %swap3A_1745 = arith.index_cast %swap3A_1744 : i32 to index
      %swap3A_1746 = arith.constant 16 : index
      %swap3A_1747 = tpu.vector_load %arg6[%swap3A_1745, %swap3A_1746] {strides = array<i32>} : memref<8x80xi32, #tpu.memory_space<vmem>>, vector<1x16xi32>,
      %swap3A_1748 = vector.shape_cast %swap3A_1747 : vector<1x16xi32> to vector<16xi32>
      %swap3A_1749 = vector.shape_cast %and3A_1743 : vector<16xi32> to vector<1x16xi32>
      tpu.vector_store %arg6[%swap3A_1745, %swap3A_1746], %swap3A_1749 {strides = array<i32>} : memref<8x80xi32, #tpu.memory_space<vmem>>, vector<1x16xi32>,
      %shift_right_logical3A_1750 = arith.constant 16 : i32
      %shift_right_logical3A_1751 = vector.broadcast %shift_right_logical3A_1750 : i32 to vector<16xi32>
      %shift_right_logical3A_1752 = arith.shrui %get3A_1740, %shift_right_logical3A_1751 : vector<16xi32>
      %swap3A_1753 = arith.constant 0 : i32
      %swap3A_1754 = arith.index_cast %swap3A_1753 : i32 to index
      %swap3A_1755 = arith.constant 16 : index
      %swap3A_1756 = tpu.vector_load %arg7[%swap3A_1754, %swap3A_1755] {strides = array<i32>} : memref<8x80xi32, #tpu.memory_space<vmem>>, vector<1x16xi32>,
      %swap3A_1757 = vector.shape_cast %swap3A_1756 : vector<1x16xi32> to vector<16xi32>
      %swap3A_1758 = vector.shape_cast %shift_right_logical3A_1752 : vector<16xi32> to vector<1x16xi32>
      tpu.vector_store %arg7[%swap3A_1754, %swap3A_1755], %swap3A_1758 {strides = array<i32>} : memref<8x80xi32, #tpu.memory_space<vmem>>, vector<1x16xi32>,
      %get3A_1759 = arith.index_cast %add3A_1714 : i32 to index
      %get3A_1760 = arith.constant 32 : index
      %get3A_1761 = tpu.vector_load %arg5[%get3A_1759, %get3A_1760] {strides = array<i32>} : memref<125x80xi32, #tpu.memory_space<vmem>>, vector<1x16xi32>,
      %get3A_1762 = vector.shape_cast %get3A_1761 : vector<1x16xi32> to vector<16xi32>
      %and3A_1763 = arith.constant 65535 : i32
      %and3A_1764 = vector.broadcast %and3A_1763 : i32 to vector<16xi32>
      %and3A_1765 = arith.andi %get3A_1762, %and3A_1764 : vector<16xi32>
      %swap3A_1766 = arith.constant 0 : i32
      %swap3A_1767 = arith.index_cast %swap3A_1766 : i32 to index
      %swap3A_1768 = arith.constant 32 : index
      %swap3A_1769 = tpu.vector_load %arg6[%swap3A_1767, %swap3A_1768] {strides = array<i32>} : memref<8x80xi32, #tpu.memory_space<vmem>>, vector<1x16xi32>,
      %swap3A_1770 = vector.shape_cast %swap3A_1769 : vector<1x16xi32> to vector<16xi32>
      %swap3A_1771 = vector.shape_cast %and3A_1765 : vector<16xi32> to vector<1x16xi32>
      tpu.vector_store %arg6[%swap3A_1767, %swap3A_1768], %swap3A_1771 {strides = array<i32>} : memref<8x80xi32, #tpu.memory_space<vmem>>, vector<1x16xi32>,
      %shift_right_logical3A_1772 = arith.constant 16 : i32
      %shift_right_logical3A_1773 = vector.broadcast %shift_right_logical3A_1772 : i32 to vector<16xi32>
      %shift_right_logical3A_1774 = arith.shrui %get3A_1762, %shift_right_logical3A_1773 : vector<16xi32>
      %swap3A_1775 = arith.constant 0 : i32
      %swap3A_1776 = arith.index_cast %swap3A_1775 : i32 to index
      %swap3A_1777 = arith.constant 32 : index
      %swap3A_1778 = tpu.vector_load %arg7[%swap3A_1776, %swap3A_1777] {strides = array<i32>} : memref<8x80xi32, #tpu.memory_space<vmem>>, vector<1x16xi32>,
      %swap3A_1779 = vector.shape_cast %swap3A_1778 : vector<1x16xi32> to vector<16xi32>
      %swap3A_1780 = vector.shape_cast %shift_right_logical3A_1774 : vector<16xi32> to vector<1x16xi32>
      tpu.vector_store %arg7[%swap3A_1776, %swap3A_1777], %swap3A_1780 {strides = array<i32>} : memref<8x80xi32, #tpu.memory_space<vmem>>, vector<1x16xi32>,
      %get3A_1781 = arith.index_cast %add3A_1714 : i32 to index
      %get3A_1782 = arith.constant 48 : index
      %get3A_1783 = tpu.vector_load %arg5[%get3A_1781, %get3A_1782] {strides = array<i32>} : memref<125x80xi32, #tpu.memory_space<vmem>>, vector<1x16xi32>,
      %get3A_1784 = vector.shape_cast %get3A_1783 : vector<1x16xi32> to vector<16xi32>
      %and3A_1785 = arith.constant 65535 : i32
      %and3A_1786 = vector.broadcast %and3A_1785 : i32 to vector<16xi32>
      %and3A_1787 = arith.andi %get3A_1784, %and3A_1786 : vector<16xi32>
      %swap3A_1788 = arith.constant 0 : i32
      %swap3A_1789 = arith.index_cast %swap3A_1788 : i32 to index
      %swap3A_1790 = arith.constant 48 : index
      %swap3A_1791 = tpu.vector_load %arg6[%swap3A_1789, %swap3A_1790] {strides = array<i32>} : memref<8x80xi32, #tpu.memory_space<vmem>>, vector<1x16xi32>,
      %swap3A_1792 = vector.shape_cast %swap3A_1791 : vector<1x16xi32> to vector<16xi32>
      %swap3A_1793 = vector.shape_cast %and3A_1787 : vector<16xi32> to vector<1x16xi32>
      tpu.vector_store %arg6[%swap3A_1789, %swap3A_1790], %swap3A_1793 {strides = array<i32>} : memref<8x80xi32, #tpu.memory_space<vmem>>, vector<1x16xi32>,
      %shift_right_logical3A_1794 = arith.constant 16 : i32
      %shift_right_logical3A_1795 = vector.broadcast %shift_right_logical3A_1794 : i32 to vector<16xi32>
      %shift_right_logical3A_1796 = arith.shrui %get3A_1784, %shift_right_logical3A_1795 : vector<16xi32>
      %swap3A_1797 = arith.constant 0 : i32
      %swap3A_1798 = arith.index_cast %swap3A_1797 : i32 to index
      %swap3A_1799 = arith.constant 48 : index
      %swap3A_1800 = tpu.vector_load %arg7[%swap3A_1798, %swap3A_1799] {strides = array<i32>} : memref<8x80xi32, #tpu.memory_space<vmem>>, vector<1x16xi32>,
      %swap3A_1801 = vector.shape_cast %swap3A_1800 : vector<1x16xi32> to vector<16xi32>
      %swap3A_1802 = vector.shape_cast %shift_right_logical3A_1796 : vector<16xi32> to vector<1x16xi32>
      tpu.vector_store %arg7[%swap3A_1798, %swap3A_1799], %swap3A_1802 {strides = array<i32>} : memref<8x80xi32, #tpu.memory_space<vmem>>, vector<1x16xi32>,
      %get3A_1803 = arith.index_cast %add3A_1714 : i32 to index
      %get3A_1804 = arith.constant 64 : index
      %get3A_1805 = tpu.vector_load %arg5[%get3A_1803, %get3A_1804] {strides = array<i32>} : memref<125x80xi32, #tpu.memory_space<vmem>>, vector<1x16xi32>,
      %get3A_1806 = vector.shape_cast %get3A_1805 : vector<1x16xi32> to vector<16xi32>
      %and3A_1807 = arith.constant 65535 : i32
      %and3A_1808 = vector.broadcast %and3A_1807 : i32 to vector<16xi32>
      %and3A_1809 = arith.andi %get3A_1806, %and3A_1808 : vector<16xi32>
      %swap3A_1810 = arith.constant 0 : i32
      %swap3A_1811 = arith.index_cast %swap3A_1810 : i32 to index
      %swap3A_1812 = arith.constant 64 : index
      %swap3A_1813 = tpu.vector_load %arg6[%swap3A_1811, %swap3A_1812] {strides = array<i32>} : memref<8x80xi32, #tpu.memory_space<vmem>>, vector<1x16xi32>,
      %swap3A_1814 = vector.shape_cast %swap3A_1813 : vector<1x16xi32> to vector<16xi32>
      %swap3A_1815 = vector.shape_cast %and3A_1809 : vector<16xi32> to vector<1x16xi32>
      tpu.vector_store %arg6[%swap3A_1811, %swap3A_1812], %swap3A_1815 {strides = array<i32>} : memref<8x80xi32, #tpu.memory_space<vmem>>, vector<1x16xi32>,
      %shift_right_logical3A_1816 = arith.constant 16 : i32
      %shift_right_logical3A_1817 = vector.broadcast %shift_right_logical3A_1816 : i32 to vector<16xi32>
      %shift_right_logical3A_1818 = arith.shrui %get3A_1806, %shift_right_logical3A_1817 : vector<16xi32>
      %swap3A_1819 = arith.constant 0 : i32
      %swap3A_1820 = arith.index_cast %swap3A_1819 : i32 to index
      %swap3A_1821 = arith.constant 64 : index
      %swap3A_1822 = tpu.vector_load %arg7[%swap3A_1820, %swap3A_1821] {strides = array<i32>} : memref<8x80xi32, #tpu.memory_space<vmem>>, vector<1x16xi32>,
      %swap3A_1823 = vector.shape_cast %swap3A_1822 : vector<1x16xi32> to vector<16xi32>
      %swap3A_1824 = vector.shape_cast %shift_right_logical3A_1818 : vector<16xi32> to vector<1x16xi32>
      tpu.vector_store %arg7[%swap3A_1820, %swap3A_1821], %swap3A_1824 {strides = array<i32>} : memref<8x80xi32, #tpu.memory_space<vmem>>, vector<1x16xi32>,
      %dma_start3A_1825 = arith.constant 0 : i32
      %dma_start3A_1826 = arith.constant 0 : i32
      %dma_start3A_1827 = tpu.memref_slice %arg6[%dma_start3A_1825, %dma_start3A_1826] : memref<8x80xi32, #tpu.memory_space<vmem>> -> memref<1x80xi32, #tpu.memory_space<vmem>>
      %dma_start3A_1828 = tpu.memref_squeeze %dma_start3A_1827 : memref<1x80xi32, #tpu.memory_space<vmem>> -> memref<80xi32, #tpu.memory_space<vmem>>
      %dma_start3A_1829 = arith.constant 0 : i32
      %dma_start3A_1830 = arith.constant 0 : i32
      %dma_start3A_1831 = tpu.memref_slice %arg2[%dma_start3A_1829, %dma_start3A_1830] : memref<10240x64xf32, #tpu.memory_space<hbm>> -> memref<10240x64xf32, #tpu.memory_space<hbm>>
      tpu.enqueue_indirect_dma source(%dma_start3A_1831 : memref<10240x64xf32, #tpu.memory_space<hbm>>) target(%arg8 : memref<80x64xf32, #tpu.memory_space<vmem>>) offsets(%dma_start3A_1828 : memref<80xi32, #tpu.memory_space<vmem>>) semaphore(%arg17 : memref<!tpu.dma_semaphore, #tpu.memory_space<semaphore_mem>>)
      %add3A_1832 = arith.constant 1 : i32
      %add3A_1833 = arith.addi %mul3A_1702, %add3A_1832 : i32
      %dma_wait3A_1834 = arith.constant 1 : i32
      %dma_wait3A_1835 = arith.constant 0 : i32
      %dma_wait3A_1836 = tpu.memref_slice %arg6[%dma_wait3A_1834, %dma_wait3A_1835] : memref<8x80xi32, #tpu.memory_space<vmem>> -> memref<1x80xi32, #tpu.memory_space<vmem>>
      %dma_wait3A_1837 = tpu.memref_squeeze %dma_wait3A_1836 : memref<1x80xi32, #tpu.memory_space<vmem>> -> memref<80xi32, #tpu.memory_space<vmem>>
      %dma_wait3A_1838 = arith.constant 0 : i32
      %dma_wait3A_1839 = arith.constant 0 : i32
      %dma_wait3A_1840 = tpu.memref_slice %arg2[%dma_wait3A_1838, %dma_wait3A_1839] : memref<10240x64xf32, #tpu.memory_space<hbm>> -> memref<10240x64xf32, #tpu.memory_space<hbm>>
      tpu.wait_indirect_dma semaphore(%arg18 : memref<!tpu.dma_semaphore, #tpu.memory_space<semaphore_mem>>) src(%dma_wait3A_1840 : memref<10240x64xf32, #tpu.memory_space<hbm>>) dst(%arg9 : memref<80x64xf32, #tpu.memory_space<vmem>>)
      %run_scoped3A_1841 = arith.constant 1 : i32
      "tpu.region"() ({
        %run_scoped3A_2735 = tpu.sem_alloc : memref<!tpu.dma_semaphore, #tpu.memory_space<semaphore_mem>>
        %dma_start3A_2736 = arith.constant 0 : i32
        %dma_start3A_2737 = tpu.memref_slice %arg7[%run_scoped3A_1841, %dma_start3A_2736] : memref<8x80xi32, #tpu.memory_space<vmem>> -> memref<1x80xi32, #tpu.memory_space<vmem>>
        %dma_start3A_2738 = tpu.memref_squeeze %dma_start3A_2737 : memref<1x80xi32, #tpu.memory_space<vmem>> -> memref<80xi32, #tpu.memory_space<vmem>>
        %dma_start3A_2739 = arith.constant 0 : i32
        %dma_start3A_2740 = arith.constant 0 : i32
        %dma_start3A_2741 = tpu.memref_slice %arg16[%dma_start3A_2739, %dma_start3A_2740] : memref<10240x64xf32, #tpu.memory_space<vmem_shared>> -> memref<10240x64xf32, #tpu.memory_space<vmem_shared>>
        tpu.enqueue_indirect_dma source(%arg9 : memref<80x64xf32, #tpu.memory_space<vmem>>) target(%dma_start3A_2741 : memref<10240x64xf32, #tpu.memory_space<vmem_shared>>) offsets(%dma_start3A_2738 : memref<80xi32, #tpu.memory_space<vmem>>) semaphore(%run_scoped3A_2735 : memref<!tpu.dma_semaphore, #tpu.memory_space<semaphore_mem>>) {add = true}
        %dma_wait3A_2742 = arith.constant 0 : i32
        %dma_wait3A_2743 = tpu.memref_slice %arg7[%run_scoped3A_1841, %dma_wait3A_2742] : memref<8x80xi32, #tpu.memory_space<vmem>> -> memref<1x80xi32, #tpu.memory_space<vmem>>
        %dma_wait3A_2744 = tpu.memref_squeeze %dma_wait3A_2743 : memref<1x80xi32, #tpu.memory_space<vmem>> -> memref<80xi32, #tpu.memory_space<vmem>>
        %dma_wait3A_2745 = arith.constant 0 : i32
        %dma_wait3A_2746 = arith.constant 0 : i32
        %dma_wait3A_2747 = tpu.memref_slice %arg16[%dma_wait3A_2745, %dma_wait3A_2746] : memref<10240x64xf32, #tpu.memory_space<vmem_shared>> -> memref<10240x64xf32, #tpu.memory_space<vmem_shared>>
        tpu.wait_indirect_dma semaphore(%run_scoped3A_2735 : memref<!tpu.dma_semaphore, #tpu.memory_space<semaphore_mem>>) src(%arg9 : memref<80x64xf32, #tpu.memory_space<vmem>>) dst(%dma_wait3A_2747 : memref<10240x64xf32, #tpu.memory_space<vmem_shared>>)
        tpu.yield
      }) : () -> ()
      %add3A_1842 = arith.constant 8 : i32
      %add3A_1843 = arith.addi %add3A_1833, %add3A_1842 : i32
      %get3A_1844 = arith.index_cast %add3A_1843 : i32 to index
      %get3A_1845 = arith.constant 0 : index
      %get3A_1846 = tpu.vector_load %arg5[%get3A_1844, %get3A_1845] {strides = array<i32>} : memref<125x80xi32, #tpu.memory_space<vmem>>, vector<1x16xi32>,
      %get3A_1847 = vector.shape_cast %get3A_1846 : vector<1x16xi32> to vector<16xi32>
      %and3A_1848 = arith.constant 65535 : i32
      %and3A_1849 = vector.broadcast %and3A_1848 : i32 to vector<16xi32>
      %and3A_1850 = arith.andi %get3A_1847, %and3A_1849 : vector<16xi32>
      %swap3A_1851 = arith.constant 1 : i32
      %swap3A_1852 = arith.index_cast %swap3A_1851 : i32 to index
      %swap3A_1853 = arith.constant 0 : index
      %swap3A_1854 = tpu.vector_load %arg6[%swap3A_1852, %swap3A_1853] {strides = array<i32>} : memref<8x80xi32, #tpu.memory_space<vmem>>, vector<1x16xi32>,
      %swap3A_1855 = vector.shape_cast %swap3A_1854 : vector<1x16xi32> to vector<16xi32>
      %swap3A_1856 = vector.shape_cast %and3A_1850 : vector<16xi32> to vector<1x16xi32>
      tpu.vector_store %arg6[%swap3A_1852, %swap3A_1853], %swap3A_1856 {strides = array<i32>} : memref<8x80xi32, #tpu.memory_space<vmem>>, vector<1x16xi32>,
      %shift_right_logical3A_1857 = arith.constant 16 : i32
      %shift_right_logical3A_1858 = vector.broadcast %shift_right_logical3A_1857 : i32 to vector<16xi32>
      %shift_right_logical3A_1859 = arith.shrui %get3A_1847, %shift_right_logical3A_1858 : vector<16xi32>
      %swap3A_1860 = arith.constant 1 : i32
      %swap3A_1861 = arith.index_cast %swap3A_1860 : i32 to index
      %swap3A_1862 = arith.constant 0 : index
      %swap3A_1863 = tpu.vector_load %arg7[%swap3A_1861, %swap3A_1862] {strides = array<i32>} : memref<8x80xi32, #tpu.memory_space<vmem>>, vector<1x16xi32>,
      %swap3A_1864 = vector.shape_cast %swap3A_1863 : vector<1x16xi32> to vector<16xi32>
      %swap3A_1865 = vector.shape_cast %shift_right_logical3A_1859 : vector<16xi32> to vector<1x16xi32>
      tpu.vector_store %arg7[%swap3A_1861, %swap3A_1862], %swap3A_1865 {strides = array<i32>} : memref<8x80xi32, #tpu.memory_space<vmem>>, vector<1x16xi32>,
      %get3A_1866 = arith.index_cast %add3A_1843 : i32 to index
      %get3A_1867 = arith.constant 16 : index
      %get3A_1868 = tpu.vector_load %arg5[%get3A_1866, %get3A_1867] {strides = array<i32>} : memref<125x80xi32, #tpu.memory_space<vmem>>, vector<1x16xi32>,
      %get3A_1869 = vector.shape_cast %get3A_1868 : vector<1x16xi32> to vector<16xi32>
      %and3A_1870 = arith.constant 65535 : i32
      %and3A_1871 = vector.broadcast %and3A_1870 : i32 to vector<16xi32>
      %and3A_1872 = arith.andi %get3A_1869, %and3A_1871 : vector<16xi32>
      %swap3A_1873 = arith.constant 1 : i32
      %swap3A_1874 = arith.index_cast %swap3A_1873 : i32 to index
      %swap3A_1875 = arith.constant 16 : index
      %swap3A_1876 = tpu.vector_load %arg6[%swap3A_1874, %swap3A_1875] {strides = array<i32>} : memref<8x80xi32, #tpu.memory_space<vmem>>, vector<1x16xi32>,
      %swap3A_1877 = vector.shape_cast %swap3A_1876 : vector<1x16xi32> to vector<16xi32>
      %swap3A_1878 = vector.shape_cast %and3A_1872 : vector<16xi32> to vector<1x16xi32>
      tpu.vector_store %arg6[%swap3A_1874, %swap3A_1875], %swap3A_1878 {strides = array<i32>} : memref<8x80xi32, #tpu.memory_space<vmem>>, vector<1x16xi32>,
      %shift_right_logical3A_1879 = arith.constant 16 : i32
      %shift_right_logical3A_1880 = vector.broadcast %shift_right_logical3A_1879 : i32 to vector<16xi32>
      %shift_right_logical3A_1881 = arith.shrui %get3A_1869, %shift_right_logical3A_1880 : vector<16xi32>
      %swap3A_1882 = arith.constant 1 : i32
      %swap3A_1883 = arith.index_cast %swap3A_1882 : i32 to index
      %swap3A_1884 = arith.constant 16 : index
      %swap3A_1885 = tpu.vector_load %arg7[%swap3A_1883, %swap3A_1884] {strides = array<i32>} : memref<8x80xi32, #tpu.memory_space<vmem>>, vector<1x16xi32>,
      %swap3A_1886 = vector.shape_cast %swap3A_1885 : vector<1x16xi32> to vector<16xi32>
      %swap3A_1887 = vector.shape_cast %shift_right_logical3A_1881 : vector<16xi32> to vector<1x16xi32>
      tpu.vector_store %arg7[%swap3A_1883, %swap3A_1884], %swap3A_1887 {strides = array<i32>} : memref<8x80xi32, #tpu.memory_space<vmem>>, vector<1x16xi32>,
      %get3A_1888 = arith.index_cast %add3A_1843 : i32 to index
      %get3A_1889 = arith.constant 32 : index
      %get3A_1890 = tpu.vector_load %arg5[%get3A_1888, %get3A_1889] {strides = array<i32>} : memref<125x80xi32, #tpu.memory_space<vmem>>, vector<1x16xi32>,
      %get3A_1891 = vector.shape_cast %get3A_1890 : vector<1x16xi32> to vector<16xi32>
      %and3A_1892 = arith.constant 65535 : i32
      %and3A_1893 = vector.broadcast %and3A_1892 : i32 to vector<16xi32>
      %and3A_1894 = arith.andi %get3A_1891, %and3A_1893 : vector<16xi32>
      %swap3A_1895 = arith.constant 1 : i32
      %swap3A_1896 = arith.index_cast %swap3A_1895 : i32 to index
      %swap3A_1897 = arith.constant 32 : index
      %swap3A_1898 = tpu.vector_load %arg6[%swap3A_1896, %swap3A_1897] {strides = array<i32>} : memref<8x80xi32, #tpu.memory_space<vmem>>, vector<1x16xi32>,
      %swap3A_1899 = vector.shape_cast %swap3A_1898 : vector<1x16xi32> to vector<16xi32>
      %swap3A_1900 = vector.shape_cast %and3A_1894 : vector<16xi32> to vector<1x16xi32>
      tpu.vector_store %arg6[%swap3A_1896, %swap3A_1897], %swap3A_1900 {strides = array<i32>} : memref<8x80xi32, #tpu.memory_space<vmem>>, vector<1x16xi32>,
      %shift_right_logical3A_1901 = arith.constant 16 : i32
      %shift_right_logical3A_1902 = vector.broadcast %shift_right_logical3A_1901 : i32 to vector<16xi32>
      %shift_right_logical3A_1903 = arith.shrui %get3A_1891, %shift_right_logical3A_1902 : vector<16xi32>
      %swap3A_1904 = arith.constant 1 : i32
      %swap3A_1905 = arith.index_cast %swap3A_1904 : i32 to index
      %swap3A_1906 = arith.constant 32 : index
      %swap3A_1907 = tpu.vector_load %arg7[%swap3A_1905, %swap3A_1906] {strides = array<i32>} : memref<8x80xi32, #tpu.memory_space<vmem>>, vector<1x16xi32>,
      %swap3A_1908 = vector.shape_cast %swap3A_1907 : vector<1x16xi32> to vector<16xi32>
      %swap3A_1909 = vector.shape_cast %shift_right_logical3A_1903 : vector<16xi32> to vector<1x16xi32>
      tpu.vector_store %arg7[%swap3A_1905, %swap3A_1906], %swap3A_1909 {strides = array<i32>} : memref<8x80xi32, #tpu.memory_space<vmem>>, vector<1x16xi32>,
      %get3A_1910 = arith.index_cast %add3A_1843 : i32 to index
      %get3A_1911 = arith.constant 48 : index
      %get3A_1912 = tpu.vector_load %arg5[%get3A_1910, %get3A_1911] {strides = array<i32>} : memref<125x80xi32, #tpu.memory_space<vmem>>, vector<1x16xi32>,
      %get3A_1913 = vector.shape_cast %get3A_1912 : vector<1x16xi32> to vector<16xi32>
      %and3A_1914 = arith.constant 65535 : i32
      %and3A_1915 = vector.broadcast %and3A_1914 : i32 to vector<16xi32>
      %and3A_1916 = arith.andi %get3A_1913, %and3A_1915 : vector<16xi32>
      %swap3A_1917 = arith.constant 1 : i32
      %swap3A_1918 = arith.index_cast %swap3A_1917 : i32 to index
      %swap3A_1919 = arith.constant 48 : index
      %swap3A_1920 = tpu.vector_load %arg6[%swap3A_1918, %swap3A_1919] {strides = array<i32>} : memref<8x80xi32, #tpu.memory_space<vmem>>, vector<1x16xi32>,
      %swap3A_1921 = vector.shape_cast %swap3A_1920 : vector<1x16xi32> to vector<16xi32>
      %swap3A_1922 = vector.shape_cast %and3A_1916 : vector<16xi32> to vector<1x16xi32>
      tpu.vector_store %arg6[%swap3A_1918, %swap3A_1919], %swap3A_1922 {strides = array<i32>} : memref<8x80xi32, #tpu.memory_space<vmem>>, vector<1x16xi32>,
      %shift_right_logical3A_1923 = arith.constant 16 : i32
      %shift_right_logical3A_1924 = vector.broadcast %shift_right_logical3A_1923 : i32 to vector<16xi32>
      %shift_right_logical3A_1925 = arith.shrui %get3A_1913, %shift_right_logical3A_1924 : vector<16xi32>
      %swap3A_1926 = arith.constant 1 : i32
      %swap3A_1927 = arith.index_cast %swap3A_1926 : i32 to index
      %swap3A_1928 = arith.constant 48 : index
      %swap3A_1929 = tpu.vector_load %arg7[%swap3A_1927, %swap3A_1928] {strides = array<i32>} : memref<8x80xi32, #tpu.memory_space<vmem>>, vector<1x16xi32>,
      %swap3A_1930 = vector.shape_cast %swap3A_1929 : vector<1x16xi32> to vector<16xi32>
      %swap3A_1931 = vector.shape_cast %shift_right_logical3A_1925 : vector<16xi32> to vector<1x16xi32>
      tpu.vector_store %arg7[%swap3A_1927, %swap3A_1928], %swap3A_1931 {strides = array<i32>} : memref<8x80xi32, #tpu.memory_space<vmem>>, vector<1x16xi32>,
      %get3A_1932 = arith.index_cast %add3A_1843 : i32 to index
      %get3A_1933 = arith.constant 64 : index
      %get3A_1934 = tpu.vector_load %arg5[%get3A_1932, %get3A_1933] {strides = array<i32>} : memref<125x80xi32, #tpu.memory_space<vmem>>, vector<1x16xi32>,
      %get3A_1935 = vector.shape_cast %get3A_1934 : vector<1x16xi32> to vector<16xi32>
      %and3A_1936 = arith.constant 65535 : i32
      %and3A_1937 = vector.broadcast %and3A_1936 : i32 to vector<16xi32>
      %and3A_1938 = arith.andi %get3A_1935, %and3A_1937 : vector<16xi32>
      %swap3A_1939 = arith.constant 1 : i32
      %swap3A_1940 = arith.index_cast %swap3A_1939 : i32 to index
      %swap3A_1941 = arith.constant 64 : index
      %swap3A_1942 = tpu.vector_load %arg6[%swap3A_1940, %swap3A_1941] {strides = array<i32>} : memref<8x80xi32, #tpu.memory_space<vmem>>, vector<1x16xi32>,
      %swap3A_1943 = vector.shape_cast %swap3A_1942 : vector<1x16xi32> to vector<16xi32>
      %swap3A_1944 = vector.shape_cast %and3A_1938 : vector<16xi32> to vector<1x16xi32>
      tpu.vector_store %arg6[%swap3A_1940, %swap3A_1941], %swap3A_1944 {strides = array<i32>} : memref<8x80xi32, #tpu.memory_space<vmem>>, vector<1x16xi32>,
      %shift_right_logical3A_1945 = arith.constant 16 : i32
      %shift_right_logical3A_1946 = vector.broadcast %shift_right_logical3A_1945 : i32 to vector<16xi32>
      %shift_right_logical3A_1947 = arith.shrui %get3A_1935, %shift_right_logical3A_1946 : vector<16xi32>
      %swap3A_1948 = arith.constant 1 : i32
      %swap3A_1949 = arith.index_cast %swap3A_1948 : i32 to index
      %swap3A_1950 = arith.constant 64 : index
      %swap3A_1951 = tpu.vector_load %arg7[%swap3A_1949, %swap3A_1950] {strides = array<i32>} : memref<8x80xi32, #tpu.memory_space<vmem>>, vector<1x16xi32>,
      %swap3A_1952 = vector.shape_cast %swap3A_1951 : vector<1x16xi32> to vector<16xi32>
      %swap3A_1953 = vector.shape_cast %shift_right_logical3A_1947 : vector<16xi32> to vector<1x16xi32>
      tpu.vector_store %arg7[%swap3A_1949, %swap3A_1950], %swap3A_1953 {strides = array<i32>} : memref<8x80xi32, #tpu.memory_space<vmem>>, vector<1x16xi32>,
      %dma_start3A_1954 = arith.constant 1 : i32
      %dma_start3A_1955 = arith.constant 0 : i32
      %dma_start3A_1956 = tpu.memref_slice %arg6[%dma_start3A_1954, %dma_start3A_1955] : memref<8x80xi32, #tpu.memory_space<vmem>> -> memref<1x80xi32, #tpu.memory_space<vmem>>
      %dma_start3A_1957 = tpu.memref_squeeze %dma_start3A_1956 : memref<1x80xi32, #tpu.memory_space<vmem>> -> memref<80xi32, #tpu.memory_space<vmem>>
      %dma_start3A_1958 = arith.constant 0 : i32
      %dma_start3A_1959 = arith.constant 0 : i32
      %dma_start3A_1960 = tpu.memref_slice %arg2[%dma_start3A_1958, %dma_start3A_1959] : memref<10240x64xf32, #tpu.memory_space<hbm>> -> memref<10240x64xf32, #tpu.memory_space<hbm>>
      tpu.enqueue_indirect_dma source(%dma_start3A_1960 : memref<10240x64xf32, #tpu.memory_space<hbm>>) target(%arg9 : memref<80x64xf32, #tpu.memory_space<vmem>>) offsets(%dma_start3A_1957 : memref<80xi32, #tpu.memory_space<vmem>>) semaphore(%arg18 : memref<!tpu.dma_semaphore, #tpu.memory_space<semaphore_mem>>)
      %add3A_1961 = arith.constant 2 : i32
      %add3A_1962 = arith.addi %mul3A_1702, %add3A_1961 : i32
      %dma_wait3A_1963 = arith.constant 2 : i32
      %dma_wait3A_1964 = arith.constant 0 : i32
      %dma_wait3A_1965 = tpu.memref_slice %arg6[%dma_wait3A_1963, %dma_wait3A_1964] : memref<8x80xi32, #tpu.memory_space<vmem>> -> memref<1x80xi32, #tpu.memory_space<vmem>>
      %dma_wait3A_1966 = tpu.memref_squeeze %dma_wait3A_1965 : memref<1x80xi32, #tpu.memory_space<vmem>> -> memref<80xi32, #tpu.memory_space<vmem>>
      %dma_wait3A_1967 = arith.constant 0 : i32
      %dma_wait3A_1968 = arith.constant 0 : i32
      %dma_wait3A_1969 = tpu.memref_slice %arg2[%dma_wait3A_1967, %dma_wait3A_1968] : memref<10240x64xf32, #tpu.memory_space<hbm>> -> memref<10240x64xf32, #tpu.memory_space<hbm>>
      tpu.wait_indirect_dma semaphore(%arg19 : memref<!tpu.dma_semaphore, #tpu.memory_space<semaphore_mem>>) src(%dma_wait3A_1969 : memref<10240x64xf32, #tpu.memory_space<hbm>>) dst(%arg10 : memref<80x64xf32, #tpu.memory_space<vmem>>)
      %run_scoped3A_1970 = arith.constant 2 : i32
      "tpu.region"() ({
        %run_scoped3A_2735 = tpu.sem_alloc : memref<!tpu.dma_semaphore, #tpu.memory_space<semaphore_mem>>
        %dma_start3A_2736 = arith.constant 0 : i32
        %dma_start3A_2737 = tpu.memref_slice %arg7[%run_scoped3A_1970, %dma_start3A_2736] : memref<8x80xi32, #tpu.memory_space<vmem>> -> memref<1x80xi32, #tpu.memory_space<vmem>>
        %dma_start3A_2738 = tpu.memref_squeeze %dma_start3A_2737 : memref<1x80xi32, #tpu.memory_space<vmem>> -> memref<80xi32, #tpu.memory_space<vmem>>
        %dma_start3A_2739 = arith.constant 0 : i32
        %dma_start3A_2740 = arith.constant 0 : i32
        %dma_start3A_2741 = tpu.memref_slice %arg16[%dma_start3A_2739, %dma_start3A_2740] : memref<10240x64xf32, #tpu.memory_space<vmem_shared>> -> memref<10240x64xf32, #tpu.memory_space<vmem_shared>>
        tpu.enqueue_indirect_dma source(%arg10 : memref<80x64xf32, #tpu.memory_space<vmem>>) target(%dma_start3A_2741 : memref<10240x64xf32, #tpu.memory_space<vmem_shared>>) offsets(%dma_start3A_2738 : memref<80xi32, #tpu.memory_space<vmem>>) semaphore(%run_scoped3A_2735 : memref<!tpu.dma_semaphore, #tpu.memory_space<semaphore_mem>>) {add = true}
        %dma_wait3A_2742 = arith.constant 0 : i32
        %dma_wait3A_2743 = tpu.memref_slice %arg7[%run_scoped3A_1970, %dma_wait3A_2742] : memref<8x80xi32, #tpu.memory_space<vmem>> -> memref<1x80xi32, #tpu.memory_space<vmem>>
        %dma_wait3A_2744 = tpu.memref_squeeze %dma_wait3A_2743 : memref<1x80xi32, #tpu.memory_space<vmem>> -> memref<80xi32, #tpu.memory_space<vmem>>
        %dma_wait3A_2745 = arith.constant 0 : i32
        %dma_wait3A_2746 = arith.constant 0 : i32
        %dma_wait3A_2747 = tpu.memref_slice %arg16[%dma_wait3A_2745, %dma_wait3A_2746] : memref<10240x64xf32, #tpu.memory_space<vmem_shared>> -> memref<10240x64xf32, #tpu.memory_space<vmem_shared>>
        tpu.wait_indirect_dma semaphore(%run_scoped3A_2735 : memref<!tpu.dma_semaphore, #tpu.memory_space<semaphore_mem>>) src(%arg10 : memref<80x64xf32, #tpu.memory_space<vmem>>) dst(%dma_wait3A_2747 : memref<10240x64xf32, #tpu.memory_space<vmem_shared>>)
        tpu.yield
      }) : () -> ()
      %add3A_1971 = arith.constant 8 : i32
      %add3A_1972 = arith.addi %add3A_1962, %add3A_1971 : i32
      %get3A_1973 = arith.index_cast %add3A_1972 : i32 to index
      %get3A_1974 = arith.constant 0 : index
      %get3A_1975 = tpu.vector_load %arg5[%get3A_1973, %get3A_1974] {strides = array<i32>} : memref<125x80xi32, #tpu.memory_space<vmem>>, vector<1x16xi32>,
      %get3A_1976 = vector.shape_cast %get3A_1975 : vector<1x16xi32> to vector<16xi32>
      %and3A_1977 = arith.constant 65535 : i32
      %and3A_1978 = vector.broadcast %and3A_1977 : i32 to vector<16xi32>
      %and3A_1979 = arith.andi %get3A_1976, %and3A_1978 : vector<16xi32>
      %swap3A_1980 = arith.constant 2 : i32
      %swap3A_1981 = arith.index_cast %swap3A_1980 : i32 to index
      %swap3A_1982 = arith.constant 0 : index
      %swap3A_1983 = tpu.vector_load %arg6[%swap3A_1981, %swap3A_1982] {strides = array<i32>} : memref<8x80xi32, #tpu.memory_space<vmem>>, vector<1x16xi32>,
      %swap3A_1984 = vector.shape_cast %swap3A_1983 : vector<1x16xi32> to vector<16xi32>
      %swap3A_1985 = vector.shape_cast %and3A_1979 : vector<16xi32> to vector<1x16xi32>
      tpu.vector_store %arg6[%swap3A_1981, %swap3A_1982], %swap3A_1985 {strides = array<i32>} : memref<8x80xi32, #tpu.memory_space<vmem>>, vector<1x16xi32>,
      %shift_right_logical3A_1986 = arith.constant 16 : i32
      %shift_right_logical3A_1987 = vector.broadcast %shift_right_logical3A_1986 : i32 to vector<16xi32>
      %shift_right_logical3A_1988 = arith.shrui %get3A_1976, %shift_right_logical3A_1987 : vector<16xi32>
      %swap3A_1989 = arith.constant 2 : i32
      %swap3A_1990 = arith.index_cast %swap3A_1989 : i32 to index
      %swap3A_1991 = arith.constant 0 : index
      %swap3A_1992 = tpu.vector_load %arg7[%swap3A_1990, %swap3A_1991] {strides = array<i32>} : memref<8x80xi32, #tpu.memory_space<vmem>>, vector<1x16xi32>,
      %swap3A_1993 = vector.shape_cast %swap3A_1992 : vector<1x16xi32> to vector<16xi32>
      %swap3A_1994 = vector.shape_cast %shift_right_logical3A_1988 : vector<16xi32> to vector<1x16xi32>
      tpu.vector_store %arg7[%swap3A_1990, %swap3A_1991], %swap3A_1994 {strides = array<i32>} : memref<8x80xi32, #tpu.memory_space<vmem>>, vector<1x16xi32>,
      %get3A_1995 = arith.index_cast %add3A_1972 : i32 to index
      %get3A_1996 = arith.constant 16 : index
      %get3A_1997 = tpu.vector_load %arg5[%get3A_1995, %get3A_1996] {strides = array<i32>} : memref<125x80xi32, #tpu.memory_space<vmem>>, vector<1x16xi32>,
      %get3A_1998 = vector.shape_cast %get3A_1997 : vector<1x16xi32> to vector<16xi32>
      %and3A_1999 = arith.constant 65535 : i32
      %and3A_2000 = vector.broadcast %and3A_1999 : i32 to vector<16xi32>
      %and3A_2001 = arith.andi %get3A_1998, %and3A_2000 : vector<16xi32>
      %swap3A_2002 = arith.constant 2 : i32
      %swap3A_2003 = arith.index_cast %swap3A_2002 : i32 to index
      %swap3A_2004 = arith.constant 16 : index
      %swap3A_2005 = tpu.vector_load %arg6[%swap3A_2003, %swap3A_2004] {strides = array<i32>} : memref<8x80xi32, #tpu.memory_space<vmem>>, vector<1x16xi32>,
      %swap3A_2006 = vector.shape_cast %swap3A_2005 : vector<1x16xi32> to vector<16xi32>
      %swap3A_2007 = vector.shape_cast %and3A_2001 : vector<16xi32> to vector<1x16xi32>
      tpu.vector_store %arg6[%swap3A_2003, %swap3A_2004], %swap3A_2007 {strides = array<i32>} : memref<8x80xi32, #tpu.memory_space<vmem>>, vector<1x16xi32>,
      %shift_right_logical3A_2008 = arith.constant 16 : i32
      %shift_right_logical3A_2009 = vector.broadcast %shift_right_logical3A_2008 : i32 to vector<16xi32>
      %shift_right_logical3A_2010 = arith.shrui %get3A_1998, %shift_right_logical3A_2009 : vector<16xi32>
      %swap3A_2011 = arith.constant 2 : i32
      %swap3A_2012 = arith.index_cast %swap3A_2011 : i32 to index
      %swap3A_2013 = arith.constant 16 : index
      %swap3A_2014 = tpu.vector_load %arg7[%swap3A_2012, %swap3A_2013] {strides = array<i32>} : memref<8x80xi32, #tpu.memory_space<vmem>>, vector<1x16xi32>,
      %swap3A_2015 = vector.shape_cast %swap3A_2014 : vector<1x16xi32> to vector<16xi32>
      %swap3A_2016 = vector.shape_cast %shift_right_logical3A_2010 : vector<16xi32> to vector<1x16xi32>
      tpu.vector_store %arg7[%swap3A_2012, %swap3A_2013], %swap3A_2016 {strides = array<i32>} : memref<8x80xi32, #tpu.memory_space<vmem>>, vector<1x16xi32>,
      %get3A_2017 = arith.index_cast %add3A_1972 : i32 to index
      %get3A_2018 = arith.constant 32 : index
      %get3A_2019 = tpu.vector_load %arg5[%get3A_2017, %get3A_2018] {strides = array<i32>} : memref<125x80xi32, #tpu.memory_space<vmem>>, vector<1x16xi32>,
      %get3A_2020 = vector.shape_cast %get3A_2019 : vector<1x16xi32> to vector<16xi32>
      %and3A_2021 = arith.constant 65535 : i32
      %and3A_2022 = vector.broadcast %and3A_2021 : i32 to vector<16xi32>
      %and3A_2023 = arith.andi %get3A_2020, %and3A_2022 : vector<16xi32>
      %swap3A_2024 = arith.constant 2 : i32
      %swap3A_2025 = arith.index_cast %swap3A_2024 : i32 to index
      %swap3A_2026 = arith.constant 32 : index
      %swap3A_2027 = tpu.vector_load %arg6[%swap3A_2025, %swap3A_2026] {strides = array<i32>} : memref<8x80xi32, #tpu.memory_space<vmem>>, vector<1x16xi32>,
      %swap3A_2028 = vector.shape_cast %swap3A_2027 : vector<1x16xi32> to vector<16xi32>
      %swap3A_2029 = vector.shape_cast %and3A_2023 : vector<16xi32> to vector<1x16xi32>
      tpu.vector_store %arg6[%swap3A_2025, %swap3A_2026], %swap3A_2029 {strides = array<i32>} : memref<8x80xi32, #tpu.memory_space<vmem>>, vector<1x16xi32>,
      %shift_right_logical3A_2030 = arith.constant 16 : i32
      %shift_right_logical3A_2031 = vector.broadcast %shift_right_logical3A_2030 : i32 to vector<16xi32>
      %shift_right_logical3A_2032 = arith.shrui %get3A_2020, %shift_right_logical3A_2031 : vector<16xi32>
      %swap3A_2033 = arith.constant 2 : i32
      %swap3A_2034 = arith.index_cast %swap3A_2033 : i32 to index
      %swap3A_2035 = arith.constant 32 : index
      %swap3A_2036 = tpu.vector_load %arg7[%swap3A_2034, %swap3A_2035] {strides = array<i32>} : memref<8x80xi32, #tpu.memory_space<vmem>>, vector<1x16xi32>,
      %swap3A_2037 = vector.shape_cast %swap3A_2036 : vector<1x16xi32> to vector<16xi32>
      %swap3A_2038 = vector.shape_cast %shift_right_logical3A_2032 : vector<16xi32> to vector<1x16xi32>
      tpu.vector_store %arg7[%swap3A_2034, %swap3A_2035], %swap3A_2038 {strides = array<i32>} : memref<8x80xi32, #tpu.memory_space<vmem>>, vector<1x16xi32>,
      %get3A_2039 = arith.index_cast %add3A_1972 : i32 to index
      %get3A_2040 = arith.constant 48 : index
      %get3A_2041 = tpu.vector_load %arg5[%get3A_2039, %get3A_2040] {strides = array<i32>} : memref<125x80xi32, #tpu.memory_space<vmem>>, vector<1x16xi32>,
      %get3A_2042 = vector.shape_cast %get3A_2041 : vector<1x16xi32> to vector<16xi32>
      %and3A_2043 = arith.constant 65535 : i32
      %and3A_2044 = vector.broadcast %and3A_2043 : i32 to vector<16xi32>
      %and3A_2045 = arith.andi %get3A_2042, %and3A_2044 : vector<16xi32>
      %swap3A_2046 = arith.constant 2 : i32
      %swap3A_2047 = arith.index_cast %swap3A_2046 : i32 to index
      %swap3A_2048 = arith.constant 48 : index
      %swap3A_2049 = tpu.vector_load %arg6[%swap3A_2047, %swap3A_2048] {strides = array<i32>} : memref<8x80xi32, #tpu.memory_space<vmem>>, vector<1x16xi32>,
      %swap3A_2050 = vector.shape_cast %swap3A_2049 : vector<1x16xi32> to vector<16xi32>
      %swap3A_2051 = vector.shape_cast %and3A_2045 : vector<16xi32> to vector<1x16xi32>
      tpu.vector_store %arg6[%swap3A_2047, %swap3A_2048], %swap3A_2051 {strides = array<i32>} : memref<8x80xi32, #tpu.memory_space<vmem>>, vector<1x16xi32>,
      %shift_right_logical3A_2052 = arith.constant 16 : i32
      %shift_right_logical3A_2053 = vector.broadcast %shift_right_logical3A_2052 : i32 to vector<16xi32>
      %shift_right_logical3A_2054 = arith.shrui %get3A_2042, %shift_right_logical3A_2053 : vector<16xi32>
      %swap3A_2055 = arith.constant 2 : i32
      %swap3A_2056 = arith.index_cast %swap3A_2055 : i32 to index
      %swap3A_2057 = arith.constant 48 : index
      %swap3A_2058 = tpu.vector_load %arg7[%swap3A_2056, %swap3A_2057] {strides = array<i32>} : memref<8x80xi32, #tpu.memory_space<vmem>>, vector<1x16xi32>,
      %swap3A_2059 = vector.shape_cast %swap3A_2058 : vector<1x16xi32> to vector<16xi32>
      %swap3A_2060 = vector.shape_cast %shift_right_logical3A_2054 : vector<16xi32> to vector<1x16xi32>
      tpu.vector_store %arg7[%swap3A_2056, %swap3A_2057], %swap3A_2060 {strides = array<i32>} : memref<8x80xi32, #tpu.memory_space<vmem>>, vector<1x16xi32>,
      %get3A_2061 = arith.index_cast %add3A_1972 : i32 to index
      %get3A_2062 = arith.constant 64 : index
      %get3A_2063 = tpu.vector_load %arg5[%get3A_2061, %get3A_2062] {strides = array<i32>} : memref<125x80xi32, #tpu.memory_space<vmem>>, vector<1x16xi32>,
      %get3A_2064 = vector.shape_cast %get3A_2063 : vector<1x16xi32> to vector<16xi32>
      %and3A_2065 = arith.constant 65535 : i32
      %and3A_2066 = vector.broadcast %and3A_2065 : i32 to vector<16xi32>
      %and3A_2067 = arith.andi %get3A_2064, %and3A_2066 : vector<16xi32>
      %swap3A_2068 = arith.constant 2 : i32
      %swap3A_2069 = arith.index_cast %swap3A_2068 : i32 to index
      %swap3A_2070 = arith.constant 64 : index
      %swap3A_2071 = tpu.vector_load %arg6[%swap3A_2069, %swap3A_2070] {strides = array<i32>} : memref<8x80xi32, #tpu.memory_space<vmem>>, vector<1x16xi32>,
      %swap3A_2072 = vector.shape_cast %swap3A_2071 : vector<1x16xi32> to vector<16xi32>
      %swap3A_2073 = vector.shape_cast %and3A_2067 : vector<16xi32> to vector<1x16xi32>
      tpu.vector_store %arg6[%swap3A_2069, %swap3A_2070], %swap3A_2073 {strides = array<i32>} : memref<8x80xi32, #tpu.memory_space<vmem>>, vector<1x16xi32>,
      %shift_right_logical3A_2074 = arith.constant 16 : i32
      %shift_right_logical3A_2075 = vector.broadcast %shift_right_logical3A_2074 : i32 to vector<16xi32>
      %shift_right_logical3A_2076 = arith.shrui %get3A_2064, %shift_right_logical3A_2075 : vector<16xi32>
      %swap3A_2077 = arith.constant 2 : i32
      %swap3A_2078 = arith.index_cast %swap3A_2077 : i32 to index
      %swap3A_2079 = arith.constant 64 : index
      %swap3A_2080 = tpu.vector_load %arg7[%swap3A_2078, %swap3A_2079] {strides = array<i32>} : memref<8x80xi32, #tpu.memory_space<vmem>>, vector<1x16xi32>,
      %swap3A_2081 = vector.shape_cast %swap3A_2080 : vector<1x16xi32> to vector<16xi32>
      %swap3A_2082 = vector.shape_cast %shift_right_logical3A_2076 : vector<16xi32> to vector<1x16xi32>
      tpu.vector_store %arg7[%swap3A_2078, %swap3A_2079], %swap3A_2082 {strides = array<i32>} : memref<8x80xi32, #tpu.memory_space<vmem>>, vector<1x16xi32>,
      %dma_start3A_2083 = arith.constant 2 : i32
      %dma_start3A_2084 = arith.constant 0 : i32
      %dma_start3A_2085 = tpu.memref_slice %arg6[%dma_start3A_2083, %dma_start3A_2084] : memref<8x80xi32, #tpu.memory_space<vmem>> -> memref<1x80xi32, #tpu.memory_space<vmem>>
      %dma_start3A_2086 = tpu.memref_squeeze %dma_start3A_2085 : memref<1x80xi32, #tpu.memory_space<vmem>> -> memref<80xi32, #tpu.memory_space<vmem>>
      %dma_start3A_2087 = arith.constant 0 : i32
      %dma_start3A_2088 = arith.constant 0 : i32
      %dma_start3A_2089 = tpu.memref_slice %arg2[%dma_start3A_2087, %dma_start3A_2088] : memref<10240x64xf32, #tpu.memory_space<hbm>> -> memref<10240x64xf32, #tpu.memory_space<hbm>>
      tpu.enqueue_indirect_dma source(%dma_start3A_2089 : memref<10240x64xf32, #tpu.memory_space<hbm>>) target(%arg10 : memref<80x64xf32, #tpu.memory_space<vmem>>) offsets(%dma_start3A_2086 : memref<80xi32, #tpu.memory_space<vmem>>) semaphore(%arg19 : memref<!tpu.dma_semaphore, #tpu.memory_space<semaphore_mem>>)
      %add3A_2090 = arith.constant 3 : i32
      %add3A_2091 = arith.addi %mul3A_1702, %add3A_2090 : i32
      %dma_wait3A_2092 = arith.constant 3 : i32
      %dma_wait3A_2093 = arith.constant 0 : i32
      %dma_wait3A_2094 = tpu.memref_slice %arg6[%dma_wait3A_2092, %dma_wait3A_2093] : memref<8x80xi32, #tpu.memory_space<vmem>> -> memref<1x80xi32, #tpu.memory_space<vmem>>
      %dma_wait3A_2095 = tpu.memref_squeeze %dma_wait3A_2094 : memref<1x80xi32, #tpu.memory_space<vmem>> -> memref<80xi32, #tpu.memory_space<vmem>>
      %dma_wait3A_2096 = arith.constant 0 : i32
      %dma_wait3A_2097 = arith.constant 0 : i32
      %dma_wait3A_2098 = tpu.memref_slice %arg2[%dma_wait3A_2096, %dma_wait3A_2097] : memref<10240x64xf32, #tpu.memory_space<hbm>> -> memref<10240x64xf32, #tpu.memory_space<hbm>>
      tpu.wait_indirect_dma semaphore(%arg20 : memref<!tpu.dma_semaphore, #tpu.memory_space<semaphore_mem>>) src(%dma_wait3A_2098 : memref<10240x64xf32, #tpu.memory_space<hbm>>) dst(%arg11 : memref<80x64xf32, #tpu.memory_space<vmem>>)
      %run_scoped3A_2099 = arith.constant 3 : i32
      "tpu.region"() ({
        %run_scoped3A_2735 = tpu.sem_alloc : memref<!tpu.dma_semaphore, #tpu.memory_space<semaphore_mem>>
        %dma_start3A_2736 = arith.constant 0 : i32
        %dma_start3A_2737 = tpu.memref_slice %arg7[%run_scoped3A_2099, %dma_start3A_2736] : memref<8x80xi32, #tpu.memory_space<vmem>> -> memref<1x80xi32, #tpu.memory_space<vmem>>
        %dma_start3A_2738 = tpu.memref_squeeze %dma_start3A_2737 : memref<1x80xi32, #tpu.memory_space<vmem>> -> memref<80xi32, #tpu.memory_space<vmem>>
        %dma_start3A_2739 = arith.constant 0 : i32
        %dma_start3A_2740 = arith.constant 0 : i32
        %dma_start3A_2741 = tpu.memref_slice %arg16[%dma_start3A_2739, %dma_start3A_2740] : memref<10240x64xf32, #tpu.memory_space<vmem_shared>> -> memref<10240x64xf32, #tpu.memory_space<vmem_shared>>
        tpu.enqueue_indirect_dma source(%arg11 : memref<80x64xf32, #tpu.memory_space<vmem>>) target(%dma_start3A_2741 : memref<10240x64xf32, #tpu.memory_space<vmem_shared>>) offsets(%dma_start3A_2738 : memref<80xi32, #tpu.memory_space<vmem>>) semaphore(%run_scoped3A_2735 : memref<!tpu.dma_semaphore, #tpu.memory_space<semaphore_mem>>) {add = true}
        %dma_wait3A_2742 = arith.constant 0 : i32
        %dma_wait3A_2743 = tpu.memref_slice %arg7[%run_scoped3A_2099, %dma_wait3A_2742] : memref<8x80xi32, #tpu.memory_space<vmem>> -> memref<1x80xi32, #tpu.memory_space<vmem>>
        %dma_wait3A_2744 = tpu.memref_squeeze %dma_wait3A_2743 : memref<1x80xi32, #tpu.memory_space<vmem>> -> memref<80xi32, #tpu.memory_space<vmem>>
        %dma_wait3A_2745 = arith.constant 0 : i32
        %dma_wait3A_2746 = arith.constant 0 : i32
        %dma_wait3A_2747 = tpu.memref_slice %arg16[%dma_wait3A_2745, %dma_wait3A_2746] : memref<10240x64xf32, #tpu.memory_space<vmem_shared>> -> memref<10240x64xf32, #tpu.memory_space<vmem_shared>>
        tpu.wait_indirect_dma semaphore(%run_scoped3A_2735 : memref<!tpu.dma_semaphore, #tpu.memory_space<semaphore_mem>>) src(%arg11 : memref<80x64xf32, #tpu.memory_space<vmem>>) dst(%dma_wait3A_2747 : memref<10240x64xf32, #tpu.memory_space<vmem_shared>>)
        tpu.yield
      }) : () -> ()
      %add3A_2100 = arith.constant 8 : i32
      %add3A_2101 = arith.addi %add3A_2091, %add3A_2100 : i32
      %get3A_2102 = arith.index_cast %add3A_2101 : i32 to index
      %get3A_2103 = arith.constant 0 : index
      %get3A_2104 = tpu.vector_load %arg5[%get3A_2102, %get3A_2103] {strides = array<i32>} : memref<125x80xi32, #tpu.memory_space<vmem>>, vector<1x16xi32>,
      %get3A_2105 = vector.shape_cast %get3A_2104 : vector<1x16xi32> to vector<16xi32>
      %and3A_2106 = arith.constant 65535 : i32
      %and3A_2107 = vector.broadcast %and3A_2106 : i32 to vector<16xi32>
      %and3A_2108 = arith.andi %get3A_2105, %and3A_2107 : vector<16xi32>
      %swap3A_2109 = arith.constant 3 : i32
      %swap3A_2110 = arith.index_cast %swap3A_2109 : i32 to index
      %swap3A_2111 = arith.constant 0 : index
      %swap3A_2112 = tpu.vector_load %arg6[%swap3A_2110, %swap3A_2111] {strides = array<i32>} : memref<8x80xi32, #tpu.memory_space<vmem>>, vector<1x16xi32>,
      %swap3A_2113 = vector.shape_cast %swap3A_2112 : vector<1x16xi32> to vector<16xi32>
      %swap3A_2114 = vector.shape_cast %and3A_2108 : vector<16xi32> to vector<1x16xi32>
      tpu.vector_store %arg6[%swap3A_2110, %swap3A_2111], %swap3A_2114 {strides = array<i32>} : memref<8x80xi32, #tpu.memory_space<vmem>>, vector<1x16xi32>,
      %shift_right_logical3A_2115 = arith.constant 16 : i32
      %shift_right_logical3A_2116 = vector.broadcast %shift_right_logical3A_2115 : i32 to vector<16xi32>
      %shift_right_logical3A_2117 = arith.shrui %get3A_2105, %shift_right_logical3A_2116 : vector<16xi32>
      %swap3A_2118 = arith.constant 3 : i32
      %swap3A_2119 = arith.index_cast %swap3A_2118 : i32 to index
      %swap3A_2120 = arith.constant 0 : index
      %swap3A_2121 = tpu.vector_load %arg7[%swap3A_2119, %swap3A_2120] {strides = array<i32>} : memref<8x80xi32, #tpu.memory_space<vmem>>, vector<1x16xi32>,
      %swap3A_2122 = vector.shape_cast %swap3A_2121 : vector<1x16xi32> to vector<16xi32>
      %swap3A_2123 = vector.shape_cast %shift_right_logical3A_2117 : vector<16xi32> to vector<1x16xi32>
      tpu.vector_store %arg7[%swap3A_2119, %swap3A_2120], %swap3A_2123 {strides = array<i32>} : memref<8x80xi32, #tpu.memory_space<vmem>>, vector<1x16xi32>,
      %get3A_2124 = arith.index_cast %add3A_2101 : i32 to index
      %get3A_2125 = arith.constant 16 : index
      %get3A_2126 = tpu.vector_load %arg5[%get3A_2124, %get3A_2125] {strides = array<i32>} : memref<125x80xi32, #tpu.memory_space<vmem>>, vector<1x16xi32>,
      %get3A_2127 = vector.shape_cast %get3A_2126 : vector<1x16xi32> to vector<16xi32>
      %and3A_2128 = arith.constant 65535 : i32
      %and3A_2129 = vector.broadcast %and3A_2128 : i32 to vector<16xi32>
      %and3A_2130 = arith.andi %get3A_2127, %and3A_2129 : vector<16xi32>
      %swap3A_2131 = arith.constant 3 : i32
      %swap3A_2132 = arith.index_cast %swap3A_2131 : i32 to index
      %swap3A_2133 = arith.constant 16 : index
      %swap3A_2134 = tpu.vector_load %arg6[%swap3A_2132, %swap3A_2133] {strides = array<i32>} : memref<8x80xi32, #tpu.memory_space<vmem>>, vector<1x16xi32>,
      %swap3A_2135 = vector.shape_cast %swap3A_2134 : vector<1x16xi32> to vector<16xi32>
      %swap3A_2136 = vector.shape_cast %and3A_2130 : vector<16xi32> to vector<1x16xi32>
      tpu.vector_store %arg6[%swap3A_2132, %swap3A_2133], %swap3A_2136 {strides = array<i32>} : memref<8x80xi32, #tpu.memory_space<vmem>>, vector<1x16xi32>,
      %shift_right_logical3A_2137 = arith.constant 16 : i32
      %shift_right_logical3A_2138 = vector.broadcast %shift_right_logical3A_2137 : i32 to vector<16xi32>
      %shift_right_logical3A_2139 = arith.shrui %get3A_2127, %shift_right_logical3A_2138 : vector<16xi32>
      %swap3A_2140 = arith.constant 3 : i32
      %swap3A_2141 = arith.index_cast %swap3A_2140 : i32 to index
      %swap3A_2142 = arith.constant 16 : index
      %swap3A_2143 = tpu.vector_load %arg7[%swap3A_2141, %swap3A_2142] {strides = array<i32>} : memref<8x80xi32, #tpu.memory_space<vmem>>, vector<1x16xi32>,
      %swap3A_2144 = vector.shape_cast %swap3A_2143 : vector<1x16xi32> to vector<16xi32>
      %swap3A_2145 = vector.shape_cast %shift_right_logical3A_2139 : vector<16xi32> to vector<1x16xi32>
      tpu.vector_store %arg7[%swap3A_2141, %swap3A_2142], %swap3A_2145 {strides = array<i32>} : memref<8x80xi32, #tpu.memory_space<vmem>>, vector<1x16xi32>,
      %get3A_2146 = arith.index_cast %add3A_2101 : i32 to index
      %get3A_2147 = arith.constant 32 : index
      %get3A_2148 = tpu.vector_load %arg5[%get3A_2146, %get3A_2147] {strides = array<i32>} : memref<125x80xi32, #tpu.memory_space<vmem>>, vector<1x16xi32>,
      %get3A_2149 = vector.shape_cast %get3A_2148 : vector<1x16xi32> to vector<16xi32>
      %and3A_2150 = arith.constant 65535 : i32
      %and3A_2151 = vector.broadcast %and3A_2150 : i32 to vector<16xi32>
      %and3A_2152 = arith.andi %get3A_2149, %and3A_2151 : vector<16xi32>
      %swap3A_2153 = arith.constant 3 : i32
      %swap3A_2154 = arith.index_cast %swap3A_2153 : i32 to index
      %swap3A_2155 = arith.constant 32 : index
      %swap3A_2156 = tpu.vector_load %arg6[%swap3A_2154, %swap3A_2155] {strides = array<i32>} : memref<8x80xi32, #tpu.memory_space<vmem>>, vector<1x16xi32>,
      %swap3A_2157 = vector.shape_cast %swap3A_2156 : vector<1x16xi32> to vector<16xi32>
      %swap3A_2158 = vector.shape_cast %and3A_2152 : vector<16xi32> to vector<1x16xi32>
      tpu.vector_store %arg6[%swap3A_2154, %swap3A_2155], %swap3A_2158 {strides = array<i32>} : memref<8x80xi32, #tpu.memory_space<vmem>>, vector<1x16xi32>,
      %shift_right_logical3A_2159 = arith.constant 16 : i32
      %shift_right_logical3A_2160 = vector.broadcast %shift_right_logical3A_2159 : i32 to vector<16xi32>
      %shift_right_logical3A_2161 = arith.shrui %get3A_2149, %shift_right_logical3A_2160 : vector<16xi32>
      %swap3A_2162 = arith.constant 3 : i32
      %swap3A_2163 = arith.index_cast %swap3A_2162 : i32 to index
      %swap3A_2164 = arith.constant 32 : index
      %swap3A_2165 = tpu.vector_load %arg7[%swap3A_2163, %swap3A_2164] {strides = array<i32>} : memref<8x80xi32, #tpu.memory_space<vmem>>, vector<1x16xi32>,
      %swap3A_2166 = vector.shape_cast %swap3A_2165 : vector<1x16xi32> to vector<16xi32>
      %swap3A_2167 = vector.shape_cast %shift_right_logical3A_2161 : vector<16xi32> to vector<1x16xi32>
      tpu.vector_store %arg7[%swap3A_2163, %swap3A_2164], %swap3A_2167 {strides = array<i32>} : memref<8x80xi32, #tpu.memory_space<vmem>>, vector<1x16xi32>,
      %get3A_2168 = arith.index_cast %add3A_2101 : i32 to index
      %get3A_2169 = arith.constant 48 : index
      %get3A_2170 = tpu.vector_load %arg5[%get3A_2168, %get3A_2169] {strides = array<i32>} : memref<125x80xi32, #tpu.memory_space<vmem>>, vector<1x16xi32>,
      %get3A_2171 = vector.shape_cast %get3A_2170 : vector<1x16xi32> to vector<16xi32>
      %and3A_2172 = arith.constant 65535 : i32
      %and3A_2173 = vector.broadcast %and3A_2172 : i32 to vector<16xi32>
      %and3A_2174 = arith.andi %get3A_2171, %and3A_2173 : vector<16xi32>
      %swap3A_2175 = arith.constant 3 : i32
      %swap3A_2176 = arith.index_cast %swap3A_2175 : i32 to index
      %swap3A_2177 = arith.constant 48 : index
      %swap3A_2178 = tpu.vector_load %arg6[%swap3A_2176, %swap3A_2177] {strides = array<i32>} : memref<8x80xi32, #tpu.memory_space<vmem>>, vector<1x16xi32>,
      %swap3A_2179 = vector.shape_cast %swap3A_2178 : vector<1x16xi32> to vector<16xi32>
      %swap3A_2180 = vector.shape_cast %and3A_2174 : vector<16xi32> to vector<1x16xi32>
      tpu.vector_store %arg6[%swap3A_2176, %swap3A_2177], %swap3A_2180 {strides = array<i32>} : memref<8x80xi32, #tpu.memory_space<vmem>>, vector<1x16xi32>,
      %shift_right_logical3A_2181 = arith.constant 16 : i32
      %shift_right_logical3A_2182 = vector.broadcast %shift_right_logical3A_2181 : i32 to vector<16xi32>
      %shift_right_logical3A_2183 = arith.shrui %get3A_2171, %shift_right_logical3A_2182 : vector<16xi32>
      %swap3A_2184 = arith.constant 3 : i32
      %swap3A_2185 = arith.index_cast %swap3A_2184 : i32 to index
      %swap3A_2186 = arith.constant 48 : index
      %swap3A_2187 = tpu.vector_load %arg7[%swap3A_2185, %swap3A_2186] {strides = array<i32>} : memref<8x80xi32, #tpu.memory_space<vmem>>, vector<1x16xi32>,
      %swap3A_2188 = vector.shape_cast %swap3A_2187 : vector<1x16xi32> to vector<16xi32>
      %swap3A_2189 = vector.shape_cast %shift_right_logical3A_2183 : vector<16xi32> to vector<1x16xi32>
      tpu.vector_store %arg7[%swap3A_2185, %swap3A_2186], %swap3A_2189 {strides = array<i32>} : memref<8x80xi32, #tpu.memory_space<vmem>>, vector<1x16xi32>,
      %get3A_2190 = arith.index_cast %add3A_2101 : i32 to index
      %get3A_2191 = arith.constant 64 : index
      %get3A_2192 = tpu.vector_load %arg5[%get3A_2190, %get3A_2191] {strides = array<i32>} : memref<125x80xi32, #tpu.memory_space<vmem>>, vector<1x16xi32>,
      %get3A_2193 = vector.shape_cast %get3A_2192 : vector<1x16xi32> to vector<16xi32>
      %and3A_2194 = arith.constant 65535 : i32
      %and3A_2195 = vector.broadcast %and3A_2194 : i32 to vector<16xi32>
      %and3A_2196 = arith.andi %get3A_2193, %and3A_2195 : vector<16xi32>
      %swap3A_2197 = arith.constant 3 : i32
      %swap3A_2198 = arith.index_cast %swap3A_2197 : i32 to index
      %swap3A_2199 = arith.constant 64 : index
      %swap3A_2200 = tpu.vector_load %arg6[%swap3A_2198, %swap3A_2199] {strides = array<i32>} : memref<8x80xi32, #tpu.memory_space<vmem>>, vector<1x16xi32>,
      %swap3A_2201 = vector.shape_cast %swap3A_2200 : vector<1x16xi32> to vector<16xi32>
      %swap3A_2202 = vector.shape_cast %and3A_2196 : vector<16xi32> to vector<1x16xi32>
      tpu.vector_store %arg6[%swap3A_2198, %swap3A_2199], %swap3A_2202 {strides = array<i32>} : memref<8x80xi32, #tpu.memory_space<vmem>>, vector<1x16xi32>,
      %shift_right_logical3A_2203 = arith.constant 16 : i32
      %shift_right_logical3A_2204 = vector.broadcast %shift_right_logical3A_2203 : i32 to vector<16xi32>
      %shift_right_logical3A_2205 = arith.shrui %get3A_2193, %shift_right_logical3A_2204 : vector<16xi32>
      %swap3A_2206 = arith.constant 3 : i32
      %swap3A_2207 = arith.index_cast %swap3A_2206 : i32 to index
      %swap3A_2208 = arith.constant 64 : index
      %swap3A_2209 = tpu.vector_load %arg7[%swap3A_2207, %swap3A_2208] {strides = array<i32>} : memref<8x80xi32, #tpu.memory_space<vmem>>, vector<1x16xi32>,
      %swap3A_2210 = vector.shape_cast %swap3A_2209 : vector<1x16xi32> to vector<16xi32>
      %swap3A_2211 = vector.shape_cast %shift_right_logical3A_2205 : vector<16xi32> to vector<1x16xi32>
      tpu.vector_store %arg7[%swap3A_2207, %swap3A_2208], %swap3A_2211 {strides = array<i32>} : memref<8x80xi32, #tpu.memory_space<vmem>>, vector<1x16xi32>,
      %dma_start3A_2212 = arith.constant 3 : i32
      %dma_start3A_2213 = arith.constant 0 : i32
      %dma_start3A_2214 = tpu.memref_slice %arg6[%dma_start3A_2212, %dma_start3A_2213] : memref<8x80xi32, #tpu.memory_space<vmem>> -> memref<1x80xi32, #tpu.memory_space<vmem>>
      %dma_start3A_2215 = tpu.memref_squeeze %dma_start3A_2214 : memref<1x80xi32, #tpu.memory_space<vmem>> -> memref<80xi32, #tpu.memory_space<vmem>>
      %dma_start3A_2216 = arith.constant 0 : i32
      %dma_start3A_2217 = arith.constant 0 : i32
      %dma_start3A_2218 = tpu.memref_slice %arg2[%dma_start3A_2216, %dma_start3A_2217] : memref<10240x64xf32, #tpu.memory_space<hbm>> -> memref<10240x64xf32, #tpu.memory_space<hbm>>
      tpu.enqueue_indirect_dma source(%dma_start3A_2218 : memref<10240x64xf32, #tpu.memory_space<hbm>>) target(%arg11 : memref<80x64xf32, #tpu.memory_space<vmem>>) offsets(%dma_start3A_2215 : memref<80xi32, #tpu.memory_space<vmem>>) semaphore(%arg20 : memref<!tpu.dma_semaphore, #tpu.memory_space<semaphore_mem>>)
      %add3A_2219 = arith.constant 4 : i32
      %add3A_2220 = arith.addi %mul3A_1702, %add3A_2219 : i32
      %dma_wait3A_2221 = arith.constant 4 : i32
      %dma_wait3A_2222 = arith.constant 0 : i32
      %dma_wait3A_2223 = tpu.memref_slice %arg6[%dma_wait3A_2221, %dma_wait3A_2222] : memref<8x80xi32, #tpu.memory_space<vmem>> -> memref<1x80xi32, #tpu.memory_space<vmem>>
      %dma_wait3A_2224 = tpu.memref_squeeze %dma_wait3A_2223 : memref<1x80xi32, #tpu.memory_space<vmem>> -> memref<80xi32, #tpu.memory_space<vmem>>
      %dma_wait3A_2225 = arith.constant 0 : i32
      %dma_wait3A_2226 = arith.constant 0 : i32
      %dma_wait3A_2227 = tpu.memref_slice %arg2[%dma_wait3A_2225, %dma_wait3A_2226] : memref<10240x64xf32, #tpu.memory_space<hbm>> -> memref<10240x64xf32, #tpu.memory_space<hbm>>
      tpu.wait_indirect_dma semaphore(%arg21 : memref<!tpu.dma_semaphore, #tpu.memory_space<semaphore_mem>>) src(%dma_wait3A_2227 : memref<10240x64xf32, #tpu.memory_space<hbm>>) dst(%arg12 : memref<80x64xf32, #tpu.memory_space<vmem>>)
      %run_scoped3A_2228 = arith.constant 4 : i32
      "tpu.region"() ({
        %run_scoped3A_2735 = tpu.sem_alloc : memref<!tpu.dma_semaphore, #tpu.memory_space<semaphore_mem>>
        %dma_start3A_2736 = arith.constant 0 : i32
        %dma_start3A_2737 = tpu.memref_slice %arg7[%run_scoped3A_2228, %dma_start3A_2736] : memref<8x80xi32, #tpu.memory_space<vmem>> -> memref<1x80xi32, #tpu.memory_space<vmem>>
        %dma_start3A_2738 = tpu.memref_squeeze %dma_start3A_2737 : memref<1x80xi32, #tpu.memory_space<vmem>> -> memref<80xi32, #tpu.memory_space<vmem>>
        %dma_start3A_2739 = arith.constant 0 : i32
        %dma_start3A_2740 = arith.constant 0 : i32
        %dma_start3A_2741 = tpu.memref_slice %arg16[%dma_start3A_2739, %dma_start3A_2740] : memref<10240x64xf32, #tpu.memory_space<vmem_shared>> -> memref<10240x64xf32, #tpu.memory_space<vmem_shared>>
        tpu.enqueue_indirect_dma source(%arg12 : memref<80x64xf32, #tpu.memory_space<vmem>>) target(%dma_start3A_2741 : memref<10240x64xf32, #tpu.memory_space<vmem_shared>>) offsets(%dma_start3A_2738 : memref<80xi32, #tpu.memory_space<vmem>>) semaphore(%run_scoped3A_2735 : memref<!tpu.dma_semaphore, #tpu.memory_space<semaphore_mem>>) {add = true}
        %dma_wait3A_2742 = arith.constant 0 : i32
        %dma_wait3A_2743 = tpu.memref_slice %arg7[%run_scoped3A_2228, %dma_wait3A_2742] : memref<8x80xi32, #tpu.memory_space<vmem>> -> memref<1x80xi32, #tpu.memory_space<vmem>>
        %dma_wait3A_2744 = tpu.memref_squeeze %dma_wait3A_2743 : memref<1x80xi32, #tpu.memory_space<vmem>> -> memref<80xi32, #tpu.memory_space<vmem>>
        %dma_wait3A_2745 = arith.constant 0 : i32
        %dma_wait3A_2746 = arith.constant 0 : i32
        %dma_wait3A_2747 = tpu.memref_slice %arg16[%dma_wait3A_2745, %dma_wait3A_2746] : memref<10240x64xf32, #tpu.memory_space<vmem_shared>> -> memref<10240x64xf32, #tpu.memory_space<vmem_shared>>
        tpu.wait_indirect_dma semaphore(%run_scoped3A_2735 : memref<!tpu.dma_semaphore, #tpu.memory_space<semaphore_mem>>) src(%arg12 : memref<80x64xf32, #tpu.memory_space<vmem>>) dst(%dma_wait3A_2747 : memref<10240x64xf32, #tpu.memory_space<vmem_shared>>)
        tpu.yield
      }) : () -> ()
      %add3A_2229 = arith.constant 8 : i32
      %add3A_2230 = arith.addi %add3A_2220, %add3A_2229 : i32
      %get3A_2231 = arith.index_cast %add3A_2230 : i32 to index
      %get3A_2232 = arith.constant 0 : index
      %get3A_2233 = tpu.vector_load %arg5[%get3A_2231, %get3A_2232] {strides = array<i32>} : memref<125x80xi32, #tpu.memory_space<vmem>>, vector<1x16xi32>,
      %get3A_2234 = vector.shape_cast %get3A_2233 : vector<1x16xi32> to vector<16xi32>
      %and3A_2235 = arith.constant 65535 : i32
      %and3A_2236 = vector.broadcast %and3A_2235 : i32 to vector<16xi32>
      %and3A_2237 = arith.andi %get3A_2234, %and3A_2236 : vector<16xi32>
      %swap3A_2238 = arith.constant 4 : i32
      %swap3A_2239 = arith.index_cast %swap3A_2238 : i32 to index
      %swap3A_2240 = arith.constant 0 : index
      %swap3A_2241 = tpu.vector_load %arg6[%swap3A_2239, %swap3A_2240] {strides = array<i32>} : memref<8x80xi32, #tpu.memory_space<vmem>>, vector<1x16xi32>,
      %swap3A_2242 = vector.shape_cast %swap3A_2241 : vector<1x16xi32> to vector<16xi32>
      %swap3A_2243 = vector.shape_cast %and3A_2237 : vector<16xi32> to vector<1x16xi32>
      tpu.vector_store %arg6[%swap3A_2239, %swap3A_2240], %swap3A_2243 {strides = array<i32>} : memref<8x80xi32, #tpu.memory_space<vmem>>, vector<1x16xi32>,
      %shift_right_logical3A_2244 = arith.constant 16 : i32
      %shift_right_logical3A_2245 = vector.broadcast %shift_right_logical3A_2244 : i32 to vector<16xi32>
      %shift_right_logical3A_2246 = arith.shrui %get3A_2234, %shift_right_logical3A_2245 : vector<16xi32>
      %swap3A_2247 = arith.constant 4 : i32
      %swap3A_2248 = arith.index_cast %swap3A_2247 : i32 to index
      %swap3A_2249 = arith.constant 0 : index
      %swap3A_2250 = tpu.vector_load %arg7[%swap3A_2248, %swap3A_2249] {strides = array<i32>} : memref<8x80xi32, #tpu.memory_space<vmem>>, vector<1x16xi32>,
      %swap3A_2251 = vector.shape_cast %swap3A_2250 : vector<1x16xi32> to vector<16xi32>
      %swap3A_2252 = vector.shape_cast %shift_right_logical3A_2246 : vector<16xi32> to vector<1x16xi32>
      tpu.vector_store %arg7[%swap3A_2248, %swap3A_2249], %swap3A_2252 {strides = array<i32>} : memref<8x80xi32, #tpu.memory_space<vmem>>, vector<1x16xi32>,
      %get3A_2253 = arith.index_cast %add3A_2230 : i32 to index
      %get3A_2254 = arith.constant 16 : index
      %get3A_2255 = tpu.vector_load %arg5[%get3A_2253, %get3A_2254] {strides = array<i32>} : memref<125x80xi32, #tpu.memory_space<vmem>>, vector<1x16xi32>,
      %get3A_2256 = vector.shape_cast %get3A_2255 : vector<1x16xi32> to vector<16xi32>
      %and3A_2257 = arith.constant 65535 : i32
      %and3A_2258 = vector.broadcast %and3A_2257 : i32 to vector<16xi32>
      %and3A_2259 = arith.andi %get3A_2256, %and3A_2258 : vector<16xi32>
      %swap3A_2260 = arith.constant 4 : i32
      %swap3A_2261 = arith.index_cast %swap3A_2260 : i32 to index
      %swap3A_2262 = arith.constant 16 : index
      %swap3A_2263 = tpu.vector_load %arg6[%swap3A_2261, %swap3A_2262] {strides = array<i32>} : memref<8x80xi32, #tpu.memory_space<vmem>>, vector<1x16xi32>,
      %swap3A_2264 = vector.shape_cast %swap3A_2263 : vector<1x16xi32> to vector<16xi32>
      %swap3A_2265 = vector.shape_cast %and3A_2259 : vector<16xi32> to vector<1x16xi32>
      tpu.vector_store %arg6[%swap3A_2261, %swap3A_2262], %swap3A_2265 {strides = array<i32>} : memref<8x80xi32, #tpu.memory_space<vmem>>, vector<1x16xi32>,
      %shift_right_logical3A_2266 = arith.constant 16 : i32
      %shift_right_logical3A_2267 = vector.broadcast %shift_right_logical3A_2266 : i32 to vector<16xi32>
      %shift_right_logical3A_2268 = arith.shrui %get3A_2256, %shift_right_logical3A_2267 : vector<16xi32>
      %swap3A_2269 = arith.constant 4 : i32
      %swap3A_2270 = arith.index_cast %swap3A_2269 : i32 to index
      %swap3A_2271 = arith.constant 16 : index
      %swap3A_2272 = tpu.vector_load %arg7[%swap3A_2270, %swap3A_2271] {strides = array<i32>} : memref<8x80xi32, #tpu.memory_space<vmem>>, vector<1x16xi32>,
      %swap3A_2273 = vector.shape_cast %swap3A_2272 : vector<1x16xi32> to vector<16xi32>
      %swap3A_2274 = vector.shape_cast %shift_right_logical3A_2268 : vector<16xi32> to vector<1x16xi32>
      tpu.vector_store %arg7[%swap3A_2270, %swap3A_2271], %swap3A_2274 {strides = array<i32>} : memref<8x80xi32, #tpu.memory_space<vmem>>, vector<1x16xi32>,
      %get3A_2275 = arith.index_cast %add3A_2230 : i32 to index
      %get3A_2276 = arith.constant 32 : index
      %get3A_2277 = tpu.vector_load %arg5[%get3A_2275, %get3A_2276] {strides = array<i32>} : memref<125x80xi32, #tpu.memory_space<vmem>>, vector<1x16xi32>,
      %get3A_2278 = vector.shape_cast %get3A_2277 : vector<1x16xi32> to vector<16xi32>
      %and3A_2279 = arith.constant 65535 : i32
      %and3A_2280 = vector.broadcast %and3A_2279 : i32 to vector<16xi32>
      %and3A_2281 = arith.andi %get3A_2278, %and3A_2280 : vector<16xi32>
      %swap3A_2282 = arith.constant 4 : i32
      %swap3A_2283 = arith.index_cast %swap3A_2282 : i32 to index
      %swap3A_2284 = arith.constant 32 : index
      %swap3A_2285 = tpu.vector_load %arg6[%swap3A_2283, %swap3A_2284] {strides = array<i32>} : memref<8x80xi32, #tpu.memory_space<vmem>>, vector<1x16xi32>,
      %swap3A_2286 = vector.shape_cast %swap3A_2285 : vector<1x16xi32> to vector<16xi32>
      %swap3A_2287 = vector.shape_cast %and3A_2281 : vector<16xi32> to vector<1x16xi32>
      tpu.vector_store %arg6[%swap3A_2283, %swap3A_2284], %swap3A_2287 {strides = array<i32>} : memref<8x80xi32, #tpu.memory_space<vmem>>, vector<1x16xi32>,
      %shift_right_logical3A_2288 = arith.constant 16 : i32
      %shift_right_logical3A_2289 = vector.broadcast %shift_right_logical3A_2288 : i32 to vector<16xi32>
      %shift_right_logical3A_2290 = arith.shrui %get3A_2278, %shift_right_logical3A_2289 : vector<16xi32>
      %swap3A_2291 = arith.constant 4 : i32
      %swap3A_2292 = arith.index_cast %swap3A_2291 : i32 to index
      %swap3A_2293 = arith.constant 32 : index
      %swap3A_2294 = tpu.vector_load %arg7[%swap3A_2292, %swap3A_2293] {strides = array<i32>} : memref<8x80xi32, #tpu.memory_space<vmem>>, vector<1x16xi32>,
      %swap3A_2295 = vector.shape_cast %swap3A_2294 : vector<1x16xi32> to vector<16xi32>
      %swap3A_2296 = vector.shape_cast %shift_right_logical3A_2290 : vector<16xi32> to vector<1x16xi32>
      tpu.vector_store %arg7[%swap3A_2292, %swap3A_2293], %swap3A_2296 {strides = array<i32>} : memref<8x80xi32, #tpu.memory_space<vmem>>, vector<1x16xi32>,
      %get3A_2297 = arith.index_cast %add3A_2230 : i32 to index
      %get3A_2298 = arith.constant 48 : index
      %get3A_2299 = tpu.vector_load %arg5[%get3A_2297, %get3A_2298] {strides = array<i32>} : memref<125x80xi32, #tpu.memory_space<vmem>>, vector<1x16xi32>,
      %get3A_2300 = vector.shape_cast %get3A_2299 : vector<1x16xi32> to vector<16xi32>
      %and3A_2301 = arith.constant 65535 : i32
      %and3A_2302 = vector.broadcast %and3A_2301 : i32 to vector<16xi32>
      %and3A_2303 = arith.andi %get3A_2300, %and3A_2302 : vector<16xi32>
      %swap3A_2304 = arith.constant 4 : i32
      %swap3A_2305 = arith.index_cast %swap3A_2304 : i32 to index
      %swap3A_2306 = arith.constant 48 : index
      %swap3A_2307 = tpu.vector_load %arg6[%swap3A_2305, %swap3A_2306] {strides = array<i32>} : memref<8x80xi32, #tpu.memory_space<vmem>>, vector<1x16xi32>,
      %swap3A_2308 = vector.shape_cast %swap3A_2307 : vector<1x16xi32> to vector<16xi32>
      %swap3A_2309 = vector.shape_cast %and3A_2303 : vector<16xi32> to vector<1x16xi32>
      tpu.vector_store %arg6[%swap3A_2305, %swap3A_2306], %swap3A_2309 {strides = array<i32>} : memref<8x80xi32, #tpu.memory_space<vmem>>, vector<1x16xi32>,
      %shift_right_logical3A_2310 = arith.constant 16 : i32
      %shift_right_logical3A_2311 = vector.broadcast %shift_right_logical3A_2310 : i32 to vector<16xi32>
      %shift_right_logical3A_2312 = arith.shrui %get3A_2300, %shift_right_logical3A_2311 : vector<16xi32>
      %swap3A_2313 = arith.constant 4 : i32
      %swap3A_2314 = arith.index_cast %swap3A_2313 : i32 to index
      %swap3A_2315 = arith.constant 48 : index
      %swap3A_2316 = tpu.vector_load %arg7[%swap3A_2314, %swap3A_2315] {strides = array<i32>} : memref<8x80xi32, #tpu.memory_space<vmem>>, vector<1x16xi32>,
      %swap3A_2317 = vector.shape_cast %swap3A_2316 : vector<1x16xi32> to vector<16xi32>
      %swap3A_2318 = vector.shape_cast %shift_right_logical3A_2312 : vector<16xi32> to vector<1x16xi32>
      tpu.vector_store %arg7[%swap3A_2314, %swap3A_2315], %swap3A_2318 {strides = array<i32>} : memref<8x80xi32, #tpu.memory_space<vmem>>, vector<1x16xi32>,
      %get3A_2319 = arith.index_cast %add3A_2230 : i32 to index
      %get3A_2320 = arith.constant 64 : index
      %get3A_2321 = tpu.vector_load %arg5[%get3A_2319, %get3A_2320] {strides = array<i32>} : memref<125x80xi32, #tpu.memory_space<vmem>>, vector<1x16xi32>,
      %get3A_2322 = vector.shape_cast %get3A_2321 : vector<1x16xi32> to vector<16xi32>
      %and3A_2323 = arith.constant 65535 : i32
      %and3A_2324 = vector.broadcast %and3A_2323 : i32 to vector<16xi32>
      %and3A_2325 = arith.andi %get3A_2322, %and3A_2324 : vector<16xi32>
      %swap3A_2326 = arith.constant 4 : i32
      %swap3A_2327 = arith.index_cast %swap3A_2326 : i32 to index
      %swap3A_2328 = arith.constant 64 : index
      %swap3A_2329 = tpu.vector_load %arg6[%swap3A_2327, %swap3A_2328] {strides = array<i32>} : memref<8x80xi32, #tpu.memory_space<vmem>>, vector<1x16xi32>,
      %swap3A_2330 = vector.shape_cast %swap3A_2329 : vector<1x16xi32> to vector<16xi32>
      %swap3A_2331 = vector.shape_cast %and3A_2325 : vector<16xi32> to vector<1x16xi32>
      tpu.vector_store %arg6[%swap3A_2327, %swap3A_2328], %swap3A_2331 {strides = array<i32>} : memref<8x80xi32, #tpu.memory_space<vmem>>, vector<1x16xi32>,
      %shift_right_logical3A_2332 = arith.constant 16 : i32
      %shift_right_logical3A_2333 = vector.broadcast %shift_right_logical3A_2332 : i32 to vector<16xi32>
      %shift_right_logical3A_2334 = arith.shrui %get3A_2322, %shift_right_logical3A_2333 : vector<16xi32>
      %swap3A_2335 = arith.constant 4 : i32
      %swap3A_2336 = arith.index_cast %swap3A_2335 : i32 to index
      %swap3A_2337 = arith.constant 64 : index
      %swap3A_2338 = tpu.vector_load %arg7[%swap3A_2336, %swap3A_2337] {strides = array<i32>} : memref<8x80xi32, #tpu.memory_space<vmem>>, vector<1x16xi32>,
      %swap3A_2339 = vector.shape_cast %swap3A_2338 : vector<1x16xi32> to vector<16xi32>
      %swap3A_2340 = vector.shape_cast %shift_right_logical3A_2334 : vector<16xi32> to vector<1x16xi32>
      tpu.vector_store %arg7[%swap3A_2336, %swap3A_2337], %swap3A_2340 {strides = array<i32>} : memref<8x80xi32, #tpu.memory_space<vmem>>, vector<1x16xi32>,
      %dma_start3A_2341 = arith.constant 4 : i32
      %dma_start3A_2342 = arith.constant 0 : i32
      %dma_start3A_2343 = tpu.memref_slice %arg6[%dma_start3A_2341, %dma_start3A_2342] : memref<8x80xi32, #tpu.memory_space<vmem>> -> memref<1x80xi32, #tpu.memory_space<vmem>>
      %dma_start3A_2344 = tpu.memref_squeeze %dma_start3A_2343 : memref<1x80xi32, #tpu.memory_space<vmem>> -> memref<80xi32, #tpu.memory_space<vmem>>
      %dma_start3A_2345 = arith.constant 0 : i32
      %dma_start3A_2346 = arith.constant 0 : i32
      %dma_start3A_2347 = tpu.memref_slice %arg2[%dma_start3A_2345, %dma_start3A_2346] : memref<10240x64xf32, #tpu.memory_space<hbm>> -> memref<10240x64xf32, #tpu.memory_space<hbm>>
      tpu.enqueue_indirect_dma source(%dma_start3A_2347 : memref<10240x64xf32, #tpu.memory_space<hbm>>) target(%arg12 : memref<80x64xf32, #tpu.memory_space<vmem>>) offsets(%dma_start3A_2344 : memref<80xi32, #tpu.memory_space<vmem>>) semaphore(%arg21 : memref<!tpu.dma_semaphore, #tpu.memory_space<semaphore_mem>>)
      %add3A_2348 = arith.constant 5 : i32
      %add3A_2349 = arith.addi %mul3A_1702, %add3A_2348 : i32
      %dma_wait3A_2350 = arith.constant 5 : i32
      %dma_wait3A_2351 = arith.constant 0 : i32
      %dma_wait3A_2352 = tpu.memref_slice %arg6[%dma_wait3A_2350, %dma_wait3A_2351] : memref<8x80xi32, #tpu.memory_space<vmem>> -> memref<1x80xi32, #tpu.memory_space<vmem>>
      %dma_wait3A_2353 = tpu.memref_squeeze %dma_wait3A_2352 : memref<1x80xi32, #tpu.memory_space<vmem>> -> memref<80xi32, #tpu.memory_space<vmem>>
      %dma_wait3A_2354 = arith.constant 0 : i32
      %dma_wait3A_2355 = arith.constant 0 : i32
      %dma_wait3A_2356 = tpu.memref_slice %arg2[%dma_wait3A_2354, %dma_wait3A_2355] : memref<10240x64xf32, #tpu.memory_space<hbm>> -> memref<10240x64xf32, #tpu.memory_space<hbm>>
      tpu.wait_indirect_dma semaphore(%arg22 : memref<!tpu.dma_semaphore, #tpu.memory_space<semaphore_mem>>) src(%dma_wait3A_2356 : memref<10240x64xf32, #tpu.memory_space<hbm>>) dst(%arg13 : memref<80x64xf32, #tpu.memory_space<vmem>>)
      %run_scoped3A_2357 = arith.constant 5 : i32
      "tpu.region"() ({
        %run_scoped3A_2735 = tpu.sem_alloc : memref<!tpu.dma_semaphore, #tpu.memory_space<semaphore_mem>>
        %dma_start3A_2736 = arith.constant 0 : i32
        %dma_start3A_2737 = tpu.memref_slice %arg7[%run_scoped3A_2357, %dma_start3A_2736] : memref<8x80xi32, #tpu.memory_space<vmem>> -> memref<1x80xi32, #tpu.memory_space<vmem>>
        %dma_start3A_2738 = tpu.memref_squeeze %dma_start3A_2737 : memref<1x80xi32, #tpu.memory_space<vmem>> -> memref<80xi32, #tpu.memory_space<vmem>>
        %dma_start3A_2739 = arith.constant 0 : i32
        %dma_start3A_2740 = arith.constant 0 : i32
        %dma_start3A_2741 = tpu.memref_slice %arg16[%dma_start3A_2739, %dma_start3A_2740] : memref<10240x64xf32, #tpu.memory_space<vmem_shared>> -> memref<10240x64xf32, #tpu.memory_space<vmem_shared>>
        tpu.enqueue_indirect_dma source(%arg13 : memref<80x64xf32, #tpu.memory_space<vmem>>) target(%dma_start3A_2741 : memref<10240x64xf32, #tpu.memory_space<vmem_shared>>) offsets(%dma_start3A_2738 : memref<80xi32, #tpu.memory_space<vmem>>) semaphore(%run_scoped3A_2735 : memref<!tpu.dma_semaphore, #tpu.memory_space<semaphore_mem>>) {add = true}
        %dma_wait3A_2742 = arith.constant 0 : i32
        %dma_wait3A_2743 = tpu.memref_slice %arg7[%run_scoped3A_2357, %dma_wait3A_2742] : memref<8x80xi32, #tpu.memory_space<vmem>> -> memref<1x80xi32, #tpu.memory_space<vmem>>
        %dma_wait3A_2744 = tpu.memref_squeeze %dma_wait3A_2743 : memref<1x80xi32, #tpu.memory_space<vmem>> -> memref<80xi32, #tpu.memory_space<vmem>>
        %dma_wait3A_2745 = arith.constant 0 : i32
        %dma_wait3A_2746 = arith.constant 0 : i32
        %dma_wait3A_2747 = tpu.memref_slice %arg16[%dma_wait3A_2745, %dma_wait3A_2746] : memref<10240x64xf32, #tpu.memory_space<vmem_shared>> -> memref<10240x64xf32, #tpu.memory_space<vmem_shared>>
        tpu.wait_indirect_dma semaphore(%run_scoped3A_2735 : memref<!tpu.dma_semaphore, #tpu.memory_space<semaphore_mem>>) src(%arg13 : memref<80x64xf32, #tpu.memory_space<vmem>>) dst(%dma_wait3A_2747 : memref<10240x64xf32, #tpu.memory_space<vmem_shared>>)
        tpu.yield
      }) : () -> ()
      %add3A_2358 = arith.constant 8 : i32
      %add3A_2359 = arith.addi %add3A_2349, %add3A_2358 : i32
      %get3A_2360 = arith.index_cast %add3A_2359 : i32 to index
      %get3A_2361 = arith.constant 0 : index
      %get3A_2362 = tpu.vector_load %arg5[%get3A_2360, %get3A_2361] {strides = array<i32>} : memref<125x80xi32, #tpu.memory_space<vmem>>, vector<1x16xi32>,
      %get3A_2363 = vector.shape_cast %get3A_2362 : vector<1x16xi32> to vector<16xi32>
      %and3A_2364 = arith.constant 65535 : i32
      %and3A_2365 = vector.broadcast %and3A_2364 : i32 to vector<16xi32>
      %and3A_2366 = arith.andi %get3A_2363, %and3A_2365 : vector<16xi32>
      %swap3A_2367 = arith.constant 5 : i32
      %swap3A_2368 = arith.index_cast %swap3A_2367 : i32 to index
      %swap3A_2369 = arith.constant 0 : index
      %swap3A_2370 = tpu.vector_load %arg6[%swap3A_2368, %swap3A_2369] {strides = array<i32>} : memref<8x80xi32, #tpu.memory_space<vmem>>, vector<1x16xi32>,
      %swap3A_2371 = vector.shape_cast %swap3A_2370 : vector<1x16xi32> to vector<16xi32>
      %swap3A_2372 = vector.shape_cast %and3A_2366 : vector<16xi32> to vector<1x16xi32>
      tpu.vector_store %arg6[%swap3A_2368, %swap3A_2369], %swap3A_2372 {strides = array<i32>} : memref<8x80xi32, #tpu.memory_space<vmem>>, vector<1x16xi32>,
      %shift_right_logical3A_2373 = arith.constant 16 : i32
      %shift_right_logical3A_2374 = vector.broadcast %shift_right_logical3A_2373 : i32 to vector<16xi32>
      %shift_right_logical3A_2375 = arith.shrui %get3A_2363, %shift_right_logical3A_2374 : vector<16xi32>
      %swap3A_2376 = arith.constant 5 : i32
      %swap3A_2377 = arith.index_cast %swap3A_2376 : i32 to index
      %swap3A_2378 = arith.constant 0 : index
      %swap3A_2379 = tpu.vector_load %arg7[%swap3A_2377, %swap3A_2378] {strides = array<i32>} : memref<8x80xi32, #tpu.memory_space<vmem>>, vector<1x16xi32>,
      %swap3A_2380 = vector.shape_cast %swap3A_2379 : vector<1x16xi32> to vector<16xi32>
      %swap3A_2381 = vector.shape_cast %shift_right_logical3A_2375 : vector<16xi32> to vector<1x16xi32>
      tpu.vector_store %arg7[%swap3A_2377, %swap3A_2378], %swap3A_2381 {strides = array<i32>} : memref<8x80xi32, #tpu.memory_space<vmem>>, vector<1x16xi32>,
      %get3A_2382 = arith.index_cast %add3A_2359 : i32 to index
      %get3A_2383 = arith.constant 16 : index
      %get3A_2384 = tpu.vector_load %arg5[%get3A_2382, %get3A_2383] {strides = array<i32>} : memref<125x80xi32, #tpu.memory_space<vmem>>, vector<1x16xi32>,
      %get3A_2385 = vector.shape_cast %get3A_2384 : vector<1x16xi32> to vector<16xi32>
      %and3A_2386 = arith.constant 65535 : i32
      %and3A_2387 = vector.broadcast %and3A_2386 : i32 to vector<16xi32>
      %and3A_2388 = arith.andi %get3A_2385, %and3A_2387 : vector<16xi32>
      %swap3A_2389 = arith.constant 5 : i32
      %swap3A_2390 = arith.index_cast %swap3A_2389 : i32 to index
      %swap3A_2391 = arith.constant 16 : index
      %swap3A_2392 = tpu.vector_load %arg6[%swap3A_2390, %swap3A_2391] {strides = array<i32>} : memref<8x80xi32, #tpu.memory_space<vmem>>, vector<1x16xi32>,
      %swap3A_2393 = vector.shape_cast %swap3A_2392 : vector<1x16xi32> to vector<16xi32>
      %swap3A_2394 = vector.shape_cast %and3A_2388 : vector<16xi32> to vector<1x16xi32>
      tpu.vector_store %arg6[%swap3A_2390, %swap3A_2391], %swap3A_2394 {strides = array<i32>} : memref<8x80xi32, #tpu.memory_space<vmem>>, vector<1x16xi32>,
      %shift_right_logical3A_2395 = arith.constant 16 : i32
      %shift_right_logical3A_2396 = vector.broadcast %shift_right_logical3A_2395 : i32 to vector<16xi32>
      %shift_right_logical3A_2397 = arith.shrui %get3A_2385, %shift_right_logical3A_2396 : vector<16xi32>
      %swap3A_2398 = arith.constant 5 : i32
      %swap3A_2399 = arith.index_cast %swap3A_2398 : i32 to index
      %swap3A_2400 = arith.constant 16 : index
      %swap3A_2401 = tpu.vector_load %arg7[%swap3A_2399, %swap3A_2400] {strides = array<i32>} : memref<8x80xi32, #tpu.memory_space<vmem>>, vector<1x16xi32>,
      %swap3A_2402 = vector.shape_cast %swap3A_2401 : vector<1x16xi32> to vector<16xi32>
      %swap3A_2403 = vector.shape_cast %shift_right_logical3A_2397 : vector<16xi32> to vector<1x16xi32>
      tpu.vector_store %arg7[%swap3A_2399, %swap3A_2400], %swap3A_2403 {strides = array<i32>} : memref<8x80xi32, #tpu.memory_space<vmem>>, vector<1x16xi32>,
      %get3A_2404 = arith.index_cast %add3A_2359 : i32 to index
      %get3A_2405 = arith.constant 32 : index
      %get3A_2406 = tpu.vector_load %arg5[%get3A_2404, %get3A_2405] {strides = array<i32>} : memref<125x80xi32, #tpu.memory_space<vmem>>, vector<1x16xi32>,
      %get3A_2407 = vector.shape_cast %get3A_2406 : vector<1x16xi32> to vector<16xi32>
      %and3A_2408 = arith.constant 65535 : i32
      %and3A_2409 = vector.broadcast %and3A_2408 : i32 to vector<16xi32>
      %and3A_2410 = arith.andi %get3A_2407, %and3A_2409 : vector<16xi32>
      %swap3A_2411 = arith.constant 5 : i32
      %swap3A_2412 = arith.index_cast %swap3A_2411 : i32 to index
      %swap3A_2413 = arith.constant 32 : index
      %swap3A_2414 = tpu.vector_load %arg6[%swap3A_2412, %swap3A_2413] {strides = array<i32>} : memref<8x80xi32, #tpu.memory_space<vmem>>, vector<1x16xi32>,
      %swap3A_2415 = vector.shape_cast %swap3A_2414 : vector<1x16xi32> to vector<16xi32>
      %swap3A_2416 = vector.shape_cast %and3A_2410 : vector<16xi32> to vector<1x16xi32>
      tpu.vector_store %arg6[%swap3A_2412, %swap3A_2413], %swap3A_2416 {strides = array<i32>} : memref<8x80xi32, #tpu.memory_space<vmem>>, vector<1x16xi32>,
      %shift_right_logical3A_2417 = arith.constant 16 : i32
      %shift_right_logical3A_2418 = vector.broadcast %shift_right_logical3A_2417 : i32 to vector<16xi32>
      %shift_right_logical3A_2419 = arith.shrui %get3A_2407, %shift_right_logical3A_2418 : vector<16xi32>
      %swap3A_2420 = arith.constant 5 : i32
      %swap3A_2421 = arith.index_cast %swap3A_2420 : i32 to index
      %swap3A_2422 = arith.constant 32 : index
      %swap3A_2423 = tpu.vector_load %arg7[%swap3A_2421, %swap3A_2422] {strides = array<i32>} : memref<8x80xi32, #tpu.memory_space<vmem>>, vector<1x16xi32>,
      %swap3A_2424 = vector.shape_cast %swap3A_2423 : vector<1x16xi32> to vector<16xi32>
      %swap3A_2425 = vector.shape_cast %shift_right_logical3A_2419 : vector<16xi32> to vector<1x16xi32>
      tpu.vector_store %arg7[%swap3A_2421, %swap3A_2422], %swap3A_2425 {strides = array<i32>} : memref<8x80xi32, #tpu.memory_space<vmem>>, vector<1x16xi32>,
      %get3A_2426 = arith.index_cast %add3A_2359 : i32 to index
      %get3A_2427 = arith.constant 48 : index
      %get3A_2428 = tpu.vector_load %arg5[%get3A_2426, %get3A_2427] {strides = array<i32>} : memref<125x80xi32, #tpu.memory_space<vmem>>, vector<1x16xi32>,
      %get3A_2429 = vector.shape_cast %get3A_2428 : vector<1x16xi32> to vector<16xi32>
      %and3A_2430 = arith.constant 65535 : i32
      %and3A_2431 = vector.broadcast %and3A_2430 : i32 to vector<16xi32>
      %and3A_2432 = arith.andi %get3A_2429, %and3A_2431 : vector<16xi32>
      %swap3A_2433 = arith.constant 5 : i32
      %swap3A_2434 = arith.index_cast %swap3A_2433 : i32 to index
      %swap3A_2435 = arith.constant 48 : index
      %swap3A_2436 = tpu.vector_load %arg6[%swap3A_2434, %swap3A_2435] {strides = array<i32>} : memref<8x80xi32, #tpu.memory_space<vmem>>, vector<1x16xi32>,
      %swap3A_2437 = vector.shape_cast %swap3A_2436 : vector<1x16xi32> to vector<16xi32>
      %swap3A_2438 = vector.shape_cast %and3A_2432 : vector<16xi32> to vector<1x16xi32>
      tpu.vector_store %arg6[%swap3A_2434, %swap3A_2435], %swap3A_2438 {strides = array<i32>} : memref<8x80xi32, #tpu.memory_space<vmem>>, vector<1x16xi32>,
      %shift_right_logical3A_2439 = arith.constant 16 : i32
      %shift_right_logical3A_2440 = vector.broadcast %shift_right_logical3A_2439 : i32 to vector<16xi32>
      %shift_right_logical3A_2441 = arith.shrui %get3A_2429, %shift_right_logical3A_2440 : vector<16xi32>
      %swap3A_2442 = arith.constant 5 : i32
      %swap3A_2443 = arith.index_cast %swap3A_2442 : i32 to index
      %swap3A_2444 = arith.constant 48 : index
      %swap3A_2445 = tpu.vector_load %arg7[%swap3A_2443, %swap3A_2444] {strides = array<i32>} : memref<8x80xi32, #tpu.memory_space<vmem>>, vector<1x16xi32>,
      %swap3A_2446 = vector.shape_cast %swap3A_2445 : vector<1x16xi32> to vector<16xi32>
      %swap3A_2447 = vector.shape_cast %shift_right_logical3A_2441 : vector<16xi32> to vector<1x16xi32>
      tpu.vector_store %arg7[%swap3A_2443, %swap3A_2444], %swap3A_2447 {strides = array<i32>} : memref<8x80xi32, #tpu.memory_space<vmem>>, vector<1x16xi32>,
      %get3A_2448 = arith.index_cast %add3A_2359 : i32 to index
      %get3A_2449 = arith.constant 64 : index
      %get3A_2450 = tpu.vector_load %arg5[%get3A_2448, %get3A_2449] {strides = array<i32>} : memref<125x80xi32, #tpu.memory_space<vmem>>, vector<1x16xi32>,
      %get3A_2451 = vector.shape_cast %get3A_2450 : vector<1x16xi32> to vector<16xi32>
      %and3A_2452 = arith.constant 65535 : i32
      %and3A_2453 = vector.broadcast %and3A_2452 : i32 to vector<16xi32>
      %and3A_2454 = arith.andi %get3A_2451, %and3A_2453 : vector<16xi32>
      %swap3A_2455 = arith.constant 5 : i32
      %swap3A_2456 = arith.index_cast %swap3A_2455 : i32 to index
      %swap3A_2457 = arith.constant 64 : index
      %swap3A_2458 = tpu.vector_load %arg6[%swap3A_2456, %swap3A_2457] {strides = array<i32>} : memref<8x80xi32, #tpu.memory_space<vmem>>, vector<1x16xi32>,
      %swap3A_2459 = vector.shape_cast %swap3A_2458 : vector<1x16xi32> to vector<16xi32>
      %swap3A_2460 = vector.shape_cast %and3A_2454 : vector<16xi32> to vector<1x16xi32>
      tpu.vector_store %arg6[%swap3A_2456, %swap3A_2457], %swap3A_2460 {strides = array<i32>} : memref<8x80xi32, #tpu.memory_space<vmem>>, vector<1x16xi32>,
      %shift_right_logical3A_2461 = arith.constant 16 : i32
      %shift_right_logical3A_2462 = vector.broadcast %shift_right_logical3A_2461 : i32 to vector<16xi32>
      %shift_right_logical3A_2463 = arith.shrui %get3A_2451, %shift_right_logical3A_2462 : vector<16xi32>
      %swap3A_2464 = arith.constant 5 : i32
      %swap3A_2465 = arith.index_cast %swap3A_2464 : i32 to index
      %swap3A_2466 = arith.constant 64 : index
      %swap3A_2467 = tpu.vector_load %arg7[%swap3A_2465, %swap3A_2466] {strides = array<i32>} : memref<8x80xi32, #tpu.memory_space<vmem>>, vector<1x16xi32>,
      %swap3A_2468 = vector.shape_cast %swap3A_2467 : vector<1x16xi32> to vector<16xi32>
      %swap3A_2469 = vector.shape_cast %shift_right_logical3A_2463 : vector<16xi32> to vector<1x16xi32>
      tpu.vector_store %arg7[%swap3A_2465, %swap3A_2466], %swap3A_2469 {strides = array<i32>} : memref<8x80xi32, #tpu.memory_space<vmem>>, vector<1x16xi32>,
      %dma_start3A_2470 = arith.constant 5 : i32
      %dma_start3A_2471 = arith.constant 0 : i32
      %dma_start3A_2472 = tpu.memref_slice %arg6[%dma_start3A_2470, %dma_start3A_2471] : memref<8x80xi32, #tpu.memory_space<vmem>> -> memref<1x80xi32, #tpu.memory_space<vmem>>
      %dma_start3A_2473 = tpu.memref_squeeze %dma_start3A_2472 : memref<1x80xi32, #tpu.memory_space<vmem>> -> memref<80xi32, #tpu.memory_space<vmem>>
      %dma_start3A_2474 = arith.constant 0 : i32
      %dma_start3A_2475 = arith.constant 0 : i32
      %dma_start3A_2476 = tpu.memref_slice %arg2[%dma_start3A_2474, %dma_start3A_2475] : memref<10240x64xf32, #tpu.memory_space<hbm>> -> memref<10240x64xf32, #tpu.memory_space<hbm>>
      tpu.enqueue_indirect_dma source(%dma_start3A_2476 : memref<10240x64xf32, #tpu.memory_space<hbm>>) target(%arg13 : memref<80x64xf32, #tpu.memory_space<vmem>>) offsets(%dma_start3A_2473 : memref<80xi32, #tpu.memory_space<vmem>>) semaphore(%arg22 : memref<!tpu.dma_semaphore, #tpu.memory_space<semaphore_mem>>)
      %add3A_2477 = arith.constant 6 : i32
      %add3A_2478 = arith.addi %mul3A_1702, %add3A_2477 : i32
      %dma_wait3A_2479 = arith.constant 6 : i32
      %dma_wait3A_2480 = arith.constant 0 : i32
      %dma_wait3A_2481 = tpu.memref_slice %arg6[%dma_wait3A_2479, %dma_wait3A_2480] : memref<8x80xi32, #tpu.memory_space<vmem>> -> memref<1x80xi32, #tpu.memory_space<vmem>>
      %dma_wait3A_2482 = tpu.memref_squeeze %dma_wait3A_2481 : memref<1x80xi32, #tpu.memory_space<vmem>> -> memref<80xi32, #tpu.memory_space<vmem>>
      %dma_wait3A_2483 = arith.constant 0 : i32
      %dma_wait3A_2484 = arith.constant 0 : i32
      %dma_wait3A_2485 = tpu.memref_slice %arg2[%dma_wait3A_2483, %dma_wait3A_2484] : memref<10240x64xf32, #tpu.memory_space<hbm>> -> memref<10240x64xf32, #tpu.memory_space<hbm>>
      tpu.wait_indirect_dma semaphore(%arg23 : memref<!tpu.dma_semaphore, #tpu.memory_space<semaphore_mem>>) src(%dma_wait3A_2485 : memref<10240x64xf32, #tpu.memory_space<hbm>>) dst(%arg14 : memref<80x64xf32, #tpu.memory_space<vmem>>)
      %run_scoped3A_2486 = arith.constant 6 : i32
      "tpu.region"() ({
        %run_scoped3A_2735 = tpu.sem_alloc : memref<!tpu.dma_semaphore, #tpu.memory_space<semaphore_mem>>
        %dma_start3A_2736 = arith.constant 0 : i32
        %dma_start3A_2737 = tpu.memref_slice %arg7[%run_scoped3A_2486, %dma_start3A_2736] : memref<8x80xi32, #tpu.memory_space<vmem>> -> memref<1x80xi32, #tpu.memory_space<vmem>>
        %dma_start3A_2738 = tpu.memref_squeeze %dma_start3A_2737 : memref<1x80xi32, #tpu.memory_space<vmem>> -> memref<80xi32, #tpu.memory_space<vmem>>
        %dma_start3A_2739 = arith.constant 0 : i32
        %dma_start3A_2740 = arith.constant 0 : i32
        %dma_start3A_2741 = tpu.memref_slice %arg16[%dma_start3A_2739, %dma_start3A_2740] : memref<10240x64xf32, #tpu.memory_space<vmem_shared>> -> memref<10240x64xf32, #tpu.memory_space<vmem_shared>>
        tpu.enqueue_indirect_dma source(%arg14 : memref<80x64xf32, #tpu.memory_space<vmem>>) target(%dma_start3A_2741 : memref<10240x64xf32, #tpu.memory_space<vmem_shared>>) offsets(%dma_start3A_2738 : memref<80xi32, #tpu.memory_space<vmem>>) semaphore(%run_scoped3A_2735 : memref<!tpu.dma_semaphore, #tpu.memory_space<semaphore_mem>>) {add = true}
        %dma_wait3A_2742 = arith.constant 0 : i32
        %dma_wait3A_2743 = tpu.memref_slice %arg7[%run_scoped3A_2486, %dma_wait3A_2742] : memref<8x80xi32, #tpu.memory_space<vmem>> -> memref<1x80xi32, #tpu.memory_space<vmem>>
        %dma_wait3A_2744 = tpu.memref_squeeze %dma_wait3A_2743 : memref<1x80xi32, #tpu.memory_space<vmem>> -> memref<80xi32, #tpu.memory_space<vmem>>
        %dma_wait3A_2745 = arith.constant 0 : i32
        %dma_wait3A_2746 = arith.constant 0 : i32
        %dma_wait3A_2747 = tpu.memref_slice %arg16[%dma_wait3A_2745, %dma_wait3A_2746] : memref<10240x64xf32, #tpu.memory_space<vmem_shared>> -> memref<10240x64xf32, #tpu.memory_space<vmem_shared>>
        tpu.wait_indirect_dma semaphore(%run_scoped3A_2735 : memref<!tpu.dma_semaphore, #tpu.memory_space<semaphore_mem>>) src(%arg14 : memref<80x64xf32, #tpu.memory_space<vmem>>) dst(%dma_wait3A_2747 : memref<10240x64xf32, #tpu.memory_space<vmem_shared>>)
        tpu.yield
      }) : () -> ()
      %add3A_2487 = arith.constant 8 : i32
      %add3A_2488 = arith.addi %add3A_2478, %add3A_2487 : i32
      %get3A_2489 = arith.index_cast %add3A_2488 : i32 to index
      %get3A_2490 = arith.constant 0 : index
      %get3A_2491 = tpu.vector_load %arg5[%get3A_2489, %get3A_2490] {strides = array<i32>} : memref<125x80xi32, #tpu.memory_space<vmem>>, vector<1x16xi32>,
      %get3A_2492 = vector.shape_cast %get3A_2491 : vector<1x16xi32> to vector<16xi32>
      %and3A_2493 = arith.constant 65535 : i32
      %and3A_2494 = vector.broadcast %and3A_2493 : i32 to vector<16xi32>
      %and3A_2495 = arith.andi %get3A_2492, %and3A_2494 : vector<16xi32>
      %swap3A_2496 = arith.constant 6 : i32
      %swap3A_2497 = arith.index_cast %swap3A_2496 : i32 to index
      %swap3A_2498 = arith.constant 0 : index
      %swap3A_2499 = tpu.vector_load %arg6[%swap3A_2497, %swap3A_2498] {strides = array<i32>} : memref<8x80xi32, #tpu.memory_space<vmem>>, vector<1x16xi32>,
      %swap3A_2500 = vector.shape_cast %swap3A_2499 : vector<1x16xi32> to vector<16xi32>
      %swap3A_2501 = vector.shape_cast %and3A_2495 : vector<16xi32> to vector<1x16xi32>
      tpu.vector_store %arg6[%swap3A_2497, %swap3A_2498], %swap3A_2501 {strides = array<i32>} : memref<8x80xi32, #tpu.memory_space<vmem>>, vector<1x16xi32>,
      %shift_right_logical3A_2502 = arith.constant 16 : i32
      %shift_right_logical3A_2503 = vector.broadcast %shift_right_logical3A_2502 : i32 to vector<16xi32>
      %shift_right_logical3A_2504 = arith.shrui %get3A_2492, %shift_right_logical3A_2503 : vector<16xi32>
      %swap3A_2505 = arith.constant 6 : i32
      %swap3A_2506 = arith.index_cast %swap3A_2505 : i32 to index
      %swap3A_2507 = arith.constant 0 : index
      %swap3A_2508 = tpu.vector_load %arg7[%swap3A_2506, %swap3A_2507] {strides = array<i32>} : memref<8x80xi32, #tpu.memory_space<vmem>>, vector<1x16xi32>,
      %swap3A_2509 = vector.shape_cast %swap3A_2508 : vector<1x16xi32> to vector<16xi32>
      %swap3A_2510 = vector.shape_cast %shift_right_logical3A_2504 : vector<16xi32> to vector<1x16xi32>
      tpu.vector_store %arg7[%swap3A_2506, %swap3A_2507], %swap3A_2510 {strides = array<i32>} : memref<8x80xi32, #tpu.memory_space<vmem>>, vector<1x16xi32>,
      %get3A_2511 = arith.index_cast %add3A_2488 : i32 to index
      %get3A_2512 = arith.constant 16 : index
      %get3A_2513 = tpu.vector_load %arg5[%get3A_2511, %get3A_2512] {strides = array<i32>} : memref<125x80xi32, #tpu.memory_space<vmem>>, vector<1x16xi32>,
      %get3A_2514 = vector.shape_cast %get3A_2513 : vector<1x16xi32> to vector<16xi32>
      %and3A_2515 = arith.constant 65535 : i32
      %and3A_2516 = vector.broadcast %and3A_2515 : i32 to vector<16xi32>
      %and3A_2517 = arith.andi %get3A_2514, %and3A_2516 : vector<16xi32>
      %swap3A_2518 = arith.constant 6 : i32
      %swap3A_2519 = arith.index_cast %swap3A_2518 : i32 to index
      %swap3A_2520 = arith.constant 16 : index
      %swap3A_2521 = tpu.vector_load %arg6[%swap3A_2519, %swap3A_2520] {strides = array<i32>} : memref<8x80xi32, #tpu.memory_space<vmem>>, vector<1x16xi32>,
      %swap3A_2522 = vector.shape_cast %swap3A_2521 : vector<1x16xi32> to vector<16xi32>
      %swap3A_2523 = vector.shape_cast %and3A_2517 : vector<16xi32> to vector<1x16xi32>
      tpu.vector_store %arg6[%swap3A_2519, %swap3A_2520], %swap3A_2523 {strides = array<i32>} : memref<8x80xi32, #tpu.memory_space<vmem>>, vector<1x16xi32>,
      %shift_right_logical3A_2524 = arith.constant 16 : i32
      %shift_right_logical3A_2525 = vector.broadcast %shift_right_logical3A_2524 : i32 to vector<16xi32>
      %shift_right_logical3A_2526 = arith.shrui %get3A_2514, %shift_right_logical3A_2525 : vector<16xi32>
      %swap3A_2527 = arith.constant 6 : i32
      %swap3A_2528 = arith.index_cast %swap3A_2527 : i32 to index
      %swap3A_2529 = arith.constant 16 : index
      %swap3A_2530 = tpu.vector_load %arg7[%swap3A_2528, %swap3A_2529] {strides = array<i32>} : memref<8x80xi32, #tpu.memory_space<vmem>>, vector<1x16xi32>,
      %swap3A_2531 = vector.shape_cast %swap3A_2530 : vector<1x16xi32> to vector<16xi32>
      %swap3A_2532 = vector.shape_cast %shift_right_logical3A_2526 : vector<16xi32> to vector<1x16xi32>
      tpu.vector_store %arg7[%swap3A_2528, %swap3A_2529], %swap3A_2532 {strides = array<i32>} : memref<8x80xi32, #tpu.memory_space<vmem>>, vector<1x16xi32>,
      %get3A_2533 = arith.index_cast %add3A_2488 : i32 to index
      %get3A_2534 = arith.constant 32 : index
      %get3A_2535 = tpu.vector_load %arg5[%get3A_2533, %get3A_2534] {strides = array<i32>} : memref<125x80xi32, #tpu.memory_space<vmem>>, vector<1x16xi32>,
      %get3A_2536 = vector.shape_cast %get3A_2535 : vector<1x16xi32> to vector<16xi32>
      %and3A_2537 = arith.constant 65535 : i32
      %and3A_2538 = vector.broadcast %and3A_2537 : i32 to vector<16xi32>
      %and3A_2539 = arith.andi %get3A_2536, %and3A_2538 : vector<16xi32>
      %swap3A_2540 = arith.constant 6 : i32
      %swap3A_2541 = arith.index_cast %swap3A_2540 : i32 to index
      %swap3A_2542 = arith.constant 32 : index
      %swap3A_2543 = tpu.vector_load %arg6[%swap3A_2541, %swap3A_2542] {strides = array<i32>} : memref<8x80xi32, #tpu.memory_space<vmem>>, vector<1x16xi32>,
      %swap3A_2544 = vector.shape_cast %swap3A_2543 : vector<1x16xi32> to vector<16xi32>
      %swap3A_2545 = vector.shape_cast %and3A_2539 : vector<16xi32> to vector<1x16xi32>
      tpu.vector_store %arg6[%swap3A_2541, %swap3A_2542], %swap3A_2545 {strides = array<i32>} : memref<8x80xi32, #tpu.memory_space<vmem>>, vector<1x16xi32>,
      %shift_right_logical3A_2546 = arith.constant 16 : i32
      %shift_right_logical3A_2547 = vector.broadcast %shift_right_logical3A_2546 : i32 to vector<16xi32>
      %shift_right_logical3A_2548 = arith.shrui %get3A_2536, %shift_right_logical3A_2547 : vector<16xi32>
      %swap3A_2549 = arith.constant 6 : i32
      %swap3A_2550 = arith.index_cast %swap3A_2549 : i32 to index
      %swap3A_2551 = arith.constant 32 : index
      %swap3A_2552 = tpu.vector_load %arg7[%swap3A_2550, %swap3A_2551] {strides = array<i32>} : memref<8x80xi32, #tpu.memory_space<vmem>>, vector<1x16xi32>,
      %swap3A_2553 = vector.shape_cast %swap3A_2552 : vector<1x16xi32> to vector<16xi32>
      %swap3A_2554 = vector.shape_cast %shift_right_logical3A_2548 : vector<16xi32> to vector<1x16xi32>
      tpu.vector_store %arg7[%swap3A_2550, %swap3A_2551], %swap3A_2554 {strides = array<i32>} : memref<8x80xi32, #tpu.memory_space<vmem>>, vector<1x16xi32>,
      %get3A_2555 = arith.index_cast %add3A_2488 : i32 to index
      %get3A_2556 = arith.constant 48 : index
      %get3A_2557 = tpu.vector_load %arg5[%get3A_2555, %get3A_2556] {strides = array<i32>} : memref<125x80xi32, #tpu.memory_space<vmem>>, vector<1x16xi32>,
      %get3A_2558 = vector.shape_cast %get3A_2557 : vector<1x16xi32> to vector<16xi32>
      %and3A_2559 = arith.constant 65535 : i32
      %and3A_2560 = vector.broadcast %and3A_2559 : i32 to vector<16xi32>
      %and3A_2561 = arith.andi %get3A_2558, %and3A_2560 : vector<16xi32>
      %swap3A_2562 = arith.constant 6 : i32
      %swap3A_2563 = arith.index_cast %swap3A_2562 : i32 to index
      %swap3A_2564 = arith.constant 48 : index
      %swap3A_2565 = tpu.vector_load %arg6[%swap3A_2563, %swap3A_2564] {strides = array<i32>} : memref<8x80xi32, #tpu.memory_space<vmem>>, vector<1x16xi32>,
      %swap3A_2566 = vector.shape_cast %swap3A_2565 : vector<1x16xi32> to vector<16xi32>
      %swap3A_2567 = vector.shape_cast %and3A_2561 : vector<16xi32> to vector<1x16xi32>
      tpu.vector_store %arg6[%swap3A_2563, %swap3A_2564], %swap3A_2567 {strides = array<i32>} : memref<8x80xi32, #tpu.memory_space<vmem>>, vector<1x16xi32>,
      %shift_right_logical3A_2568 = arith.constant 16 : i32
      %shift_right_logical3A_2569 = vector.broadcast %shift_right_logical3A_2568 : i32 to vector<16xi32>
      %shift_right_logical3A_2570 = arith.shrui %get3A_2558, %shift_right_logical3A_2569 : vector<16xi32>
      %swap3A_2571 = arith.constant 6 : i32
      %swap3A_2572 = arith.index_cast %swap3A_2571 : i32 to index
      %swap3A_2573 = arith.constant 48 : index
      %swap3A_2574 = tpu.vector_load %arg7[%swap3A_2572, %swap3A_2573] {strides = array<i32>} : memref<8x80xi32, #tpu.memory_space<vmem>>, vector<1x16xi32>,
      %swap3A_2575 = vector.shape_cast %swap3A_2574 : vector<1x16xi32> to vector<16xi32>
      %swap3A_2576 = vector.shape_cast %shift_right_logical3A_2570 : vector<16xi32> to vector<1x16xi32>
      tpu.vector_store %arg7[%swap3A_2572, %swap3A_2573], %swap3A_2576 {strides = array<i32>} : memref<8x80xi32, #tpu.memory_space<vmem>>, vector<1x16xi32>,
      %get3A_2577 = arith.index_cast %add3A_2488 : i32 to index
      %get3A_2578 = arith.constant 64 : index
      %get3A_2579 = tpu.vector_load %arg5[%get3A_2577, %get3A_2578] {strides = array<i32>} : memref<125x80xi32, #tpu.memory_space<vmem>>, vector<1x16xi32>,
      %get3A_2580 = vector.shape_cast %get3A_2579 : vector<1x16xi32> to vector<16xi32>
      %and3A_2581 = arith.constant 65535 : i32
      %and3A_2582 = vector.broadcast %and3A_2581 : i32 to vector<16xi32>
      %and3A_2583 = arith.andi %get3A_2580, %and3A_2582 : vector<16xi32>
      %swap3A_2584 = arith.constant 6 : i32
      %swap3A_2585 = arith.index_cast %swap3A_2584 : i32 to index
      %swap3A_2586 = arith.constant 64 : index
      %swap3A_2587 = tpu.vector_load %arg6[%swap3A_2585, %swap3A_2586] {strides = array<i32>} : memref<8x80xi32, #tpu.memory_space<vmem>>, vector<1x16xi32>,
      %swap3A_2588 = vector.shape_cast %swap3A_2587 : vector<1x16xi32> to vector<16xi32>
      %swap3A_2589 = vector.shape_cast %and3A_2583 : vector<16xi32> to vector<1x16xi32>
      tpu.vector_store %arg6[%swap3A_2585, %swap3A_2586], %swap3A_2589 {strides = array<i32>} : memref<8x80xi32, #tpu.memory_space<vmem>>, vector<1x16xi32>,
      %shift_right_logical3A_2590 = arith.constant 16 : i32
      %shift_right_logical3A_2591 = vector.broadcast %shift_right_logical3A_2590 : i32 to vector<16xi32>
      %shift_right_logical3A_2592 = arith.shrui %get3A_2580, %shift_right_logical3A_2591 : vector<16xi32>
      %swap3A_2593 = arith.constant 6 : i32
      %swap3A_2594 = arith.index_cast %swap3A_2593 : i32 to index
      %swap3A_2595 = arith.constant 64 : index
      %swap3A_2596 = tpu.vector_load %arg7[%swap3A_2594, %swap3A_2595] {strides = array<i32>} : memref<8x80xi32, #tpu.memory_space<vmem>>, vector<1x16xi32>,
      %swap3A_2597 = vector.shape_cast %swap3A_2596 : vector<1x16xi32> to vector<16xi32>
      %swap3A_2598 = vector.shape_cast %shift_right_logical3A_2592 : vector<16xi32> to vector<1x16xi32>
      tpu.vector_store %arg7[%swap3A_2594, %swap3A_2595], %swap3A_2598 {strides = array<i32>} : memref<8x80xi32, #tpu.memory_space<vmem>>, vector<1x16xi32>,
      %dma_start3A_2599 = arith.constant 6 : i32
      %dma_start3A_2600 = arith.constant 0 : i32
      %dma_start3A_2601 = tpu.memref_slice %arg6[%dma_start3A_2599, %dma_start3A_2600] : memref<8x80xi32, #tpu.memory_space<vmem>> -> memref<1x80xi32, #tpu.memory_space<vmem>>
      %dma_start3A_2602 = tpu.memref_squeeze %dma_start3A_2601 : memref<1x80xi32, #tpu.memory_space<vmem>> -> memref<80xi32, #tpu.memory_space<vmem>>
      %dma_start3A_2603 = arith.constant 0 : i32
      %dma_start3A_2604 = arith.constant 0 : i32
      %dma_start3A_2605 = tpu.memref_slice %arg2[%dma_start3A_2603, %dma_start3A_2604] : memref<10240x64xf32, #tpu.memory_space<hbm>> -> memref<10240x64xf32, #tpu.memory_space<hbm>>
      tpu.enqueue_indirect_dma source(%dma_start3A_2605 : memref<10240x64xf32, #tpu.memory_space<hbm>>) target(%arg14 : memref<80x64xf32, #tpu.memory_space<vmem>>) offsets(%dma_start3A_2602 : memref<80xi32, #tpu.memory_space<vmem>>) semaphore(%arg23 : memref<!tpu.dma_semaphore, #tpu.memory_space<semaphore_mem>>)
      %add3A_2606 = arith.constant 7 : i32
      %add3A_2607 = arith.addi %mul3A_1702, %add3A_2606 : i32
      %dma_wait3A_2608 = arith.constant 7 : i32
      %dma_wait3A_2609 = arith.constant 0 : i32
      %dma_wait3A_2610 = tpu.memref_slice %arg6[%dma_wait3A_2608, %dma_wait3A_2609] : memref<8x80xi32, #tpu.memory_space<vmem>> -> memref<1x80xi32, #tpu.memory_space<vmem>>
      %dma_wait3A_2611 = tpu.memref_squeeze %dma_wait3A_2610 : memref<1x80xi32, #tpu.memory_space<vmem>> -> memref<80xi32, #tpu.memory_space<vmem>>
      %dma_wait3A_2612 = arith.constant 0 : i32
      %dma_wait3A_2613 = arith.constant 0 : i32
      %dma_wait3A_2614 = tpu.memref_slice %arg2[%dma_wait3A_2612, %dma_wait3A_2613] : memref<10240x64xf32, #tpu.memory_space<hbm>> -> memref<10240x64xf32, #tpu.memory_space<hbm>>
      tpu.wait_indirect_dma semaphore(%arg24 : memref<!tpu.dma_semaphore, #tpu.memory_space<semaphore_mem>>) src(%dma_wait3A_2614 : memref<10240x64xf32, #tpu.memory_space<hbm>>) dst(%arg15 : memref<80x64xf32, #tpu.memory_space<vmem>>)
      %run_scoped3A_2615 = arith.constant 7 : i32
      "tpu.region"() ({
        %run_scoped3A_2735 = tpu.sem_alloc : memref<!tpu.dma_semaphore, #tpu.memory_space<semaphore_mem>>
        %dma_start3A_2736 = arith.constant 0 : i32
        %dma_start3A_2737 = tpu.memref_slice %arg7[%run_scoped3A_2615, %dma_start3A_2736] : memref<8x80xi32, #tpu.memory_space<vmem>> -> memref<1x80xi32, #tpu.memory_space<vmem>>
        %dma_start3A_2738 = tpu.memref_squeeze %dma_start3A_2737 : memref<1x80xi32, #tpu.memory_space<vmem>> -> memref<80xi32, #tpu.memory_space<vmem>>
        %dma_start3A_2739 = arith.constant 0 : i32
        %dma_start3A_2740 = arith.constant 0 : i32
        %dma_start3A_2741 = tpu.memref_slice %arg16[%dma_start3A_2739, %dma_start3A_2740] : memref<10240x64xf32, #tpu.memory_space<vmem_shared>> -> memref<10240x64xf32, #tpu.memory_space<vmem_shared>>
        tpu.enqueue_indirect_dma source(%arg15 : memref<80x64xf32, #tpu.memory_space<vmem>>) target(%dma_start3A_2741 : memref<10240x64xf32, #tpu.memory_space<vmem_shared>>) offsets(%dma_start3A_2738 : memref<80xi32, #tpu.memory_space<vmem>>) semaphore(%run_scoped3A_2735 : memref<!tpu.dma_semaphore, #tpu.memory_space<semaphore_mem>>) {add = true}
        %dma_wait3A_2742 = arith.constant 0 : i32
        %dma_wait3A_2743 = tpu.memref_slice %arg7[%run_scoped3A_2615, %dma_wait3A_2742] : memref<8x80xi32, #tpu.memory_space<vmem>> -> memref<1x80xi32, #tpu.memory_space<vmem>>
        %dma_wait3A_2744 = tpu.memref_squeeze %dma_wait3A_2743 : memref<1x80xi32, #tpu.memory_space<vmem>> -> memref<80xi32, #tpu.memory_space<vmem>>
        %dma_wait3A_2745 = arith.constant 0 : i32
        %dma_wait3A_2746 = arith.constant 0 : i32
        %dma_wait3A_2747 = tpu.memref_slice %arg16[%dma_wait3A_2745, %dma_wait3A_2746] : memref<10240x64xf32, #tpu.memory_space<vmem_shared>> -> memref<10240x64xf32, #tpu.memory_space<vmem_shared>>
        tpu.wait_indirect_dma semaphore(%run_scoped3A_2735 : memref<!tpu.dma_semaphore, #tpu.memory_space<semaphore_mem>>) src(%arg15 : memref<80x64xf32, #tpu.memory_space<vmem>>) dst(%dma_wait3A_2747 : memref<10240x64xf32, #tpu.memory_space<vmem_shared>>)
        tpu.yield
      }) : () -> ()
      %add3A_2616 = arith.constant 8 : i32
      %add3A_2617 = arith.addi %add3A_2607, %add3A_2616 : i32
      %get3A_2618 = arith.index_cast %add3A_2617 : i32 to index
      %get3A_2619 = arith.constant 0 : index
      %get3A_2620 = tpu.vector_load %arg5[%get3A_2618, %get3A_2619] {strides = array<i32>} : memref<125x80xi32, #tpu.memory_space<vmem>>, vector<1x16xi32>,
      %get3A_2621 = vector.shape_cast %get3A_2620 : vector<1x16xi32> to vector<16xi32>
      %and3A_2622 = arith.constant 65535 : i32
      %and3A_2623 = vector.broadcast %and3A_2622 : i32 to vector<16xi32>
      %and3A_2624 = arith.andi %get3A_2621, %and3A_2623 : vector<16xi32>
      %swap3A_2625 = arith.constant 7 : i32
      %swap3A_2626 = arith.index_cast %swap3A_2625 : i32 to index
      %swap3A_2627 = arith.constant 0 : index
      %swap3A_2628 = tpu.vector_load %arg6[%swap3A_2626, %swap3A_2627] {strides = array<i32>} : memref<8x80xi32, #tpu.memory_space<vmem>>, vector<1x16xi32>,
      %swap3A_2629 = vector.shape_cast %swap3A_2628 : vector<1x16xi32> to vector<16xi32>
      %swap3A_2630 = vector.shape_cast %and3A_2624 : vector<16xi32> to vector<1x16xi32>
      tpu.vector_store %arg6[%swap3A_2626, %swap3A_2627], %swap3A_2630 {strides = array<i32>} : memref<8x80xi32, #tpu.memory_space<vmem>>, vector<1x16xi32>,
      %shift_right_logical3A_2631 = arith.constant 16 : i32
      %shift_right_logical3A_2632 = vector.broadcast %shift_right_logical3A_2631 : i32 to vector<16xi32>
      %shift_right_logical3A_2633 = arith.shrui %get3A_2621, %shift_right_logical3A_2632 : vector<16xi32>
      %swap3A_2634 = arith.constant 7 : i32
      %swap3A_2635 = arith.index_cast %swap3A_2634 : i32 to index
      %swap3A_2636 = arith.constant 0 : index
      %swap3A_2637 = tpu.vector_load %arg7[%swap3A_2635, %swap3A_2636] {strides = array<i32>} : memref<8x80xi32, #tpu.memory_space<vmem>>, vector<1x16xi32>,
      %swap3A_2638 = vector.shape_cast %swap3A_2637 : vector<1x16xi32> to vector<16xi32>
      %swap3A_2639 = vector.shape_cast %shift_right_logical3A_2633 : vector<16xi32> to vector<1x16xi32>
      tpu.vector_store %arg7[%swap3A_2635, %swap3A_2636], %swap3A_2639 {strides = array<i32>} : memref<8x80xi32, #tpu.memory_space<vmem>>, vector<1x16xi32>,
      %get3A_2640 = arith.index_cast %add3A_2617 : i32 to index
      %get3A_2641 = arith.constant 16 : index
      %get3A_2642 = tpu.vector_load %arg5[%get3A_2640, %get3A_2641] {strides = array<i32>} : memref<125x80xi32, #tpu.memory_space<vmem>>, vector<1x16xi32>,
      %get3A_2643 = vector.shape_cast %get3A_2642 : vector<1x16xi32> to vector<16xi32>
      %and3A_2644 = arith.constant 65535 : i32
      %and3A_2645 = vector.broadcast %and3A_2644 : i32 to vector<16xi32>
      %and3A_2646 = arith.andi %get3A_2643, %and3A_2645 : vector<16xi32>
      %swap3A_2647 = arith.constant 7 : i32
      %swap3A_2648 = arith.index_cast %swap3A_2647 : i32 to index
      %swap3A_2649 = arith.constant 16 : index
      %swap3A_2650 = tpu.vector_load %arg6[%swap3A_2648, %swap3A_2649] {strides = array<i32>} : memref<8x80xi32, #tpu.memory_space<vmem>>, vector<1x16xi32>,
      %swap3A_2651 = vector.shape_cast %swap3A_2650 : vector<1x16xi32> to vector<16xi32>
      %swap3A_2652 = vector.shape_cast %and3A_2646 : vector<16xi32> to vector<1x16xi32>
      tpu.vector_store %arg6[%swap3A_2648, %swap3A_2649], %swap3A_2652 {strides = array<i32>} : memref<8x80xi32, #tpu.memory_space<vmem>>, vector<1x16xi32>,
      %shift_right_logical3A_2653 = arith.constant 16 : i32
      %shift_right_logical3A_2654 = vector.broadcast %shift_right_logical3A_2653 : i32 to vector<16xi32>
      %shift_right_logical3A_2655 = arith.shrui %get3A_2643, %shift_right_logical3A_2654 : vector<16xi32>
      %swap3A_2656 = arith.constant 7 : i32
      %swap3A_2657 = arith.index_cast %swap3A_2656 : i32 to index
      %swap3A_2658 = arith.constant 16 : index
      %swap3A_2659 = tpu.vector_load %arg7[%swap3A_2657, %swap3A_2658] {strides = array<i32>} : memref<8x80xi32, #tpu.memory_space<vmem>>, vector<1x16xi32>,
      %swap3A_2660 = vector.shape_cast %swap3A_2659 : vector<1x16xi32> to vector<16xi32>
      %swap3A_2661 = vector.shape_cast %shift_right_logical3A_2655 : vector<16xi32> to vector<1x16xi32>
      tpu.vector_store %arg7[%swap3A_2657, %swap3A_2658], %swap3A_2661 {strides = array<i32>} : memref<8x80xi32, #tpu.memory_space<vmem>>, vector<1x16xi32>,
      %get3A_2662 = arith.index_cast %add3A_2617 : i32 to index
      %get3A_2663 = arith.constant 32 : index
      %get3A_2664 = tpu.vector_load %arg5[%get3A_2662, %get3A_2663] {strides = array<i32>} : memref<125x80xi32, #tpu.memory_space<vmem>>, vector<1x16xi32>,
      %get3A_2665 = vector.shape_cast %get3A_2664 : vector<1x16xi32> to vector<16xi32>
      %and3A_2666 = arith.constant 65535 : i32
      %and3A_2667 = vector.broadcast %and3A_2666 : i32 to vector<16xi32>
      %and3A_2668 = arith.andi %get3A_2665, %and3A_2667 : vector<16xi32>
      %swap3A_2669 = arith.constant 7 : i32
      %swap3A_2670 = arith.index_cast %swap3A_2669 : i32 to index
      %swap3A_2671 = arith.constant 32 : index
      %swap3A_2672 = tpu.vector_load %arg6[%swap3A_2670, %swap3A_2671] {strides = array<i32>} : memref<8x80xi32, #tpu.memory_space<vmem>>, vector<1x16xi32>,
      %swap3A_2673 = vector.shape_cast %swap3A_2672 : vector<1x16xi32> to vector<16xi32>
      %swap3A_2674 = vector.shape_cast %and3A_2668 : vector<16xi32> to vector<1x16xi32>
      tpu.vector_store %arg6[%swap3A_2670, %swap3A_2671], %swap3A_2674 {strides = array<i32>} : memref<8x80xi32, #tpu.memory_space<vmem>>, vector<1x16xi32>,
      %shift_right_logical3A_2675 = arith.constant 16 : i32
      %shift_right_logical3A_2676 = vector.broadcast %shift_right_logical3A_2675 : i32 to vector<16xi32>
      %shift_right_logical3A_2677 = arith.shrui %get3A_2665, %shift_right_logical3A_2676 : vector<16xi32>
      %swap3A_2678 = arith.constant 7 : i32
      %swap3A_2679 = arith.index_cast %swap3A_2678 : i32 to index
      %swap3A_2680 = arith.constant 32 : index
      %swap3A_2681 = tpu.vector_load %arg7[%swap3A_2679, %swap3A_2680] {strides = array<i32>} : memref<8x80xi32, #tpu.memory_space<vmem>>, vector<1x16xi32>,
      %swap3A_2682 = vector.shape_cast %swap3A_2681 : vector<1x16xi32> to vector<16xi32>
      %swap3A_2683 = vector.shape_cast %shift_right_logical3A_2677 : vector<16xi32> to vector<1x16xi32>
      tpu.vector_store %arg7[%swap3A_2679, %swap3A_2680], %swap3A_2683 {strides = array<i32>} : memref<8x80xi32, #tpu.memory_space<vmem>>, vector<1x16xi32>,
      %get3A_2684 = arith.index_cast %add3A_2617 : i32 to index
      %get3A_2685 = arith.constant 48 : index
      %get3A_2686 = tpu.vector_load %arg5[%get3A_2684, %get3A_2685] {strides = array<i32>} : memref<125x80xi32, #tpu.memory_space<vmem>>, vector<1x16xi32>,
      %get3A_2687 = vector.shape_cast %get3A_2686 : vector<1x16xi32> to vector<16xi32>
      %and3A_2688 = arith.constant 65535 : i32
      %and3A_2689 = vector.broadcast %and3A_2688 : i32 to vector<16xi32>
      %and3A_2690 = arith.andi %get3A_2687, %and3A_2689 : vector<16xi32>
      %swap3A_2691 = arith.constant 7 : i32
      %swap3A_2692 = arith.index_cast %swap3A_2691 : i32 to index
      %swap3A_2693 = arith.constant 48 : index
      %swap3A_2694 = tpu.vector_load %arg6[%swap3A_2692, %swap3A_2693] {strides = array<i32>} : memref<8x80xi32, #tpu.memory_space<vmem>>, vector<1x16xi32>,
      %swap3A_2695 = vector.shape_cast %swap3A_2694 : vector<1x16xi32> to vector<16xi32>
      %swap3A_2696 = vector.shape_cast %and3A_2690 : vector<16xi32> to vector<1x16xi32>
      tpu.vector_store %arg6[%swap3A_2692, %swap3A_2693], %swap3A_2696 {strides = array<i32>} : memref<8x80xi32, #tpu.memory_space<vmem>>, vector<1x16xi32>,
      %shift_right_logical3A_2697 = arith.constant 16 : i32
      %shift_right_logical3A_2698 = vector.broadcast %shift_right_logical3A_2697 : i32 to vector<16xi32>
      %shift_right_logical3A_2699 = arith.shrui %get3A_2687, %shift_right_logical3A_2698 : vector<16xi32>
      %swap3A_2700 = arith.constant 7 : i32
      %swap3A_2701 = arith.index_cast %swap3A_2700 : i32 to index
      %swap3A_2702 = arith.constant 48 : index
      %swap3A_2703 = tpu.vector_load %arg7[%swap3A_2701, %swap3A_2702] {strides = array<i32>} : memref<8x80xi32, #tpu.memory_space<vmem>>, vector<1x16xi32>,
      %swap3A_2704 = vector.shape_cast %swap3A_2703 : vector<1x16xi32> to vector<16xi32>
      %swap3A_2705 = vector.shape_cast %shift_right_logical3A_2699 : vector<16xi32> to vector<1x16xi32>
      tpu.vector_store %arg7[%swap3A_2701, %swap3A_2702], %swap3A_2705 {strides = array<i32>} : memref<8x80xi32, #tpu.memory_space<vmem>>, vector<1x16xi32>,
      %get3A_2706 = arith.index_cast %add3A_2617 : i32 to index
      %get3A_2707 = arith.constant 64 : index
      %get3A_2708 = tpu.vector_load %arg5[%get3A_2706, %get3A_2707] {strides = array<i32>} : memref<125x80xi32, #tpu.memory_space<vmem>>, vector<1x16xi32>,
      %get3A_2709 = vector.shape_cast %get3A_2708 : vector<1x16xi32> to vector<16xi32>
      %and3A_2710 = arith.constant 65535 : i32
      %and3A_2711 = vector.broadcast %and3A_2710 : i32 to vector<16xi32>
      %and3A_2712 = arith.andi %get3A_2709, %and3A_2711 : vector<16xi32>
      %swap3A_2713 = arith.constant 7 : i32
      %swap3A_2714 = arith.index_cast %swap3A_2713 : i32 to index
      %swap3A_2715 = arith.constant 64 : index
      %swap3A_2716 = tpu.vector_load %arg6[%swap3A_2714, %swap3A_2715] {strides = array<i32>} : memref<8x80xi32, #tpu.memory_space<vmem>>, vector<1x16xi32>,
      %swap3A_2717 = vector.shape_cast %swap3A_2716 : vector<1x16xi32> to vector<16xi32>
      %swap3A_2718 = vector.shape_cast %and3A_2712 : vector<16xi32> to vector<1x16xi32>
      tpu.vector_store %arg6[%swap3A_2714, %swap3A_2715], %swap3A_2718 {strides = array<i32>} : memref<8x80xi32, #tpu.memory_space<vmem>>, vector<1x16xi32>,
      %shift_right_logical3A_2719 = arith.constant 16 : i32
      %shift_right_logical3A_2720 = vector.broadcast %shift_right_logical3A_2719 : i32 to vector<16xi32>
      %shift_right_logical3A_2721 = arith.shrui %get3A_2709, %shift_right_logical3A_2720 : vector<16xi32>
      %swap3A_2722 = arith.constant 7 : i32
      %swap3A_2723 = arith.index_cast %swap3A_2722 : i32 to index
      %swap3A_2724 = arith.constant 64 : index
      %swap3A_2725 = tpu.vector_load %arg7[%swap3A_2723, %swap3A_2724] {strides = array<i32>} : memref<8x80xi32, #tpu.memory_space<vmem>>, vector<1x16xi32>,
      %swap3A_2726 = vector.shape_cast %swap3A_2725 : vector<1x16xi32> to vector<16xi32>
      %swap3A_2727 = vector.shape_cast %shift_right_logical3A_2721 : vector<16xi32> to vector<1x16xi32>
      tpu.vector_store %arg7[%swap3A_2723, %swap3A_2724], %swap3A_2727 {strides = array<i32>} : memref<8x80xi32, #tpu.memory_space<vmem>>, vector<1x16xi32>,
      %dma_start3A_2728 = arith.constant 7 : i32
      %dma_start3A_2729 = arith.constant 0 : i32
      %dma_start3A_2730 = tpu.memref_slice %arg6[%dma_start3A_2728, %dma_start3A_2729] : memref<8x80xi32, #tpu.memory_space<vmem>> -> memref<1x80xi32, #tpu.memory_space<vmem>>
      %dma_start3A_2731 = tpu.memref_squeeze %dma_start3A_2730 : memref<1x80xi32, #tpu.memory_space<vmem>> -> memref<80xi32, #tpu.memory_space<vmem>>
      %dma_start3A_2732 = arith.constant 0 : i32
      %dma_start3A_2733 = arith.constant 0 : i32
      %dma_start3A_2734 = tpu.memref_slice %arg2[%dma_start3A_2732, %dma_start3A_2733] : memref<10240x64xf32, #tpu.memory_space<hbm>> -> memref<10240x64xf32, #tpu.memory_space<hbm>>
      tpu.enqueue_indirect_dma source(%dma_start3A_2734 : memref<10240x64xf32, #tpu.memory_space<hbm>>) target(%arg15 : memref<80x64xf32, #tpu.memory_space<vmem>>) offsets(%dma_start3A_2731 : memref<80xi32, #tpu.memory_space<vmem>>) semaphore(%arg24 : memref<!tpu.dma_semaphore, #tpu.memory_space<semaphore_mem>>)
    }
    %scan3A_982 = arith.constant 14 : i32
    %dma_wait3A = arith.constant 0 : i32
    %dma_wait3A_983 = arith.constant 0 : i32
    %dma_wait3A_984 = tpu.memref_slice %arg6[%dma_wait3A, %dma_wait3A_983] : memref<8x80xi32, #tpu.memory_space<vmem>> -> memref<1x80xi32, #tpu.memory_space<vmem>>
    %dma_wait3A_985 = tpu.memref_squeeze %dma_wait3A_984 : memref<1x80xi32, #tpu.memory_space<vmem>> -> memref<80xi32, #tpu.memory_space<vmem>>
    %dma_wait3A_986 = arith.constant 0 : i32
    %dma_wait3A_987 = arith.constant 0 : i32
    %dma_wait3A_988 = tpu.memref_slice %arg2[%dma_wait3A_986, %dma_wait3A_987] : memref<10240x64xf32, #tpu.memory_space<hbm>> -> memref<10240x64xf32, #tpu.memory_space<hbm>>
    tpu.wait_indirect_dma semaphore(%arg17 : memref<!tpu.dma_semaphore, #tpu.memory_space<semaphore_mem>>) src(%dma_wait3A_988 : memref<10240x64xf32, #tpu.memory_space<hbm>>) dst(%arg8 : memref<80x64xf32, #tpu.memory_space<vmem>>)
    %run_scoped3A = arith.constant 0 : i32
    "tpu.region"() ({
      %run_scoped3A_1700 = tpu.sem_alloc : memref<!tpu.dma_semaphore, #tpu.memory_space<semaphore_mem>>
      %dma_start3A_1701 = arith.constant 0 : i32
      %dma_start3A_1702 = tpu.memref_slice %arg7[%run_scoped3A, %dma_start3A_1701] : memref<8x80xi32, #tpu.memory_space<vmem>> -> memref<1x80xi32, #tpu.memory_space<vmem>>
      %dma_start3A_1703 = tpu.memref_squeeze %dma_start3A_1702 : memref<1x80xi32, #tpu.memory_space<vmem>> -> memref<80xi32, #tpu.memory_space<vmem>>
      %dma_start3A_1704 = arith.constant 0 : i32
      %dma_start3A_1705 = arith.constant 0 : i32
      %dma_start3A_1706 = tpu.memref_slice %arg16[%dma_start3A_1704, %dma_start3A_1705] : memref<10240x64xf32, #tpu.memory_space<vmem_shared>> -> memref<10240x64xf32, #tpu.memory_space<vmem_shared>>
      tpu.enqueue_indirect_dma source(%arg8 : memref<80x64xf32, #tpu.memory_space<vmem>>) target(%dma_start3A_1706 : memref<10240x64xf32, #tpu.memory_space<vmem_shared>>) offsets(%dma_start3A_1703 : memref<80xi32, #tpu.memory_space<vmem>>) semaphore(%run_scoped3A_1700 : memref<!tpu.dma_semaphore, #tpu.memory_space<semaphore_mem>>) {add = true}
      %dma_wait3A_1707 = arith.constant 0 : i32
      %dma_wait3A_1708 = tpu.memref_slice %arg7[%run_scoped3A, %dma_wait3A_1707] : memref<8x80xi32, #tpu.memory_space<vmem>> -> memref<1x80xi32, #tpu.memory_space<vmem>>
      %dma_wait3A_1709 = tpu.memref_squeeze %dma_wait3A_1708 : memref<1x80xi32, #tpu.memory_space<vmem>> -> memref<80xi32, #tpu.memory_space<vmem>>
      %dma_wait3A_1710 = arith.constant 0 : i32
      %dma_wait3A_1711 = arith.constant 0 : i32
      %dma_wait3A_1712 = tpu.memref_slice %arg16[%dma_wait3A_1710, %dma_wait3A_1711] : memref<10240x64xf32, #tpu.memory_space<vmem_shared>> -> memref<10240x64xf32, #tpu.memory_space<vmem_shared>>
      tpu.wait_indirect_dma semaphore(%run_scoped3A_1700 : memref<!tpu.dma_semaphore, #tpu.memory_space<semaphore_mem>>) src(%arg8 : memref<80x64xf32, #tpu.memory_space<vmem>>) dst(%dma_wait3A_1712 : memref<10240x64xf32, #tpu.memory_space<vmem_shared>>)
      tpu.yield
    }) : () -> ()
    %get3A_989 = arith.constant 120 : i32
    %get3A_990 = arith.index_cast %get3A_989 : i32 to index
    %get3A_991 = arith.constant 0 : index
    %get3A_992 = tpu.vector_load %arg5[%get3A_990, %get3A_991] {strides = array<i32>} : memref<125x80xi32, #tpu.memory_space<vmem>>, vector<1x16xi32>,
    %get3A_993 = vector.shape_cast %get3A_992 : vector<1x16xi32> to vector<16xi32>
    %and3A_994 = arith.constant 65535 : i32
    %and3A_995 = vector.broadcast %and3A_994 : i32 to vector<16xi32>
    %and3A_996 = arith.andi %get3A_993, %and3A_995 : vector<16xi32>
    %swap3A_997 = arith.constant 0 : i32
    %swap3A_998 = arith.index_cast %swap3A_997 : i32 to index
    %swap3A_999 = arith.constant 0 : index
    %swap3A_1000 = tpu.vector_load %arg6[%swap3A_998, %swap3A_999] {strides = array<i32>} : memref<8x80xi32, #tpu.memory_space<vmem>>, vector<1x16xi32>,
    %swap3A_1001 = vector.shape_cast %swap3A_1000 : vector<1x16xi32> to vector<16xi32>
    %swap3A_1002 = vector.shape_cast %and3A_996 : vector<16xi32> to vector<1x16xi32>
    tpu.vector_store %arg6[%swap3A_998, %swap3A_999], %swap3A_1002 {strides = array<i32>} : memref<8x80xi32, #tpu.memory_space<vmem>>, vector<1x16xi32>,
    %shift_right_logical3A_1003 = arith.constant 16 : i32
    %shift_right_logical3A_1004 = vector.broadcast %shift_right_logical3A_1003 : i32 to vector<16xi32>
    %shift_right_logical3A_1005 = arith.shrui %get3A_993, %shift_right_logical3A_1004 : vector<16xi32>
    %swap3A_1006 = arith.constant 0 : i32
    %swap3A_1007 = arith.index_cast %swap3A_1006 : i32 to index
    %swap3A_1008 = arith.constant 0 : index
    %swap3A_1009 = tpu.vector_load %arg7[%swap3A_1007, %swap3A_1008] {strides = array<i32>} : memref<8x80xi32, #tpu.memory_space<vmem>>, vector<1x16xi32>,
    %swap3A_1010 = vector.shape_cast %swap3A_1009 : vector<1x16xi32> to vector<16xi32>
    %swap3A_1011 = vector.shape_cast %shift_right_logical3A_1005 : vector<16xi32> to vector<1x16xi32>
    tpu.vector_store %arg7[%swap3A_1007, %swap3A_1008], %swap3A_1011 {strides = array<i32>} : memref<8x80xi32, #tpu.memory_space<vmem>>, vector<1x16xi32>,
    %get3A_1012 = arith.constant 120 : i32
    %get3A_1013 = arith.index_cast %get3A_1012 : i32 to index
    %get3A_1014 = arith.constant 16 : index
    %get3A_1015 = tpu.vector_load %arg5[%get3A_1013, %get3A_1014] {strides = array<i32>} : memref<125x80xi32, #tpu.memory_space<vmem>>, vector<1x16xi32>,
    %get3A_1016 = vector.shape_cast %get3A_1015 : vector<1x16xi32> to vector<16xi32>
    %and3A_1017 = arith.constant 65535 : i32
    %and3A_1018 = vector.broadcast %and3A_1017 : i32 to vector<16xi32>
    %and3A_1019 = arith.andi %get3A_1016, %and3A_1018 : vector<16xi32>
    %swap3A_1020 = arith.constant 0 : i32
    %swap3A_1021 = arith.index_cast %swap3A_1020 : i32 to index
    %swap3A_1022 = arith.constant 16 : index
    %swap3A_1023 = tpu.vector_load %arg6[%swap3A_1021, %swap3A_1022] {strides = array<i32>} : memref<8x80xi32, #tpu.memory_space<vmem>>, vector<1x16xi32>,
    %swap3A_1024 = vector.shape_cast %swap3A_1023 : vector<1x16xi32> to vector<16xi32>
    %swap3A_1025 = vector.shape_cast %and3A_1019 : vector<16xi32> to vector<1x16xi32>
    tpu.vector_store %arg6[%swap3A_1021, %swap3A_1022], %swap3A_1025 {strides = array<i32>} : memref<8x80xi32, #tpu.memory_space<vmem>>, vector<1x16xi32>,
    %shift_right_logical3A_1026 = arith.constant 16 : i32
    %shift_right_logical3A_1027 = vector.broadcast %shift_right_logical3A_1026 : i32 to vector<16xi32>
    %shift_right_logical3A_1028 = arith.shrui %get3A_1016, %shift_right_logical3A_1027 : vector<16xi32>
    %swap3A_1029 = arith.constant 0 : i32
    %swap3A_1030 = arith.index_cast %swap3A_1029 : i32 to index
    %swap3A_1031 = arith.constant 16 : index
    %swap3A_1032 = tpu.vector_load %arg7[%swap3A_1030, %swap3A_1031] {strides = array<i32>} : memref<8x80xi32, #tpu.memory_space<vmem>>, vector<1x16xi32>,
    %swap3A_1033 = vector.shape_cast %swap3A_1032 : vector<1x16xi32> to vector<16xi32>
    %swap3A_1034 = vector.shape_cast %shift_right_logical3A_1028 : vector<16xi32> to vector<1x16xi32>
    tpu.vector_store %arg7[%swap3A_1030, %swap3A_1031], %swap3A_1034 {strides = array<i32>} : memref<8x80xi32, #tpu.memory_space<vmem>>, vector<1x16xi32>,
    %get3A_1035 = arith.constant 120 : i32
    %get3A_1036 = arith.index_cast %get3A_1035 : i32 to index
    %get3A_1037 = arith.constant 32 : index
    %get3A_1038 = tpu.vector_load %arg5[%get3A_1036, %get3A_1037] {strides = array<i32>} : memref<125x80xi32, #tpu.memory_space<vmem>>, vector<1x16xi32>,
    %get3A_1039 = vector.shape_cast %get3A_1038 : vector<1x16xi32> to vector<16xi32>
    %and3A_1040 = arith.constant 65535 : i32
    %and3A_1041 = vector.broadcast %and3A_1040 : i32 to vector<16xi32>
    %and3A_1042 = arith.andi %get3A_1039, %and3A_1041 : vector<16xi32>
    %swap3A_1043 = arith.constant 0 : i32
    %swap3A_1044 = arith.index_cast %swap3A_1043 : i32 to index
    %swap3A_1045 = arith.constant 32 : index
    %swap3A_1046 = tpu.vector_load %arg6[%swap3A_1044, %swap3A_1045] {strides = array<i32>} : memref<8x80xi32, #tpu.memory_space<vmem>>, vector<1x16xi32>,
    %swap3A_1047 = vector.shape_cast %swap3A_1046 : vector<1x16xi32> to vector<16xi32>
    %swap3A_1048 = vector.shape_cast %and3A_1042 : vector<16xi32> to vector<1x16xi32>
    tpu.vector_store %arg6[%swap3A_1044, %swap3A_1045], %swap3A_1048 {strides = array<i32>} : memref<8x80xi32, #tpu.memory_space<vmem>>, vector<1x16xi32>,
    %shift_right_logical3A_1049 = arith.constant 16 : i32
    %shift_right_logical3A_1050 = vector.broadcast %shift_right_logical3A_1049 : i32 to vector<16xi32>
    %shift_right_logical3A_1051 = arith.shrui %get3A_1039, %shift_right_logical3A_1050 : vector<16xi32>
    %swap3A_1052 = arith.constant 0 : i32
    %swap3A_1053 = arith.index_cast %swap3A_1052 : i32 to index
    %swap3A_1054 = arith.constant 32 : index
    %swap3A_1055 = tpu.vector_load %arg7[%swap3A_1053, %swap3A_1054] {strides = array<i32>} : memref<8x80xi32, #tpu.memory_space<vmem>>, vector<1x16xi32>,
    %swap3A_1056 = vector.shape_cast %swap3A_1055 : vector<1x16xi32> to vector<16xi32>
    %swap3A_1057 = vector.shape_cast %shift_right_logical3A_1051 : vector<16xi32> to vector<1x16xi32>
    tpu.vector_store %arg7[%swap3A_1053, %swap3A_1054], %swap3A_1057 {strides = array<i32>} : memref<8x80xi32, #tpu.memory_space<vmem>>, vector<1x16xi32>,
    %get3A_1058 = arith.constant 120 : i32
    %get3A_1059 = arith.index_cast %get3A_1058 : i32 to index
    %get3A_1060 = arith.constant 48 : index
    %get3A_1061 = tpu.vector_load %arg5[%get3A_1059, %get3A_1060] {strides = array<i32>} : memref<125x80xi32, #tpu.memory_space<vmem>>, vector<1x16xi32>,
    %get3A_1062 = vector.shape_cast %get3A_1061 : vector<1x16xi32> to vector<16xi32>
    %and3A_1063 = arith.constant 65535 : i32
    %and3A_1064 = vector.broadcast %and3A_1063 : i32 to vector<16xi32>
    %and3A_1065 = arith.andi %get3A_1062, %and3A_1064 : vector<16xi32>
    %swap3A_1066 = arith.constant 0 : i32
    %swap3A_1067 = arith.index_cast %swap3A_1066 : i32 to index
    %swap3A_1068 = arith.constant 48 : index
    %swap3A_1069 = tpu.vector_load %arg6[%swap3A_1067, %swap3A_1068] {strides = array<i32>} : memref<8x80xi32, #tpu.memory_space<vmem>>, vector<1x16xi32>,
    %swap3A_1070 = vector.shape_cast %swap3A_1069 : vector<1x16xi32> to vector<16xi32>
    %swap3A_1071 = vector.shape_cast %and3A_1065 : vector<16xi32> to vector<1x16xi32>
    tpu.vector_store %arg6[%swap3A_1067, %swap3A_1068], %swap3A_1071 {strides = array<i32>} : memref<8x80xi32, #tpu.memory_space<vmem>>, vector<1x16xi32>,
    %shift_right_logical3A_1072 = arith.constant 16 : i32
    %shift_right_logical3A_1073 = vector.broadcast %shift_right_logical3A_1072 : i32 to vector<16xi32>
    %shift_right_logical3A_1074 = arith.shrui %get3A_1062, %shift_right_logical3A_1073 : vector<16xi32>
    %swap3A_1075 = arith.constant 0 : i32
    %swap3A_1076 = arith.index_cast %swap3A_1075 : i32 to index
    %swap3A_1077 = arith.constant 48 : index
    %swap3A_1078 = tpu.vector_load %arg7[%swap3A_1076, %swap3A_1077] {strides = array<i32>} : memref<8x80xi32, #tpu.memory_space<vmem>>, vector<1x16xi32>,
    %swap3A_1079 = vector.shape_cast %swap3A_1078 : vector<1x16xi32> to vector<16xi32>
    %swap3A_1080 = vector.shape_cast %shift_right_logical3A_1074 : vector<16xi32> to vector<1x16xi32>
    tpu.vector_store %arg7[%swap3A_1076, %swap3A_1077], %swap3A_1080 {strides = array<i32>} : memref<8x80xi32, #tpu.memory_space<vmem>>, vector<1x16xi32>,
    %get3A_1081 = arith.constant 120 : i32
    %get3A_1082 = arith.index_cast %get3A_1081 : i32 to index
    %get3A_1083 = arith.constant 64 : index
    %get3A_1084 = tpu.vector_load %arg5[%get3A_1082, %get3A_1083] {strides = array<i32>} : memref<125x80xi32, #tpu.memory_space<vmem>>, vector<1x16xi32>,
    %get3A_1085 = vector.shape_cast %get3A_1084 : vector<1x16xi32> to vector<16xi32>
    %and3A_1086 = arith.constant 65535 : i32
    %and3A_1087 = vector.broadcast %and3A_1086 : i32 to vector<16xi32>
    %and3A_1088 = arith.andi %get3A_1085, %and3A_1087 : vector<16xi32>
    %swap3A_1089 = arith.constant 0 : i32
    %swap3A_1090 = arith.index_cast %swap3A_1089 : i32 to index
    %swap3A_1091 = arith.constant 64 : index
    %swap3A_1092 = tpu.vector_load %arg6[%swap3A_1090, %swap3A_1091] {strides = array<i32>} : memref<8x80xi32, #tpu.memory_space<vmem>>, vector<1x16xi32>,
    %swap3A_1093 = vector.shape_cast %swap3A_1092 : vector<1x16xi32> to vector<16xi32>
    %swap3A_1094 = vector.shape_cast %and3A_1088 : vector<16xi32> to vector<1x16xi32>
    tpu.vector_store %arg6[%swap3A_1090, %swap3A_1091], %swap3A_1094 {strides = array<i32>} : memref<8x80xi32, #tpu.memory_space<vmem>>, vector<1x16xi32>,
    %shift_right_logical3A_1095 = arith.constant 16 : i32
    %shift_right_logical3A_1096 = vector.broadcast %shift_right_logical3A_1095 : i32 to vector<16xi32>
    %shift_right_logical3A_1097 = arith.shrui %get3A_1085, %shift_right_logical3A_1096 : vector<16xi32>
    %swap3A_1098 = arith.constant 0 : i32
    %swap3A_1099 = arith.index_cast %swap3A_1098 : i32 to index
    %swap3A_1100 = arith.constant 64 : index
    %swap3A_1101 = tpu.vector_load %arg7[%swap3A_1099, %swap3A_1100] {strides = array<i32>} : memref<8x80xi32, #tpu.memory_space<vmem>>, vector<1x16xi32>,
    %swap3A_1102 = vector.shape_cast %swap3A_1101 : vector<1x16xi32> to vector<16xi32>
    %swap3A_1103 = vector.shape_cast %shift_right_logical3A_1097 : vector<16xi32> to vector<1x16xi32>
    tpu.vector_store %arg7[%swap3A_1099, %swap3A_1100], %swap3A_1103 {strides = array<i32>} : memref<8x80xi32, #tpu.memory_space<vmem>>, vector<1x16xi32>,
    %dma_start3A_1104 = arith.constant 0 : i32
    %dma_start3A_1105 = arith.constant 0 : i32
    %dma_start3A_1106 = tpu.memref_slice %arg6[%dma_start3A_1104, %dma_start3A_1105] : memref<8x80xi32, #tpu.memory_space<vmem>> -> memref<1x80xi32, #tpu.memory_space<vmem>>
    %dma_start3A_1107 = tpu.memref_squeeze %dma_start3A_1106 : memref<1x80xi32, #tpu.memory_space<vmem>> -> memref<80xi32, #tpu.memory_space<vmem>>
    %dma_start3A_1108 = arith.constant 0 : i32
    %dma_start3A_1109 = arith.constant 0 : i32
    %dma_start3A_1110 = tpu.memref_slice %arg2[%dma_start3A_1108, %dma_start3A_1109] : memref<10240x64xf32, #tpu.memory_space<hbm>> -> memref<10240x64xf32, #tpu.memory_space<hbm>>
    tpu.enqueue_indirect_dma source(%dma_start3A_1110 : memref<10240x64xf32, #tpu.memory_space<hbm>>) target(%arg8 : memref<80x64xf32, #tpu.memory_space<vmem>>) offsets(%dma_start3A_1107 : memref<80xi32, #tpu.memory_space<vmem>>) semaphore(%arg17 : memref<!tpu.dma_semaphore, #tpu.memory_space<semaphore_mem>>)
    %dma_wait3A_1111 = arith.constant 1 : i32
    %dma_wait3A_1112 = arith.constant 0 : i32
    %dma_wait3A_1113 = tpu.memref_slice %arg6[%dma_wait3A_1111, %dma_wait3A_1112] : memref<8x80xi32, #tpu.memory_space<vmem>> -> memref<1x80xi32, #tpu.memory_space<vmem>>
    %dma_wait3A_1114 = tpu.memref_squeeze %dma_wait3A_1113 : memref<1x80xi32, #tpu.memory_space<vmem>> -> memref<80xi32, #tpu.memory_space<vmem>>
    %dma_wait3A_1115 = arith.constant 0 : i32
    %dma_wait3A_1116 = arith.constant 0 : i32
    %dma_wait3A_1117 = tpu.memref_slice %arg2[%dma_wait3A_1115, %dma_wait3A_1116] : memref<10240x64xf32, #tpu.memory_space<hbm>> -> memref<10240x64xf32, #tpu.memory_space<hbm>>
    tpu.wait_indirect_dma semaphore(%arg18 : memref<!tpu.dma_semaphore, #tpu.memory_space<semaphore_mem>>) src(%dma_wait3A_1117 : memref<10240x64xf32, #tpu.memory_space<hbm>>) dst(%arg9 : memref<80x64xf32, #tpu.memory_space<vmem>>)
    %run_scoped3A_1118 = arith.constant 1 : i32
    "tpu.region"() ({
      %run_scoped3A_1700 = tpu.sem_alloc : memref<!tpu.dma_semaphore, #tpu.memory_space<semaphore_mem>>
      %dma_start3A_1701 = arith.constant 0 : i32
      %dma_start3A_1702 = tpu.memref_slice %arg7[%run_scoped3A_1118, %dma_start3A_1701] : memref<8x80xi32, #tpu.memory_space<vmem>> -> memref<1x80xi32, #tpu.memory_space<vmem>>
      %dma_start3A_1703 = tpu.memref_squeeze %dma_start3A_1702 : memref<1x80xi32, #tpu.memory_space<vmem>> -> memref<80xi32, #tpu.memory_space<vmem>>
      %dma_start3A_1704 = arith.constant 0 : i32
      %dma_start3A_1705 = arith.constant 0 : i32
      %dma_start3A_1706 = tpu.memref_slice %arg16[%dma_start3A_1704, %dma_start3A_1705] : memref<10240x64xf32, #tpu.memory_space<vmem_shared>> -> memref<10240x64xf32, #tpu.memory_space<vmem_shared>>
      tpu.enqueue_indirect_dma source(%arg9 : memref<80x64xf32, #tpu.memory_space<vmem>>) target(%dma_start3A_1706 : memref<10240x64xf32, #tpu.memory_space<vmem_shared>>) offsets(%dma_start3A_1703 : memref<80xi32, #tpu.memory_space<vmem>>) semaphore(%run_scoped3A_1700 : memref<!tpu.dma_semaphore, #tpu.memory_space<semaphore_mem>>) {add = true}
      %dma_wait3A_1707 = arith.constant 0 : i32
      %dma_wait3A_1708 = tpu.memref_slice %arg7[%run_scoped3A_1118, %dma_wait3A_1707] : memref<8x80xi32, #tpu.memory_space<vmem>> -> memref<1x80xi32, #tpu.memory_space<vmem>>
      %dma_wait3A_1709 = tpu.memref_squeeze %dma_wait3A_1708 : memref<1x80xi32, #tpu.memory_space<vmem>> -> memref<80xi32, #tpu.memory_space<vmem>>
      %dma_wait3A_1710 = arith.constant 0 : i32
      %dma_wait3A_1711 = arith.constant 0 : i32
      %dma_wait3A_1712 = tpu.memref_slice %arg16[%dma_wait3A_1710, %dma_wait3A_1711] : memref<10240x64xf32, #tpu.memory_space<vmem_shared>> -> memref<10240x64xf32, #tpu.memory_space<vmem_shared>>
      tpu.wait_indirect_dma semaphore(%run_scoped3A_1700 : memref<!tpu.dma_semaphore, #tpu.memory_space<semaphore_mem>>) src(%arg9 : memref<80x64xf32, #tpu.memory_space<vmem>>) dst(%dma_wait3A_1712 : memref<10240x64xf32, #tpu.memory_space<vmem_shared>>)
      tpu.yield
    }) : () -> ()
    %get3A_1119 = arith.constant 121 : i32
    %get3A_1120 = arith.index_cast %get3A_1119 : i32 to index
    %get3A_1121 = arith.constant 0 : index
    %get3A_1122 = tpu.vector_load %arg5[%get3A_1120, %get3A_1121] {strides = array<i32>} : memref<125x80xi32, #tpu.memory_space<vmem>>, vector<1x16xi32>,
    %get3A_1123 = vector.shape_cast %get3A_1122 : vector<1x16xi32> to vector<16xi32>
    %and3A_1124 = arith.constant 65535 : i32
    %and3A_1125 = vector.broadcast %and3A_1124 : i32 to vector<16xi32>
    %and3A_1126 = arith.andi %get3A_1123, %and3A_1125 : vector<16xi32>
    %swap3A_1127 = arith.constant 1 : i32
    %swap3A_1128 = arith.index_cast %swap3A_1127 : i32 to index
    %swap3A_1129 = arith.constant 0 : index
    %swap3A_1130 = tpu.vector_load %arg6[%swap3A_1128, %swap3A_1129] {strides = array<i32>} : memref<8x80xi32, #tpu.memory_space<vmem>>, vector<1x16xi32>,
    %swap3A_1131 = vector.shape_cast %swap3A_1130 : vector<1x16xi32> to vector<16xi32>
    %swap3A_1132 = vector.shape_cast %and3A_1126 : vector<16xi32> to vector<1x16xi32>
    tpu.vector_store %arg6[%swap3A_1128, %swap3A_1129], %swap3A_1132 {strides = array<i32>} : memref<8x80xi32, #tpu.memory_space<vmem>>, vector<1x16xi32>,
    %shift_right_logical3A_1133 = arith.constant 16 : i32
    %shift_right_logical3A_1134 = vector.broadcast %shift_right_logical3A_1133 : i32 to vector<16xi32>
    %shift_right_logical3A_1135 = arith.shrui %get3A_1123, %shift_right_logical3A_1134 : vector<16xi32>
    %swap3A_1136 = arith.constant 1 : i32
    %swap3A_1137 = arith.index_cast %swap3A_1136 : i32 to index
    %swap3A_1138 = arith.constant 0 : index
    %swap3A_1139 = tpu.vector_load %arg7[%swap3A_1137, %swap3A_1138] {strides = array<i32>} : memref<8x80xi32, #tpu.memory_space<vmem>>, vector<1x16xi32>,
    %swap3A_1140 = vector.shape_cast %swap3A_1139 : vector<1x16xi32> to vector<16xi32>
    %swap3A_1141 = vector.shape_cast %shift_right_logical3A_1135 : vector<16xi32> to vector<1x16xi32>
    tpu.vector_store %arg7[%swap3A_1137, %swap3A_1138], %swap3A_1141 {strides = array<i32>} : memref<8x80xi32, #tpu.memory_space<vmem>>, vector<1x16xi32>,
    %get3A_1142 = arith.constant 121 : i32
    %get3A_1143 = arith.index_cast %get3A_1142 : i32 to index
    %get3A_1144 = arith.constant 16 : index
    %get3A_1145 = tpu.vector_load %arg5[%get3A_1143, %get3A_1144] {strides = array<i32>} : memref<125x80xi32, #tpu.memory_space<vmem>>, vector<1x16xi32>,
    %get3A_1146 = vector.shape_cast %get3A_1145 : vector<1x16xi32> to vector<16xi32>
    %and3A_1147 = arith.constant 65535 : i32
    %and3A_1148 = vector.broadcast %and3A_1147 : i32 to vector<16xi32>
    %and3A_1149 = arith.andi %get3A_1146, %and3A_1148 : vector<16xi32>
    %swap3A_1150 = arith.constant 1 : i32
    %swap3A_1151 = arith.index_cast %swap3A_1150 : i32 to index
    %swap3A_1152 = arith.constant 16 : index
    %swap3A_1153 = tpu.vector_load %arg6[%swap3A_1151, %swap3A_1152] {strides = array<i32>} : memref<8x80xi32, #tpu.memory_space<vmem>>, vector<1x16xi32>,
    %swap3A_1154 = vector.shape_cast %swap3A_1153 : vector<1x16xi32> to vector<16xi32>
    %swap3A_1155 = vector.shape_cast %and3A_1149 : vector<16xi32> to vector<1x16xi32>
    tpu.vector_store %arg6[%swap3A_1151, %swap3A_1152], %swap3A_1155 {strides = array<i32>} : memref<8x80xi32, #tpu.memory_space<vmem>>, vector<1x16xi32>,
    %shift_right_logical3A_1156 = arith.constant 16 : i32
    %shift_right_logical3A_1157 = vector.broadcast %shift_right_logical3A_1156 : i32 to vector<16xi32>
    %shift_right_logical3A_1158 = arith.shrui %get3A_1146, %shift_right_logical3A_1157 : vector<16xi32>
    %swap3A_1159 = arith.constant 1 : i32
    %swap3A_1160 = arith.index_cast %swap3A_1159 : i32 to index
    %swap3A_1161 = arith.constant 16 : index
    %swap3A_1162 = tpu.vector_load %arg7[%swap3A_1160, %swap3A_1161] {strides = array<i32>} : memref<8x80xi32, #tpu.memory_space<vmem>>, vector<1x16xi32>,
    %swap3A_1163 = vector.shape_cast %swap3A_1162 : vector<1x16xi32> to vector<16xi32>
    %swap3A_1164 = vector.shape_cast %shift_right_logical3A_1158 : vector<16xi32> to vector<1x16xi32>
    tpu.vector_store %arg7[%swap3A_1160, %swap3A_1161], %swap3A_1164 {strides = array<i32>} : memref<8x80xi32, #tpu.memory_space<vmem>>, vector<1x16xi32>,
    %get3A_1165 = arith.constant 121 : i32
    %get3A_1166 = arith.index_cast %get3A_1165 : i32 to index
    %get3A_1167 = arith.constant 32 : index
    %get3A_1168 = tpu.vector_load %arg5[%get3A_1166, %get3A_1167] {strides = array<i32>} : memref<125x80xi32, #tpu.memory_space<vmem>>, vector<1x16xi32>,
    %get3A_1169 = vector.shape_cast %get3A_1168 : vector<1x16xi32> to vector<16xi32>
    %and3A_1170 = arith.constant 65535 : i32
    %and3A_1171 = vector.broadcast %and3A_1170 : i32 to vector<16xi32>
    %and3A_1172 = arith.andi %get3A_1169, %and3A_1171 : vector<16xi32>
    %swap3A_1173 = arith.constant 1 : i32
    %swap3A_1174 = arith.index_cast %swap3A_1173 : i32 to index
    %swap3A_1175 = arith.constant 32 : index
    %swap3A_1176 = tpu.vector_load %arg6[%swap3A_1174, %swap3A_1175] {strides = array<i32>} : memref<8x80xi32, #tpu.memory_space<vmem>>, vector<1x16xi32>,
    %swap3A_1177 = vector.shape_cast %swap3A_1176 : vector<1x16xi32> to vector<16xi32>
    %swap3A_1178 = vector.shape_cast %and3A_1172 : vector<16xi32> to vector<1x16xi32>
    tpu.vector_store %arg6[%swap3A_1174, %swap3A_1175], %swap3A_1178 {strides = array<i32>} : memref<8x80xi32, #tpu.memory_space<vmem>>, vector<1x16xi32>,
    %shift_right_logical3A_1179 = arith.constant 16 : i32
    %shift_right_logical3A_1180 = vector.broadcast %shift_right_logical3A_1179 : i32 to vector<16xi32>
    %shift_right_logical3A_1181 = arith.shrui %get3A_1169, %shift_right_logical3A_1180 : vector<16xi32>
    %swap3A_1182 = arith.constant 1 : i32
    %swap3A_1183 = arith.index_cast %swap3A_1182 : i32 to index
    %swap3A_1184 = arith.constant 32 : index
    %swap3A_1185 = tpu.vector_load %arg7[%swap3A_1183, %swap3A_1184] {strides = array<i32>} : memref<8x80xi32, #tpu.memory_space<vmem>>, vector<1x16xi32>,
    %swap3A_1186 = vector.shape_cast %swap3A_1185 : vector<1x16xi32> to vector<16xi32>
    %swap3A_1187 = vector.shape_cast %shift_right_logical3A_1181 : vector<16xi32> to vector<1x16xi32>
    tpu.vector_store %arg7[%swap3A_1183, %swap3A_1184], %swap3A_1187 {strides = array<i32>} : memref<8x80xi32, #tpu.memory_space<vmem>>, vector<1x16xi32>,
    %get3A_1188 = arith.constant 121 : i32
    %get3A_1189 = arith.index_cast %get3A_1188 : i32 to index
    %get3A_1190 = arith.constant 48 : index
    %get3A_1191 = tpu.vector_load %arg5[%get3A_1189, %get3A_1190] {strides = array<i32>} : memref<125x80xi32, #tpu.memory_space<vmem>>, vector<1x16xi32>,
    %get3A_1192 = vector.shape_cast %get3A_1191 : vector<1x16xi32> to vector<16xi32>
    %and3A_1193 = arith.constant 65535 : i32
    %and3A_1194 = vector.broadcast %and3A_1193 : i32 to vector<16xi32>
    %and3A_1195 = arith.andi %get3A_1192, %and3A_1194 : vector<16xi32>
    %swap3A_1196 = arith.constant 1 : i32
    %swap3A_1197 = arith.index_cast %swap3A_1196 : i32 to index
    %swap3A_1198 = arith.constant 48 : index
    %swap3A_1199 = tpu.vector_load %arg6[%swap3A_1197, %swap3A_1198] {strides = array<i32>} : memref<8x80xi32, #tpu.memory_space<vmem>>, vector<1x16xi32>,
    %swap3A_1200 = vector.shape_cast %swap3A_1199 : vector<1x16xi32> to vector<16xi32>
    %swap3A_1201 = vector.shape_cast %and3A_1195 : vector<16xi32> to vector<1x16xi32>
    tpu.vector_store %arg6[%swap3A_1197, %swap3A_1198], %swap3A_1201 {strides = array<i32>} : memref<8x80xi32, #tpu.memory_space<vmem>>, vector<1x16xi32>,
    %shift_right_logical3A_1202 = arith.constant 16 : i32
    %shift_right_logical3A_1203 = vector.broadcast %shift_right_logical3A_1202 : i32 to vector<16xi32>
    %shift_right_logical3A_1204 = arith.shrui %get3A_1192, %shift_right_logical3A_1203 : vector<16xi32>
    %swap3A_1205 = arith.constant 1 : i32
    %swap3A_1206 = arith.index_cast %swap3A_1205 : i32 to index
    %swap3A_1207 = arith.constant 48 : index
    %swap3A_1208 = tpu.vector_load %arg7[%swap3A_1206, %swap3A_1207] {strides = array<i32>} : memref<8x80xi32, #tpu.memory_space<vmem>>, vector<1x16xi32>,
    %swap3A_1209 = vector.shape_cast %swap3A_1208 : vector<1x16xi32> to vector<16xi32>
    %swap3A_1210 = vector.shape_cast %shift_right_logical3A_1204 : vector<16xi32> to vector<1x16xi32>
    tpu.vector_store %arg7[%swap3A_1206, %swap3A_1207], %swap3A_1210 {strides = array<i32>} : memref<8x80xi32, #tpu.memory_space<vmem>>, vector<1x16xi32>,
    %get3A_1211 = arith.constant 121 : i32
    %get3A_1212 = arith.index_cast %get3A_1211 : i32 to index
    %get3A_1213 = arith.constant 64 : index
    %get3A_1214 = tpu.vector_load %arg5[%get3A_1212, %get3A_1213] {strides = array<i32>} : memref<125x80xi32, #tpu.memory_space<vmem>>, vector<1x16xi32>,
    %get3A_1215 = vector.shape_cast %get3A_1214 : vector<1x16xi32> to vector<16xi32>
    %and3A_1216 = arith.constant 65535 : i32
    %and3A_1217 = vector.broadcast %and3A_1216 : i32 to vector<16xi32>
    %and3A_1218 = arith.andi %get3A_1215, %and3A_1217 : vector<16xi32>
    %swap3A_1219 = arith.constant 1 : i32
    %swap3A_1220 = arith.index_cast %swap3A_1219 : i32 to index
    %swap3A_1221 = arith.constant 64 : index
    %swap3A_1222 = tpu.vector_load %arg6[%swap3A_1220, %swap3A_1221] {strides = array<i32>} : memref<8x80xi32, #tpu.memory_space<vmem>>, vector<1x16xi32>,
    %swap3A_1223 = vector.shape_cast %swap3A_1222 : vector<1x16xi32> to vector<16xi32>
    %swap3A_1224 = vector.shape_cast %and3A_1218 : vector<16xi32> to vector<1x16xi32>
    tpu.vector_store %arg6[%swap3A_1220, %swap3A_1221], %swap3A_1224 {strides = array<i32>} : memref<8x80xi32, #tpu.memory_space<vmem>>, vector<1x16xi32>,
    %shift_right_logical3A_1225 = arith.constant 16 : i32
    %shift_right_logical3A_1226 = vector.broadcast %shift_right_logical3A_1225 : i32 to vector<16xi32>
    %shift_right_logical3A_1227 = arith.shrui %get3A_1215, %shift_right_logical3A_1226 : vector<16xi32>
    %swap3A_1228 = arith.constant 1 : i32
    %swap3A_1229 = arith.index_cast %swap3A_1228 : i32 to index
    %swap3A_1230 = arith.constant 64 : index
    %swap3A_1231 = tpu.vector_load %arg7[%swap3A_1229, %swap3A_1230] {strides = array<i32>} : memref<8x80xi32, #tpu.memory_space<vmem>>, vector<1x16xi32>,
    %swap3A_1232 = vector.shape_cast %swap3A_1231 : vector<1x16xi32> to vector<16xi32>
    %swap3A_1233 = vector.shape_cast %shift_right_logical3A_1227 : vector<16xi32> to vector<1x16xi32>
    tpu.vector_store %arg7[%swap3A_1229, %swap3A_1230], %swap3A_1233 {strides = array<i32>} : memref<8x80xi32, #tpu.memory_space<vmem>>, vector<1x16xi32>,
    %dma_start3A_1234 = arith.constant 1 : i32
    %dma_start3A_1235 = arith.constant 0 : i32
    %dma_start3A_1236 = tpu.memref_slice %arg6[%dma_start3A_1234, %dma_start3A_1235] : memref<8x80xi32, #tpu.memory_space<vmem>> -> memref<1x80xi32, #tpu.memory_space<vmem>>
    %dma_start3A_1237 = tpu.memref_squeeze %dma_start3A_1236 : memref<1x80xi32, #tpu.memory_space<vmem>> -> memref<80xi32, #tpu.memory_space<vmem>>
    %dma_start3A_1238 = arith.constant 0 : i32
    %dma_start3A_1239 = arith.constant 0 : i32
    %dma_start3A_1240 = tpu.memref_slice %arg2[%dma_start3A_1238, %dma_start3A_1239] : memref<10240x64xf32, #tpu.memory_space<hbm>> -> memref<10240x64xf32, #tpu.memory_space<hbm>>
    tpu.enqueue_indirect_dma source(%dma_start3A_1240 : memref<10240x64xf32, #tpu.memory_space<hbm>>) target(%arg9 : memref<80x64xf32, #tpu.memory_space<vmem>>) offsets(%dma_start3A_1237 : memref<80xi32, #tpu.memory_space<vmem>>) semaphore(%arg18 : memref<!tpu.dma_semaphore, #tpu.memory_space<semaphore_mem>>)
    %dma_wait3A_1241 = arith.constant 2 : i32
    %dma_wait3A_1242 = arith.constant 0 : i32
    %dma_wait3A_1243 = tpu.memref_slice %arg6[%dma_wait3A_1241, %dma_wait3A_1242] : memref<8x80xi32, #tpu.memory_space<vmem>> -> memref<1x80xi32, #tpu.memory_space<vmem>>
    %dma_wait3A_1244 = tpu.memref_squeeze %dma_wait3A_1243 : memref<1x80xi32, #tpu.memory_space<vmem>> -> memref<80xi32, #tpu.memory_space<vmem>>
    %dma_wait3A_1245 = arith.constant 0 : i32
    %dma_wait3A_1246 = arith.constant 0 : i32
    %dma_wait3A_1247 = tpu.memref_slice %arg2[%dma_wait3A_1245, %dma_wait3A_1246] : memref<10240x64xf32, #tpu.memory_space<hbm>> -> memref<10240x64xf32, #tpu.memory_space<hbm>>
    tpu.wait_indirect_dma semaphore(%arg19 : memref<!tpu.dma_semaphore, #tpu.memory_space<semaphore_mem>>) src(%dma_wait3A_1247 : memref<10240x64xf32, #tpu.memory_space<hbm>>) dst(%arg10 : memref<80x64xf32, #tpu.memory_space<vmem>>)
    %run_scoped3A_1248 = arith.constant 2 : i32
    "tpu.region"() ({
      %run_scoped3A_1700 = tpu.sem_alloc : memref<!tpu.dma_semaphore, #tpu.memory_space<semaphore_mem>>
      %dma_start3A_1701 = arith.constant 0 : i32
      %dma_start3A_1702 = tpu.memref_slice %arg7[%run_scoped3A_1248, %dma_start3A_1701] : memref<8x80xi32, #tpu.memory_space<vmem>> -> memref<1x80xi32, #tpu.memory_space<vmem>>
      %dma_start3A_1703 = tpu.memref_squeeze %dma_start3A_1702 : memref<1x80xi32, #tpu.memory_space<vmem>> -> memref<80xi32, #tpu.memory_space<vmem>>
      %dma_start3A_1704 = arith.constant 0 : i32
      %dma_start3A_1705 = arith.constant 0 : i32
      %dma_start3A_1706 = tpu.memref_slice %arg16[%dma_start3A_1704, %dma_start3A_1705] : memref<10240x64xf32, #tpu.memory_space<vmem_shared>> -> memref<10240x64xf32, #tpu.memory_space<vmem_shared>>
      tpu.enqueue_indirect_dma source(%arg10 : memref<80x64xf32, #tpu.memory_space<vmem>>) target(%dma_start3A_1706 : memref<10240x64xf32, #tpu.memory_space<vmem_shared>>) offsets(%dma_start3A_1703 : memref<80xi32, #tpu.memory_space<vmem>>) semaphore(%run_scoped3A_1700 : memref<!tpu.dma_semaphore, #tpu.memory_space<semaphore_mem>>) {add = true}
      %dma_wait3A_1707 = arith.constant 0 : i32
      %dma_wait3A_1708 = tpu.memref_slice %arg7[%run_scoped3A_1248, %dma_wait3A_1707] : memref<8x80xi32, #tpu.memory_space<vmem>> -> memref<1x80xi32, #tpu.memory_space<vmem>>
      %dma_wait3A_1709 = tpu.memref_squeeze %dma_wait3A_1708 : memref<1x80xi32, #tpu.memory_space<vmem>> -> memref<80xi32, #tpu.memory_space<vmem>>
      %dma_wait3A_1710 = arith.constant 0 : i32
      %dma_wait3A_1711 = arith.constant 0 : i32
      %dma_wait3A_1712 = tpu.memref_slice %arg16[%dma_wait3A_1710, %dma_wait3A_1711] : memref<10240x64xf32, #tpu.memory_space<vmem_shared>> -> memref<10240x64xf32, #tpu.memory_space<vmem_shared>>
      tpu.wait_indirect_dma semaphore(%run_scoped3A_1700 : memref<!tpu.dma_semaphore, #tpu.memory_space<semaphore_mem>>) src(%arg10 : memref<80x64xf32, #tpu.memory_space<vmem>>) dst(%dma_wait3A_1712 : memref<10240x64xf32, #tpu.memory_space<vmem_shared>>)
      tpu.yield
    }) : () -> ()
    %get3A_1249 = arith.constant 122 : i32
    %get3A_1250 = arith.index_cast %get3A_1249 : i32 to index
    %get3A_1251 = arith.constant 0 : index
    %get3A_1252 = tpu.vector_load %arg5[%get3A_1250, %get3A_1251] {strides = array<i32>} : memref<125x80xi32, #tpu.memory_space<vmem>>, vector<1x16xi32>,
    %get3A_1253 = vector.shape_cast %get3A_1252 : vector<1x16xi32> to vector<16xi32>
    %and3A_1254 = arith.constant 65535 : i32
    %and3A_1255 = vector.broadcast %and3A_1254 : i32 to vector<16xi32>
    %and3A_1256 = arith.andi %get3A_1253, %and3A_1255 : vector<16xi32>
    %swap3A_1257 = arith.constant 2 : i32
    %swap3A_1258 = arith.index_cast %swap3A_1257 : i32 to index
    %swap3A_1259 = arith.constant 0 : index
    %swap3A_1260 = tpu.vector_load %arg6[%swap3A_1258, %swap3A_1259] {strides = array<i32>} : memref<8x80xi32, #tpu.memory_space<vmem>>, vector<1x16xi32>,
    %swap3A_1261 = vector.shape_cast %swap3A_1260 : vector<1x16xi32> to vector<16xi32>
    %swap3A_1262 = vector.shape_cast %and3A_1256 : vector<16xi32> to vector<1x16xi32>
    tpu.vector_store %arg6[%swap3A_1258, %swap3A_1259], %swap3A_1262 {strides = array<i32>} : memref<8x80xi32, #tpu.memory_space<vmem>>, vector<1x16xi32>,
    %shift_right_logical3A_1263 = arith.constant 16 : i32
    %shift_right_logical3A_1264 = vector.broadcast %shift_right_logical3A_1263 : i32 to vector<16xi32>
    %shift_right_logical3A_1265 = arith.shrui %get3A_1253, %shift_right_logical3A_1264 : vector<16xi32>
    %swap3A_1266 = arith.constant 2 : i32
    %swap3A_1267 = arith.index_cast %swap3A_1266 : i32 to index
    %swap3A_1268 = arith.constant 0 : index
    %swap3A_1269 = tpu.vector_load %arg7[%swap3A_1267, %swap3A_1268] {strides = array<i32>} : memref<8x80xi32, #tpu.memory_space<vmem>>, vector<1x16xi32>,
    %swap3A_1270 = vector.shape_cast %swap3A_1269 : vector<1x16xi32> to vector<16xi32>
    %swap3A_1271 = vector.shape_cast %shift_right_logical3A_1265 : vector<16xi32> to vector<1x16xi32>
    tpu.vector_store %arg7[%swap3A_1267, %swap3A_1268], %swap3A_1271 {strides = array<i32>} : memref<8x80xi32, #tpu.memory_space<vmem>>, vector<1x16xi32>,
    %get3A_1272 = arith.constant 122 : i32
    %get3A_1273 = arith.index_cast %get3A_1272 : i32 to index
    %get3A_1274 = arith.constant 16 : index
    %get3A_1275 = tpu.vector_load %arg5[%get3A_1273, %get3A_1274] {strides = array<i32>} : memref<125x80xi32, #tpu.memory_space<vmem>>, vector<1x16xi32>,
    %get3A_1276 = vector.shape_cast %get3A_1275 : vector<1x16xi32> to vector<16xi32>
    %and3A_1277 = arith.constant 65535 : i32
    %and3A_1278 = vector.broadcast %and3A_1277 : i32 to vector<16xi32>
    %and3A_1279 = arith.andi %get3A_1276, %and3A_1278 : vector<16xi32>
    %swap3A_1280 = arith.constant 2 : i32
    %swap3A_1281 = arith.index_cast %swap3A_1280 : i32 to index
    %swap3A_1282 = arith.constant 16 : index
    %swap3A_1283 = tpu.vector_load %arg6[%swap3A_1281, %swap3A_1282] {strides = array<i32>} : memref<8x80xi32, #tpu.memory_space<vmem>>, vector<1x16xi32>,
    %swap3A_1284 = vector.shape_cast %swap3A_1283 : vector<1x16xi32> to vector<16xi32>
    %swap3A_1285 = vector.shape_cast %and3A_1279 : vector<16xi32> to vector<1x16xi32>
    tpu.vector_store %arg6[%swap3A_1281, %swap3A_1282], %swap3A_1285 {strides = array<i32>} : memref<8x80xi32, #tpu.memory_space<vmem>>, vector<1x16xi32>,
    %shift_right_logical3A_1286 = arith.constant 16 : i32
    %shift_right_logical3A_1287 = vector.broadcast %shift_right_logical3A_1286 : i32 to vector<16xi32>
    %shift_right_logical3A_1288 = arith.shrui %get3A_1276, %shift_right_logical3A_1287 : vector<16xi32>
    %swap3A_1289 = arith.constant 2 : i32
    %swap3A_1290 = arith.index_cast %swap3A_1289 : i32 to index
    %swap3A_1291 = arith.constant 16 : index
    %swap3A_1292 = tpu.vector_load %arg7[%swap3A_1290, %swap3A_1291] {strides = array<i32>} : memref<8x80xi32, #tpu.memory_space<vmem>>, vector<1x16xi32>,
    %swap3A_1293 = vector.shape_cast %swap3A_1292 : vector<1x16xi32> to vector<16xi32>
    %swap3A_1294 = vector.shape_cast %shift_right_logical3A_1288 : vector<16xi32> to vector<1x16xi32>
    tpu.vector_store %arg7[%swap3A_1290, %swap3A_1291], %swap3A_1294 {strides = array<i32>} : memref<8x80xi32, #tpu.memory_space<vmem>>, vector<1x16xi32>,
    %get3A_1295 = arith.constant 122 : i32
    %get3A_1296 = arith.index_cast %get3A_1295 : i32 to index
    %get3A_1297 = arith.constant 32 : index
    %get3A_1298 = tpu.vector_load %arg5[%get3A_1296, %get3A_1297] {strides = array<i32>} : memref<125x80xi32, #tpu.memory_space<vmem>>, vector<1x16xi32>,
    %get3A_1299 = vector.shape_cast %get3A_1298 : vector<1x16xi32> to vector<16xi32>
    %and3A_1300 = arith.constant 65535 : i32
    %and3A_1301 = vector.broadcast %and3A_1300 : i32 to vector<16xi32>
    %and3A_1302 = arith.andi %get3A_1299, %and3A_1301 : vector<16xi32>
    %swap3A_1303 = arith.constant 2 : i32
    %swap3A_1304 = arith.index_cast %swap3A_1303 : i32 to index
    %swap3A_1305 = arith.constant 32 : index
    %swap3A_1306 = tpu.vector_load %arg6[%swap3A_1304, %swap3A_1305] {strides = array<i32>} : memref<8x80xi32, #tpu.memory_space<vmem>>, vector<1x16xi32>,
    %swap3A_1307 = vector.shape_cast %swap3A_1306 : vector<1x16xi32> to vector<16xi32>
    %swap3A_1308 = vector.shape_cast %and3A_1302 : vector<16xi32> to vector<1x16xi32>
    tpu.vector_store %arg6[%swap3A_1304, %swap3A_1305], %swap3A_1308 {strides = array<i32>} : memref<8x80xi32, #tpu.memory_space<vmem>>, vector<1x16xi32>,
    %shift_right_logical3A_1309 = arith.constant 16 : i32
    %shift_right_logical3A_1310 = vector.broadcast %shift_right_logical3A_1309 : i32 to vector<16xi32>
    %shift_right_logical3A_1311 = arith.shrui %get3A_1299, %shift_right_logical3A_1310 : vector<16xi32>
    %swap3A_1312 = arith.constant 2 : i32
    %swap3A_1313 = arith.index_cast %swap3A_1312 : i32 to index
    %swap3A_1314 = arith.constant 32 : index
    %swap3A_1315 = tpu.vector_load %arg7[%swap3A_1313, %swap3A_1314] {strides = array<i32>} : memref<8x80xi32, #tpu.memory_space<vmem>>, vector<1x16xi32>,
    %swap3A_1316 = vector.shape_cast %swap3A_1315 : vector<1x16xi32> to vector<16xi32>
    %swap3A_1317 = vector.shape_cast %shift_right_logical3A_1311 : vector<16xi32> to vector<1x16xi32>
    tpu.vector_store %arg7[%swap3A_1313, %swap3A_1314], %swap3A_1317 {strides = array<i32>} : memref<8x80xi32, #tpu.memory_space<vmem>>, vector<1x16xi32>,
    %get3A_1318 = arith.constant 122 : i32
    %get3A_1319 = arith.index_cast %get3A_1318 : i32 to index
    %get3A_1320 = arith.constant 48 : index
    %get3A_1321 = tpu.vector_load %arg5[%get3A_1319, %get3A_1320] {strides = array<i32>} : memref<125x80xi32, #tpu.memory_space<vmem>>, vector<1x16xi32>,
    %get3A_1322 = vector.shape_cast %get3A_1321 : vector<1x16xi32> to vector<16xi32>
    %and3A_1323 = arith.constant 65535 : i32
    %and3A_1324 = vector.broadcast %and3A_1323 : i32 to vector<16xi32>
    %and3A_1325 = arith.andi %get3A_1322, %and3A_1324 : vector<16xi32>
    %swap3A_1326 = arith.constant 2 : i32
    %swap3A_1327 = arith.index_cast %swap3A_1326 : i32 to index
    %swap3A_1328 = arith.constant 48 : index
    %swap3A_1329 = tpu.vector_load %arg6[%swap3A_1327, %swap3A_1328] {strides = array<i32>} : memref<8x80xi32, #tpu.memory_space<vmem>>, vector<1x16xi32>,
    %swap3A_1330 = vector.shape_cast %swap3A_1329 : vector<1x16xi32> to vector<16xi32>
    %swap3A_1331 = vector.shape_cast %and3A_1325 : vector<16xi32> to vector<1x16xi32>
    tpu.vector_store %arg6[%swap3A_1327, %swap3A_1328], %swap3A_1331 {strides = array<i32>} : memref<8x80xi32, #tpu.memory_space<vmem>>, vector<1x16xi32>,
    %shift_right_logical3A_1332 = arith.constant 16 : i32
    %shift_right_logical3A_1333 = vector.broadcast %shift_right_logical3A_1332 : i32 to vector<16xi32>
    %shift_right_logical3A_1334 = arith.shrui %get3A_1322, %shift_right_logical3A_1333 : vector<16xi32>
    %swap3A_1335 = arith.constant 2 : i32
    %swap3A_1336 = arith.index_cast %swap3A_1335 : i32 to index
    %swap3A_1337 = arith.constant 48 : index
    %swap3A_1338 = tpu.vector_load %arg7[%swap3A_1336, %swap3A_1337] {strides = array<i32>} : memref<8x80xi32, #tpu.memory_space<vmem>>, vector<1x16xi32>,
    %swap3A_1339 = vector.shape_cast %swap3A_1338 : vector<1x16xi32> to vector<16xi32>
    %swap3A_1340 = vector.shape_cast %shift_right_logical3A_1334 : vector<16xi32> to vector<1x16xi32>
    tpu.vector_store %arg7[%swap3A_1336, %swap3A_1337], %swap3A_1340 {strides = array<i32>} : memref<8x80xi32, #tpu.memory_space<vmem>>, vector<1x16xi32>,
    %get3A_1341 = arith.constant 122 : i32
    %get3A_1342 = arith.index_cast %get3A_1341 : i32 to index
    %get3A_1343 = arith.constant 64 : index
    %get3A_1344 = tpu.vector_load %arg5[%get3A_1342, %get3A_1343] {strides = array<i32>} : memref<125x80xi32, #tpu.memory_space<vmem>>, vector<1x16xi32>,
    %get3A_1345 = vector.shape_cast %get3A_1344 : vector<1x16xi32> to vector<16xi32>
    %and3A_1346 = arith.constant 65535 : i32
    %and3A_1347 = vector.broadcast %and3A_1346 : i32 to vector<16xi32>
    %and3A_1348 = arith.andi %get3A_1345, %and3A_1347 : vector<16xi32>
    %swap3A_1349 = arith.constant 2 : i32
    %swap3A_1350 = arith.index_cast %swap3A_1349 : i32 to index
    %swap3A_1351 = arith.constant 64 : index
    %swap3A_1352 = tpu.vector_load %arg6[%swap3A_1350, %swap3A_1351] {strides = array<i32>} : memref<8x80xi32, #tpu.memory_space<vmem>>, vector<1x16xi32>,
    %swap3A_1353 = vector.shape_cast %swap3A_1352 : vector<1x16xi32> to vector<16xi32>
    %swap3A_1354 = vector.shape_cast %and3A_1348 : vector<16xi32> to vector<1x16xi32>
    tpu.vector_store %arg6[%swap3A_1350, %swap3A_1351], %swap3A_1354 {strides = array<i32>} : memref<8x80xi32, #tpu.memory_space<vmem>>, vector<1x16xi32>,
    %shift_right_logical3A_1355 = arith.constant 16 : i32
    %shift_right_logical3A_1356 = vector.broadcast %shift_right_logical3A_1355 : i32 to vector<16xi32>
    %shift_right_logical3A_1357 = arith.shrui %get3A_1345, %shift_right_logical3A_1356 : vector<16xi32>
    %swap3A_1358 = arith.constant 2 : i32
    %swap3A_1359 = arith.index_cast %swap3A_1358 : i32 to index
    %swap3A_1360 = arith.constant 64 : index
    %swap3A_1361 = tpu.vector_load %arg7[%swap3A_1359, %swap3A_1360] {strides = array<i32>} : memref<8x80xi32, #tpu.memory_space<vmem>>, vector<1x16xi32>,
    %swap3A_1362 = vector.shape_cast %swap3A_1361 : vector<1x16xi32> to vector<16xi32>
    %swap3A_1363 = vector.shape_cast %shift_right_logical3A_1357 : vector<16xi32> to vector<1x16xi32>
    tpu.vector_store %arg7[%swap3A_1359, %swap3A_1360], %swap3A_1363 {strides = array<i32>} : memref<8x80xi32, #tpu.memory_space<vmem>>, vector<1x16xi32>,
    %dma_start3A_1364 = arith.constant 2 : i32
    %dma_start3A_1365 = arith.constant 0 : i32
    %dma_start3A_1366 = tpu.memref_slice %arg6[%dma_start3A_1364, %dma_start3A_1365] : memref<8x80xi32, #tpu.memory_space<vmem>> -> memref<1x80xi32, #tpu.memory_space<vmem>>
    %dma_start3A_1367 = tpu.memref_squeeze %dma_start3A_1366 : memref<1x80xi32, #tpu.memory_space<vmem>> -> memref<80xi32, #tpu.memory_space<vmem>>
    %dma_start3A_1368 = arith.constant 0 : i32
    %dma_start3A_1369 = arith.constant 0 : i32
    %dma_start3A_1370 = tpu.memref_slice %arg2[%dma_start3A_1368, %dma_start3A_1369] : memref<10240x64xf32, #tpu.memory_space<hbm>> -> memref<10240x64xf32, #tpu.memory_space<hbm>>
    tpu.enqueue_indirect_dma source(%dma_start3A_1370 : memref<10240x64xf32, #tpu.memory_space<hbm>>) target(%arg10 : memref<80x64xf32, #tpu.memory_space<vmem>>) offsets(%dma_start3A_1367 : memref<80xi32, #tpu.memory_space<vmem>>) semaphore(%arg19 : memref<!tpu.dma_semaphore, #tpu.memory_space<semaphore_mem>>)
    %dma_wait3A_1371 = arith.constant 3 : i32
    %dma_wait3A_1372 = arith.constant 0 : i32
    %dma_wait3A_1373 = tpu.memref_slice %arg6[%dma_wait3A_1371, %dma_wait3A_1372] : memref<8x80xi32, #tpu.memory_space<vmem>> -> memref<1x80xi32, #tpu.memory_space<vmem>>
    %dma_wait3A_1374 = tpu.memref_squeeze %dma_wait3A_1373 : memref<1x80xi32, #tpu.memory_space<vmem>> -> memref<80xi32, #tpu.memory_space<vmem>>
    %dma_wait3A_1375 = arith.constant 0 : i32
    %dma_wait3A_1376 = arith.constant 0 : i32
    %dma_wait3A_1377 = tpu.memref_slice %arg2[%dma_wait3A_1375, %dma_wait3A_1376] : memref<10240x64xf32, #tpu.memory_space<hbm>> -> memref<10240x64xf32, #tpu.memory_space<hbm>>
    tpu.wait_indirect_dma semaphore(%arg20 : memref<!tpu.dma_semaphore, #tpu.memory_space<semaphore_mem>>) src(%dma_wait3A_1377 : memref<10240x64xf32, #tpu.memory_space<hbm>>) dst(%arg11 : memref<80x64xf32, #tpu.memory_space<vmem>>)
    %run_scoped3A_1378 = arith.constant 3 : i32
    "tpu.region"() ({
      %run_scoped3A_1700 = tpu.sem_alloc : memref<!tpu.dma_semaphore, #tpu.memory_space<semaphore_mem>>
      %dma_start3A_1701 = arith.constant 0 : i32
      %dma_start3A_1702 = tpu.memref_slice %arg7[%run_scoped3A_1378, %dma_start3A_1701] : memref<8x80xi32, #tpu.memory_space<vmem>> -> memref<1x80xi32, #tpu.memory_space<vmem>>
      %dma_start3A_1703 = tpu.memref_squeeze %dma_start3A_1702 : memref<1x80xi32, #tpu.memory_space<vmem>> -> memref<80xi32, #tpu.memory_space<vmem>>
      %dma_start3A_1704 = arith.constant 0 : i32
      %dma_start3A_1705 = arith.constant 0 : i32
      %dma_start3A_1706 = tpu.memref_slice %arg16[%dma_start3A_1704, %dma_start3A_1705] : memref<10240x64xf32, #tpu.memory_space<vmem_shared>> -> memref<10240x64xf32, #tpu.memory_space<vmem_shared>>
      tpu.enqueue_indirect_dma source(%arg11 : memref<80x64xf32, #tpu.memory_space<vmem>>) target(%dma_start3A_1706 : memref<10240x64xf32, #tpu.memory_space<vmem_shared>>) offsets(%dma_start3A_1703 : memref<80xi32, #tpu.memory_space<vmem>>) semaphore(%run_scoped3A_1700 : memref<!tpu.dma_semaphore, #tpu.memory_space<semaphore_mem>>) {add = true}
      %dma_wait3A_1707 = arith.constant 0 : i32
      %dma_wait3A_1708 = tpu.memref_slice %arg7[%run_scoped3A_1378, %dma_wait3A_1707] : memref<8x80xi32, #tpu.memory_space<vmem>> -> memref<1x80xi32, #tpu.memory_space<vmem>>
      %dma_wait3A_1709 = tpu.memref_squeeze %dma_wait3A_1708 : memref<1x80xi32, #tpu.memory_space<vmem>> -> memref<80xi32, #tpu.memory_space<vmem>>
      %dma_wait3A_1710 = arith.constant 0 : i32
      %dma_wait3A_1711 = arith.constant 0 : i32
      %dma_wait3A_1712 = tpu.memref_slice %arg16[%dma_wait3A_1710, %dma_wait3A_1711] : memref<10240x64xf32, #tpu.memory_space<vmem_shared>> -> memref<10240x64xf32, #tpu.memory_space<vmem_shared>>
      tpu.wait_indirect_dma semaphore(%run_scoped3A_1700 : memref<!tpu.dma_semaphore, #tpu.memory_space<semaphore_mem>>) src(%arg11 : memref<80x64xf32, #tpu.memory_space<vmem>>) dst(%dma_wait3A_1712 : memref<10240x64xf32, #tpu.memory_space<vmem_shared>>)
      tpu.yield
    }) : () -> ()
    %get3A_1379 = arith.constant 123 : i32
    %get3A_1380 = arith.index_cast %get3A_1379 : i32 to index
    %get3A_1381 = arith.constant 0 : index
    %get3A_1382 = tpu.vector_load %arg5[%get3A_1380, %get3A_1381] {strides = array<i32>} : memref<125x80xi32, #tpu.memory_space<vmem>>, vector<1x16xi32>,
    %get3A_1383 = vector.shape_cast %get3A_1382 : vector<1x16xi32> to vector<16xi32>
    %and3A_1384 = arith.constant 65535 : i32
    %and3A_1385 = vector.broadcast %and3A_1384 : i32 to vector<16xi32>
    %and3A_1386 = arith.andi %get3A_1383, %and3A_1385 : vector<16xi32>
    %swap3A_1387 = arith.constant 3 : i32
    %swap3A_1388 = arith.index_cast %swap3A_1387 : i32 to index
    %swap3A_1389 = arith.constant 0 : index
    %swap3A_1390 = tpu.vector_load %arg6[%swap3A_1388, %swap3A_1389] {strides = array<i32>} : memref<8x80xi32, #tpu.memory_space<vmem>>, vector<1x16xi32>,
    %swap3A_1391 = vector.shape_cast %swap3A_1390 : vector<1x16xi32> to vector<16xi32>
    %swap3A_1392 = vector.shape_cast %and3A_1386 : vector<16xi32> to vector<1x16xi32>
    tpu.vector_store %arg6[%swap3A_1388, %swap3A_1389], %swap3A_1392 {strides = array<i32>} : memref<8x80xi32, #tpu.memory_space<vmem>>, vector<1x16xi32>,
    %shift_right_logical3A_1393 = arith.constant 16 : i32
    %shift_right_logical3A_1394 = vector.broadcast %shift_right_logical3A_1393 : i32 to vector<16xi32>
    %shift_right_logical3A_1395 = arith.shrui %get3A_1383, %shift_right_logical3A_1394 : vector<16xi32>
    %swap3A_1396 = arith.constant 3 : i32
    %swap3A_1397 = arith.index_cast %swap3A_1396 : i32 to index
    %swap3A_1398 = arith.constant 0 : index
    %swap3A_1399 = tpu.vector_load %arg7[%swap3A_1397, %swap3A_1398] {strides = array<i32>} : memref<8x80xi32, #tpu.memory_space<vmem>>, vector<1x16xi32>,
    %swap3A_1400 = vector.shape_cast %swap3A_1399 : vector<1x16xi32> to vector<16xi32>
    %swap3A_1401 = vector.shape_cast %shift_right_logical3A_1395 : vector<16xi32> to vector<1x16xi32>
    tpu.vector_store %arg7[%swap3A_1397, %swap3A_1398], %swap3A_1401 {strides = array<i32>} : memref<8x80xi32, #tpu.memory_space<vmem>>, vector<1x16xi32>,
    %get3A_1402 = arith.constant 123 : i32
    %get3A_1403 = arith.index_cast %get3A_1402 : i32 to index
    %get3A_1404 = arith.constant 16 : index
    %get3A_1405 = tpu.vector_load %arg5[%get3A_1403, %get3A_1404] {strides = array<i32>} : memref<125x80xi32, #tpu.memory_space<vmem>>, vector<1x16xi32>,
    %get3A_1406 = vector.shape_cast %get3A_1405 : vector<1x16xi32> to vector<16xi32>
    %and3A_1407 = arith.constant 65535 : i32
    %and3A_1408 = vector.broadcast %and3A_1407 : i32 to vector<16xi32>
    %and3A_1409 = arith.andi %get3A_1406, %and3A_1408 : vector<16xi32>
    %swap3A_1410 = arith.constant 3 : i32
    %swap3A_1411 = arith.index_cast %swap3A_1410 : i32 to index
    %swap3A_1412 = arith.constant 16 : index
    %swap3A_1413 = tpu.vector_load %arg6[%swap3A_1411, %swap3A_1412] {strides = array<i32>} : memref<8x80xi32, #tpu.memory_space<vmem>>, vector<1x16xi32>,
    %swap3A_1414 = vector.shape_cast %swap3A_1413 : vector<1x16xi32> to vector<16xi32>
    %swap3A_1415 = vector.shape_cast %and3A_1409 : vector<16xi32> to vector<1x16xi32>
    tpu.vector_store %arg6[%swap3A_1411, %swap3A_1412], %swap3A_1415 {strides = array<i32>} : memref<8x80xi32, #tpu.memory_space<vmem>>, vector<1x16xi32>,
    %shift_right_logical3A_1416 = arith.constant 16 : i32
    %shift_right_logical3A_1417 = vector.broadcast %shift_right_logical3A_1416 : i32 to vector<16xi32>
    %shift_right_logical3A_1418 = arith.shrui %get3A_1406, %shift_right_logical3A_1417 : vector<16xi32>
    %swap3A_1419 = arith.constant 3 : i32
    %swap3A_1420 = arith.index_cast %swap3A_1419 : i32 to index
    %swap3A_1421 = arith.constant 16 : index
    %swap3A_1422 = tpu.vector_load %arg7[%swap3A_1420, %swap3A_1421] {strides = array<i32>} : memref<8x80xi32, #tpu.memory_space<vmem>>, vector<1x16xi32>,
    %swap3A_1423 = vector.shape_cast %swap3A_1422 : vector<1x16xi32> to vector<16xi32>
    %swap3A_1424 = vector.shape_cast %shift_right_logical3A_1418 : vector<16xi32> to vector<1x16xi32>
    tpu.vector_store %arg7[%swap3A_1420, %swap3A_1421], %swap3A_1424 {strides = array<i32>} : memref<8x80xi32, #tpu.memory_space<vmem>>, vector<1x16xi32>,
    %get3A_1425 = arith.constant 123 : i32
    %get3A_1426 = arith.index_cast %get3A_1425 : i32 to index
    %get3A_1427 = arith.constant 32 : index
    %get3A_1428 = tpu.vector_load %arg5[%get3A_1426, %get3A_1427] {strides = array<i32>} : memref<125x80xi32, #tpu.memory_space<vmem>>, vector<1x16xi32>,
    %get3A_1429 = vector.shape_cast %get3A_1428 : vector<1x16xi32> to vector<16xi32>
    %and3A_1430 = arith.constant 65535 : i32
    %and3A_1431 = vector.broadcast %and3A_1430 : i32 to vector<16xi32>
    %and3A_1432 = arith.andi %get3A_1429, %and3A_1431 : vector<16xi32>
    %swap3A_1433 = arith.constant 3 : i32
    %swap3A_1434 = arith.index_cast %swap3A_1433 : i32 to index
    %swap3A_1435 = arith.constant 32 : index
    %swap3A_1436 = tpu.vector_load %arg6[%swap3A_1434, %swap3A_1435] {strides = array<i32>} : memref<8x80xi32, #tpu.memory_space<vmem>>, vector<1x16xi32>,
    %swap3A_1437 = vector.shape_cast %swap3A_1436 : vector<1x16xi32> to vector<16xi32>
    %swap3A_1438 = vector.shape_cast %and3A_1432 : vector<16xi32> to vector<1x16xi32>
    tpu.vector_store %arg6[%swap3A_1434, %swap3A_1435], %swap3A_1438 {strides = array<i32>} : memref<8x80xi32, #tpu.memory_space<vmem>>, vector<1x16xi32>,
    %shift_right_logical3A_1439 = arith.constant 16 : i32
    %shift_right_logical3A_1440 = vector.broadcast %shift_right_logical3A_1439 : i32 to vector<16xi32>
    %shift_right_logical3A_1441 = arith.shrui %get3A_1429, %shift_right_logical3A_1440 : vector<16xi32>
    %swap3A_1442 = arith.constant 3 : i32
    %swap3A_1443 = arith.index_cast %swap3A_1442 : i32 to index
    %swap3A_1444 = arith.constant 32 : index
    %swap3A_1445 = tpu.vector_load %arg7[%swap3A_1443, %swap3A_1444] {strides = array<i32>} : memref<8x80xi32, #tpu.memory_space<vmem>>, vector<1x16xi32>,
    %swap3A_1446 = vector.shape_cast %swap3A_1445 : vector<1x16xi32> to vector<16xi32>
    %swap3A_1447 = vector.shape_cast %shift_right_logical3A_1441 : vector<16xi32> to vector<1x16xi32>
    tpu.vector_store %arg7[%swap3A_1443, %swap3A_1444], %swap3A_1447 {strides = array<i32>} : memref<8x80xi32, #tpu.memory_space<vmem>>, vector<1x16xi32>,
    %get3A_1448 = arith.constant 123 : i32
    %get3A_1449 = arith.index_cast %get3A_1448 : i32 to index
    %get3A_1450 = arith.constant 48 : index
    %get3A_1451 = tpu.vector_load %arg5[%get3A_1449, %get3A_1450] {strides = array<i32>} : memref<125x80xi32, #tpu.memory_space<vmem>>, vector<1x16xi32>,
    %get3A_1452 = vector.shape_cast %get3A_1451 : vector<1x16xi32> to vector<16xi32>
    %and3A_1453 = arith.constant 65535 : i32
    %and3A_1454 = vector.broadcast %and3A_1453 : i32 to vector<16xi32>
    %and3A_1455 = arith.andi %get3A_1452, %and3A_1454 : vector<16xi32>
    %swap3A_1456 = arith.constant 3 : i32
    %swap3A_1457 = arith.index_cast %swap3A_1456 : i32 to index
    %swap3A_1458 = arith.constant 48 : index
    %swap3A_1459 = tpu.vector_load %arg6[%swap3A_1457, %swap3A_1458] {strides = array<i32>} : memref<8x80xi32, #tpu.memory_space<vmem>>, vector<1x16xi32>,
    %swap3A_1460 = vector.shape_cast %swap3A_1459 : vector<1x16xi32> to vector<16xi32>
    %swap3A_1461 = vector.shape_cast %and3A_1455 : vector<16xi32> to vector<1x16xi32>
    tpu.vector_store %arg6[%swap3A_1457, %swap3A_1458], %swap3A_1461 {strides = array<i32>} : memref<8x80xi32, #tpu.memory_space<vmem>>, vector<1x16xi32>,
    %shift_right_logical3A_1462 = arith.constant 16 : i32
    %shift_right_logical3A_1463 = vector.broadcast %shift_right_logical3A_1462 : i32 to vector<16xi32>
    %shift_right_logical3A_1464 = arith.shrui %get3A_1452, %shift_right_logical3A_1463 : vector<16xi32>
    %swap3A_1465 = arith.constant 3 : i32
    %swap3A_1466 = arith.index_cast %swap3A_1465 : i32 to index
    %swap3A_1467 = arith.constant 48 : index
    %swap3A_1468 = tpu.vector_load %arg7[%swap3A_1466, %swap3A_1467] {strides = array<i32>} : memref<8x80xi32, #tpu.memory_space<vmem>>, vector<1x16xi32>,
    %swap3A_1469 = vector.shape_cast %swap3A_1468 : vector<1x16xi32> to vector<16xi32>
    %swap3A_1470 = vector.shape_cast %shift_right_logical3A_1464 : vector<16xi32> to vector<1x16xi32>
    tpu.vector_store %arg7[%swap3A_1466, %swap3A_1467], %swap3A_1470 {strides = array<i32>} : memref<8x80xi32, #tpu.memory_space<vmem>>, vector<1x16xi32>,
    %get3A_1471 = arith.constant 123 : i32
    %get3A_1472 = arith.index_cast %get3A_1471 : i32 to index
    %get3A_1473 = arith.constant 64 : index
    %get3A_1474 = tpu.vector_load %arg5[%get3A_1472, %get3A_1473] {strides = array<i32>} : memref<125x80xi32, #tpu.memory_space<vmem>>, vector<1x16xi32>,
    %get3A_1475 = vector.shape_cast %get3A_1474 : vector<1x16xi32> to vector<16xi32>
    %and3A_1476 = arith.constant 65535 : i32
    %and3A_1477 = vector.broadcast %and3A_1476 : i32 to vector<16xi32>
    %and3A_1478 = arith.andi %get3A_1475, %and3A_1477 : vector<16xi32>
    %swap3A_1479 = arith.constant 3 : i32
    %swap3A_1480 = arith.index_cast %swap3A_1479 : i32 to index
    %swap3A_1481 = arith.constant 64 : index
    %swap3A_1482 = tpu.vector_load %arg6[%swap3A_1480, %swap3A_1481] {strides = array<i32>} : memref<8x80xi32, #tpu.memory_space<vmem>>, vector<1x16xi32>,
    %swap3A_1483 = vector.shape_cast %swap3A_1482 : vector<1x16xi32> to vector<16xi32>
    %swap3A_1484 = vector.shape_cast %and3A_1478 : vector<16xi32> to vector<1x16xi32>
    tpu.vector_store %arg6[%swap3A_1480, %swap3A_1481], %swap3A_1484 {strides = array<i32>} : memref<8x80xi32, #tpu.memory_space<vmem>>, vector<1x16xi32>,
    %shift_right_logical3A_1485 = arith.constant 16 : i32
    %shift_right_logical3A_1486 = vector.broadcast %shift_right_logical3A_1485 : i32 to vector<16xi32>
    %shift_right_logical3A_1487 = arith.shrui %get3A_1475, %shift_right_logical3A_1486 : vector<16xi32>
    %swap3A_1488 = arith.constant 3 : i32
    %swap3A_1489 = arith.index_cast %swap3A_1488 : i32 to index
    %swap3A_1490 = arith.constant 64 : index
    %swap3A_1491 = tpu.vector_load %arg7[%swap3A_1489, %swap3A_1490] {strides = array<i32>} : memref<8x80xi32, #tpu.memory_space<vmem>>, vector<1x16xi32>,
    %swap3A_1492 = vector.shape_cast %swap3A_1491 : vector<1x16xi32> to vector<16xi32>
    %swap3A_1493 = vector.shape_cast %shift_right_logical3A_1487 : vector<16xi32> to vector<1x16xi32>
    tpu.vector_store %arg7[%swap3A_1489, %swap3A_1490], %swap3A_1493 {strides = array<i32>} : memref<8x80xi32, #tpu.memory_space<vmem>>, vector<1x16xi32>,
    %dma_start3A_1494 = arith.constant 3 : i32
    %dma_start3A_1495 = arith.constant 0 : i32
    %dma_start3A_1496 = tpu.memref_slice %arg6[%dma_start3A_1494, %dma_start3A_1495] : memref<8x80xi32, #tpu.memory_space<vmem>> -> memref<1x80xi32, #tpu.memory_space<vmem>>
    %dma_start3A_1497 = tpu.memref_squeeze %dma_start3A_1496 : memref<1x80xi32, #tpu.memory_space<vmem>> -> memref<80xi32, #tpu.memory_space<vmem>>
    %dma_start3A_1498 = arith.constant 0 : i32
    %dma_start3A_1499 = arith.constant 0 : i32
    %dma_start3A_1500 = tpu.memref_slice %arg2[%dma_start3A_1498, %dma_start3A_1499] : memref<10240x64xf32, #tpu.memory_space<hbm>> -> memref<10240x64xf32, #tpu.memory_space<hbm>>
    tpu.enqueue_indirect_dma source(%dma_start3A_1500 : memref<10240x64xf32, #tpu.memory_space<hbm>>) target(%arg11 : memref<80x64xf32, #tpu.memory_space<vmem>>) offsets(%dma_start3A_1497 : memref<80xi32, #tpu.memory_space<vmem>>) semaphore(%arg20 : memref<!tpu.dma_semaphore, #tpu.memory_space<semaphore_mem>>)
    %dma_wait3A_1501 = arith.constant 4 : i32
    %dma_wait3A_1502 = arith.constant 0 : i32
    %dma_wait3A_1503 = tpu.memref_slice %arg6[%dma_wait3A_1501, %dma_wait3A_1502] : memref<8x80xi32, #tpu.memory_space<vmem>> -> memref<1x80xi32, #tpu.memory_space<vmem>>
    %dma_wait3A_1504 = tpu.memref_squeeze %dma_wait3A_1503 : memref<1x80xi32, #tpu.memory_space<vmem>> -> memref<80xi32, #tpu.memory_space<vmem>>
    %dma_wait3A_1505 = arith.constant 0 : i32
    %dma_wait3A_1506 = arith.constant 0 : i32
    %dma_wait3A_1507 = tpu.memref_slice %arg2[%dma_wait3A_1505, %dma_wait3A_1506] : memref<10240x64xf32, #tpu.memory_space<hbm>> -> memref<10240x64xf32, #tpu.memory_space<hbm>>
    tpu.wait_indirect_dma semaphore(%arg21 : memref<!tpu.dma_semaphore, #tpu.memory_space<semaphore_mem>>) src(%dma_wait3A_1507 : memref<10240x64xf32, #tpu.memory_space<hbm>>) dst(%arg12 : memref<80x64xf32, #tpu.memory_space<vmem>>)
    %run_scoped3A_1508 = arith.constant 4 : i32
    "tpu.region"() ({
      %run_scoped3A_1700 = tpu.sem_alloc : memref<!tpu.dma_semaphore, #tpu.memory_space<semaphore_mem>>
      %dma_start3A_1701 = arith.constant 0 : i32
      %dma_start3A_1702 = tpu.memref_slice %arg7[%run_scoped3A_1508, %dma_start3A_1701] : memref<8x80xi32, #tpu.memory_space<vmem>> -> memref<1x80xi32, #tpu.memory_space<vmem>>
      %dma_start3A_1703 = tpu.memref_squeeze %dma_start3A_1702 : memref<1x80xi32, #tpu.memory_space<vmem>> -> memref<80xi32, #tpu.memory_space<vmem>>
      %dma_start3A_1704 = arith.constant 0 : i32
      %dma_start3A_1705 = arith.constant 0 : i32
      %dma_start3A_1706 = tpu.memref_slice %arg16[%dma_start3A_1704, %dma_start3A_1705] : memref<10240x64xf32, #tpu.memory_space<vmem_shared>> -> memref<10240x64xf32, #tpu.memory_space<vmem_shared>>
      tpu.enqueue_indirect_dma source(%arg12 : memref<80x64xf32, #tpu.memory_space<vmem>>) target(%dma_start3A_1706 : memref<10240x64xf32, #tpu.memory_space<vmem_shared>>) offsets(%dma_start3A_1703 : memref<80xi32, #tpu.memory_space<vmem>>) semaphore(%run_scoped3A_1700 : memref<!tpu.dma_semaphore, #tpu.memory_space<semaphore_mem>>) {add = true}
      %dma_wait3A_1707 = arith.constant 0 : i32
      %dma_wait3A_1708 = tpu.memref_slice %arg7[%run_scoped3A_1508, %dma_wait3A_1707] : memref<8x80xi32, #tpu.memory_space<vmem>> -> memref<1x80xi32, #tpu.memory_space<vmem>>
      %dma_wait3A_1709 = tpu.memref_squeeze %dma_wait3A_1708 : memref<1x80xi32, #tpu.memory_space<vmem>> -> memref<80xi32, #tpu.memory_space<vmem>>
      %dma_wait3A_1710 = arith.constant 0 : i32
      %dma_wait3A_1711 = arith.constant 0 : i32
      %dma_wait3A_1712 = tpu.memref_slice %arg16[%dma_wait3A_1710, %dma_wait3A_1711] : memref<10240x64xf32, #tpu.memory_space<vmem_shared>> -> memref<10240x64xf32, #tpu.memory_space<vmem_shared>>
      tpu.wait_indirect_dma semaphore(%run_scoped3A_1700 : memref<!tpu.dma_semaphore, #tpu.memory_space<semaphore_mem>>) src(%arg12 : memref<80x64xf32, #tpu.memory_space<vmem>>) dst(%dma_wait3A_1712 : memref<10240x64xf32, #tpu.memory_space<vmem_shared>>)
      tpu.yield
    }) : () -> ()
    %get3A_1509 = arith.constant 124 : i32
    %get3A_1510 = arith.index_cast %get3A_1509 : i32 to index
    %get3A_1511 = arith.constant 0 : index
    %get3A_1512 = tpu.vector_load %arg5[%get3A_1510, %get3A_1511] {strides = array<i32>} : memref<125x80xi32, #tpu.memory_space<vmem>>, vector<1x16xi32>,
    %get3A_1513 = vector.shape_cast %get3A_1512 : vector<1x16xi32> to vector<16xi32>
    %and3A_1514 = arith.constant 65535 : i32
    %and3A_1515 = vector.broadcast %and3A_1514 : i32 to vector<16xi32>
    %and3A_1516 = arith.andi %get3A_1513, %and3A_1515 : vector<16xi32>
    %swap3A_1517 = arith.constant 4 : i32
    %swap3A_1518 = arith.index_cast %swap3A_1517 : i32 to index
    %swap3A_1519 = arith.constant 0 : index
    %swap3A_1520 = tpu.vector_load %arg6[%swap3A_1518, %swap3A_1519] {strides = array<i32>} : memref<8x80xi32, #tpu.memory_space<vmem>>, vector<1x16xi32>,
    %swap3A_1521 = vector.shape_cast %swap3A_1520 : vector<1x16xi32> to vector<16xi32>
    %swap3A_1522 = vector.shape_cast %and3A_1516 : vector<16xi32> to vector<1x16xi32>
    tpu.vector_store %arg6[%swap3A_1518, %swap3A_1519], %swap3A_1522 {strides = array<i32>} : memref<8x80xi32, #tpu.memory_space<vmem>>, vector<1x16xi32>,
    %shift_right_logical3A_1523 = arith.constant 16 : i32
    %shift_right_logical3A_1524 = vector.broadcast %shift_right_logical3A_1523 : i32 to vector<16xi32>
    %shift_right_logical3A_1525 = arith.shrui %get3A_1513, %shift_right_logical3A_1524 : vector<16xi32>
    %swap3A_1526 = arith.constant 4 : i32
    %swap3A_1527 = arith.index_cast %swap3A_1526 : i32 to index
    %swap3A_1528 = arith.constant 0 : index
    %swap3A_1529 = tpu.vector_load %arg7[%swap3A_1527, %swap3A_1528] {strides = array<i32>} : memref<8x80xi32, #tpu.memory_space<vmem>>, vector<1x16xi32>,
    %swap3A_1530 = vector.shape_cast %swap3A_1529 : vector<1x16xi32> to vector<16xi32>
    %swap3A_1531 = vector.shape_cast %shift_right_logical3A_1525 : vector<16xi32> to vector<1x16xi32>
    tpu.vector_store %arg7[%swap3A_1527, %swap3A_1528], %swap3A_1531 {strides = array<i32>} : memref<8x80xi32, #tpu.memory_space<vmem>>, vector<1x16xi32>,
    %get3A_1532 = arith.constant 124 : i32
    %get3A_1533 = arith.index_cast %get3A_1532 : i32 to index
    %get3A_1534 = arith.constant 16 : index
    %get3A_1535 = tpu.vector_load %arg5[%get3A_1533, %get3A_1534] {strides = array<i32>} : memref<125x80xi32, #tpu.memory_space<vmem>>, vector<1x16xi32>,
    %get3A_1536 = vector.shape_cast %get3A_1535 : vector<1x16xi32> to vector<16xi32>
    %and3A_1537 = arith.constant 65535 : i32
    %and3A_1538 = vector.broadcast %and3A_1537 : i32 to vector<16xi32>
    %and3A_1539 = arith.andi %get3A_1536, %and3A_1538 : vector<16xi32>
    %swap3A_1540 = arith.constant 4 : i32
    %swap3A_1541 = arith.index_cast %swap3A_1540 : i32 to index
    %swap3A_1542 = arith.constant 16 : index
    %swap3A_1543 = tpu.vector_load %arg6[%swap3A_1541, %swap3A_1542] {strides = array<i32>} : memref<8x80xi32, #tpu.memory_space<vmem>>, vector<1x16xi32>,
    %swap3A_1544 = vector.shape_cast %swap3A_1543 : vector<1x16xi32> to vector<16xi32>
    %swap3A_1545 = vector.shape_cast %and3A_1539 : vector<16xi32> to vector<1x16xi32>
    tpu.vector_store %arg6[%swap3A_1541, %swap3A_1542], %swap3A_1545 {strides = array<i32>} : memref<8x80xi32, #tpu.memory_space<vmem>>, vector<1x16xi32>,
    %shift_right_logical3A_1546 = arith.constant 16 : i32
    %shift_right_logical3A_1547 = vector.broadcast %shift_right_logical3A_1546 : i32 to vector<16xi32>
    %shift_right_logical3A_1548 = arith.shrui %get3A_1536, %shift_right_logical3A_1547 : vector<16xi32>
    %swap3A_1549 = arith.constant 4 : i32
    %swap3A_1550 = arith.index_cast %swap3A_1549 : i32 to index
    %swap3A_1551 = arith.constant 16 : index
    %swap3A_1552 = tpu.vector_load %arg7[%swap3A_1550, %swap3A_1551] {strides = array<i32>} : memref<8x80xi32, #tpu.memory_space<vmem>>, vector<1x16xi32>,
    %swap3A_1553 = vector.shape_cast %swap3A_1552 : vector<1x16xi32> to vector<16xi32>
    %swap3A_1554 = vector.shape_cast %shift_right_logical3A_1548 : vector<16xi32> to vector<1x16xi32>
    tpu.vector_store %arg7[%swap3A_1550, %swap3A_1551], %swap3A_1554 {strides = array<i32>} : memref<8x80xi32, #tpu.memory_space<vmem>>, vector<1x16xi32>,
    %get3A_1555 = arith.constant 124 : i32
    %get3A_1556 = arith.index_cast %get3A_1555 : i32 to index
    %get3A_1557 = arith.constant 32 : index
    %get3A_1558 = tpu.vector_load %arg5[%get3A_1556, %get3A_1557] {strides = array<i32>} : memref<125x80xi32, #tpu.memory_space<vmem>>, vector<1x16xi32>,
    %get3A_1559 = vector.shape_cast %get3A_1558 : vector<1x16xi32> to vector<16xi32>
    %and3A_1560 = arith.constant 65535 : i32
    %and3A_1561 = vector.broadcast %and3A_1560 : i32 to vector<16xi32>
    %and3A_1562 = arith.andi %get3A_1559, %and3A_1561 : vector<16xi32>
    %swap3A_1563 = arith.constant 4 : i32
    %swap3A_1564 = arith.index_cast %swap3A_1563 : i32 to index
    %swap3A_1565 = arith.constant 32 : index
    %swap3A_1566 = tpu.vector_load %arg6[%swap3A_1564, %swap3A_1565] {strides = array<i32>} : memref<8x80xi32, #tpu.memory_space<vmem>>, vector<1x16xi32>,
    %swap3A_1567 = vector.shape_cast %swap3A_1566 : vector<1x16xi32> to vector<16xi32>
    %swap3A_1568 = vector.shape_cast %and3A_1562 : vector<16xi32> to vector<1x16xi32>
    tpu.vector_store %arg6[%swap3A_1564, %swap3A_1565], %swap3A_1568 {strides = array<i32>} : memref<8x80xi32, #tpu.memory_space<vmem>>, vector<1x16xi32>,
    %shift_right_logical3A_1569 = arith.constant 16 : i32
    %shift_right_logical3A_1570 = vector.broadcast %shift_right_logical3A_1569 : i32 to vector<16xi32>
    %shift_right_logical3A_1571 = arith.shrui %get3A_1559, %shift_right_logical3A_1570 : vector<16xi32>
    %swap3A_1572 = arith.constant 4 : i32
    %swap3A_1573 = arith.index_cast %swap3A_1572 : i32 to index
    %swap3A_1574 = arith.constant 32 : index
    %swap3A_1575 = tpu.vector_load %arg7[%swap3A_1573, %swap3A_1574] {strides = array<i32>} : memref<8x80xi32, #tpu.memory_space<vmem>>, vector<1x16xi32>,
    %swap3A_1576 = vector.shape_cast %swap3A_1575 : vector<1x16xi32> to vector<16xi32>
    %swap3A_1577 = vector.shape_cast %shift_right_logical3A_1571 : vector<16xi32> to vector<1x16xi32>
    tpu.vector_store %arg7[%swap3A_1573, %swap3A_1574], %swap3A_1577 {strides = array<i32>} : memref<8x80xi32, #tpu.memory_space<vmem>>, vector<1x16xi32>,
    %get3A_1578 = arith.constant 124 : i32
    %get3A_1579 = arith.index_cast %get3A_1578 : i32 to index
    %get3A_1580 = arith.constant 48 : index
    %get3A_1581 = tpu.vector_load %arg5[%get3A_1579, %get3A_1580] {strides = array<i32>} : memref<125x80xi32, #tpu.memory_space<vmem>>, vector<1x16xi32>,
    %get3A_1582 = vector.shape_cast %get3A_1581 : vector<1x16xi32> to vector<16xi32>
    %and3A_1583 = arith.constant 65535 : i32
    %and3A_1584 = vector.broadcast %and3A_1583 : i32 to vector<16xi32>
    %and3A_1585 = arith.andi %get3A_1582, %and3A_1584 : vector<16xi32>
    %swap3A_1586 = arith.constant 4 : i32
    %swap3A_1587 = arith.index_cast %swap3A_1586 : i32 to index
    %swap3A_1588 = arith.constant 48 : index
    %swap3A_1589 = tpu.vector_load %arg6[%swap3A_1587, %swap3A_1588] {strides = array<i32>} : memref<8x80xi32, #tpu.memory_space<vmem>>, vector<1x16xi32>,
    %swap3A_1590 = vector.shape_cast %swap3A_1589 : vector<1x16xi32> to vector<16xi32>
    %swap3A_1591 = vector.shape_cast %and3A_1585 : vector<16xi32> to vector<1x16xi32>
    tpu.vector_store %arg6[%swap3A_1587, %swap3A_1588], %swap3A_1591 {strides = array<i32>} : memref<8x80xi32, #tpu.memory_space<vmem>>, vector<1x16xi32>,
    %shift_right_logical3A_1592 = arith.constant 16 : i32
    %shift_right_logical3A_1593 = vector.broadcast %shift_right_logical3A_1592 : i32 to vector<16xi32>
    %shift_right_logical3A_1594 = arith.shrui %get3A_1582, %shift_right_logical3A_1593 : vector<16xi32>
    %swap3A_1595 = arith.constant 4 : i32
    %swap3A_1596 = arith.index_cast %swap3A_1595 : i32 to index
    %swap3A_1597 = arith.constant 48 : index
    %swap3A_1598 = tpu.vector_load %arg7[%swap3A_1596, %swap3A_1597] {strides = array<i32>} : memref<8x80xi32, #tpu.memory_space<vmem>>, vector<1x16xi32>,
    %swap3A_1599 = vector.shape_cast %swap3A_1598 : vector<1x16xi32> to vector<16xi32>
    %swap3A_1600 = vector.shape_cast %shift_right_logical3A_1594 : vector<16xi32> to vector<1x16xi32>
    tpu.vector_store %arg7[%swap3A_1596, %swap3A_1597], %swap3A_1600 {strides = array<i32>} : memref<8x80xi32, #tpu.memory_space<vmem>>, vector<1x16xi32>,
    %get3A_1601 = arith.constant 124 : i32
    %get3A_1602 = arith.index_cast %get3A_1601 : i32 to index
    %get3A_1603 = arith.constant 64 : index
    %get3A_1604 = tpu.vector_load %arg5[%get3A_1602, %get3A_1603] {strides = array<i32>} : memref<125x80xi32, #tpu.memory_space<vmem>>, vector<1x16xi32>,
    %get3A_1605 = vector.shape_cast %get3A_1604 : vector<1x16xi32> to vector<16xi32>
    %and3A_1606 = arith.constant 65535 : i32
    %and3A_1607 = vector.broadcast %and3A_1606 : i32 to vector<16xi32>
    %and3A_1608 = arith.andi %get3A_1605, %and3A_1607 : vector<16xi32>
    %swap3A_1609 = arith.constant 4 : i32
    %swap3A_1610 = arith.index_cast %swap3A_1609 : i32 to index
    %swap3A_1611 = arith.constant 64 : index
    %swap3A_1612 = tpu.vector_load %arg6[%swap3A_1610, %swap3A_1611] {strides = array<i32>} : memref<8x80xi32, #tpu.memory_space<vmem>>, vector<1x16xi32>,
    %swap3A_1613 = vector.shape_cast %swap3A_1612 : vector<1x16xi32> to vector<16xi32>
    %swap3A_1614 = vector.shape_cast %and3A_1608 : vector<16xi32> to vector<1x16xi32>
    tpu.vector_store %arg6[%swap3A_1610, %swap3A_1611], %swap3A_1614 {strides = array<i32>} : memref<8x80xi32, #tpu.memory_space<vmem>>, vector<1x16xi32>,
    %shift_right_logical3A_1615 = arith.constant 16 : i32
    %shift_right_logical3A_1616 = vector.broadcast %shift_right_logical3A_1615 : i32 to vector<16xi32>
    %shift_right_logical3A_1617 = arith.shrui %get3A_1605, %shift_right_logical3A_1616 : vector<16xi32>
    %swap3A_1618 = arith.constant 4 : i32
    %swap3A_1619 = arith.index_cast %swap3A_1618 : i32 to index
    %swap3A_1620 = arith.constant 64 : index
    %swap3A_1621 = tpu.vector_load %arg7[%swap3A_1619, %swap3A_1620] {strides = array<i32>} : memref<8x80xi32, #tpu.memory_space<vmem>>, vector<1x16xi32>,
    %swap3A_1622 = vector.shape_cast %swap3A_1621 : vector<1x16xi32> to vector<16xi32>
    %swap3A_1623 = vector.shape_cast %shift_right_logical3A_1617 : vector<16xi32> to vector<1x16xi32>
    tpu.vector_store %arg7[%swap3A_1619, %swap3A_1620], %swap3A_1623 {strides = array<i32>} : memref<8x80xi32, #tpu.memory_space<vmem>>, vector<1x16xi32>,
    %dma_start3A_1624 = arith.constant 4 : i32
    %dma_start3A_1625 = arith.constant 0 : i32
    %dma_start3A_1626 = tpu.memref_slice %arg6[%dma_start3A_1624, %dma_start3A_1625] : memref<8x80xi32, #tpu.memory_space<vmem>> -> memref<1x80xi32, #tpu.memory_space<vmem>>
    %dma_start3A_1627 = tpu.memref_squeeze %dma_start3A_1626 : memref<1x80xi32, #tpu.memory_space<vmem>> -> memref<80xi32, #tpu.memory_space<vmem>>
    %dma_start3A_1628 = arith.constant 0 : i32
    %dma_start3A_1629 = arith.constant 0 : i32
    %dma_start3A_1630 = tpu.memref_slice %arg2[%dma_start3A_1628, %dma_start3A_1629] : memref<10240x64xf32, #tpu.memory_space<hbm>> -> memref<10240x64xf32, #tpu.memory_space<hbm>>
    tpu.enqueue_indirect_dma source(%dma_start3A_1630 : memref<10240x64xf32, #tpu.memory_space<hbm>>) target(%arg12 : memref<80x64xf32, #tpu.memory_space<vmem>>) offsets(%dma_start3A_1627 : memref<80xi32, #tpu.memory_space<vmem>>) semaphore(%arg21 : memref<!tpu.dma_semaphore, #tpu.memory_space<semaphore_mem>>)
    %dma_wait3A_1631 = arith.constant 5 : i32
    %dma_wait3A_1632 = arith.constant 0 : i32
    %dma_wait3A_1633 = tpu.memref_slice %arg6[%dma_wait3A_1631, %dma_wait3A_1632] : memref<8x80xi32, #tpu.memory_space<vmem>> -> memref<1x80xi32, #tpu.memory_space<vmem>>
    %dma_wait3A_1634 = tpu.memref_squeeze %dma_wait3A_1633 : memref<1x80xi32, #tpu.memory_space<vmem>> -> memref<80xi32, #tpu.memory_space<vmem>>
    %dma_wait3A_1635 = arith.constant 0 : i32
    %dma_wait3A_1636 = arith.constant 0 : i32
    %dma_wait3A_1637 = tpu.memref_slice %arg2[%dma_wait3A_1635, %dma_wait3A_1636] : memref<10240x64xf32, #tpu.memory_space<hbm>> -> memref<10240x64xf32, #tpu.memory_space<hbm>>
    tpu.wait_indirect_dma semaphore(%arg22 : memref<!tpu.dma_semaphore, #tpu.memory_space<semaphore_mem>>) src(%dma_wait3A_1637 : memref<10240x64xf32, #tpu.memory_space<hbm>>) dst(%arg13 : memref<80x64xf32, #tpu.memory_space<vmem>>)
    %run_scoped3A_1638 = arith.constant 5 : i32
    "tpu.region"() ({
      %run_scoped3A_1700 = tpu.sem_alloc : memref<!tpu.dma_semaphore, #tpu.memory_space<semaphore_mem>>
      %dma_start3A_1701 = arith.constant 0 : i32
      %dma_start3A_1702 = tpu.memref_slice %arg7[%run_scoped3A_1638, %dma_start3A_1701] : memref<8x80xi32, #tpu.memory_space<vmem>> -> memref<1x80xi32, #tpu.memory_space<vmem>>
      %dma_start3A_1703 = tpu.memref_squeeze %dma_start3A_1702 : memref<1x80xi32, #tpu.memory_space<vmem>> -> memref<80xi32, #tpu.memory_space<vmem>>
      %dma_start3A_1704 = arith.constant 0 : i32
      %dma_start3A_1705 = arith.constant 0 : i32
      %dma_start3A_1706 = tpu.memref_slice %arg16[%dma_start3A_1704, %dma_start3A_1705] : memref<10240x64xf32, #tpu.memory_space<vmem_shared>> -> memref<10240x64xf32, #tpu.memory_space<vmem_shared>>
      tpu.enqueue_indirect_dma source(%arg13 : memref<80x64xf32, #tpu.memory_space<vmem>>) target(%dma_start3A_1706 : memref<10240x64xf32, #tpu.memory_space<vmem_shared>>) offsets(%dma_start3A_1703 : memref<80xi32, #tpu.memory_space<vmem>>) semaphore(%run_scoped3A_1700 : memref<!tpu.dma_semaphore, #tpu.memory_space<semaphore_mem>>) {add = true}
      %dma_wait3A_1707 = arith.constant 0 : i32
      %dma_wait3A_1708 = tpu.memref_slice %arg7[%run_scoped3A_1638, %dma_wait3A_1707] : memref<8x80xi32, #tpu.memory_space<vmem>> -> memref<1x80xi32, #tpu.memory_space<vmem>>
      %dma_wait3A_1709 = tpu.memref_squeeze %dma_wait3A_1708 : memref<1x80xi32, #tpu.memory_space<vmem>> -> memref<80xi32, #tpu.memory_space<vmem>>
      %dma_wait3A_1710 = arith.constant 0 : i32
      %dma_wait3A_1711 = arith.constant 0 : i32
      %dma_wait3A_1712 = tpu.memref_slice %arg16[%dma_wait3A_1710, %dma_wait3A_1711] : memref<10240x64xf32, #tpu.memory_space<vmem_shared>> -> memref<10240x64xf32, #tpu.memory_space<vmem_shared>>
      tpu.wait_indirect_dma semaphore(%run_scoped3A_1700 : memref<!tpu.dma_semaphore, #tpu.memory_space<semaphore_mem>>) src(%arg13 : memref<80x64xf32, #tpu.memory_space<vmem>>) dst(%dma_wait3A_1712 : memref<10240x64xf32, #tpu.memory_space<vmem_shared>>)
      tpu.yield
    }) : () -> ()
    %dma_wait3A_1639 = arith.constant 6 : i32
    %dma_wait3A_1640 = arith.constant 0 : i32
    %dma_wait3A_1641 = tpu.memref_slice %arg6[%dma_wait3A_1639, %dma_wait3A_1640] : memref<8x80xi32, #tpu.memory_space<vmem>> -> memref<1x80xi32, #tpu.memory_space<vmem>>
    %dma_wait3A_1642 = tpu.memref_squeeze %dma_wait3A_1641 : memref<1x80xi32, #tpu.memory_space<vmem>> -> memref<80xi32, #tpu.memory_space<vmem>>
    %dma_wait3A_1643 = arith.constant 0 : i32
    %dma_wait3A_1644 = arith.constant 0 : i32
    %dma_wait3A_1645 = tpu.memref_slice %arg2[%dma_wait3A_1643, %dma_wait3A_1644] : memref<10240x64xf32, #tpu.memory_space<hbm>> -> memref<10240x64xf32, #tpu.memory_space<hbm>>
    tpu.wait_indirect_dma semaphore(%arg23 : memref<!tpu.dma_semaphore, #tpu.memory_space<semaphore_mem>>) src(%dma_wait3A_1645 : memref<10240x64xf32, #tpu.memory_space<hbm>>) dst(%arg14 : memref<80x64xf32, #tpu.memory_space<vmem>>)
    %run_scoped3A_1646 = arith.constant 6 : i32
    "tpu.region"() ({
      %run_scoped3A_1700 = tpu.sem_alloc : memref<!tpu.dma_semaphore, #tpu.memory_space<semaphore_mem>>
      %dma_start3A_1701 = arith.constant 0 : i32
      %dma_start3A_1702 = tpu.memref_slice %arg7[%run_scoped3A_1646, %dma_start3A_1701] : memref<8x80xi32, #tpu.memory_space<vmem>> -> memref<1x80xi32, #tpu.memory_space<vmem>>
      %dma_start3A_1703 = tpu.memref_squeeze %dma_start3A_1702 : memref<1x80xi32, #tpu.memory_space<vmem>> -> memref<80xi32, #tpu.memory_space<vmem>>
      %dma_start3A_1704 = arith.constant 0 : i32
      %dma_start3A_1705 = arith.constant 0 : i32
      %dma_start3A_1706 = tpu.memref_slice %arg16[%dma_start3A_1704, %dma_start3A_1705] : memref<10240x64xf32, #tpu.memory_space<vmem_shared>> -> memref<10240x64xf32, #tpu.memory_space<vmem_shared>>
      tpu.enqueue_indirect_dma source(%arg14 : memref<80x64xf32, #tpu.memory_space<vmem>>) target(%dma_start3A_1706 : memref<10240x64xf32, #tpu.memory_space<vmem_shared>>) offsets(%dma_start3A_1703 : memref<80xi32, #tpu.memory_space<vmem>>) semaphore(%run_scoped3A_1700 : memref<!tpu.dma_semaphore, #tpu.memory_space<semaphore_mem>>) {add = true}
      %dma_wait3A_1707 = arith.constant 0 : i32
      %dma_wait3A_1708 = tpu.memref_slice %arg7[%run_scoped3A_1646, %dma_wait3A_1707] : memref<8x80xi32, #tpu.memory_space<vmem>> -> memref<1x80xi32, #tpu.memory_space<vmem>>
      %dma_wait3A_1709 = tpu.memref_squeeze %dma_wait3A_1708 : memref<1x80xi32, #tpu.memory_space<vmem>> -> memref<80xi32, #tpu.memory_space<vmem>>
      %dma_wait3A_1710 = arith.constant 0 : i32
      %dma_wait3A_1711 = arith.constant 0 : i32
      %dma_wait3A_1712 = tpu.memref_slice %arg16[%dma_wait3A_1710, %dma_wait3A_1711] : memref<10240x64xf32, #tpu.memory_space<vmem_shared>> -> memref<10240x64xf32, #tpu.memory_space<vmem_shared>>
      tpu.wait_indirect_dma semaphore(%run_scoped3A_1700 : memref<!tpu.dma_semaphore, #tpu.memory_space<semaphore_mem>>) src(%arg14 : memref<80x64xf32, #tpu.memory_space<vmem>>) dst(%dma_wait3A_1712 : memref<10240x64xf32, #tpu.memory_space<vmem_shared>>)
      tpu.yield
    }) : () -> ()
    %dma_wait3A_1647 = arith.constant 7 : i32
    %dma_wait3A_1648 = arith.constant 0 : i32
    %dma_wait3A_1649 = tpu.memref_slice %arg6[%dma_wait3A_1647, %dma_wait3A_1648] : memref<8x80xi32, #tpu.memory_space<vmem>> -> memref<1x80xi32, #tpu.memory_space<vmem>>
    %dma_wait3A_1650 = tpu.memref_squeeze %dma_wait3A_1649 : memref<1x80xi32, #tpu.memory_space<vmem>> -> memref<80xi32, #tpu.memory_space<vmem>>
    %dma_wait3A_1651 = arith.constant 0 : i32
    %dma_wait3A_1652 = arith.constant 0 : i32
    %dma_wait3A_1653 = tpu.memref_slice %arg2[%dma_wait3A_1651, %dma_wait3A_1652] : memref<10240x64xf32, #tpu.memory_space<hbm>> -> memref<10240x64xf32, #tpu.memory_space<hbm>>
    tpu.wait_indirect_dma semaphore(%arg24 : memref<!tpu.dma_semaphore, #tpu.memory_space<semaphore_mem>>) src(%dma_wait3A_1653 : memref<10240x64xf32, #tpu.memory_space<hbm>>) dst(%arg15 : memref<80x64xf32, #tpu.memory_space<vmem>>)
    %run_scoped3A_1654 = arith.constant 7 : i32
    "tpu.region"() ({
      %run_scoped3A_1700 = tpu.sem_alloc : memref<!tpu.dma_semaphore, #tpu.memory_space<semaphore_mem>>
      %dma_start3A_1701 = arith.constant 0 : i32
      %dma_start3A_1702 = tpu.memref_slice %arg7[%run_scoped3A_1654, %dma_start3A_1701] : memref<8x80xi32, #tpu.memory_space<vmem>> -> memref<1x80xi32, #tpu.memory_space<vmem>>
      %dma_start3A_1703 = tpu.memref_squeeze %dma_start3A_1702 : memref<1x80xi32, #tpu.memory_space<vmem>> -> memref<80xi32, #tpu.memory_space<vmem>>
      %dma_start3A_1704 = arith.constant 0 : i32
      %dma_start3A_1705 = arith.constant 0 : i32
      %dma_start3A_1706 = tpu.memref_slice %arg16[%dma_start3A_1704, %dma_start3A_1705] : memref<10240x64xf32, #tpu.memory_space<vmem_shared>> -> memref<10240x64xf32, #tpu.memory_space<vmem_shared>>
      tpu.enqueue_indirect_dma source(%arg15 : memref<80x64xf32, #tpu.memory_space<vmem>>) target(%dma_start3A_1706 : memref<10240x64xf32, #tpu.memory_space<vmem_shared>>) offsets(%dma_start3A_1703 : memref<80xi32, #tpu.memory_space<vmem>>) semaphore(%run_scoped3A_1700 : memref<!tpu.dma_semaphore, #tpu.memory_space<semaphore_mem>>) {add = true}
      %dma_wait3A_1707 = arith.constant 0 : i32
      %dma_wait3A_1708 = tpu.memref_slice %arg7[%run_scoped3A_1654, %dma_wait3A_1707] : memref<8x80xi32, #tpu.memory_space<vmem>> -> memref<1x80xi32, #tpu.memory_space<vmem>>
      %dma_wait3A_1709 = tpu.memref_squeeze %dma_wait3A_1708 : memref<1x80xi32, #tpu.memory_space<vmem>> -> memref<80xi32, #tpu.memory_space<vmem>>
      %dma_wait3A_1710 = arith.constant 0 : i32
      %dma_wait3A_1711 = arith.constant 0 : i32
      %dma_wait3A_1712 = tpu.memref_slice %arg16[%dma_wait3A_1710, %dma_wait3A_1711] : memref<10240x64xf32, #tpu.memory_space<vmem_shared>> -> memref<10240x64xf32, #tpu.memory_space<vmem_shared>>
      tpu.wait_indirect_dma semaphore(%run_scoped3A_1700 : memref<!tpu.dma_semaphore, #tpu.memory_space<semaphore_mem>>) src(%arg15 : memref<80x64xf32, #tpu.memory_space<vmem>>) dst(%dma_wait3A_1712 : memref<10240x64xf32, #tpu.memory_space<vmem_shared>>)
      tpu.yield
    }) : () -> ()
    %dma_wait3A_1655 = arith.constant 0 : i32
    %dma_wait3A_1656 = arith.constant 0 : i32
    %dma_wait3A_1657 = tpu.memref_slice %arg6[%dma_wait3A_1655, %dma_wait3A_1656] : memref<8x80xi32, #tpu.memory_space<vmem>> -> memref<1x80xi32, #tpu.memory_space<vmem>>
    %dma_wait3A_1658 = tpu.memref_squeeze %dma_wait3A_1657 : memref<1x80xi32, #tpu.memory_space<vmem>> -> memref<80xi32, #tpu.memory_space<vmem>>
    %dma_wait3A_1659 = arith.constant 0 : i32
    %dma_wait3A_1660 = arith.constant 0 : i32
    %dma_wait3A_1661 = tpu.memref_slice %arg2[%dma_wait3A_1659, %dma_wait3A_1660] : memref<10240x64xf32, #tpu.memory_space<hbm>> -> memref<10240x64xf32, #tpu.memory_space<hbm>>
    tpu.wait_indirect_dma semaphore(%arg17 : memref<!tpu.dma_semaphore, #tpu.memory_space<semaphore_mem>>) src(%dma_wait3A_1661 : memref<10240x64xf32, #tpu.memory_space<hbm>>) dst(%arg8 : memref<80x64xf32, #tpu.memory_space<vmem>>)
    %run_scoped3A_1662 = arith.constant 0 : i32
    "tpu.region"() ({
      %run_scoped3A_1700 = tpu.sem_alloc : memref<!tpu.dma_semaphore, #tpu.memory_space<semaphore_mem>>
      %dma_start3A_1701 = arith.constant 0 : i32
      %dma_start3A_1702 = tpu.memref_slice %arg7[%run_scoped3A_1662, %dma_start3A_1701] : memref<8x80xi32, #tpu.memory_space<vmem>> -> memref<1x80xi32, #tpu.memory_space<vmem>>
      %dma_start3A_1703 = tpu.memref_squeeze %dma_start3A_1702 : memref<1x80xi32, #tpu.memory_space<vmem>> -> memref<80xi32, #tpu.memory_space<vmem>>
      %dma_start3A_1704 = arith.constant 0 : i32
      %dma_start3A_1705 = arith.constant 0 : i32
      %dma_start3A_1706 = tpu.memref_slice %arg16[%dma_start3A_1704, %dma_start3A_1705] : memref<10240x64xf32, #tpu.memory_space<vmem_shared>> -> memref<10240x64xf32, #tpu.memory_space<vmem_shared>>
      tpu.enqueue_indirect_dma source(%arg8 : memref<80x64xf32, #tpu.memory_space<vmem>>) target(%dma_start3A_1706 : memref<10240x64xf32, #tpu.memory_space<vmem_shared>>) offsets(%dma_start3A_1703 : memref<80xi32, #tpu.memory_space<vmem>>) semaphore(%run_scoped3A_1700 : memref<!tpu.dma_semaphore, #tpu.memory_space<semaphore_mem>>) {add = true}
      %dma_wait3A_1707 = arith.constant 0 : i32
      %dma_wait3A_1708 = tpu.memref_slice %arg7[%run_scoped3A_1662, %dma_wait3A_1707] : memref<8x80xi32, #tpu.memory_space<vmem>> -> memref<1x80xi32, #tpu.memory_space<vmem>>
      %dma_wait3A_1709 = tpu.memref_squeeze %dma_wait3A_1708 : memref<1x80xi32, #tpu.memory_space<vmem>> -> memref<80xi32, #tpu.memory_space<vmem>>
      %dma_wait3A_1710 = arith.constant 0 : i32
      %dma_wait3A_1711 = arith.constant 0 : i32
      %dma_wait3A_1712 = tpu.memref_slice %arg16[%dma_wait3A_1710, %dma_wait3A_1711] : memref<10240x64xf32, #tpu.memory_space<vmem_shared>> -> memref<10240x64xf32, #tpu.memory_space<vmem_shared>>
      tpu.wait_indirect_dma semaphore(%run_scoped3A_1700 : memref<!tpu.dma_semaphore, #tpu.memory_space<semaphore_mem>>) src(%arg8 : memref<80x64xf32, #tpu.memory_space<vmem>>) dst(%dma_wait3A_1712 : memref<10240x64xf32, #tpu.memory_space<vmem_shared>>)
      tpu.yield
    }) : () -> ()
    %dma_wait3A_1663 = arith.constant 1 : i32
    %dma_wait3A_1664 = arith.constant 0 : i32
    %dma_wait3A_1665 = tpu.memref_slice %arg6[%dma_wait3A_1663, %dma_wait3A_1664] : memref<8x80xi32, #tpu.memory_space<vmem>> -> memref<1x80xi32, #tpu.memory_space<vmem>>
    %dma_wait3A_1666 = tpu.memref_squeeze %dma_wait3A_1665 : memref<1x80xi32, #tpu.memory_space<vmem>> -> memref<80xi32, #tpu.memory_space<vmem>>
    %dma_wait3A_1667 = arith.constant 0 : i32
    %dma_wait3A_1668 = arith.constant 0 : i32
    %dma_wait3A_1669 = tpu.memref_slice %arg2[%dma_wait3A_1667, %dma_wait3A_1668] : memref<10240x64xf32, #tpu.memory_space<hbm>> -> memref<10240x64xf32, #tpu.memory_space<hbm>>
    tpu.wait_indirect_dma semaphore(%arg18 : memref<!tpu.dma_semaphore, #tpu.memory_space<semaphore_mem>>) src(%dma_wait3A_1669 : memref<10240x64xf32, #tpu.memory_space<hbm>>) dst(%arg9 : memref<80x64xf32, #tpu.memory_space<vmem>>)
    %run_scoped3A_1670 = arith.constant 1 : i32
    "tpu.region"() ({
      %run_scoped3A_1700 = tpu.sem_alloc : memref<!tpu.dma_semaphore, #tpu.memory_space<semaphore_mem>>
      %dma_start3A_1701 = arith.constant 0 : i32
      %dma_start3A_1702 = tpu.memref_slice %arg7[%run_scoped3A_1670, %dma_start3A_1701] : memref<8x80xi32, #tpu.memory_space<vmem>> -> memref<1x80xi32, #tpu.memory_space<vmem>>
      %dma_start3A_1703 = tpu.memref_squeeze %dma_start3A_1702 : memref<1x80xi32, #tpu.memory_space<vmem>> -> memref<80xi32, #tpu.memory_space<vmem>>
      %dma_start3A_1704 = arith.constant 0 : i32
      %dma_start3A_1705 = arith.constant 0 : i32
      %dma_start3A_1706 = tpu.memref_slice %arg16[%dma_start3A_1704, %dma_start3A_1705] : memref<10240x64xf32, #tpu.memory_space<vmem_shared>> -> memref<10240x64xf32, #tpu.memory_space<vmem_shared>>
      tpu.enqueue_indirect_dma source(%arg9 : memref<80x64xf32, #tpu.memory_space<vmem>>) target(%dma_start3A_1706 : memref<10240x64xf32, #tpu.memory_space<vmem_shared>>) offsets(%dma_start3A_1703 : memref<80xi32, #tpu.memory_space<vmem>>) semaphore(%run_scoped3A_1700 : memref<!tpu.dma_semaphore, #tpu.memory_space<semaphore_mem>>) {add = true}
      %dma_wait3A_1707 = arith.constant 0 : i32
      %dma_wait3A_1708 = tpu.memref_slice %arg7[%run_scoped3A_1670, %dma_wait3A_1707] : memref<8x80xi32, #tpu.memory_space<vmem>> -> memref<1x80xi32, #tpu.memory_space<vmem>>
      %dma_wait3A_1709 = tpu.memref_squeeze %dma_wait3A_1708 : memref<1x80xi32, #tpu.memory_space<vmem>> -> memref<80xi32, #tpu.memory_space<vmem>>
      %dma_wait3A_1710 = arith.constant 0 : i32
      %dma_wait3A_1711 = arith.constant 0 : i32
      %dma_wait3A_1712 = tpu.memref_slice %arg16[%dma_wait3A_1710, %dma_wait3A_1711] : memref<10240x64xf32, #tpu.memory_space<vmem_shared>> -> memref<10240x64xf32, #tpu.memory_space<vmem_shared>>
      tpu.wait_indirect_dma semaphore(%run_scoped3A_1700 : memref<!tpu.dma_semaphore, #tpu.memory_space<semaphore_mem>>) src(%arg9 : memref<80x64xf32, #tpu.memory_space<vmem>>) dst(%dma_wait3A_1712 : memref<10240x64xf32, #tpu.memory_space<vmem_shared>>)
      tpu.yield
    }) : () -> ()
    %dma_wait3A_1671 = arith.constant 2 : i32
    %dma_wait3A_1672 = arith.constant 0 : i32
    %dma_wait3A_1673 = tpu.memref_slice %arg6[%dma_wait3A_1671, %dma_wait3A_1672] : memref<8x80xi32, #tpu.memory_space<vmem>> -> memref<1x80xi32, #tpu.memory_space<vmem>>
    %dma_wait3A_1674 = tpu.memref_squeeze %dma_wait3A_1673 : memref<1x80xi32, #tpu.memory_space<vmem>> -> memref<80xi32, #tpu.memory_space<vmem>>
    %dma_wait3A_1675 = arith.constant 0 : i32
    %dma_wait3A_1676 = arith.constant 0 : i32
    %dma_wait3A_1677 = tpu.memref_slice %arg2[%dma_wait3A_1675, %dma_wait3A_1676] : memref<10240x64xf32, #tpu.memory_space<hbm>> -> memref<10240x64xf32, #tpu.memory_space<hbm>>
    tpu.wait_indirect_dma semaphore(%arg19 : memref<!tpu.dma_semaphore, #tpu.memory_space<semaphore_mem>>) src(%dma_wait3A_1677 : memref<10240x64xf32, #tpu.memory_space<hbm>>) dst(%arg10 : memref<80x64xf32, #tpu.memory_space<vmem>>)
    %run_scoped3A_1678 = arith.constant 2 : i32
    "tpu.region"() ({
      %run_scoped3A_1700 = tpu.sem_alloc : memref<!tpu.dma_semaphore, #tpu.memory_space<semaphore_mem>>
      %dma_start3A_1701 = arith.constant 0 : i32
      %dma_start3A_1702 = tpu.memref_slice %arg7[%run_scoped3A_1678, %dma_start3A_1701] : memref<8x80xi32, #tpu.memory_space<vmem>> -> memref<1x80xi32, #tpu.memory_space<vmem>>
      %dma_start3A_1703 = tpu.memref_squeeze %dma_start3A_1702 : memref<1x80xi32, #tpu.memory_space<vmem>> -> memref<80xi32, #tpu.memory_space<vmem>>
      %dma_start3A_1704 = arith.constant 0 : i32
      %dma_start3A_1705 = arith.constant 0 : i32
      %dma_start3A_1706 = tpu.memref_slice %arg16[%dma_start3A_1704, %dma_start3A_1705] : memref<10240x64xf32, #tpu.memory_space<vmem_shared>> -> memref<10240x64xf32, #tpu.memory_space<vmem_shared>>
      tpu.enqueue_indirect_dma source(%arg10 : memref<80x64xf32, #tpu.memory_space<vmem>>) target(%dma_start3A_1706 : memref<10240x64xf32, #tpu.memory_space<vmem_shared>>) offsets(%dma_start3A_1703 : memref<80xi32, #tpu.memory_space<vmem>>) semaphore(%run_scoped3A_1700 : memref<!tpu.dma_semaphore, #tpu.memory_space<semaphore_mem>>) {add = true}
      %dma_wait3A_1707 = arith.constant 0 : i32
      %dma_wait3A_1708 = tpu.memref_slice %arg7[%run_scoped3A_1678, %dma_wait3A_1707] : memref<8x80xi32, #tpu.memory_space<vmem>> -> memref<1x80xi32, #tpu.memory_space<vmem>>
      %dma_wait3A_1709 = tpu.memref_squeeze %dma_wait3A_1708 : memref<1x80xi32, #tpu.memory_space<vmem>> -> memref<80xi32, #tpu.memory_space<vmem>>
      %dma_wait3A_1710 = arith.constant 0 : i32
      %dma_wait3A_1711 = arith.constant 0 : i32
      %dma_wait3A_1712 = tpu.memref_slice %arg16[%dma_wait3A_1710, %dma_wait3A_1711] : memref<10240x64xf32, #tpu.memory_space<vmem_shared>> -> memref<10240x64xf32, #tpu.memory_space<vmem_shared>>
      tpu.wait_indirect_dma semaphore(%run_scoped3A_1700 : memref<!tpu.dma_semaphore, #tpu.memory_space<semaphore_mem>>) src(%arg10 : memref<80x64xf32, #tpu.memory_space<vmem>>) dst(%dma_wait3A_1712 : memref<10240x64xf32, #tpu.memory_space<vmem_shared>>)
      tpu.yield
    }) : () -> ()
    %dma_wait3A_1679 = arith.constant 3 : i32
    %dma_wait3A_1680 = arith.constant 0 : i32
    %dma_wait3A_1681 = tpu.memref_slice %arg6[%dma_wait3A_1679, %dma_wait3A_1680] : memref<8x80xi32, #tpu.memory_space<vmem>> -> memref<1x80xi32, #tpu.memory_space<vmem>>
    %dma_wait3A_1682 = tpu.memref_squeeze %dma_wait3A_1681 : memref<1x80xi32, #tpu.memory_space<vmem>> -> memref<80xi32, #tpu.memory_space<vmem>>
    %dma_wait3A_1683 = arith.constant 0 : i32
    %dma_wait3A_1684 = arith.constant 0 : i32
    %dma_wait3A_1685 = tpu.memref_slice %arg2[%dma_wait3A_1683, %dma_wait3A_1684] : memref<10240x64xf32, #tpu.memory_space<hbm>> -> memref<10240x64xf32, #tpu.memory_space<hbm>>
    tpu.wait_indirect_dma semaphore(%arg20 : memref<!tpu.dma_semaphore, #tpu.memory_space<semaphore_mem>>) src(%dma_wait3A_1685 : memref<10240x64xf32, #tpu.memory_space<hbm>>) dst(%arg11 : memref<80x64xf32, #tpu.memory_space<vmem>>)
    %run_scoped3A_1686 = arith.constant 3 : i32
    "tpu.region"() ({
      %run_scoped3A_1700 = tpu.sem_alloc : memref<!tpu.dma_semaphore, #tpu.memory_space<semaphore_mem>>
      %dma_start3A_1701 = arith.constant 0 : i32
      %dma_start3A_1702 = tpu.memref_slice %arg7[%run_scoped3A_1686, %dma_start3A_1701] : memref<8x80xi32, #tpu.memory_space<vmem>> -> memref<1x80xi32, #tpu.memory_space<vmem>>
      %dma_start3A_1703 = tpu.memref_squeeze %dma_start3A_1702 : memref<1x80xi32, #tpu.memory_space<vmem>> -> memref<80xi32, #tpu.memory_space<vmem>>
      %dma_start3A_1704 = arith.constant 0 : i32
      %dma_start3A_1705 = arith.constant 0 : i32
      %dma_start3A_1706 = tpu.memref_slice %arg16[%dma_start3A_1704, %dma_start3A_1705] : memref<10240x64xf32, #tpu.memory_space<vmem_shared>> -> memref<10240x64xf32, #tpu.memory_space<vmem_shared>>
      tpu.enqueue_indirect_dma source(%arg11 : memref<80x64xf32, #tpu.memory_space<vmem>>) target(%dma_start3A_1706 : memref<10240x64xf32, #tpu.memory_space<vmem_shared>>) offsets(%dma_start3A_1703 : memref<80xi32, #tpu.memory_space<vmem>>) semaphore(%run_scoped3A_1700 : memref<!tpu.dma_semaphore, #tpu.memory_space<semaphore_mem>>) {add = true}
      %dma_wait3A_1707 = arith.constant 0 : i32
      %dma_wait3A_1708 = tpu.memref_slice %arg7[%run_scoped3A_1686, %dma_wait3A_1707] : memref<8x80xi32, #tpu.memory_space<vmem>> -> memref<1x80xi32, #tpu.memory_space<vmem>>
      %dma_wait3A_1709 = tpu.memref_squeeze %dma_wait3A_1708 : memref<1x80xi32, #tpu.memory_space<vmem>> -> memref<80xi32, #tpu.memory_space<vmem>>
      %dma_wait3A_1710 = arith.constant 0 : i32
      %dma_wait3A_1711 = arith.constant 0 : i32
      %dma_wait3A_1712 = tpu.memref_slice %arg16[%dma_wait3A_1710, %dma_wait3A_1711] : memref<10240x64xf32, #tpu.memory_space<vmem_shared>> -> memref<10240x64xf32, #tpu.memory_space<vmem_shared>>
      tpu.wait_indirect_dma semaphore(%run_scoped3A_1700 : memref<!tpu.dma_semaphore, #tpu.memory_space<semaphore_mem>>) src(%arg11 : memref<80x64xf32, #tpu.memory_space<vmem>>) dst(%dma_wait3A_1712 : memref<10240x64xf32, #tpu.memory_space<vmem_shared>>)
      tpu.yield
    }) : () -> ()
    %dma_wait3A_1687 = arith.constant 4 : i32
    %dma_wait3A_1688 = arith.constant 0 : i32
    %dma_wait3A_1689 = tpu.memref_slice %arg6[%dma_wait3A_1687, %dma_wait3A_1688] : memref<8x80xi32, #tpu.memory_space<vmem>> -> memref<1x80xi32, #tpu.memory_space<vmem>>
    %dma_wait3A_1690 = tpu.memref_squeeze %dma_wait3A_1689 : memref<1x80xi32, #tpu.memory_space<vmem>> -> memref<80xi32, #tpu.memory_space<vmem>>
    %dma_wait3A_1691 = arith.constant 0 : i32
    %dma_wait3A_1692 = arith.constant 0 : i32
    %dma_wait3A_1693 = tpu.memref_slice %arg2[%dma_wait3A_1691, %dma_wait3A_1692] : memref<10240x64xf32, #tpu.memory_space<hbm>> -> memref<10240x64xf32, #tpu.memory_space<hbm>>
    tpu.wait_indirect_dma semaphore(%arg21 : memref<!tpu.dma_semaphore, #tpu.memory_space<semaphore_mem>>) src(%dma_wait3A_1693 : memref<10240x64xf32, #tpu.memory_space<hbm>>) dst(%arg12 : memref<80x64xf32, #tpu.memory_space<vmem>>)
    %run_scoped3A_1694 = arith.constant 4 : i32
    "tpu.region"() ({
      %run_scoped3A_1700 = tpu.sem_alloc : memref<!tpu.dma_semaphore, #tpu.memory_space<semaphore_mem>>
      %dma_start3A_1701 = arith.constant 0 : i32
      %dma_start3A_1702 = tpu.memref_slice %arg7[%run_scoped3A_1694, %dma_start3A_1701] : memref<8x80xi32, #tpu.memory_space<vmem>> -> memref<1x80xi32, #tpu.memory_space<vmem>>
      %dma_start3A_1703 = tpu.memref_squeeze %dma_start3A_1702 : memref<1x80xi32, #tpu.memory_space<vmem>> -> memref<80xi32, #tpu.memory_space<vmem>>
      %dma_start3A_1704 = arith.constant 0 : i32
      %dma_start3A_1705 = arith.constant 0 : i32
      %dma_start3A_1706 = tpu.memref_slice %arg16[%dma_start3A_1704, %dma_start3A_1705] : memref<10240x64xf32, #tpu.memory_space<vmem_shared>> -> memref<10240x64xf32, #tpu.memory_space<vmem_shared>>
      tpu.enqueue_indirect_dma source(%arg12 : memref<80x64xf32, #tpu.memory_space<vmem>>) target(%dma_start3A_1706 : memref<10240x64xf32, #tpu.memory_space<vmem_shared>>) offsets(%dma_start3A_1703 : memref<80xi32, #tpu.memory_space<vmem>>) semaphore(%run_scoped3A_1700 : memref<!tpu.dma_semaphore, #tpu.memory_space<semaphore_mem>>) {add = true}
      %dma_wait3A_1707 = arith.constant 0 : i32
      %dma_wait3A_1708 = tpu.memref_slice %arg7[%run_scoped3A_1694, %dma_wait3A_1707] : memref<8x80xi32, #tpu.memory_space<vmem>> -> memref<1x80xi32, #tpu.memory_space<vmem>>
      %dma_wait3A_1709 = tpu.memref_squeeze %dma_wait3A_1708 : memref<1x80xi32, #tpu.memory_space<vmem>> -> memref<80xi32, #tpu.memory_space<vmem>>
      %dma_wait3A_1710 = arith.constant 0 : i32
      %dma_wait3A_1711 = arith.constant 0 : i32
      %dma_wait3A_1712 = tpu.memref_slice %arg16[%dma_wait3A_1710, %dma_wait3A_1711] : memref<10240x64xf32, #tpu.memory_space<vmem_shared>> -> memref<10240x64xf32, #tpu.memory_space<vmem_shared>>
      tpu.wait_indirect_dma semaphore(%run_scoped3A_1700 : memref<!tpu.dma_semaphore, #tpu.memory_space<semaphore_mem>>) src(%arg12 : memref<80x64xf32, #tpu.memory_space<vmem>>) dst(%dma_wait3A_1712 : memref<10240x64xf32, #tpu.memory_space<vmem_shared>>)
      tpu.yield
    }) : () -> ()
    %barrier3A_1695 = arith.constant 0 : index
    tpu.barrier barrier_id(%barrier3A_1695)
    %mul3A_1696 = arith.constant 640 : i32
    %mul3A_1697 = arith.muli %arg1, %mul3A_1696 : i32
    %mul3A_1698 = arith.constant 640 : i32
    %mul3A_1699 = arith.muli %arg1, %mul3A_1698 : i32
    "tpu.region"() ({
      %run_scoped3A_1700 = tpu.sem_alloc : memref<!tpu.dma_semaphore, #tpu.memory_space<semaphore_mem>>
      %dma_start3A_1701 = arith.constant 0 : i32
      %dma_start3A_1702 = tpu.memref_slice %arg4[%arg0, %mul3A_1699, %dma_start3A_1701] : memref<2x10240x64xf32, #tpu.memory_space<hbm>> -> memref<1x640x64xf32, #tpu.memory_space<hbm>>
      %dma_start3A_1703 = tpu.memref_squeeze %dma_start3A_1702 : memref<1x640x64xf32, #tpu.memory_space<hbm>> -> memref<640x64xf32, #tpu.memory_space<hbm>>
      %dma_start3A_1704 = arith.constant 0 : i32
      %dma_start3A_1705 = tpu.memref_slice %arg16[%mul3A_1697, %dma_start3A_1704] : memref<10240x64xf32, #tpu.memory_space<vmem_shared>> -> memref<640x64xf32, #tpu.memory_space<vmem_shared>>
      tpu.enqueue_dma source(%dma_start3A_1705 : memref<640x64xf32, #tpu.memory_space<vmem_shared>>) target(%dma_start3A_1703 : memref<640x64xf32, #tpu.memory_space<hbm>>) target_semaphore(%run_scoped3A_1700 : memref<!tpu.dma_semaphore, #tpu.memory_space<semaphore_mem>>)
      %dma_wait3A_1706 = arith.constant 0 : i32
      %dma_wait3A_1707 = tpu.memref_slice %arg4[%arg0, %mul3A_1699, %dma_wait3A_1706] : memref<2x10240x64xf32, #tpu.memory_space<hbm>> -> memref<1x640x64xf32, #tpu.memory_space<hbm>>
      %dma_wait3A_1708 = tpu.memref_squeeze %dma_wait3A_1707 : memref<1x640x64xf32, #tpu.memory_space<hbm>> -> memref<640x64xf32, #tpu.memory_space<hbm>>
      %dma_wait3A_1709 = arith.constant 0 : i32
      %dma_wait3A_1710 = tpu.memref_slice %arg16[%mul3A_1697, %dma_wait3A_1709] : memref<10240x64xf32, #tpu.memory_space<vmem_shared>> -> memref<640x64xf32, #tpu.memory_space<vmem_shared>>
      tpu.wait_dma2 semaphore(%run_scoped3A_1700 : memref<!tpu.dma_semaphore, #tpu.memory_space<semaphore_mem>>) src(%dma_wait3A_1710 : memref<640x64xf32, #tpu.memory_space<vmem_shared>>) dst(%dma_wait3A_1708 : memref<640x64xf32, #tpu.memory_space<hbm>>)
      tpu.yield
    }) : () -> ()
    return
  }
}

module attributes {stable_mosaic.version = 14 : i64} {
  func.func @_mm_body(%arg0: memref<10000x128xf32, #tpu.memory_space<vmem>>, %arg1: memref<128x64xf32, #tpu.memory_space<vmem>>, %arg2: memref<10240x64xf32, #tpu.memory_space<vmem>>) attributes {dimension_semantics = [], scalar_prefetch = 0 : i64, scratch_operands = 0 : i64, tpu.core_type = #tpu.core_type<tc>} {
    %get3A = arith.constant 0 : index
    %get3A_0 = arith.constant 0 : index
    %get3A_1 = vector.load %arg0[%get3A, %get3A_0] : memref<10000x128xf32, #tpu.memory_space<vmem>>, vector<10000x128xf32>
    %get3A_2 = arith.constant 0 : index
    %get3A_3 = arith.constant 0 : index
    %get3A_4 = vector.load %arg1[%get3A_2, %get3A_3] : memref<128x64xf32, #tpu.memory_space<vmem>>, vector<128x64xf32>
    %dot_general3A = arith.constant dense<0.000000e+00> : vector<10000x64xf32>
    %dot_general3A_5 = tpu.matmul %get3A_1, %get3A_4, %dot_general3A {dimension_numbers = #tpu.dot_dimension_numbers<[1], [0], [0], [1], [0, 0, 1, 1], [], []>, transpose_lhs_hint = false} : vector<10000x128xf32>, vector<128x64xf32>, vector<10000x64xf32> -> vector<10000x64xf32>
    %swap3A = arith.constant 0 : index
    %swap3A_6 = arith.constant 0 : index
    %swap3A_7 = vector.load %arg2[%swap3A, %swap3A_6] : memref<10240x64xf32, #tpu.memory_space<vmem>>, vector<10000x64xf32>
    tpu.vector_store %arg2[%swap3A, %swap3A_6], %dot_general3A_5 {strides = array<i32>} : memref<10240x64xf32, #tpu.memory_space<vmem>>, vector<10000x64xf32>,
    %broadcast_in_dim3A = arith.constant 0.000000e+00 : f32
    %broadcast_in_dim3A_8 = vector.broadcast %broadcast_in_dim3A : f32 to vector<240x64xf32>
    %swap3A_9 = arith.constant 10000 : index
    %swap3A_10 = arith.constant 0 : index
    %swap3A_11 = vector.load %arg2[%swap3A_9, %swap3A_10] : memref<10240x64xf32, #tpu.memory_space<vmem>>, vector<240x64xf32>
    tpu.vector_store %arg2[%swap3A_9, %swap3A_10], %broadcast_in_dim3A_8 {strides = array<i32>} : memref<10240x64xf32, #tpu.memory_space<vmem>>, vector<240x64xf32>,
    return
  }
}

module attributes {stable_mosaic.version = 14 : i64} {
  func.func @_fin_body(%arg0: memref<2x10240x64xf32, #tpu.memory_space<vmem>>, %arg1: memref<1x64xf32, #tpu.memory_space<vmem>>, %arg2: memref<64x64xf32, #tpu.memory_space<vmem>>, %arg3: memref<1x64xf32, #tpu.memory_space<vmem>>, %arg4: memref<1x10000xi32, #tpu.memory_space<vmem>>, %arg5: memref<64x10xf32, #tpu.memory_space<vmem>>, %arg6: memref<1x10xf32, #tpu.memory_space<vmem>>, %arg7: memref<64x10xf32, #tpu.memory_space<vmem>>) attributes {dimension_semantics = [], scalar_prefetch = 0 : i64, scratch_operands = 0 : i64, tpu.core_type = #tpu.core_type<tc>} {
    %get3A = arith.constant 0 : index
    %get3A_0 = arith.constant 0 : index
    %get3A_1 = arith.constant 0 : index
    %get3A_2 = vector.load %arg0[%get3A, %get3A_0, %get3A_1] : memref<2x10240x64xf32, #tpu.memory_space<vmem>>, vector<1x10000x64xf32>
    %get3A_3 = vector.shape_cast %get3A_2 : vector<1x10000x64xf32> to vector<10000x64xf32>
    %get3A_4 = arith.constant 1 : index
    %get3A_5 = arith.constant 0 : index
    %get3A_6 = arith.constant 0 : index
    %get3A_7 = vector.load %arg0[%get3A_4, %get3A_5, %get3A_6] : memref<2x10240x64xf32, #tpu.memory_space<vmem>>, vector<1x10000x64xf32>
    %get3A_8 = vector.shape_cast %get3A_7 : vector<1x10000x64xf32> to vector<10000x64xf32>
    %add3A = arith.addf %get3A_3, %get3A_8 : vector<10000x64xf32>
    %get3A_9 = arith.constant 0 : index
    %get3A_10 = arith.constant 0 : index
    %get3A_11 = vector.load %arg1[%get3A_9, %get3A_10] : memref<1x64xf32, #tpu.memory_space<vmem>>, vector<1x64xf32>
    %get3A_12 = vector.shape_cast %get3A_11 : vector<1x64xf32> to vector<64xf32>
    %broadcast_in_dim3A = vector.shape_cast %get3A_12 : vector<64xf32> to vector<1x64xf32>
    %add3A_13 = vector.broadcast %broadcast_in_dim3A : vector<1x64xf32> to vector<10000x64xf32>
    %add3A_14 = arith.addf %add3A, %add3A_13 : vector<10000x64xf32>
    %max3A = arith.constant 0.000000e+00 : f32
    %max3A_15 = vector.broadcast %max3A : f32 to vector<10000x64xf32>
    %max3A_16 = arith.maximumf %add3A_14, %max3A_15 : vector<10000x64xf32>
    %get3A_17 = arith.constant 0 : index
    %get3A_18 = arith.constant 0 : index
    %get3A_19 = vector.load %arg2[%get3A_17, %get3A_18] : memref<64x64xf32, #tpu.memory_space<vmem>>, vector<64x64xf32>
    %dot_general3A = arith.constant dense<0.000000e+00> : vector<10000x64xf32>
    %dot_general3A_20 = tpu.matmul %max3A_16, %get3A_19, %dot_general3A {dimension_numbers = #tpu.dot_dimension_numbers<[1], [0], [0], [1], [0, 0, 1, 1], [], []>, transpose_lhs_hint = false} : vector<10000x64xf32>, vector<64x64xf32>, vector<10000x64xf32> -> vector<10000x64xf32>
    %get3A_21 = arith.constant 0 : index
    %get3A_22 = arith.constant 0 : index
    %get3A_23 = vector.load %arg3[%get3A_21, %get3A_22] : memref<1x64xf32, #tpu.memory_space<vmem>>, vector<1x64xf32>
    %get3A_24 = vector.shape_cast %get3A_23 : vector<1x64xf32> to vector<64xf32>
    %broadcast_in_dim3A_25 = vector.shape_cast %get3A_24 : vector<64xf32> to vector<1x64xf32>
    %add3A_26 = vector.broadcast %broadcast_in_dim3A_25 : vector<1x64xf32> to vector<10000x64xf32>
    %add3A_27 = arith.addf %dot_general3A_20, %add3A_26 : vector<10000x64xf32>
    %max3A_28 = arith.constant 0.000000e+00 : f32
    %max3A_29 = vector.broadcast %max3A_28 : f32 to vector<10000x64xf32>
    %max3A_30 = arith.maximumf %add3A_27, %max3A_29 : vector<10000x64xf32>
    %iota3A = tpu.iota {dimensions = array<i32: 0>} : vector<64x10000xi32>
    %get3A_31 = arith.constant 0 : index
    %get3A_32 = arith.constant 0 : index
    %get3A_33 = vector.load %arg4[%get3A_31, %get3A_32] : memref<1x10000xi32, #tpu.memory_space<vmem>>, vector<1x10000xi32>
    %eq3A = vector.broadcast %get3A_33 : vector<1x10000xi32> to vector<64x10000xi32>
    %eq3A_34 = arith.cmpi eq, %iota3A, %eq3A : vector<64x10000xi32>
    %convert_element_type3A = arith.extui %eq3A_34 : vector<64x10000xi1> to vector<64x10000xi32>
    %convert_element_type3A_35 = arith.sitofp %convert_element_type3A : vector<64x10000xi32> to vector<64x10000xf32>
    %dot_general3A_36 = arith.constant dense<0.000000e+00> : vector<64x64xf32>
    %dot_general3A_37 = tpu.matmul %convert_element_type3A_35, %max3A_30, %dot_general3A_36 {dimension_numbers = #tpu.dot_dimension_numbers<[1], [0], [0], [1], [0, 0, 1, 1], [], []>, transpose_lhs_hint = false} : vector<64x10000xf32>, vector<10000x64xf32>, vector<64x64xf32> -> vector<64x64xf32>
    %reduce_sum3A = arith.constant dense<0.000000e+00> : vector<64xf32>
    %reduce_sum3A_38 = vector.multi_reduction <add>, %convert_element_type3A_35, %reduce_sum3A [1] : vector<64x10000xf32> to vector<64xf32>
    %broadcast_in_dim3A_39 = vector.shape_cast %reduce_sum3A_38 : vector<64xf32> to vector<64x1xf32>
    %max3A_40 = arith.constant 1.000000e+00 : f32
    %max3A_41 = vector.broadcast %max3A_40 : f32 to vector<64x1xf32>
    %max3A_42 = arith.maximumf %broadcast_in_dim3A_39, %max3A_41 : vector<64x1xf32>
    %div3A = vector.broadcast %max3A_42 : vector<64x1xf32> to vector<64x64xf32>
    %div3A_43 = arith.divf %dot_general3A_37, %div3A : vector<64x64xf32>
    %get3A_44 = arith.constant 0 : index
    %get3A_45 = arith.constant 0 : index
    %get3A_46 = vector.load %arg5[%get3A_44, %get3A_45] : memref<64x10xf32, #tpu.memory_space<vmem>>, vector<64x10xf32>
    %dot_general3A_47 = arith.constant dense<0.000000e+00> : vector<64x10xf32>
    %dot_general3A_48 = tpu.matmul %div3A_43, %get3A_46, %dot_general3A_47 {dimension_numbers = #tpu.dot_dimension_numbers<[1], [0], [0], [1], [0, 0, 1, 1], [], []>, transpose_lhs_hint = false} : vector<64x64xf32>, vector<64x10xf32>, vector<64x10xf32> -> vector<64x10xf32>
    %get3A_49 = arith.constant 0 : index
    %get3A_50 = arith.constant 0 : index
    %get3A_51 = vector.load %arg6[%get3A_49, %get3A_50] : memref<1x10xf32, #tpu.memory_space<vmem>>, vector<1x10xf32>
    %get3A_52 = vector.shape_cast %get3A_51 : vector<1x10xf32> to vector<10xf32>
    %broadcast_in_dim3A_53 = vector.shape_cast %get3A_52 : vector<10xf32> to vector<1x10xf32>
    %add3A_54 = vector.broadcast %broadcast_in_dim3A_53 : vector<1x10xf32> to vector<64x10xf32>
    %add3A_55 = arith.addf %dot_general3A_48, %add3A_54 : vector<64x10xf32>
    %reduce_max3A = arith.constant dense<0xFF800000> : vector<64xf32>
    %reduce_max3A_56 = vector.multi_reduction <maximumf>, %add3A_55, %reduce_max3A [1] : vector<64x10xf32> to vector<64xf32>
    %broadcast_in_dim3A_57 = vector.shape_cast %reduce_max3A_56 : vector<64xf32> to vector<64x1xf32>
    %sub3A = vector.broadcast %broadcast_in_dim3A_57 : vector<64x1xf32> to vector<64x10xf32>
    %sub3A_58 = arith.subf %add3A_55, %sub3A : vector<64x10xf32>
    %exp3A = math.exp %sub3A_58 : vector<64x10xf32>
    %reduce_sum3A_59 = arith.constant dense<0.000000e+00> : vector<64xf32>
    %reduce_sum3A_60 = vector.multi_reduction <add>, %exp3A, %reduce_sum3A_59 [1] : vector<64x10xf32> to vector<64xf32>
    %broadcast_in_dim3A_61 = vector.shape_cast %reduce_sum3A_60 : vector<64xf32> to vector<64x1xf32>
    %log3A = math.log %broadcast_in_dim3A_61 : vector<64x1xf32>
    %add3A_62 = arith.addf %log3A, %broadcast_in_dim3A_57 : vector<64x1xf32>
    %sub3A_63 = vector.broadcast %add3A_62 : vector<64x1xf32> to vector<64x10xf32>
    %sub3A_64 = arith.subf %add3A_55, %sub3A_63 : vector<64x10xf32>
    %swap3A = arith.constant 0 : index
    %swap3A_65 = arith.constant 0 : index
    %swap3A_66 = vector.load %arg7[%swap3A, %swap3A_65] : memref<64x10xf32, #tpu.memory_space<vmem>>, vector<64x10xf32>
    tpu.vector_store %arg7[%swap3A, %swap3A_65], %sub3A_64 {strides = array<i32>} : memref<64x10xf32, #tpu.memory_space<vmem>>, vector<64x10xf32>,
    return
  }
}

</mosaic_0001>

<sc_bundles>
// kernel: kernel.5.cloned.1.call-start
scs
__scs_entry_jumppad:
0x0: {  	(pc) =	sbr.rel $0x88, $3  }
0x1: {  	(tag) =	ssettag $0x0;
	lr =	simm.s32 $0x1  }
0x2: {  	[smem:$0x3F98] =	sst lr;
	_ =	strace $0xD0000000  }
0x3: {  	_ = 	snop  }
0x4: {  	_ = 	snop  }
0x5: {  	_ = 	snop  }
0x6: {  	_ = 	snop  }
0x7: {  	_ = 	snop  }
__scs_overlays_trampoline_lowered:
0x8: {  	[smem:$0x3FA7] =	sst s0  }
0x9: {  	[smem:$0x3FA8] =	sst s1  }
0xa: {  	[smem:$0x3FA9] =	sst s2  }
0xb: {  	[smem:$0x3FAA] =	sst s3  }
0xc: {  	[smem:$0x3FAB] =	sst s4  }
0xd: {  	[smem:$0x3FAC] =	sst s5  }
0xe: {  	[smem:$0x3FAD] =	sst s6  }
0xf: {  	[smem:$0x3FAE] =	sst s7  }
0x10: {  	[smem:$0x3FAF] =	sst s8  }
0x11: {  	[smem:$0x3FB0] =	sst s9;
	s0 =	simm.s32 @!p0 $0x0  }
0x12: {  	s1 =	sld [smem:$0x3F96];
	s0 =	simm.s32 @p0 $0x1  }
0x13: {  	[smem:$0x3FB1] =	sst s0;
	s0 =	simm.s32 @!p1 $0x0  }
0x14: {  	s2 =	sld [smem:$0x3F95];
	s0 =	simm.s32 @p1 $0x1  }
0x15: {  	[smem:$0x3FB2] =	sst s0;
	s0 =	simm.s32 @!p2 $0x0  }
0x16: {  	s3 =	sld [smem:$0x3FDB];
	s0 =	simm.s32 @p2 $0x1  }
0x17: {  	s4 =	simm.s32 $0x1BF5;
	[smem:$0x3FB4] =	sst s0  }
0x18: {  	s0 =	sld [smem:$0x3F97];
	_ =	swait.ge [sflag:s4], $0x0  }
0x19: {  	s7 =	sld [smem:$0x3F98]  }
0x1a: {  	s8 =	sadd.s32 $0xFFFFE003, lr  }
0x1b: {  	s9 =	sadd.s32 $0xFFFFFEF7, lr;
	s5 =	simm.s32 $0xFFFFFFFF;
	p2 =	slt.u32 s8, $0xFFFFF086  }
0x1c: {  	p1 =	slt.u32 s9, $0xF7A;
	s5 =	simm.s32 @!p2 $0x0  }
0x1d: {  	s5 =	simm.s32 @p1 $0x1;
	p0 =	seq.s32 s7, s2  }
0x1e: {  	s7 =	smul.u32 @!p0 $0xF7A, s2;
	p2 =	seq.s32 @!p0 s5, $0x0  }
0x1f: {  	s9 =	smul.u32 $0xF7A, s1;
	s8 =	simm.s32 @!p0 $0x1BF5;
	p2 =	por !p2, p0  }
0x20: {  	[sflag:s8] =	ssyncset.s32 @!p0 $0xFFFFF086;
	s6 =	sadd.s32 @!p0 s3, s7;
	s7 =	simm.s32 @!p0 $0x108  }
0x21: {  	s3 =	sadd.s32 s3, s9;
	s6 =	sadd.s32 @!p0 $0x88, s6;
	s7 =	simm.s32 @p2 $0x1082  }
0x22: {  	[simem:s7], [sflag:s8] =	dma.local @!p0 [hbm:s6], $0xF7A  }
0x23: {  	s9 =	sor.u32 $0xD0000000, s2;
	s6 =	simm.s32 $0x108;
	_ =	swait.ge @!p0 [sflag:s8], $0x0  }
0x24: {  	s3 =	sadd.s32 $0x88, s3;
	s6 =	simm.s32 @!p1 $0x1082;
	[sflag:s4] =	ssyncset.s32 $0xFFFFF086  }
0x25: {  	[simem:s6], [sflag:s4] =	dma.local [hbm:s3], $0xF7A  }
0x26: {  	[smem:$0x3F98] =	sst s1;
	(tag) =	ssettag s2;
	_ =	strace s9  }
0x27: {  	s1 =	sld [smem:$0x3FA8]  }
0x28: {  	s2 =	sld [smem:$0x3FA9]  }
0x29: {  	s4 =	sld [smem:$0x3FAB]  }
0x2a: {  	p0 =	seq.s32 s5, $0x0;
	s5 =	sld [smem:$0x3FAC]  }
0x2b: {  	s6 =	sld [smem:$0x3FAD]  }
0x2c: {  	s7 =	sld [smem:$0x3FAE]  }
0x2d: {  	s3 =	simm.s32 $0x108;
	s8 =	sld [smem:$0x3FAF]  }
0x2e: {  	s3 =	simm.s32 @!p0 $0x1082;
	s9 =	sld [smem:$0x3FB0]  }
0x2f: {  	lr =	sadd.s32 s0, s3;
	s0 =	sld [smem:$0x3FA7]  }
0x30: {  	s3 =	sld [smem:$0x3FAA]  }
0x31: {  	[smem:$0x3FB3] =	sst s10  }
0x32: {  	s10 =	sld [smem:$0x3FB1];
	_ =	sdelay $0x3  }
0x33: {  	p0 =	seq.s32 s10, $0x1;
	s10 =	sld [smem:$0x3FB3];
	_ =	sdelay $0x3  }
0x34: {  	[smem:$0x3FB3] =	sst s10  }
0x35: {  	s10 =	sld [smem:$0x3FB2];
	_ =	sdelay $0x3  }
0x36: {  	p1 =	seq.s32 s10, $0x1;
	s10 =	sld [smem:$0x3FB3];
	_ =	sdelay $0x3  }
0x37: {  	[smem:$0x3FB3] =	sst s10  }
0x38: {  	s10 =	sld [smem:$0x3FB4]  }
0x39: {  	_ = 	snop;
	(pc) =	sbr.ind lr, $3  }
0x3a: {  	_ = 	snop  }
0x3b: {  	_ = 	snop  }
0x3c: {  	p2 =	seq.s32 s10, $0x1;
	s10 =	sld [smem:$0x3FB3]  }
0x3d: {  	_ =	shalt  }
0x3e: {  	_ =	shalt  }
0x3f: {  	_ =	shalt  }
0x40: {  	_ =	shalt  }
0x41: {  	_ =	shalt  }
0x42: {  	_ =	shalt  }
0x43: {  	_ =	shalt  }
0x44: {  	_ =	shalt  }
0x45: {  	_ =	shalt  }
0x46: {  	_ =	shalt  }
0x47: {  	_ =	shalt  }
0x48: {  	_ =	shalt  }
0x49: {  	_ =	shalt  }
0x4a: {  	_ =	shalt  }
0x4b: {  	_ =	shalt  }
0x4c: {  	_ =	shalt  }
0x4d: {  	_ =	shalt  }
0x4e: {  	_ =	shalt  }
0x4f: {  	_ =	shalt  }
0x50: {  	_ =	shalt  }
0x51: {  	_ =	shalt  }
0x52: {  	_ =	shalt  }
0x53: {  	_ =	shalt  }
0x54: {  	_ =	shalt  }
0x55: {  	_ =	shalt  }
0x56: {  	_ =	shalt  }
0x57: {  	_ =	shalt  }
0x58: {  	_ =	shalt  }
0x59: {  	_ =	shalt  }
0x5a: {  	_ =	shalt  }
0x5b: {  	_ =	shalt  }
0x5c: {  	_ =	shalt  }
0x5d: {  	_ =	shalt  }
0x5e: {  	_ =	shalt  }
0x5f: {  	_ =	shalt  }
0x60: {  	_ =	shalt  }
0x61: {  	_ =	shalt  }
0x62: {  	_ =	shalt  }
0x63: {  	_ =	shalt  }
0x64: {  	_ =	shalt  }
0x65: {  	_ =	shalt  }
0x66: {  	_ =	shalt  }
0x67: {  	_ =	shalt  }
0x68: {  	_ =	shalt  }
0x69: {  	_ =	shalt  }
0x6a: {  	_ =	shalt  }
0x6b: {  	_ =	shalt  }
0x6c: {  	_ =	shalt  }
0x6d: {  	_ =	shalt  }
0x6e: {  	_ =	shalt  }
0x6f: {  	_ =	shalt  }
0x70: {  	_ =	shalt  }
0x71: {  	_ =	shalt  }
0x72: {  	_ =	shalt  }
0x73: {  	_ =	shalt  }
0x74: {  	_ =	shalt  }
0x75: {  	_ =	shalt  }
0x76: {  	_ =	shalt  }
0x77: {  	_ =	shalt  }
0x78: {  	_ =	shalt  }
0x79: {  	_ =	shalt  }
0x7a: {  	_ =	shalt  }
0x7b: {  	_ =	shalt  }
0x7c: {  	_ =	shalt  }
0x7d: {  	_ =	shalt  }
0x7e: {  	_ =	shalt  }
0x7f: {  	_ =	shalt  }
0x80: {  	_ =	shalt  }
0x81: {  	_ =	shalt  }
0x82: {  	_ =	shalt  }
0x83: {  	_ =	shalt  }
0x84: {  	_ =	shalt  }
0x85: {  	_ =	shalt  }
0x86: {  	_ =	shalt  }
0x87: {  	_ =	shalt  }
.Lfunc_end0:
.L_simem_size_0:
called_computation_lowered:
.L_overlay_start_0:
0x88: {  	s2 =	sld [smem:$0x3FD9]  }
0x89: {  	s3 =	sld [smem:$0x3FFE];
	_ =	sdelay $0x1  }
0x8a: {  	s1 =	srdreg.scid  }
0x8b: {  	s0 =	sand.u32 $0x1, s1  }
0x8c: {  	s16 =	sshll.u32 s0, $0xA;
	s2 =	sadd.s32 s3, s2  }
0x8d: {  	s2 =	sadd.s32 s2, s16  }
0x8e: {  	[smem:$0x3FBF] =	sst s2  }
0x8f: {  	_ = 	snop  }
0x90: {  	(tm) =	ssettm $0x1  }
0x91: {  	s17 =	sld [smem:$0x3FFB];
	_ =	sdelay $0x3  }
0x92: {  	_ =	strace s17  }
0x93: {  	s2 =	sld [smem:$0x3FFC];
	_ =	sdelay $0x3  }
0x94: {  	_ =	strace s2  }
0x95: {  	s2 =	sld [smem:$0x3FFD];
	_ =	sdelay $0x3  }
0x96: {  	_ =	strace s2  }
0x97: {  	_ =	strace $0x8FFFFFFF  }
0x98: {  	s18 =	sld [smem:$0x3FDB];
	_ =	sdelay $0x1  }
0x99: {  	s19 =	simm.s32 $_scs_section_size  }
0x9a: {  	s4 =	simm.s32 $_size__tile_overlayer_lowered;
	s5 =	simm.s32 $_tile_overlayer_lowered  }
0x9b: {  	s22 =	simm.s32 $0x1BFF;
	s21 =	sshll.u32 s5, $0x1;
	s2 =	sadd.s32 s19, s18  }
0x9c: {  	s6 =	simm.s32 $0x0;
	s20 =	sshll.u32 s4, $0x1;
	s4 =	sadd.s32 s21, s2  }
0x9d: {  	[timem:s6], [sflag:s22] =	dma.local [hbm:s4], s20  }
0x9e: {  	_ =	swait.ge [sflag:s22], s20  }
0x9f: {  	s3 =	ssub.s32 $0x0, s20;
	[sflag:s22] =	ssyncset.done $0x0  }
0xa0: {  	[sflag:s22] =	ssyncadd.s32 s3;
	_ =	sdelay $0x1  }
0xa1: {  	s23 =	simm.s32 $0x1B8B  }
0xa2: {  	_ =	swait.ge [sflag:s23], $0x1  }
0xa3: {  	[sflag:s23] =	ssyncset.done $0x0  }
0xa4: {  	s25 =	simm.s32 $0x1B8E;
	s24 =	sld [smem:$0x3FFE];
	[sflag:s23] =	ssyncadd.s32 $0xFFFFFFFF  }
0xa5: {  	s26 =	simm.s32 $execute0_lowered;
	[smem:$0x3FD2] =	sst s25  }
0xa6: {  	s4 =	sshll.u32 s26, $0x1;
	_ =	strace $0x80000046;
	[dreg:$0x1] =	wrdreg $0xFFFFFFFF  }
0xa7: {  	s28 =	simm.s32 $_size_execute0_lowered;
	s2 =	sadd.s32 s2, s4;
	[dreg:$0x0] =	wrdreg $0x0  }
0xa8: {  	s4 =	sshll.u32 s28, $0x1;
	[dreg:$0x2] =	wrdreg s2  }
0xa9: {  	[dreg:$0x3] =	wrdreg s4  }
0xaa: {  	[dreg:$0x4] =	wrdreg $0xC0  }
0xab: {  	_ =	task [dreg:s6], $0x5FFFF  }
0xac: {  	[dreg:$0x1] =	wrdreg $0xFFFFFFFF  }
0xad: {  	[dreg:$0x0] =	wrdreg $0x60  }
0xae: {  	[dreg:$0x2] =	wrdreg s24  }
0xaf: {  	[dreg:$0x3] =	wrdreg $0xCC100  }
0xb0: {  	[dreg:$0x4] =	wrdreg $0x9  }
0xb1: {  	_ =	task.clear_ibuf [dreg:s6], $0x5FFFF;
	_ =	strace $0x90000046  }
0xb2: {  	s29 =	simm.s32 $0x9;
	_ =	strace $0x80000048  }
0xb3: {  	_ =	swait.ge [sflag:s29], $0x1  }
0xb4: {  	[sflag:s29] =	ssyncadd.s32 $0xFFFFFFFF  }
0xb5: {  	_ =	strace $0x90000048  }
0xb6: {  	_ =	sfence  }
0xb7: {  	s30 =	sld [smem:$0x0];
	_ =	sdelay $0x2  }
0xb8: {  	s31 =	sshll.u32 s1, $0xD;
	s1 =	sshrl.u32 s1, $0x2  }
0xb9: {  	s3 =	sand.u32 $0x4000, s31;
	s1 =	sadd.s32 s1, s30  }
0xba: {  	s0 =	sor.u32 s3, s0;
	s1 =	sshll.u32 s1, $0x11  }
0xbb: {  	s0 =	sor.u32 s1, s0  }
0xbc: {  	s0 =	sadd.s32 $0x8F2B, s0  }
0xbd: {  	[sflag:s0] =	ssyncadd.remote.s32 $0x1  }
0xbe: {  	_ =	sfence.sel $0xFFFF  }
0xbf: {  	[dreg:$0x0] =	wrdreg $0xFFFFFFFF;
	(pc) =	sbr.abs _section_cstart, $3  }
0xc0: {  	[dreg:$0x1] =	wrdreg $0xFFFFFFFF  }
0xc1: {  	_ =	task.clear_ibuf [dreg:s6], $0x2FFFF;
	_ =	strace $0x9FFFFFFF  }
0xc2: {  	(tm) =	ssettm $0x7FFFFFFF  }
0xc3: {  	_ =	shalt  }
tec
execute0_lowered:
.L_overlay_start_1:
0x0: {  	(tag) =	ssettag $0x1  }
0x1: {  	s0 =	rddreg [dreg:$0x0]  }
0x2: {  	s2 =	rddreg [dreg:$0x1]  }
0x3: {  	s1 =	srdreg.scid;
	s10 =	stileid.u32;
	s4 =	simm.s32 $0x0  }
0x4: {  	s29 =	simm.s32 $0x2C10;
	s11 =	simm.s32 $0x4010;
	s28 =	simm.s32 $0x2800  }
0x5: {  	s30 =	simm.s32 $0x28F0;
	s12 =	simm.s32 $0x1;
	s31 =	simm.s32 $0x6810  }
0x6: {  	s1 =	sand.u32 $0x1, s1;
	s3 =	smul.u32 $0xA000, s10;
	[smem:$0x7FF] =	sst s4  }
0x7: {  	s4 =	sadd.s32 $0x1000, s0;
	s9 =	smul.u32 $0x28000, s10;
	s25 =	sshll.u32 s10, $0x6  }
0x8: {  	s5 =	sshll.u32 s1, $0x4;
	s6 =	smul.u32 $0xA0000, s1;
	_ =	strace $0x80000047  }
0x9: {  	s7 =	ssub.s32 $0x2, s1;
	p0 =	sne.s32 s1, $0x0;
	s5 =	sor.u32 s10, s5  }
0xa: {  	s8 =	sshrl.u32 s7, $0x1;
	s14 =	sadd.s32 s3, s2;
	s15 =	sshrl.u32 s9, $0x2  }
0xb: {  	s9 =	simm.s32 $0x5;
	s5 =	smul.u32 $0x4E2, s5;
	s6 =	sadd.s32 s3, s6  }
0xc: {  	s13 =	ssub.s32 s7, s8;
	s3 =	sshrl.u32 s3, $0x3;
	s17 =	sadd.s32 s15, s2  }
0xd: {  	s26 =	sshrl.u32 s14, $0x3;
	s15 =	simm.s32 $0x28A0;
	[dreg:$0x5] =	wrdreg s17  }
0xe: {  	s7 =	simm.s32 $0x2940;
	s3 =	sadd.s32 s4, s3;
	[dreg:$0x10] =	wrdreg s26  }
0xf: {  	s14 =	simm.s32 $0x2;
	s18 =	smax.u32 s13, $0x1;
	[dreg:$0x3] =	wrdreg s3  }
0x10: {  	s8 =	simm.s32 $0x0;
	s19 =	sadd.s32 $0x1400, s17;
	[dreg:$0x7] =	wrdreg s18  }
0x11: {  	s6 =	sshrl.u32 s6, $0x3;
	s20 =	sadd.s32 $0x2800, s17;
	[dreg:$0x8] =	wrdreg s19  }
0x12: {  	s21 =	sadd.s32 $0x3C00, s17;
	s22 =	sadd.s32 $0x5000, s17;
	[dreg:$0x9] =	wrdreg s20  }
0x13: {  	s23 =	sadd.s32 $0x6400, s17;
	s24 =	sadd.s32 $0x7800, s17;
	[dreg:$0xa] =	wrdreg s21  }
0x14: {  	s26 =	simm.s32 $0x6810;
	s13 =	simm.s32 $0x2850;
	[dreg:$0xb] =	wrdreg s22  }
0x15: {  	s5 =	sadd.s32 s5, s0;
	s0 =	sadd.s32 s6, s0;
	[dreg:$0xc] =	wrdreg s23  }
0x16: {  	[dreg:$0xd] =	wrdreg s24;
	s3 =	sadd.s32 $0x8C00, s17;
	s19 =	simm.s32 $0x9  }
0x17: {  	s20 =	simm.s32 $0x50;
	s23 =	simm.s32 $0x27B0;
	s24 =	simm.s32 $0x5410  }
0x18: {  	s22 =	simm.s32 $0x7C10;
	s17 =	simm.s32 $0x9010;
	s6 =	simm.s32 $0x4  }
0x19: {  	s18 =	simm.s32 $0x6;
	s16 =	sadd.s32 $0x15000, s5;
	[dreg:$0xe] =	wrdreg s3  }
0x1a: {  	s21 =	simm.s32 $0x8;
	s0 =	sadd.s32 $0x1EE00, s0;
	[dreg:$0x4] =	wrdreg s16  }
0x1b: {  	s5 =	simm.s32 $0xB810;
	[dreg:$0x6] =	wrdreg s0;
	s0 =	sor.u32 $0x1C09, s25  }
0x1c: {  	v0 =	vimm.f32 $0.0e+00;
	s3 =	simm.s32 $0x7;
	s16 =	simm.s32 $0x3;
	[dreg:$0xf] =	wrdreg s0  }
.LBB2_1:
.Ltmp0:
0x1d: {  	(pc) =	sbr.rel @p0 .LBB2_3-.Ltmp0, $2  }
0x1e: {  	_ =	sdelay $0x2  }
0x1f: {  	[dreg:$0x11] =	wrdreg s8  }
.Ltmp1:
0x20: {  	s0 =	rddreg [dreg:$0x3];
	(pc) =	sbr.rel .LBB2_6-.Ltmp1, $4  }
0x21: {  	s10 =	rddreg [dreg:$0xf]  }
0x22: {  	s25 =	rddreg [dreg:$0x10]  }
0x23: {  	[spmem:s25], [sflag:s10] =	dma.local [hbm:s0], $0x1400  }
0x24: {  	s1 =	simm.s32 $0xA410;
	s25 =	simm.s32 $0x2760  }
.LBB2_3:
0x25: {  	s25 =	simm.s32 $0x100;
	s0 =	simm.s32 $0x0  }
.LBB2_4:
0x26: {  	p1 =	seq.s32 s25, $0x4F00;
	[tilespmem:s0+$0x2C40] =	vst v0;
	s10 =	smov.u32 s25;
	s25 =	sadd.s32 $0x100, s25  }
.Ltmp2:
0x27: {  	[tilespmem:s0+$0x2C30] =	vst v0;
	(pc) =	sbr.rel @!p1 .LBB2_4-.Ltmp2, $3  }
0x28: {  	[tilespmem:s0+$0x2C10] =	vst v0  }
0x29: {  	[tilespmem:s0+$0x2C20] =	vst v0;
	_ =	sdelay $0x1  }
0x2a: {  	s0 =	sshra.s32 s10, $0x2  }
0x2b: {  	[tilespmem:s0+$0x2C40] =	vst v0  }
0x2c: {  	[tilespmem:s0+$0x2C30] =	vst v0  }
0x2d: {  	[tilespmem:s0+$0x2C10] =	vst v0  }
0x2e: {  	[tilespmem:s0+$0x2C20] =	vst v0;
	s10 =	rddreg [dreg:$0x5]  }
0x2f: {  	[spmem:s10] =	stream.linear.scatter [tilespmem:s29], [sflag:$0x9], $0x1400, $0x38;
	[tilespmem:$0x16C10] =	vst v63  }
0x30: {  	_ =	swait.ge [sflag:s19], $0x1400  }
0x31: {  	[sflag:s19] =	ssyncset.done $0x0  }
0x32: {  	s25 =	rddreg [dreg:$0x8];
	[sflag:s19] =	ssyncadd.s32 $0xFFFFEC00  }
0x33: {  	[spmem:s25] =	stream.linear.scatter [tilespmem:s29], [sflag:$0x9], $0x1400, $0x38;
	[tilespmem:$0x16C10] =	vst v63  }
0x34: {  	_ =	swait.ge [sflag:s19], $0x1400  }
0x35: {  	[sflag:s19] =	ssyncset.done $0x0  }
0x36: {  	s8 =	rddreg [dreg:$0x9];
	[sflag:s19] =	ssyncadd.s32 $0xFFFFEC00  }
0x37: {  	[spmem:s8] =	stream.linear.scatter [tilespmem:s29], [sflag:$0x9], $0x1400, $0x38;
	[tilespmem:$0x16C10] =	vst v63  }
0x38: {  	_ =	swait.ge [sflag:s19], $0x1400  }
0x39: {  	[sflag:s19] =	ssyncset.done $0x0  }
0x3a: {  	s10 =	rddreg [dreg:$0xa];
	[sflag:s19] =	ssyncadd.s32 $0xFFFFEC00  }
0x3b: {  	[spmem:s10] =	stream.linear.scatter [tilespmem:s29], [sflag:$0x9], $0x1400, $0x38;
	[tilespmem:$0x16C10] =	vst v63  }
0x3c: {  	_ =	swait.ge [sflag:s19], $0x1400  }
0x3d: {  	[sflag:s19] =	ssyncset.done $0x0  }
0x3e: {  	s25 =	rddreg [dreg:$0xb];
	[sflag:s19] =	ssyncadd.s32 $0xFFFFEC00  }
0x3f: {  	[spmem:s25] =	stream.linear.scatter [tilespmem:s29], [sflag:$0x9], $0x1400, $0x38;
	[tilespmem:$0x16C10] =	vst v63  }
0x40: {  	_ =	swait.ge [sflag:s19], $0x1400  }
0x41: {  	[sflag:s19] =	ssyncset.done $0x0  }
0x42: {  	s8 =	rddreg [dreg:$0xc];
	[sflag:s19] =	ssyncadd.s32 $0xFFFFEC00  }
0x43: {  	[spmem:s8] =	stream.linear.scatter [tilespmem:s29], [sflag:$0x9], $0x1400, $0x38;
	[tilespmem:$0x16C10] =	vst v63  }
0x44: {  	_ =	swait.ge [sflag:s19], $0x1400  }
0x45: {  	[sflag:s19] =	ssyncset.done $0x0  }
0x46: {  	s10 =	rddreg [dreg:$0xd];
	[sflag:s19] =	ssyncadd.s32 $0xFFFFEC00  }
0x47: {  	[spmem:s10] =	stream.linear.scatter [tilespmem:s29], [sflag:$0x9], $0x1400, $0x38;
	[tilespmem:$0x16C10] =	vst v63  }
0x48: {  	_ =	swait.ge [sflag:s19], $0x1400  }
0x49: {  	[sflag:s19] =	ssyncset.done $0x0  }
0x4a: {  	s25 =	rddreg [dreg:$0xe];
	[sflag:s19] =	ssyncadd.s32 $0xFFFFEC00  }
0x4b: {  	[spmem:s25] =	stream.linear.scatter [tilespmem:s29], [sflag:$0x9], $0x1400, $0x38;
	[tilespmem:$0x16C10] =	vst v63  }
0x4c: {  	s1 =	simm.s32 $0xA410;
	s25 =	simm.s32 $0x2760  }
.LBB2_6:
0x4d: {  	_ =	swait.ge [sflag:s19], $0x1400  }
0x4e: {  	[sflag:s19] =	ssyncset.done $0x0  }
0x4f: {  	s0 =	simm.s32 $0x0;
	s10 =	rddreg [dreg:$0x4];
	[sflag:s19] =	ssyncadd.s32 $0xFFFFEC00  }
0x50: {  	[tilespmem:s0], [sflag:$0x9] =	stream.linear.gather [hbm4b:s10+s0], $0x2710, $0x38;
	[tilespmem:$0x16C10] =	vst v63  }
0x51: {  	_ =	swait.ge [sflag:s19], $0x2710  }
0x52: {  	[sflag:s19] =	ssyncset.done $0x0  }
0x53: {  	[sflag:s19] =	ssyncadd.s32 $0xFFFFD8F0  }
0x54: {  	[bflag:$0x0] =	sbarrier.arrive $0xFFFF  }
0x55: {  	v1 =	vld [tilespmem:$0x0];
	_ =	sdelay $0x1  }
0x56: {  	v2 =	vld [tilespmem:$0x10];
	_ =	sdelay $0x1  }
0x57: {  	v3 =	vld [tilespmem:$0x20]  }
0x58: {  	v4 =	vand.u32 $0xFFFF, v1  }
0x59: {  	v49 =	vld [tilespmem:$0x30];
	v1 =	vshrl.u32 v1, $0x10;
	[tilespmem:$0x2710] =	vst v4  }
0x5a: {  	[tilespmem:$0x2990] =	vst v1;
	v1 =	vand.u32 $0xFFFF, v2  }
0x5b: {  	[tilespmem:$0x2720] =	vst v1;
	v1 =	vshrl.u32 v2, $0x10;
	v2 =	vld [tilespmem:$0x40]  }
0x5c: {  	[tilespmem:$0x29A0] =	vst v1;
	v1 =	vand.u32 $0xFFFF, v3  }
0x5d: {  	[tilespmem:$0x2730] =	vst v1;
	v1 =	vshrl.u32 v3, $0x10  }
0x5e: {  	[tilespmem:$0x29B0] =	vst v1;
	v1 =	vand.u32 $0xFFFF, v49  }
0x5f: {  	[tilespmem:$0x2740] =	vst v1;
	v1 =	vshrl.u32 v49, $0x10  }
0x60: {  	[tilespmem:$0x29C0] =	vst v1;
	v1 =	vand.u32 $0xFFFF, v2  }
0x61: {  	[tilespmem:$0x2750] =	vst v1;
	v1 =	vshrl.u32 v2, $0x10  }
0x62: {  	s10 =	simm.s32 $0x2710;
	[tilespmem:$0x29D0] =	vst v1  }
0x63: {  	[tilespmem:s29], [sflag:$0x1] =	stream.indirect.gather [hbm4b:s4+s20], $0x40, s10, s20, $0xb8;
	[tilespmem:$0x16C10] =	vst v63  }
0x64: {  	v1 =	vld [tilespmem:$0x50];
	_ =	sdelay $0x1  }
0x65: {  	v2 =	vld [tilespmem:$0x60];
	_ =	sdelay $0x1  }
0x66: {  	v3 =	vld [tilespmem:$0x70]  }
0x67: {  	v50 =	vand.u32 $0xFFFF, v1  }
0x68: {  	v51 =	vld [tilespmem:$0x80];
	v1 =	vshrl.u32 v1, $0x10;
	[tilespmem:$0x2760] =	vst v50  }
0x69: {  	[tilespmem:$0x29E0] =	vst v1;
	v1 =	vand.u32 $0xFFFF, v2  }
0x6a: {  	[tilespmem:$0x2770] =	vst v1;
	v1 =	vshrl.u32 v2, $0x10;
	v2 =	vld [tilespmem:$0x90]  }
0x6b: {  	[tilespmem:$0x29F0] =	vst v1;
	v1 =	vand.u32 $0xFFFF, v3  }
0x6c: {  	[tilespmem:$0x2780] =	vst v1;
	v1 =	vshrl.u32 v3, $0x10  }
0x6d: {  	[tilespmem:$0x2A00] =	vst v1;
	v1 =	vand.u32 $0xFFFF, v51  }
0x6e: {  	[tilespmem:$0x2790] =	vst v1;
	v1 =	vshrl.u32 v51, $0x10  }
0x6f: {  	[tilespmem:$0x2A10] =	vst v1;
	v1 =	vand.u32 $0xFFFF, v2  }
0x70: {  	[tilespmem:$0x27A0] =	vst v1;
	v1 =	vshrl.u32 v2, $0x10  }
0x71: {  	[tilespmem:$0x2A20] =	vst v1  }
0x72: {  	[tilespmem:s11], [sflag:$0x2] =	stream.indirect.gather [hbm4b:s4+s20], $0x40, s25, s20, $0xb8;
	[tilespmem:$0x16C10] =	vst v63  }
0x73: {  	v1 =	vld [tilespmem:$0xA0];
	_ =	sdelay $0x1  }
0x74: {  	v2 =	vld [tilespmem:$0xB0];
	_ =	sdelay $0x1  }
0x75: {  	v3 =	vld [tilespmem:$0xC0]  }
0x76: {  	v52 =	vand.u32 $0xFFFF, v1  }
0x77: {  	v53 =	vld [tilespmem:$0xD0];
	v1 =	vshrl.u32 v1, $0x10;
	[tilespmem:$0x27B0] =	vst v52  }
0x78: {  	[tilespmem:$0x2A30] =	vst v1;
	v1 =	vand.u32 $0xFFFF, v2  }
0x79: {  	[tilespmem:$0x27C0] =	vst v1;
	v1 =	vshrl.u32 v2, $0x10;
	v2 =	vld [tilespmem:$0xE0]  }
0x7a: {  	[tilespmem:$0x2A40] =	vst v1;
	v1 =	vand.u32 $0xFFFF, v3  }
0x7b: {  	[tilespmem:$0x27D0] =	vst v1;
	v1 =	vshrl.u32 v3, $0x10  }
0x7c: {  	[tilespmem:$0x2A50] =	vst v1;
	v1 =	vand.u32 $0xFFFF, v53  }
0x7d: {  	[tilespmem:$0x27E0] =	vst v1;
	v1 =	vshrl.u32 v53, $0x10  }
0x7e: {  	[tilespmem:$0x2A60] =	vst v1;
	v1 =	vand.u32 $0xFFFF, v2  }
0x7f: {  	[tilespmem:$0x27F0] =	vst v1;
	v1 =	vshrl.u32 v2, $0x10  }
0x80: {  	[tilespmem:$0x2A70] =	vst v1  }
0x81: {  	[tilespmem:s24], [sflag:$0x3] =	stream.indirect.gather [hbm4b:s4+s20], $0x40, s23, s20, $0xb8;
	[tilespmem:$0x16C10] =	vst v63  }
0x82: {  	v1 =	vld [tilespmem:$0xF0];
	_ =	sdelay $0x1  }
0x83: {  	v2 =	vld [tilespmem:$0x100];
	_ =	sdelay $0x1  }
0x84: {  	v3 =	vld [tilespmem:$0x110]  }
0x85: {  	v54 =	vand.u32 $0xFFFF, v1  }
0x86: {  	v55 =	vld [tilespmem:$0x120];
	v1 =	vshrl.u32 v1, $0x10;
	[tilespmem:$0x2800] =	vst v54  }
0x87: {  	[tilespmem:$0x2A80] =	vst v1;
	v1 =	vand.u32 $0xFFFF, v2  }
0x88: {  	[tilespmem:$0x2810] =	vst v1;
	v1 =	vshrl.u32 v2, $0x10;
	v2 =	vld [tilespmem:$0x130]  }
0x89: {  	[tilespmem:$0x2A90] =	vst v1;
	v1 =	vand.u32 $0xFFFF, v3  }
0x8a: {  	[tilespmem:$0x2820] =	vst v1;
	v1 =	vshrl.u32 v3, $0x10  }
0x8b: {  	[tilespmem:$0x2AA0] =	vst v1;
	v1 =	vand.u32 $0xFFFF, v55  }
0x8c: {  	[tilespmem:$0x2830] =	vst v1;
	v1 =	vshrl.u32 v55, $0x10  }
0x8d: {  	[tilespmem:$0x2AB0] =	vst v1;
	v1 =	vand.u32 $0xFFFF, v2  }
0x8e: {  	[tilespmem:$0x2840] =	vst v1;
	v1 =	vshrl.u32 v2, $0x10  }
0x8f: {  	[tilespmem:$0x2AC0] =	vst v1  }
0x90: {  	[tilespmem:s26], [sflag:$0x4] =	stream.indirect.gather [hbm4b:s4+s20], $0x40, s28, s20, $0xb8;
	[tilespmem:$0x16C10] =	vst v63  }
0x91: {  	v1 =	vld [tilespmem:$0x140];
	_ =	sdelay $0x1  }
0x92: {  	v2 =	vld [tilespmem:$0x150];
	_ =	sdelay $0x1  }
0x93: {  	v3 =	vld [tilespmem:$0x160]  }
0x94: {  	v56 =	vand.u32 $0xFFFF, v1  }
0x95: {  	v57 =	vld [tilespmem:$0x170];
	v1 =	vshrl.u32 v1, $0x10;
	[tilespmem:$0x2850] =	vst v56  }
0x96: {  	[tilespmem:$0x2AD0] =	vst v1;
	v1 =	vand.u32 $0xFFFF, v2  }
0x97: {  	[tilespmem:$0x2860] =	vst v1;
	v1 =	vshrl.u32 v2, $0x10;
	v2 =	vld [tilespmem:$0x180]  }
0x98: {  	[tilespmem:$0x2AE0] =	vst v1;
	v1 =	vand.u32 $0xFFFF, v3  }
0x99: {  	[tilespmem:$0x2870] =	vst v1;
	v1 =	vshrl.u32 v3, $0x10  }
0x9a: {  	[tilespmem:$0x2AF0] =	vst v1;
	v1 =	vand.u32 $0xFFFF, v57  }
0x9b: {  	[tilespmem:$0x2880] =	vst v1;
	v1 =	vshrl.u32 v57, $0x10  }
0x9c: {  	[tilespmem:$0x2B00] =	vst v1;
	v1 =	vand.u32 $0xFFFF, v2  }
0x9d: {  	[tilespmem:$0x2890] =	vst v1;
	v1 =	vshrl.u32 v2, $0x10  }
0x9e: {  	[tilespmem:$0x2B10] =	vst v1  }
0x9f: {  	[tilespmem:s22], [sflag:$0x5] =	stream.indirect.gather [hbm4b:s4+s20], $0x40, s13, s20, $0xb8;
	[tilespmem:$0x16C10] =	vst v63  }
0xa0: {  	v1 =	vld [tilespmem:$0x190];
	_ =	sdelay $0x1  }
0xa1: {  	v2 =	vld [tilespmem:$0x1A0];
	_ =	sdelay $0x1  }
0xa2: {  	v3 =	vld [tilespmem:$0x1B0]  }
0xa3: {  	v58 =	vand.u32 $0xFFFF, v1  }
0xa4: {  	v59 =	vld [tilespmem:$0x1C0];
	v1 =	vshrl.u32 v1, $0x10;
	[tilespmem:$0x28A0] =	vst v58  }
0xa5: {  	[tilespmem:$0x2B20] =	vst v1;
	v1 =	vand.u32 $0xFFFF, v2  }
0xa6: {  	[tilespmem:$0x28B0] =	vst v1;
	v1 =	vshrl.u32 v2, $0x10;
	v2 =	vld [tilespmem:$0x1D0]  }
0xa7: {  	[tilespmem:$0x2B30] =	vst v1;
	v1 =	vand.u32 $0xFFFF, v3  }
0xa8: {  	[tilespmem:$0x28C0] =	vst v1;
	v1 =	vshrl.u32 v3, $0x10  }
0xa9: {  	[tilespmem:$0x2B40] =	vst v1;
	v1 =	vand.u32 $0xFFFF, v59  }
0xaa: {  	[tilespmem:$0x28D0] =	vst v1;
	v1 =	vshrl.u32 v59, $0x10  }
0xab: {  	[tilespmem:$0x2B50] =	vst v1;
	v1 =	vand.u32 $0xFFFF, v2  }
0xac: {  	[tilespmem:$0x28E0] =	vst v1;
	v1 =	vshrl.u32 v2, $0x10  }
0xad: {  	[tilespmem:$0x2B60] =	vst v1  }
0xae: {  	[tilespmem:s17], [sflag:$0x6] =	stream.indirect.gather [hbm4b:s4+s20], $0x40, s15, s20, $0xb8;
	[tilespmem:$0x16C10] =	vst v63  }
0xaf: {  	v1 =	vld [tilespmem:$0x1E0];
	_ =	sdelay $0x1  }
0xb0: {  	v2 =	vld [tilespmem:$0x1F0];
	_ =	sdelay $0x1  }
0xb1: {  	v3 =	vld [tilespmem:$0x200]  }
0xb2: {  	v60 =	vand.u32 $0xFFFF, v1  }
0xb3: {  	v61 =	vld [tilespmem:$0x210];
	v1 =	vshrl.u32 v1, $0x10;
	[tilespmem:$0x28F0] =	vst v60  }
0xb4: {  	[tilespmem:$0x2B70] =	vst v1;
	v1 =	vand.u32 $0xFFFF, v2  }
0xb5: {  	[tilespmem:$0x2900] =	vst v1;
	v1 =	vshrl.u32 v2, $0x10;
	v2 =	vld [tilespmem:$0x220]  }
0xb6: {  	[tilespmem:$0x2B80] =	vst v1;
	v1 =	vand.u32 $0xFFFF, v3  }
0xb7: {  	[tilespmem:$0x2910] =	vst v1;
	v1 =	vshrl.u32 v3, $0x10  }
0xb8: {  	[tilespmem:$0x2B90] =	vst v1;
	v1 =	vand.u32 $0xFFFF, v61  }
0xb9: {  	[tilespmem:$0x2920] =	vst v1;
	v1 =	vshrl.u32 v61, $0x10  }
0xba: {  	[tilespmem:$0x2BA0] =	vst v1;
	v1 =	vand.u32 $0xFFFF, v2  }
0xbb: {  	[tilespmem:$0x2930] =	vst v1;
	v1 =	vshrl.u32 v2, $0x10  }
0xbc: {  	[tilespmem:$0x2BB0] =	vst v1  }
0xbd: {  	[tilespmem:s1], [sflag:$0x7] =	stream.indirect.gather [hbm4b:s4+s20], $0x40, s30, s20, $0xb8;
	[tilespmem:$0x16C10] =	vst v63  }
0xbe: {  	v1 =	vld [tilespmem:$0x230];
	_ =	sdelay $0x1  }
0xbf: {  	v2 =	vld [tilespmem:$0x240];
	_ =	sdelay $0x1  }
0xc0: {  	v3 =	vld [tilespmem:$0x250]  }
0xc1: {  	v62 =	vand.u32 $0xFFFF, v1  }
0xc2: {  	v63 =	vld [tilespmem:$0x260];
	v1 =	vshrl.u32 v1, $0x10;
	[tilespmem:$0x2940] =	vst v62  }
0xc3: {  	[tilespmem:$0x2BC0] =	vst v1;
	v1 =	vand.u32 $0xFFFF, v2  }
0xc4: {  	[tilespmem:$0x2950] =	vst v1;
	v1 =	vshrl.u32 v2, $0x10;
	v2 =	vld [tilespmem:$0x270]  }
0xc5: {  	[tilespmem:$0x2BD0] =	vst v1;
	v1 =	vand.u32 $0xFFFF, v3  }
0xc6: {  	[tilespmem:$0x2960] =	vst v1;
	v1 =	vshrl.u32 v3, $0x10  }
0xc7: {  	[tilespmem:$0x2BE0] =	vst v1;
	v1 =	vand.u32 $0xFFFF, v63  }
0xc8: {  	s8 =	simm.s32 $0x2940;
	s0 =	simm.s32 $0x13C0;
	s29 =	simm.s32 $0x5410;
	[tilespmem:$0x2970] =	vst v1;
	v1 =	vshrl.u32 v63, $0x10  }
0xc9: {  	s10 =	simm.s32 $0x2A80;
	s11 =	simm.s32 $0xA410;
	s23 =	simm.s32 $0x2C10;
	[tilespmem:$0x2BF0] =	vst v1;
	v1 =	vand.u32 $0xFFFF, v2  }
0xca: {  	s24 =	simm.s32 $0xB810;
	s26 =	simm.s32 $0x4010;
	s22 =	simm.s32 $0x7C10;
	[tilespmem:$0x2980] =	vst v1;
	v1 =	vshrl.u32 v2, $0x10  }
0xcb: {  	s13 =	simm.s32 $0x2AD0;
	s15 =	simm.s32 $0x28A0;
	s30 =	simm.s32 $0x29E0;
	[tilespmem:$0x2C00] =	vst v1  }
0xcc: {  	[tilespmem:s5], [sflag:$0x8] =	stream.indirect.gather [hbm4b:s4+s20], $0x40, s7, s20, $0xb8;
	[tilespmem:$0x16C10] =	vst v63  }
0xcd: {  	s1 =	simm.s32 $0x2A30;
	s7 =	simm.s32 $0x28F0;
	s5 =	simm.s32 $0x2990  }
.LBB2_7:
0xce: {  	_ =	swait.ge [sflag:s12], $0x1400  }
0xcf: {  	[sflag:s12] =	ssyncset.done $0x0  }
0xd0: {  	[sflag:s12] =	ssyncadd.s32 $0xFFFFEC00  }
0xd1: {  	[spmem:s2] =	stream.indirect.scatter.add.f32 [tilespmem:s23], [sflag:$0x9], $0x40, s5, s20, $0xb8;
	[tilespmem:$0x16C10] =	vst v63  }
0xd2: {  	_ =	swait.ge [sflag:s19], $0x1400  }
0xd3: {  	[sflag:s19] =	ssyncset.done $0x0  }
0xd4: {  	s25 =	sshra.s32 s0, $0x2;
	[sflag:s19] =	ssyncadd.s32 $0xFFFFEC00  }
0xd5: {  	v1 =	vld [tilespmem:s25+$0xFFFFFD90];
	_ =	sdelay $0x4  }
0xd6: {  	v2 =	vand.u32 $0xFFFF, v1  }
0xd7: {  	v1 =	vshrl.u32 v1, $0x10;
	[tilespmem:$0x2710] =	vst v2  }
0xd8: {  	[tilespmem:$0x2990] =	vst v1  }
0xd9: {  	v1 =	vld [tilespmem:s25+$0xFFFFFDA0];
	_ =	sdelay $0x4  }
0xda: {  	v2 =	vand.u32 $0xFFFF, v1  }
0xdb: {  	v1 =	vshrl.u32 v1, $0x10;
	[tilespmem:$0x2720] =	vst v2  }
0xdc: {  	[tilespmem:$0x29A0] =	vst v1  }
0xdd: {  	v1 =	vld [tilespmem:s25+$0xFFFFFDB0];
	_ =	sdelay $0x4  }
0xde: {  	v2 =	vand.u32 $0xFFFF, v1  }
0xdf: {  	v1 =	vshrl.u32 v1, $0x10;
	[tilespmem:$0x2730] =	vst v2  }
0xe0: {  	[tilespmem:$0x29B0] =	vst v1  }
0xe1: {  	v1 =	vld [tilespmem:s25+$0xFFFFFDC0];
	_ =	sdelay $0x4  }
0xe2: {  	v2 =	vand.u32 $0xFFFF, v1  }
0xe3: {  	v1 =	vshrl.u32 v1, $0x10;
	[tilespmem:$0x2740] =	vst v2  }
0xe4: {  	[tilespmem:$0x29C0] =	vst v1  }
0xe5: {  	v1 =	vld [tilespmem:s25+$0xFFFFFDD0];
	_ =	sdelay $0x4  }
0xe6: {  	v2 =	vand.u32 $0xFFFF, v1  }
0xe7: {  	v1 =	vshrl.u32 v1, $0x10;
	[tilespmem:$0x2750] =	vst v2  }
0xe8: {  	s17 =	simm.s32 $0x2710;
	[tilespmem:$0x29D0] =	vst v1  }
0xe9: {  	[tilespmem:s23], [sflag:$0x1] =	stream.indirect.gather [hbm4b:s4+s20], $0x40, s17, s20, $0xb8;
	[tilespmem:$0x16C10] =	vst v63  }
0xea: {  	_ =	swait.ge [sflag:s14], $0x1400  }
0xeb: {  	[sflag:s14] =	ssyncset.done $0x0  }
0xec: {  	[sflag:s14] =	ssyncadd.s32 $0xFFFFEC00  }
0xed: {  	[spmem:s2] =	stream.indirect.scatter.add.f32 [tilespmem:s26], [sflag:$0x9], $0x40, s30, s20, $0xb8;
	[tilespmem:$0x16C10] =	vst v63  }
0xee: {  	_ =	swait.ge [sflag:s19], $0x1400  }
0xef: {  	[sflag:s19] =	ssyncset.done $0x0  }
0xf0: {  	[sflag:s19] =	ssyncadd.s32 $0xFFFFEC00  }
0xf1: {  	v1 =	vld [tilespmem:s25+$0xFFFFFDE0];
	_ =	sdelay $0x4  }
0xf2: {  	v2 =	vand.u32 $0xFFFF, v1  }
0xf3: {  	v1 =	vshrl.u32 v1, $0x10;
	[tilespmem:$0x2760] =	vst v2  }
0xf4: {  	[tilespmem:$0x29E0] =	vst v1  }
0xf5: {  	v1 =	vld [tilespmem:s25+$0xFFFFFDF0];
	_ =	sdelay $0x4  }
0xf6: {  	v2 =	vand.u32 $0xFFFF, v1  }
0xf7: {  	v1 =	vshrl.u32 v1, $0x10;
	[tilespmem:$0x2770] =	vst v2  }
0xf8: {  	[tilespmem:$0x29F0] =	vst v1  }
0xf9: {  	v1 =	vld [tilespmem:s25+$0xFFFFFE00];
	_ =	sdelay $0x4  }
0xfa: {  	v2 =	vand.u32 $0xFFFF, v1  }
0xfb: {  	v1 =	vshrl.u32 v1, $0x10;
	[tilespmem:$0x2780] =	vst v2  }
0xfc: {  	[tilespmem:$0x2A00] =	vst v1  }
0xfd: {  	v1 =	vld [tilespmem:s25+$0xFFFFFE10];
	_ =	sdelay $0x4  }
0xfe: {  	v2 =	vand.u32 $0xFFFF, v1  }
0xff: {  	v1 =	vshrl.u32 v1, $0x10;
	[tilespmem:$0x2790] =	vst v2  }
0x100: {  	[tilespmem:$0x2A10] =	vst v1  }
0x101: {  	v1 =	vld [tilespmem:s25+$0xFFFFFE20];
	_ =	sdelay $0x4  }
0x102: {  	v2 =	vand.u32 $0xFFFF, v1  }
0x103: {  	v1 =	vshrl.u32 v1, $0x10;
	[tilespmem:$0x27A0] =	vst v2  }
0x104: {  	s28 =	simm.s32 $0x2760;
	[tilespmem:$0x2A20] =	vst v1  }
0x105: {  	[tilespmem:s26], [sflag:$0x2] =	stream.indirect.gather [hbm4b:s4+s20], $0x40, s28, s20, $0xb8;
	[tilespmem:$0x16C10] =	vst v63  }
0x106: {  	_ =	swait.ge [sflag:s16], $0x1400  }
0x107: {  	[sflag:s16] =	ssyncset.done $0x0  }
0x108: {  	[sflag:s16] =	ssyncadd.s32 $0xFFFFEC00  }
0x109: {  	[spmem:s2] =	stream.indirect.scatter.add.f32 [tilespmem:s29], [sflag:$0x9], $0x40, s1, s20, $0xb8;
	[tilespmem:$0x16C10] =	vst v63  }
0x10a: {  	_ =	swait.ge [sflag:s19], $0x1400  }
0x10b: {  	[sflag:s19] =	ssyncset.done $0x0  }
0x10c: {  	[sflag:s19] =	ssyncadd.s32 $0xFFFFEC00  }
0x10d: {  	v1 =	vld [tilespmem:s25+$0xFFFFFE30];
	_ =	sdelay $0x4  }
0x10e: {  	v2 =	vand.u32 $0xFFFF, v1  }
0x10f: {  	v1 =	vshrl.u32 v1, $0x10;
	[tilespmem:$0x27B0] =	vst v2  }
0x110: {  	[tilespmem:$0x2A30] =	vst v1  }
0x111: {  	v1 =	vld [tilespmem:s25+$0xFFFFFE40];
	_ =	sdelay $0x4  }
0x112: {  	v2 =	vand.u32 $0xFFFF, v1  }
0x113: {  	v1 =	vshrl.u32 v1, $0x10;
	[tilespmem:$0x27C0] =	vst v2  }
0x114: {  	[tilespmem:$0x2A40] =	vst v1  }
0x115: {  	v1 =	vld [tilespmem:s25+$0xFFFFFE50];
	_ =	sdelay $0x4  }
0x116: {  	v2 =	vand.u32 $0xFFFF, v1  }
0x117: {  	v1 =	vshrl.u32 v1, $0x10;
	[tilespmem:$0x27D0] =	vst v2  }
0x118: {  	[tilespmem:$0x2A50] =	vst v1  }
0x119: {  	v1 =	vld [tilespmem:s25+$0xFFFFFE60];
	_ =	sdelay $0x4  }
0x11a: {  	v2 =	vand.u32 $0xFFFF, v1  }
0x11b: {  	v1 =	vshrl.u32 v1, $0x10;
	[tilespmem:$0x27E0] =	vst v2  }
0x11c: {  	[tilespmem:$0x2A60] =	vst v1  }
0x11d: {  	v1 =	vld [tilespmem:s25+$0xFFFFFE70];
	_ =	sdelay $0x4  }
0x11e: {  	v2 =	vand.u32 $0xFFFF, v1  }
0x11f: {  	v1 =	vshrl.u32 v1, $0x10;
	[tilespmem:$0x27F0] =	vst v2  }
0x120: {  	s28 =	simm.s32 $0x27B0;
	[tilespmem:$0x2A70] =	vst v1  }
0x121: {  	[tilespmem:s29], [sflag:$0x3] =	stream.indirect.gather [hbm4b:s4+s20], $0x40, s28, s20, $0xb8;
	[tilespmem:$0x16C10] =	vst v63  }
0x122: {  	_ =	swait.ge [sflag:s6], $0x1400  }
0x123: {  	[sflag:s6] =	ssyncset.done $0x0  }
0x124: {  	[sflag:s6] =	ssyncadd.s32 $0xFFFFEC00  }
0x125: {  	[spmem:s2] =	stream.indirect.scatter.add.f32 [tilespmem:s31], [sflag:$0x9], $0x40, s10, s20, $0xb8;
	[tilespmem:$0x16C10] =	vst v63  }
0x126: {  	_ =	swait.ge [sflag:s19], $0x1400  }
0x127: {  	[sflag:s19] =	ssyncset.done $0x0  }
0x128: {  	[sflag:s19] =	ssyncadd.s32 $0xFFFFEC00  }
0x129: {  	v1 =	vld [tilespmem:s25+$0xFFFFFE80];
	_ =	sdelay $0x4  }
0x12a: {  	v2 =	vand.u32 $0xFFFF, v1  }
0x12b: {  	v1 =	vshrl.u32 v1, $0x10;
	[tilespmem:$0x2800] =	vst v2  }
0x12c: {  	[tilespmem:$0x2A80] =	vst v1  }
0x12d: {  	v1 =	vld [tilespmem:s25+$0xFFFFFE90];
	_ =	sdelay $0x4  }
0x12e: {  	v2 =	vand.u32 $0xFFFF, v1  }
0x12f: {  	v1 =	vshrl.u32 v1, $0x10;
	[tilespmem:$0x2810] =	vst v2  }
0x130: {  	[tilespmem:$0x2A90] =	vst v1  }
0x131: {  	v1 =	vld [tilespmem:s25+$0xFFFFFEA0];
	_ =	sdelay $0x4  }
0x132: {  	v2 =	vand.u32 $0xFFFF, v1  }
0x133: {  	v1 =	vshrl.u32 v1, $0x10;
	[tilespmem:$0x2820] =	vst v2  }
0x134: {  	[tilespmem:$0x2AA0] =	vst v1  }
0x135: {  	v1 =	vld [tilespmem:s25+$0xFFFFFEB0];
	_ =	sdelay $0x4  }
0x136: {  	v2 =	vand.u32 $0xFFFF, v1  }
0x137: {  	v1 =	vshrl.u32 v1, $0x10;
	[tilespmem:$0x2830] =	vst v2  }
0x138: {  	[tilespmem:$0x2AB0] =	vst v1  }
0x139: {  	v1 =	vld [tilespmem:s25+$0xFFFFFEC0];
	_ =	sdelay $0x4  }
0x13a: {  	v2 =	vand.u32 $0xFFFF, v1  }
0x13b: {  	v1 =	vshrl.u32 v1, $0x10;
	[tilespmem:$0x2840] =	vst v2  }
0x13c: {  	s28 =	simm.s32 $0x2800;
	[tilespmem:$0x2AC0] =	vst v1  }
0x13d: {  	[tilespmem:s31], [sflag:$0x4] =	stream.indirect.gather [hbm4b:s4+s20], $0x40, s28, s20, $0xb8;
	[tilespmem:$0x16C10] =	vst v63  }
0x13e: {  	_ =	swait.ge [sflag:s9], $0x1400  }
0x13f: {  	[sflag:s9] =	ssyncset.done $0x0  }
0x140: {  	[sflag:s9] =	ssyncadd.s32 $0xFFFFEC00  }
0x141: {  	[spmem:s2] =	stream.indirect.scatter.add.f32 [tilespmem:s22], [sflag:$0x9], $0x40, s13, s20, $0xb8;
	[tilespmem:$0x16C10] =	vst v63  }
0x142: {  	_ =	swait.ge [sflag:s19], $0x1400  }
0x143: {  	[sflag:s19] =	ssyncset.done $0x0  }
0x144: {  	[sflag:s19] =	ssyncadd.s32 $0xFFFFEC00  }
0x145: {  	v1 =	vld [tilespmem:s25+$0xFFFFFED0];
	_ =	sdelay $0x4  }
0x146: {  	v2 =	vand.u32 $0xFFFF, v1  }
0x147: {  	v1 =	vshrl.u32 v1, $0x10;
	[tilespmem:$0x2850] =	vst v2  }
0x148: {  	[tilespmem:$0x2AD0] =	vst v1  }
0x149: {  	v1 =	vld [tilespmem:s25+$0xFFFFFEE0];
	_ =	sdelay $0x4  }
0x14a: {  	v2 =	vand.u32 $0xFFFF, v1  }
0x14b: {  	v1 =	vshrl.u32 v1, $0x10;
	[tilespmem:$0x2860] =	vst v2  }
0x14c: {  	[tilespmem:$0x2AE0] =	vst v1  }
0x14d: {  	v1 =	vld [tilespmem:s25+$0xFFFFFEF0];
	_ =	sdelay $0x4  }
0x14e: {  	v2 =	vand.u32 $0xFFFF, v1  }
0x14f: {  	v1 =	vshrl.u32 v1, $0x10;
	[tilespmem:$0x2870] =	vst v2  }
0x150: {  	[tilespmem:$0x2AF0] =	vst v1  }
0x151: {  	v1 =	vld [tilespmem:s25+$0xFFFFFF00];
	_ =	sdelay $0x4  }
0x152: {  	v2 =	vand.u32 $0xFFFF, v1  }
0x153: {  	v1 =	vshrl.u32 v1, $0x10;
	[tilespmem:$0x2880] =	vst v2  }
0x154: {  	[tilespmem:$0x2B00] =	vst v1  }
0x155: {  	v1 =	vld [tilespmem:s25+$0xFFFFFF10];
	_ =	sdelay $0x4  }
0x156: {  	v2 =	vand.u32 $0xFFFF, v1  }
0x157: {  	v1 =	vshrl.u32 v1, $0x10;
	[tilespmem:$0x2890] =	vst v2  }
0x158: {  	s28 =	simm.s32 $0x2850;
	[tilespmem:$0x2B10] =	vst v1  }
0x159: {  	[tilespmem:s22], [sflag:$0x5] =	stream.indirect.gather [hbm4b:s4+s20], $0x40, s28, s20, $0xb8;
	[tilespmem:$0x16C10] =	vst v63  }
0x15a: {  	_ =	swait.ge [sflag:s18], $0x1400  }
0x15b: {  	[sflag:s18] =	ssyncset.done $0x0  }
0x15c: {  	s17 =	simm.s32 $0x9010;
	s28 =	simm.s32 $0x2B20;
	[sflag:s18] =	ssyncadd.s32 $0xFFFFEC00  }
0x15d: {  	[spmem:s2] =	stream.indirect.scatter.add.f32 [tilespmem:s17], [sflag:$0x9], $0x40, s28, s20, $0xb8;
	[tilespmem:$0x16C10] =	vst v63  }
0x15e: {  	_ =	swait.ge [sflag:s19], $0x1400  }
0x15f: {  	[sflag:s19] =	ssyncset.done $0x0  }
0x160: {  	[sflag:s19] =	ssyncadd.s32 $0xFFFFEC00  }
0x161: {  	v1 =	vld [tilespmem:s25+$0xFFFFFF20];
	_ =	sdelay $0x4  }
0x162: {  	v2 =	vand.u32 $0xFFFF, v1  }
0x163: {  	v1 =	vshrl.u32 v1, $0x10;
	[tilespmem:$0x28A0] =	vst v2  }
0x164: {  	[tilespmem:$0x2B20] =	vst v1  }
0x165: {  	v1 =	vld [tilespmem:s25+$0xFFFFFF30];
	_ =	sdelay $0x4  }
0x166: {  	v2 =	vand.u32 $0xFFFF, v1  }
0x167: {  	v1 =	vshrl.u32 v1, $0x10;
	[tilespmem:$0x28B0] =	vst v2  }
0x168: {  	[tilespmem:$0x2B30] =	vst v1  }
0x169: {  	v1 =	vld [tilespmem:s25+$0xFFFFFF40];
	_ =	sdelay $0x4  }
0x16a: {  	v2 =	vand.u32 $0xFFFF, v1  }
0x16b: {  	v1 =	vshrl.u32 v1, $0x10;
	[tilespmem:$0x28C0] =	vst v2  }
0x16c: {  	[tilespmem:$0x2B40] =	vst v1  }
0x16d: {  	v1 =	vld [tilespmem:s25+$0xFFFFFF50];
	_ =	sdelay $0x4  }
0x16e: {  	v2 =	vand.u32 $0xFFFF, v1  }
0x16f: {  	v1 =	vshrl.u32 v1, $0x10;
	[tilespmem:$0x28D0] =	vst v2  }
0x170: {  	[tilespmem:$0x2B50] =	vst v1  }
0x171: {  	v1 =	vld [tilespmem:s25+$0xFFFFFF60];
	_ =	sdelay $0x4  }
0x172: {  	v2 =	vand.u32 $0xFFFF, v1  }
0x173: {  	v1 =	vshrl.u32 v1, $0x10;
	[tilespmem:$0x28E0] =	vst v2  }
0x174: {  	[tilespmem:$0x2B60] =	vst v1  }
0x175: {  	[tilespmem:s17], [sflag:$0x6] =	stream.indirect.gather [hbm4b:s4+s20], $0x40, s15, s20, $0xb8;
	[tilespmem:$0x16C10] =	vst v63  }
0x176: {  	_ =	swait.ge [sflag:s3], $0x1400  }
0x177: {  	[sflag:s3] =	ssyncset.done $0x0  }
0x178: {  	s28 =	simm.s32 $0x2B70;
	[sflag:s3] =	ssyncadd.s32 $0xFFFFEC00  }
0x179: {  	[spmem:s2] =	stream.indirect.scatter.add.f32 [tilespmem:s11], [sflag:$0x9], $0x40, s28, s20, $0xb8;
	[tilespmem:$0x16C10] =	vst v63  }
0x17a: {  	_ =	swait.ge [sflag:s19], $0x1400  }
0x17b: {  	[sflag:s19] =	ssyncset.done $0x0  }
0x17c: {  	[sflag:s19] =	ssyncadd.s32 $0xFFFFEC00  }
0x17d: {  	v1 =	vld [tilespmem:s25+$0xFFFFFF70];
	_ =	sdelay $0x4  }
0x17e: {  	v2 =	vand.u32 $0xFFFF, v1  }
0x17f: {  	v1 =	vshrl.u32 v1, $0x10;
	[tilespmem:$0x28F0] =	vst v2  }
0x180: {  	[tilespmem:$0x2B70] =	vst v1  }
0x181: {  	v1 =	vld [tilespmem:s25+$0xFFFFFF80];
	_ =	sdelay $0x4  }
0x182: {  	v2 =	vand.u32 $0xFFFF, v1  }
0x183: {  	v1 =	vshrl.u32 v1, $0x10;
	[tilespmem:$0x2900] =	vst v2  }
0x184: {  	[tilespmem:$0x2B80] =	vst v1  }
0x185: {  	v1 =	vld [tilespmem:s25+$0xFFFFFF90];
	_ =	sdelay $0x4  }
0x186: {  	v2 =	vand.u32 $0xFFFF, v1  }
0x187: {  	v1 =	vshrl.u32 v1, $0x10;
	[tilespmem:$0x2910] =	vst v2  }
0x188: {  	[tilespmem:$0x2B90] =	vst v1  }
0x189: {  	v1 =	vld [tilespmem:s25+$0xFFFFFFA0];
	_ =	sdelay $0x4  }
0x18a: {  	v2 =	vand.u32 $0xFFFF, v1  }
0x18b: {  	v1 =	vshrl.u32 v1, $0x10;
	[tilespmem:$0x2920] =	vst v2  }
0x18c: {  	[tilespmem:$0x2BA0] =	vst v1  }
0x18d: {  	v1 =	vld [tilespmem:s25+$0xFFFFFFB0];
	_ =	sdelay $0x4  }
0x18e: {  	v2 =	vand.u32 $0xFFFF, v1  }
0x18f: {  	v1 =	vshrl.u32 v1, $0x10;
	[tilespmem:$0x2930] =	vst v2  }
0x190: {  	[tilespmem:$0x2BB0] =	vst v1  }
0x191: {  	[tilespmem:s11], [sflag:$0x7] =	stream.indirect.gather [hbm4b:s4+s20], $0x40, s7, s20, $0xb8;
	[tilespmem:$0x16C10] =	vst v63  }
0x192: {  	_ =	swait.ge [sflag:s21], $0x1400  }
0x193: {  	[sflag:s21] =	ssyncset.done $0x0  }
0x194: {  	s28 =	simm.s32 $0x2BC0;
	[sflag:s21] =	ssyncadd.s32 $0xFFFFEC00  }
0x195: {  	[spmem:s2] =	stream.indirect.scatter.add.f32 [tilespmem:s24], [sflag:$0x9], $0x40, s28, s20, $0xb8;
	[tilespmem:$0x16C10] =	vst v63  }
0x196: {  	_ =	swait.ge [sflag:s19], $0x1400  }
0x197: {  	[sflag:s19] =	ssyncset.done $0x0  }
0x198: {  	[sflag:s19] =	ssyncadd.s32 $0xFFFFEC00  }
0x199: {  	v1 =	vld [tilespmem:s25+$0xFFFFFFC0];
	_ =	sdelay $0x4  }
0x19a: {  	v2 =	vand.u32 $0xFFFF, v1  }
0x19b: {  	v1 =	vshrl.u32 v1, $0x10;
	[tilespmem:$0x2940] =	vst v2  }
0x19c: {  	[tilespmem:$0x2BC0] =	vst v1  }
0x19d: {  	v1 =	vld [tilespmem:s25+$0xFFFFFFD0];
	_ =	sdelay $0x4  }
0x19e: {  	v2 =	vand.u32 $0xFFFF, v1  }
0x19f: {  	v1 =	vshrl.u32 v1, $0x10;
	[tilespmem:$0x2950] =	vst v2  }
0x1a0: {  	[tilespmem:$0x2BD0] =	vst v1  }
0x1a1: {  	v1 =	vld [tilespmem:s25+$0xFFFFFFE0];
	_ =	sdelay $0x4  }
0x1a2: {  	v2 =	vand.u32 $0xFFFF, v1  }
0x1a3: {  	v1 =	vshrl.u32 v1, $0x10;
	[tilespmem:$0x2960] =	vst v2  }
0x1a4: {  	[tilespmem:$0x2BE0] =	vst v1  }
0x1a5: {  	v1 =	vld [tilespmem:s25+$0xFFFFFFF0];
	_ =	sdelay $0x4  }
0x1a6: {  	v2 =	vand.u32 $0xFFFF, v1  }
0x1a7: {  	v1 =	vshrl.u32 v1, $0x10;
	[tilespmem:$0x2970] =	vst v2  }
0x1a8: {  	[tilespmem:$0x2BF0] =	vst v1  }
0x1a9: {  	v1 =	vld [tilespmem:s25+$0x0];
	_ =	sdelay $0x2  }
0x1aa: {  	p1 =	sne.s32 s0, $0x95C0  }
.Ltmp3:
0x1ab: {  	_ = 	snop;
	(pc) =	sbr.rel @p1 .LBB2_7-.Ltmp3, $4  }
0x1ac: {  	v2 =	vand.u32 $0xFFFF, v1  }
0x1ad: {  	v1 =	vshrl.u32 v1, $0x10;
	[tilespmem:$0x2980] =	vst v2  }
0x1ae: {  	s0 =	sadd.s32 $0xA00, s0;
	[tilespmem:$0x2C00] =	vst v1  }
0x1af: {  	[tilespmem:s24], [sflag:$0x8] =	stream.indirect.gather [hbm4b:s4+s20], $0x40, s8, s20, $0xb8;
	[tilespmem:$0x16C10] =	vst v63  }
0x1b0: {  	_ =	swait.ge [sflag:s12], $0x1400  }
0x1b1: {  	[sflag:s12] =	ssyncset.done $0x0  }
0x1b2: {  	s5 =	simm.s32 $0x2990;
	[sflag:s12] =	ssyncadd.s32 $0xFFFFEC00  }
0x1b3: {  	[spmem:s2] =	stream.indirect.scatter.add.f32 [tilespmem:s23], [sflag:$0x9], $0x40, s5, s20, $0xb8;
	[tilespmem:$0x16C10] =	vst v63  }
0x1b4: {  	_ =	swait.ge [sflag:s19], $0x1400  }
0x1b5: {  	[sflag:s19] =	ssyncset.done $0x0  }
0x1b6: {  	[sflag:s19] =	ssyncadd.s32 $0xFFFFEC00  }
0x1b7: {  	v1 =	vld [tilespmem:$0x2580];
	_ =	sdelay $0x1  }
0x1b8: {  	v2 =	vld [tilespmem:$0x2590];
	_ =	sdelay $0x1  }
0x1b9: {  	v3 =	vld [tilespmem:$0x25A0]  }
0x1ba: {  	v4 =	vand.u32 $0xFFFF, v1  }
0x1bb: {  	v55 =	vld [tilespmem:$0x25B0];
	v1 =	vshrl.u32 v1, $0x10;
	[tilespmem:$0x2710] =	vst v4  }
0x1bc: {  	[tilespmem:$0x2990] =	vst v1;
	v1 =	vand.u32 $0xFFFF, v2  }
0x1bd: {  	[tilespmem:$0x2720] =	vst v1;
	v1 =	vshrl.u32 v2, $0x10;
	v2 =	vld [tilespmem:$0x25C0]  }
0x1be: {  	[tilespmem:$0x29A0] =	vst v1;
	v1 =	vand.u32 $0xFFFF, v3  }
0x1bf: {  	[tilespmem:$0x2730] =	vst v1;
	v1 =	vshrl.u32 v3, $0x10  }
0x1c0: {  	[tilespmem:$0x29B0] =	vst v1;
	v1 =	vand.u32 $0xFFFF, v55  }
0x1c1: {  	[tilespmem:$0x2740] =	vst v1;
	v1 =	vshrl.u32 v55, $0x10  }
0x1c2: {  	[tilespmem:$0x29C0] =	vst v1;
	v1 =	vand.u32 $0xFFFF, v2  }
0x1c3: {  	[tilespmem:$0x2750] =	vst v1;
	v1 =	vshrl.u32 v2, $0x10  }
0x1c4: {  	s0 =	simm.s32 $0x2710;
	[tilespmem:$0x29D0] =	vst v1  }
0x1c5: {  	[tilespmem:s23], [sflag:$0x1] =	stream.indirect.gather [hbm4b:s4+s20], $0x40, s0, s20, $0xb8;
	[tilespmem:$0x16C10] =	vst v63  }
0x1c6: {  	_ =	swait.ge [sflag:s14], $0x1400  }
0x1c7: {  	[sflag:s14] =	ssyncset.done $0x0  }
0x1c8: {  	s8 =	simm.s32 $0x29E0;
	[sflag:s14] =	ssyncadd.s32 $0xFFFFEC00  }
0x1c9: {  	[spmem:s2] =	stream.indirect.scatter.add.f32 [tilespmem:s26], [sflag:$0x9], $0x40, s8, s20, $0xb8;
	[tilespmem:$0x16C10] =	vst v63  }
0x1ca: {  	_ =	swait.ge [sflag:s19], $0x1400  }
0x1cb: {  	[sflag:s19] =	ssyncset.done $0x0  }
0x1cc: {  	[sflag:s19] =	ssyncadd.s32 $0xFFFFEC00  }
0x1cd: {  	v1 =	vld [tilespmem:$0x25D0];
	_ =	sdelay $0x1  }
0x1ce: {  	v2 =	vld [tilespmem:$0x25E0];
	_ =	sdelay $0x1  }
0x1cf: {  	v3 =	vld [tilespmem:$0x25F0]  }
0x1d0: {  	v56 =	vand.u32 $0xFFFF, v1  }
0x1d1: {  	v57 =	vld [tilespmem:$0x2600];
	v1 =	vshrl.u32 v1, $0x10;
	[tilespmem:$0x2760] =	vst v56  }
0x1d2: {  	[tilespmem:$0x29E0] =	vst v1;
	v1 =	vand.u32 $0xFFFF, v2  }
0x1d3: {  	[tilespmem:$0x2770] =	vst v1;
	v1 =	vshrl.u32 v2, $0x10;
	v2 =	vld [tilespmem:$0x2610]  }
0x1d4: {  	[tilespmem:$0x29F0] =	vst v1;
	v1 =	vand.u32 $0xFFFF, v3  }
0x1d5: {  	[tilespmem:$0x2780] =	vst v1;
	v1 =	vshrl.u32 v3, $0x10  }
0x1d6: {  	[tilespmem:$0x2A00] =	vst v1;
	v1 =	vand.u32 $0xFFFF, v57  }
0x1d7: {  	[tilespmem:$0x2790] =	vst v1;
	v1 =	vshrl.u32 v57, $0x10  }
0x1d8: {  	[tilespmem:$0x2A10] =	vst v1;
	v1 =	vand.u32 $0xFFFF, v2  }
0x1d9: {  	[tilespmem:$0x27A0] =	vst v1;
	v1 =	vshrl.u32 v2, $0x10  }
0x1da: {  	s10 =	simm.s32 $0x2760;
	[tilespmem:$0x2A20] =	vst v1  }
0x1db: {  	[tilespmem:s26], [sflag:$0x2] =	stream.indirect.gather [hbm4b:s4+s20], $0x40, s10, s20, $0xb8;
	[tilespmem:$0x16C10] =	vst v63  }
0x1dc: {  	_ =	swait.ge [sflag:s16], $0x1400  }
0x1dd: {  	[sflag:s16] =	ssyncset.done $0x0  }
0x1de: {  	s1 =	simm.s32 $0x2A30;
	[sflag:s16] =	ssyncadd.s32 $0xFFFFEC00  }
0x1df: {  	[spmem:s2] =	stream.indirect.scatter.add.f32 [tilespmem:s29], [sflag:$0x9], $0x40, s1, s20, $0xb8;
	[tilespmem:$0x16C10] =	vst v63  }
0x1e0: {  	_ =	swait.ge [sflag:s19], $0x1400  }
0x1e1: {  	[sflag:s19] =	ssyncset.done $0x0  }
0x1e2: {  	[sflag:s19] =	ssyncadd.s32 $0xFFFFEC00  }
0x1e3: {  	v1 =	vld [tilespmem:$0x2620];
	_ =	sdelay $0x1  }
0x1e4: {  	v2 =	vld [tilespmem:$0x2630];
	_ =	sdelay $0x1  }
0x1e5: {  	v3 =	vld [tilespmem:$0x2640]  }
0x1e6: {  	v58 =	vand.u32 $0xFFFF, v1  }
0x1e7: {  	v59 =	vld [tilespmem:$0x2650];
	v1 =	vshrl.u32 v1, $0x10;
	[tilespmem:$0x27B0] =	vst v58  }
0x1e8: {  	[tilespmem:$0x2A30] =	vst v1;
	v1 =	vand.u32 $0xFFFF, v2  }
0x1e9: {  	[tilespmem:$0x27C0] =	vst v1;
	v1 =	vshrl.u32 v2, $0x10;
	v2 =	vld [tilespmem:$0x2660]  }
0x1ea: {  	[tilespmem:$0x2A40] =	vst v1;
	v1 =	vand.u32 $0xFFFF, v3  }
0x1eb: {  	[tilespmem:$0x27D0] =	vst v1;
	v1 =	vshrl.u32 v3, $0x10  }
0x1ec: {  	[tilespmem:$0x2A50] =	vst v1;
	v1 =	vand.u32 $0xFFFF, v59  }
0x1ed: {  	[tilespmem:$0x27E0] =	vst v1;
	v1 =	vshrl.u32 v59, $0x10  }
0x1ee: {  	[tilespmem:$0x2A60] =	vst v1;
	v1 =	vand.u32 $0xFFFF, v2  }
0x1ef: {  	[tilespmem:$0x27F0] =	vst v1;
	v1 =	vshrl.u32 v2, $0x10  }
0x1f0: {  	s13 =	simm.s32 $0x27B0;
	[tilespmem:$0x2A70] =	vst v1  }
0x1f1: {  	[tilespmem:s29], [sflag:$0x3] =	stream.indirect.gather [hbm4b:s4+s20], $0x40, s13, s20, $0xb8;
	[tilespmem:$0x16C10] =	vst v63  }
0x1f2: {  	_ =	swait.ge [sflag:s6], $0x1400  }
0x1f3: {  	[sflag:s6] =	ssyncset.done $0x0  }
0x1f4: {  	s7 =	simm.s32 $0x2A80;
	[sflag:s6] =	ssyncadd.s32 $0xFFFFEC00  }
0x1f5: {  	[spmem:s2] =	stream.indirect.scatter.add.f32 [tilespmem:s31], [sflag:$0x9], $0x40, s7, s20, $0xb8;
	[tilespmem:$0x16C10] =	vst v63  }
0x1f6: {  	_ =	swait.ge [sflag:s19], $0x1400  }
0x1f7: {  	[sflag:s19] =	ssyncset.done $0x0  }
0x1f8: {  	[sflag:s19] =	ssyncadd.s32 $0xFFFFEC00  }
0x1f9: {  	v1 =	vld [tilespmem:$0x2670];
	_ =	sdelay $0x1  }
0x1fa: {  	v2 =	vld [tilespmem:$0x2680];
	_ =	sdelay $0x1  }
0x1fb: {  	v3 =	vld [tilespmem:$0x2690]  }
0x1fc: {  	v60 =	vand.u32 $0xFFFF, v1  }
0x1fd: {  	v61 =	vld [tilespmem:$0x26A0];
	v1 =	vshrl.u32 v1, $0x10;
	[tilespmem:$0x2800] =	vst v60  }
0x1fe: {  	[tilespmem:$0x2A80] =	vst v1;
	v1 =	vand.u32 $0xFFFF, v2  }
0x1ff: {  	[tilespmem:$0x2810] =	vst v1;
	v1 =	vshrl.u32 v2, $0x10;
	v2 =	vld [tilespmem:$0x26B0]  }
0x200: {  	[tilespmem:$0x2A90] =	vst v1;
	v1 =	vand.u32 $0xFFFF, v3  }
0x201: {  	[tilespmem:$0x2820] =	vst v1;
	v1 =	vshrl.u32 v3, $0x10  }
0x202: {  	[tilespmem:$0x2AA0] =	vst v1;
	v1 =	vand.u32 $0xFFFF, v61  }
0x203: {  	[tilespmem:$0x2830] =	vst v1;
	v1 =	vshrl.u32 v61, $0x10  }
0x204: {  	[tilespmem:$0x2AB0] =	vst v1;
	v1 =	vand.u32 $0xFFFF, v2  }
0x205: {  	[tilespmem:$0x2840] =	vst v1;
	v1 =	vshrl.u32 v2, $0x10  }
0x206: {  	s15 =	simm.s32 $0x2800;
	[tilespmem:$0x2AC0] =	vst v1  }
0x207: {  	[tilespmem:s31], [sflag:$0x4] =	stream.indirect.gather [hbm4b:s4+s20], $0x40, s15, s20, $0xb8;
	[tilespmem:$0x16C10] =	vst v63  }
0x208: {  	_ =	swait.ge [sflag:s9], $0x1400  }
0x209: {  	[sflag:s9] =	ssyncset.done $0x0  }
0x20a: {  	s0 =	simm.s32 $0x2AD0;
	[sflag:s9] =	ssyncadd.s32 $0xFFFFEC00  }
0x20b: {  	[spmem:s2] =	stream.indirect.scatter.add.f32 [tilespmem:s22], [sflag:$0x9], $0x40, s0, s20, $0xb8;
	[tilespmem:$0x16C10] =	vst v63  }
0x20c: {  	_ =	swait.ge [sflag:s19], $0x1400  }
0x20d: {  	[sflag:s19] =	ssyncset.done $0x0  }
0x20e: {  	[sflag:s19] =	ssyncadd.s32 $0xFFFFEC00  }
0x20f: {  	v1 =	vld [tilespmem:$0x26C0];
	_ =	sdelay $0x1  }
0x210: {  	v2 =	vld [tilespmem:$0x26D0];
	_ =	sdelay $0x1  }
0x211: {  	v3 =	vld [tilespmem:$0x26E0]  }
0x212: {  	v62 =	vand.u32 $0xFFFF, v1  }
0x213: {  	v63 =	vld [tilespmem:$0x26F0];
	v1 =	vshrl.u32 v1, $0x10;
	[tilespmem:$0x2850] =	vst v62  }
0x214: {  	[tilespmem:$0x2AD0] =	vst v1;
	v1 =	vand.u32 $0xFFFF, v2  }
0x215: {  	[tilespmem:$0x2860] =	vst v1;
	v1 =	vshrl.u32 v2, $0x10;
	v2 =	vld [tilespmem:$0x2700]  }
0x216: {  	[tilespmem:$0x2AE0] =	vst v1;
	v1 =	vand.u32 $0xFFFF, v3  }
0x217: {  	[tilespmem:$0x2870] =	vst v1;
	v1 =	vshrl.u32 v3, $0x10  }
0x218: {  	[tilespmem:$0x2AF0] =	vst v1;
	v1 =	vand.u32 $0xFFFF, v63  }
0x219: {  	[tilespmem:$0x2880] =	vst v1;
	v1 =	vshrl.u32 v63, $0x10  }
0x21a: {  	[tilespmem:$0x2B00] =	vst v1;
	v1 =	vand.u32 $0xFFFF, v2  }
0x21b: {  	[tilespmem:$0x2890] =	vst v1;
	v1 =	vshrl.u32 v2, $0x10  }
0x21c: {  	s10 =	simm.s32 $0x2850;
	[tilespmem:$0x2B10] =	vst v1  }
0x21d: {  	[tilespmem:s22], [sflag:$0x5] =	stream.indirect.gather [hbm4b:s4+s20], $0x40, s10, s20, $0xb8;
	[tilespmem:$0x16C10] =	vst v63  }
0x21e: {  	_ =	swait.ge [sflag:s18], $0x1400  }
0x21f: {  	[sflag:s18] =	ssyncset.done $0x0  }
0x220: {  	s25 =	simm.s32 $0x2B20;
	[sflag:s18] =	ssyncadd.s32 $0xFFFFEC00  }
0x221: {  	[spmem:s2] =	stream.indirect.scatter.add.f32 [tilespmem:s17], [sflag:$0x9], $0x40, s25, s20, $0xb8;
	[tilespmem:$0x16C10] =	vst v63  }
0x222: {  	_ =	swait.ge [sflag:s19], $0x1400  }
0x223: {  	[sflag:s19] =	ssyncset.done $0x0  }
0x224: {  	[sflag:s19] =	ssyncadd.s32 $0xFFFFEC00  }
0x225: {  	_ =	swait.ge [sflag:s3], $0x1400  }
0x226: {  	[sflag:s3] =	ssyncset.done $0x0  }
0x227: {  	s13 =	simm.s32 $0x2B70;
	[sflag:s3] =	ssyncadd.s32 $0xFFFFEC00  }
0x228: {  	[spmem:s2] =	stream.indirect.scatter.add.f32 [tilespmem:s11], [sflag:$0x9], $0x40, s13, s20, $0xb8;
	[tilespmem:$0x16C10] =	vst v63  }
0x229: {  	_ =	swait.ge [sflag:s19], $0x1400  }
0x22a: {  	[sflag:s19] =	ssyncset.done $0x0  }
0x22b: {  	[sflag:s19] =	ssyncadd.s32 $0xFFFFEC00  }
0x22c: {  	_ =	swait.ge [sflag:s21], $0x1400  }
0x22d: {  	[sflag:s21] =	ssyncset.done $0x0  }
0x22e: {  	s15 =	simm.s32 $0x2BC0;
	[sflag:s21] =	ssyncadd.s32 $0xFFFFEC00  }
0x22f: {  	[spmem:s2] =	stream.indirect.scatter.add.f32 [tilespmem:s24], [sflag:$0x9], $0x40, s15, s20, $0xb8;
	[tilespmem:$0x16C10] =	vst v63  }
0x230: {  	_ =	swait.ge [sflag:s19], $0x1400  }
0x231: {  	[sflag:s19] =	ssyncset.done $0x0  }
0x232: {  	[sflag:s19] =	ssyncadd.s32 $0xFFFFEC00  }
0x233: {  	_ =	swait.ge [sflag:s12], $0x1400  }
0x234: {  	[sflag:s12] =	ssyncset.done $0x0  }
0x235: {  	[sflag:s12] =	ssyncadd.s32 $0xFFFFEC00  }
0x236: {  	[spmem:s2] =	stream.indirect.scatter.add.f32 [tilespmem:s23], [sflag:$0x9], $0x40, s5, s20, $0xb8;
	[tilespmem:$0x16C10] =	vst v63  }
0x237: {  	_ =	swait.ge [sflag:s19], $0x1400  }
0x238: {  	[sflag:s19] =	ssyncset.done $0x0  }
0x239: {  	[sflag:s19] =	ssyncadd.s32 $0xFFFFEC00  }
0x23a: {  	_ =	swait.ge [sflag:s14], $0x1400  }
0x23b: {  	[sflag:s14] =	ssyncset.done $0x0  }
0x23c: {  	[sflag:s14] =	ssyncadd.s32 $0xFFFFEC00  }
0x23d: {  	[spmem:s2] =	stream.indirect.scatter.add.f32 [tilespmem:s26], [sflag:$0x9], $0x40, s8, s20, $0xb8;
	[tilespmem:$0x16C10] =	vst v63  }
0x23e: {  	_ =	swait.ge [sflag:s19], $0x1400  }
0x23f: {  	[sflag:s19] =	ssyncset.done $0x0  }
0x240: {  	[sflag:s19] =	ssyncadd.s32 $0xFFFFEC00  }
0x241: {  	_ =	swait.ge [sflag:s16], $0x1400  }
0x242: {  	[sflag:s16] =	ssyncset.done $0x0  }
0x243: {  	[sflag:s16] =	ssyncadd.s32 $0xFFFFEC00  }
0x244: {  	[spmem:s2] =	stream.indirect.scatter.add.f32 [tilespmem:s29], [sflag:$0x9], $0x40, s1, s20, $0xb8;
	[tilespmem:$0x16C10] =	vst v63  }
0x245: {  	_ =	swait.ge [sflag:s19], $0x1400  }
0x246: {  	[sflag:s19] =	ssyncset.done $0x0  }
0x247: {  	[sflag:s19] =	ssyncadd.s32 $0xFFFFEC00  }
0x248: {  	_ =	swait.ge [sflag:s6], $0x1400  }
0x249: {  	[sflag:s6] =	ssyncset.done $0x0  }
0x24a: {  	[sflag:s6] =	ssyncadd.s32 $0xFFFFEC00  }
0x24b: {  	[spmem:s2] =	stream.indirect.scatter.add.f32 [tilespmem:s31], [sflag:$0x9], $0x40, s7, s20, $0xb8;
	[tilespmem:$0x16C10] =	vst v63  }
0x24c: {  	_ =	swait.ge [sflag:s19], $0x1400  }
0x24d: {  	[sflag:s19] =	ssyncset.done $0x0  }
0x24e: {  	[sflag:s19] =	ssyncadd.s32 $0xFFFFEC00  }
0x24f: {  	_ =	swait.ge [sflag:s9], $0x1400  }
0x250: {  	[sflag:s9] =	ssyncset.done $0x0  }
0x251: {  	[sflag:s9] =	ssyncadd.s32 $0xFFFFEC00  }
0x252: {  	[spmem:s2] =	stream.indirect.scatter.add.f32 [tilespmem:s22], [sflag:$0x9], $0x40, s0, s20, $0xb8;
	[tilespmem:$0x16C10] =	vst v63  }
0x253: {  	_ =	swait.ge [sflag:s19], $0x1400  }
0x254: {  	[sflag:s19] =	ssyncset.done $0x0  }
0x255: {  	[sflag:s19] =	ssyncadd.s32 $0xFFFFEC00  }
0x256: {  	[bflag:$0x0] =	sbarrier.arrive $0xFFFF  }
0x257: {  	s23 =	rddreg [dreg:$0x6]  }
0x258: {  	s24 =	rddreg [dreg:$0xf]  }
0x259: {  	s25 =	rddreg [dreg:$0x10]  }
0x25a: {  	[hbm:s23], [sflag:s24] =	dma.local [spmem:s25], $0x1400  }
0x25b: {  	_ =	swait.ge [sflag:s19], $0x1400  }
0x25c: {  	s25 =	rddreg [dreg:$0x11]  }
0x25d: {  	s26 =	rddreg [dreg:$0x7];
	s8 =	sadd.s32 $0x1, s25  }
0x25e: {  	p1 =	sne.s32 s8, s26  }
.Ltmp4:
0x25f: {  	s28 =	simm.s32 $0x2800;
	s30 =	simm.s32 $0x28F0;
	(pc) =	sbr.rel @p1 .LBB2_1-.Ltmp4, $4  }
0x260: {  	s13 =	simm.s32 $0x2850;
	s11 =	simm.s32 $0x4010;
	s15 =	simm.s32 $0x28A0  }
0x261: {  	s5 =	simm.s32 $0xB810;
	s29 =	simm.s32 $0x2C10;
	s7 =	simm.s32 $0x2940  }
0x262: {  	s22 =	simm.s32 $0x7C10;
	s23 =	simm.s32 $0x27B0;
	[sflag:s19] =	ssyncset.done $0x0  }
0x263: {  	s24 =	simm.s32 $0x5410;
	[sflag:s19] =	ssyncadd.s32 $0xFFFFEC00;
	s26 =	simm.s32 $0x6810  }
0x264: {  	_ =	sfence.sel $0x180000  }
0x265: {  	[bflag:$0x0] =	sbarrier.arrive $0xFFFF  }
0x266: {  	_ =	strace $0x90000047  }
0x267: {  	s0 =	stileid.u32;
	[bflag:$0x2] =	sbarrier.arrive $0xFFFF  }
0x268: {  	p0 =	sne.s32 s0, $0x0;
	s0 =	rddreg [dreg:$0x2]  }
0x269: {  	s0 =	sadd.s32 @!p0 $0x100000, s0  }
0x26a: {  	[sflag:s0] =	ssyncadd.tile.s32 @!p0 $0x1;
	_ =	shalt  }
.Lfunc_end2:
_tile_overlayer_lowered:
.L_overlay_start_2:
0x26b: {  	(tag) =	ssettag $0x2  }
0x26c: {  	s0 =	rddreg [dreg:$0x0];
	s2 =	stileid.u32  }
0x26d: {  	s1 =	rddreg [dreg:$0x1];
	p0 =	sne.s32 s2, $0x0  }
0x26e: {  	s3 =	rddreg [dreg:$0x2];
	[bflag:$0x3] =	sbarrier.arrive $0xFFFF;
	s2 =	simm.s32 @!p0 $0x1C09  }
0x26f: {  	[timem:s3], [sflag:s2] =	dma.local @!p0 [hbm:s0], s1  }
0x270: {  	s0 =	simm.s32 @!p0 $0x9  }
0x271: {  	_ =	swait.ge @!p0 [sflag:s0], s1  }
0x272: {  	s1 =	ssub.s32 @!p0 $0x0, s1;
	[sflag:s0] =	ssyncset.done @!p0 $0x0  }
0x273: {  	[sflag:s0] =	ssyncadd.s32 @!p0 s1  }
0x274: {  	[bflag:$0x3] =	sbarrier.arrive $0xFFFF  }
0x275: {  	_ =	shalt  }

</sc_bundles>
